<compile_context>
chip_gen: v7x
topology: tpu7x:2x2x1
jax: 0.10.2.dev20260603
libtpu: 0.0.44.dev20260713+nightly
codegen_flags: <defaults>
</compile_context>

<pallas_src>
import functools

import jax
import jax.numpy as jnp
from jax.experimental import pallas as pl
from jax.experimental.pallas import tpu as pltpu
from jax.experimental.pallas import tpu_sc as plsc

E = 320000
C = 128
GW = 128
KG = 2
CHS = (160000, 80000, 40000, 40000)
BE = 4000


def _sc_gather(x, idx3d):
  n_idx = idx3d.shape[0] * KG * GW
  mesh = plsc.VectorSubcoreMesh(core_axis_name="core", subcore_axis_name="subcore")

  @functools.partial(
      pl.kernel,
      out_type=jax.ShapeDtypeStruct((n_idx, C), jnp.float32),
      mesh=mesh,
      scratch_types=[pltpu.SemaphoreType.DMA],
  )
  def gather_kernel(x_hbm, i_hbm, o_hbm, sem):
    def body(i_vmem, o_vmem):
      copies = [
          pltpu.async_copy(
              x_hbm.at[i_vmem.at[0, j]], o_vmem.at[pl.ds(j * GW, GW)], sem
          )
          for j in range(KG)
      ]
      for cp in copies:
        cp.wait()

    pltpu.emit_pipeline(
        body,
        grid=(n_idx // (KG * GW),),
        in_specs=[pl.BlockSpec((1, KG, GW), lambda i: (i, 0, 0))],
        out_specs=[pl.BlockSpec((KG * GW, C), lambda i: (i, 0))],
        core_axis_name=("core", "subcore"),
        dimension_semantics=(pltpu.PARALLEL,),
    )(i_hbm, o_hbm)

  return gather_kernel(x, idx3d)


def _minmax_comb(x_b, nb_ref):
  n0 = nb_ref[0]
  n1 = nb_ref[1]
  n2 = nb_ref[2]
  n3 = nb_ref[3]
  return jnp.concatenate(
      [
          x_b,
          jnp.minimum(n0, n1),
          jnp.maximum(n0, n1),
          jnp.minimum(n2, n3),
          jnp.maximum(n2, n3),
      ],
      axis=1,
  )


def _tc_body_first(x_ref, nb_ref, wt_ref, b_ref, o_ref):
  comb = _minmax_comb(x_ref[...], nb_ref)
  o_ref[...] = (
      jnp.dot(comb, wt_ref[...], preferred_element_type=jnp.float32) + b_ref[...]
  )


def _tc_body_chained(x_ref, nb_ref, wt_ref, b_ref, prev_ref, o_ref):
  del prev_ref
  comb = _minmax_comb(x_ref[...], nb_ref)
  o_ref[...] = (
      jnp.dot(comb, wt_ref[...], preferred_element_type=jnp.float32) + b_ref[...]
  )


def _tc_linear_chunk(e0, ch, x, nb3_c, Wt, b2, prev):
  nblk = ch // BE
  base = e0 // BE
  in_specs = [
      pl.BlockSpec((BE, C), lambda i: (base + i, 0)),
      pl.BlockSpec((4, BE, C), lambda i: (0, i, 0)),
      pl.BlockSpec((5 * C, C), lambda i: (0, 0)),
      pl.BlockSpec((1, C), lambda i: (0, 0)),
  ]
  args = [x, nb3_c, Wt, b2]
  if prev is None:
    body = _tc_body_first
    aliases = {}
  else:
    body = _tc_body_chained
    in_specs.append(pl.BlockSpec(memory_space=pl.ANY))
    args.append(prev)
    aliases = {4: 0}
  return pl.pallas_call(
      body,
      grid=(nblk,),
      in_specs=in_specs,
      out_specs=pl.BlockSpec((BE, C), lambda i: (base + i, 0)),
      out_shape=jax.ShapeDtypeStruct((E, C), jnp.float32),
      input_output_aliases=aliases,
  )(*args)


def kernel(x, neighbors, W, b):
  nb_i32 = neighbors.astype(jnp.int32)
  Wt = W.T
  b2 = b.reshape(1, C)
  out = None
  e0 = 0
  for ch in CHS:
    idx3d = nb_i32[e0 : e0 + ch].T.reshape(4 * ch // (KG * GW), KG, GW)
    nb = _sc_gather(x, idx3d)
    nb3_c = nb.reshape(4, ch, C)
    out = _tc_linear_chunk(e0, ch, x, nb3_c, Wt, b2, out)
    e0 += ch
  return out

# --- scband reference (transcript-rebuilt; emitter-appended) ---
"""Pipeline reference for scband-mesh-conv-layer-17386027614270 (READ-ONLY COPY).

The authoritative reference and input builder live on the scoring server;
editing this copy changes nothing except your own understanding.
"""

import jax, jax.numpy as jnp
import numpy as np

E = 320000
C_IN = 128
C_OUT = 128

def setup_inputs(seed: int = 0) -> dict:
    key = jax.random.key(seed)
    k_x, k_nb, k_w, k_b = jax.random.split(key, 4)
    x = jax.random.normal(k_x, (E, C_IN), dtype=jnp.float32)
    neighbors = jax.random.randint(k_nb, (E, 4), 0, E, dtype=jnp.int64)
    # nn.Linear(5*C_IN, C_OUT): weight [C_OUT, 5*C_IN], bias [C_OUT]
    bound = 1.0 / np.sqrt(5 * C_IN)
    W = jax.random.uniform(k_w, (C_OUT, 5 * C_IN), minval=-bound, maxval=bound, dtype=jnp.float32)
    b = jax.random.uniform(k_b, (C_OUT,), minval=-bound, maxval=bound, dtype=jnp.float32)
    return {"x": x, "neighbors": neighbors, "W": W, "b": b}

def reference(x, neighbors, W, b):
    E_, C = x.shape
    # pad with a zero row so index -1 (clamped to 0... actually clamp(min=0)) is safe;
    # faithful to torch: x_padded = cat([x, zeros(1, C)])
    x_padded = jnp.concatenate([x, jnp.zeros((1, C), dtype=x.dtype)], axis=0)
    safe_nb = jnp.clip(neighbors, 0, None)
    nb_feats = jnp.take(x_padded, safe_nb, axis=0)  # [E, 4, C] gather
    mask = (neighbors < 0)[..., None]
    nb_feats = jnp.where(mask, jnp.zeros((), dtype=x.dtype), nb_feats)
    pair1 = jnp.sort(nb_feats[:, 0:2, :], axis=1)
    pair2 = jnp.sort(nb_feats[:, 2:4, :], axis=1)
    combined = jnp.concatenate([x, pair1.reshape(E_, 2 * C), pair2.reshape(E_, 2 * C)], axis=1)
    return combined @ W.T + b

if __name__ == "__main__":
    import jax
    _d = setup_inputs()
    print(jax.jit(kernel)(*tuple(_d.values())))

</pallas_src>

<mosaic_0001>
#map = affine_map<(d0, d1) -> (0, 0)>
#map1 = affine_map<(d0, d1) -> (0, 0, 0)>
module attributes {stable_mosaic.version = 14 : i64} {
  func.func @gather_kernel(%arg0: i32, %arg1: i32, %arg2: memref<320000x128xf32, #tpu.memory_space<hbm>>, %arg3: memref<2500x2x128xi32, #tpu.memory_space<hbm>>, %arg4: memref<640000x128xf32, #tpu.memory_space<hbm>>, %arg5: memref<!tpu.dma_semaphore, #tpu.memory_space<semaphore_mem>>) attributes {dimension_semantics = [#tpu.dimension_semantics<core_parallel>, #tpu.dimension_semantics<subcore_parallel>], iteration_bounds = array<i64: 2, 16>, scalar_prefetch = 0 : i64, scratch_operands = 1 : i64, tpu.core_type = #tpu.core_type<sc_vector_subcore>, window_params = [{transform_indices = #map}, {transform_indices = #map1}, {transform_indices = #map}]} {
    %mul3A = arith.constant 1 : i32
    %mul3A_0 = arith.muli %arg1, %mul3A : i32
    %add3A = arith.constant 0 : i32
    %add3A_1 = arith.addi %add3A, %mul3A_0 : i32
    %mul3A_2 = arith.constant 16 : i32
    %mul3A_3 = arith.muli %arg0, %mul3A_2 : i32
    %add3A_4 = arith.addi %add3A_1, %mul3A_3 : i32
    %lt3A = arith.constant 4 : i32
    %lt3A_5 = arith.cmpi slt, %add3A_4, %lt3A : i32
    %jit3A = arith.constant 79 : i32
    %jit3A_6 = arith.constant 78 : i32
    %select_n3A = arith.select %lt3A_5, %jit3A, %jit3A_6 : i32
    %lt3A_7 = arith.constant 4 : i32
    %lt3A_8 = arith.cmpi slt, %add3A_4, %lt3A_7 : i32
    %mul3A_9 = arith.muli %add3A_4, %select_n3A : i32
    %mul3A_10 = arith.constant 78 : i32
    %mul3A_11 = arith.muli %add3A_4, %mul3A_10 : i32
    %add3A_12 = arith.constant 4 : i32
    %add3A_13 = arith.addi %mul3A_11, %add3A_12 : i32
    %select_n3A_14 = arith.select %lt3A_8, %mul3A_9, %add3A_13 : i32
    %mul3A_15 = arith.constant 1 : i32
    %mul3A_16 = arith.muli %mul3A_15, %select_n3A : i32
    "tpu.region"() ({
      %run_scoped3A = memref.alloca() : memref<2x1x2x128xi32, #tpu.memory_space<vmem>>
      %run_scoped3A_17 = tpu.sem_alloc : memref<2x!tpu.dma_semaphore, #tpu.memory_space<semaphore_mem>>
      %run_scoped3A_18 = memref.alloca() : memref<2x256x128xf32, #tpu.memory_space<vmem>>
      %run_scoped3A_19 = tpu.sem_alloc : memref<2x!tpu.dma_semaphore, #tpu.memory_space<semaphore_mem>>
      %gt3A = arith.constant 0 : i32
      %gt3A_20 = arith.cmpi sgt, %mul3A_16, %gt3A : i32
      %convert_element_type3A = arith.extui %gt3A_20 : i1 to i32
      %cond3A = arith.constant 0 : i32
      %cond3A_21 = arith.cmpi ne, %convert_element_type3A, %cond3A : i32
      scf.if %cond3A_21 {
        %mul3A_22 = arith.constant 1 : i32
        %mul3A_23 = arith.muli %mul3A_22, %select_n3A : i32
        %sub3A = arith.constant 1 : i32
        %sub3A_24 = arith.subi %mul3A_23, %sub3A : i32
        %eq3A = arith.constant 0 : i32
        %eq3A_25 = arith.cmpi eq, %sub3A_24, %eq3A : i32
        %add3A_26 = arith.constant 0 : i32
        %add3A_27 = arith.addi %add3A_26, %select_n3A_14 : i32
        %select_n3A_28 = arith.constant true
        %select_n3A_29 = arith.constant 0 : i32
        %select_n3A_30 = arith.constant -1 : i32
        %select_n3A_31 = arith.select %select_n3A_28, %select_n3A_30, %select_n3A_29 : i32
        %eq3A_32 = arith.constant -1 : i32
        %eq3A_33 = arith.cmpi eq, %select_n3A_31, %eq3A_32 : i32
        %sub3A_34 = arith.constant 1 : i32
        %sub3A_35 = arith.subi %select_n3A, %sub3A_34 : i32
        %select_n3A_36 = arith.select %eq3A_33, %sub3A_35, %select_n3A_31 : i32
        %add3A_37 = arith.addi %select_n3A_36, %select_n3A_14 : i32
        %select_n3A_38 = arith.constant true
        %select_n3A_39 = arith.constant 0 : i32
        %select_n3A_40 = arith.constant 1 : i32
        %select_n3A_41 = arith.select %select_n3A_38, %select_n3A_40, %select_n3A_39 : i32
        %eq3A_42 = arith.cmpi eq, %select_n3A_41, %select_n3A : i32
        %select_n3A_43 = arith.constant 0 : i32
        %select_n3A_44 = arith.select %eq3A_42, %select_n3A_43, %select_n3A_41 : i32
        %add3A_45 = arith.addi %select_n3A_44, %select_n3A_14 : i32
        %add3A_46 = arith.constant 1 : i32
        %add3A_47 = arith.addi %select_n3A_44, %add3A_46 : i32
        %select_n3A_48 = arith.constant true
        %select_n3A_49 = arith.select %select_n3A_48, %add3A_47, %select_n3A_44 : i32
        %eq3A_50 = arith.cmpi eq, %select_n3A_49, %select_n3A : i32
        %select_n3A_51 = arith.constant 0 : i32
        %select_n3A_52 = arith.select %eq3A_50, %select_n3A_51, %select_n3A_49 : i32
        %add3A_53 = arith.addi %select_n3A_52, %select_n3A_14 : i32
        "tpu.trace_start"() <{level = 10 : i32, message = "ep_initialize_0"}> : () -> ()
        %rem3A = arith.constant 0 : i32
        %rem3A_54 = arith.constant 2 : i32
        %rem3A_55 = arith.remui %rem3A, %rem3A_54 : i32
        %mul3A_56 = arith.constant 1 : i32
        %mul3A_57 = arith.muli %mul3A_56, %add3A_27 : i32
        %dma_start3A = arith.constant 0 : i32
        %dma_start3A_58 = arith.constant 0 : i32
        %dma_start3A_59 = arith.constant 0 : i32
        %dma_start3A_60 = tpu.memref_slice %run_scoped3A[%rem3A_55, %dma_start3A, %dma_start3A_58, %dma_start3A_59] : memref<2x1x2x128xi32, #tpu.memory_space<vmem>> -> memref<1x1x2x128xi32, #tpu.memory_space<vmem>>
        %dma_start3A_61 = tpu.memref_squeeze %dma_start3A_60 : memref<1x1x2x128xi32, #tpu.memory_space<vmem>> -> memref<1x2x128xi32, #tpu.memory_space<vmem>>
        %dma_start3A_62 = arith.constant 0 : i32
        %dma_start3A_63 = arith.constant 0 : i32
        %dma_start3A_64 = tpu.memref_slice %arg3[%mul3A_57, %dma_start3A_62, %dma_start3A_63] : memref<2500x2x128xi32, #tpu.memory_space<hbm>> -> memref<1x2x128xi32, #tpu.memory_space<hbm>>
        %dma_start3A_65 = tpu.memref_slice %run_scoped3A_17[%rem3A_55] : memref<2x!tpu.dma_semaphore, #tpu.memory_space<semaphore_mem>> -> memref<1x!tpu.dma_semaphore, #tpu.memory_space<semaphore_mem>>
        %dma_start3A_66 = tpu.memref_squeeze %dma_start3A_65 : memref<1x!tpu.dma_semaphore, #tpu.memory_space<semaphore_mem>> -> memref<!tpu.dma_semaphore, #tpu.memory_space<semaphore_mem>>
        %dma_start3A_67 = arith.constant 0 : i32
        %dma_start3A_68 = arith.constant 0 : i32
        %dma_start3A_69 = arith.constant 0 : i32
        %dma_start3A_70 = tpu.memref_slice %run_scoped3A[%rem3A_55, %dma_start3A_67, %dma_start3A_68, %dma_start3A_69] : memref<2x1x2x128xi32, #tpu.memory_space<vmem>> -> memref<1x1x2x128xi32, #tpu.memory_space<vmem>>
        %dma_start3A_71 = tpu.memref_squeeze %dma_start3A_70 : memref<1x1x2x128xi32, #tpu.memory_space<vmem>> -> memref<1x2x128xi32, #tpu.memory_space<vmem>>
        %dma_start3A_72 = arith.constant 0 : i32
        %dma_start3A_73 = arith.constant 0 : i32
        %dma_start3A_74 = tpu.memref_slice %arg3[%mul3A_57, %dma_start3A_72, %dma_start3A_73] : memref<2500x2x128xi32, #tpu.memory_space<hbm>> -> memref<1x2x128xi32, #tpu.memory_space<hbm>>
        tpu.enqueue_dma source(%dma_start3A_74 : memref<1x2x128xi32, #tpu.memory_space<hbm>>) target(%dma_start3A_71 : memref<1x2x128xi32, #tpu.memory_space<vmem>>) target_semaphore(%dma_start3A_66 : memref<!tpu.dma_semaphore, #tpu.memory_space<semaphore_mem>>)
        %add3A_75 = arith.constant 0 : i32
        %add3A_76 = arith.constant 1 : i32
        %add3A_77 = arith.addi %add3A_75, %add3A_76 : i32
        %select_n3A_78 = arith.constant true
        %select_n3A_79 = arith.constant 0 : i32
        %select_n3A_80 = arith.select %select_n3A_78, %add3A_77, %select_n3A_79 : i32
        %while3A = arith.constant 0 : i32
        %while3A_81 = arith.constant 0 : i32
        %while3A_82 = arith.constant 0 : i32
        %while3A_83 = arith.constant 0 : i32
        %while3A_84 = arith.constant 0 : i32
        "tpu.trace_stop"() : () -> ()
        %while3A_85 = arith.subi %mul3A_16, %while3A : i32
        %while3A_86 = arith.addi %while3A, %while3A_85 : i32
        %while3A_87 = arith.constant 1 : i32
        %while3A_88 = arith.divsi %while3A_85, %while3A_87 : i32
        %while3A_89 = arith.muli %while3A_88, %while3A_87 : i32
        %while3A_90 = arith.addi %while3A, %while3A_89 : i32
        %while3A_91 = arith.constant 1 : i32
        %while3A_92:5 = scf.for %while3A_146 = %while3A to %while3A_90 step %while3A_91 iter_args(%while3A_147 = %select_n3A_80, %while3A_148 = %while3A_81, %while3A_149 = %while3A_82, %while3A_150 = %while3A_83, %while3A_151 = %while3A_84) -> (i32, i32, i32, i32, i32)  : i32 {
          %mul3A_152 = arith.constant 1 : i32
          %mul3A_153 = arith.muli %mul3A_152, %select_n3A : i32
          %eq3A_154 = arith.constant 0 : i32
          %eq3A_155 = arith.cmpi eq, %while3A_146, %eq3A_154 : i32
          %sub3A_156 = arith.constant 1 : i32
          %sub3A_157 = arith.subi %mul3A_153, %sub3A_156 : i32
          %eq3A_158 = arith.cmpi eq, %while3A_146, %sub3A_157 : i32
          %add3A_159 = arith.addi %while3A_151, %select_n3A_14 : i32
          %sub3A_160 = arith.constant 1 : i32
          %sub3A_161 = arith.subi %while3A_151, %sub3A_160 : i32
          %select_n3A_162 = arith.constant true
          %select_n3A_163 = arith.select %select_n3A_162, %sub3A_161, %while3A_151 : i32
          %eq3A_164 = arith.constant -1 : i32
          %eq3A_165 = arith.cmpi eq, %select_n3A_163, %eq3A_164 : i32
          %sub3A_166 = arith.constant 1 : i32
          %sub3A_167 = arith.subi %select_n3A, %sub3A_166 : i32
          %select_n3A_168 = arith.select %eq3A_165, %sub3A_167, %select_n3A_163 : i32
          %add3A_169 = arith.addi %select_n3A_168, %select_n3A_14 : i32
          %add3A_170 = arith.constant 1 : i32
          %add3A_171 = arith.addi %while3A_151, %add3A_170 : i32
          %select_n3A_172 = arith.constant true
          %select_n3A_173 = arith.select %select_n3A_172, %add3A_171, %while3A_151 : i32
          %eq3A_174 = arith.cmpi eq, %select_n3A_173, %select_n3A : i32
          %select_n3A_175 = arith.constant 0 : i32
          %select_n3A_176 = arith.select %eq3A_174, %select_n3A_175, %select_n3A_173 : i32
          %add3A_177 = arith.addi %select_n3A_176, %select_n3A_14 : i32
          %add3A_178 = arith.constant 1 : i32
          %add3A_179 = arith.addi %select_n3A_176, %add3A_178 : i32
          %select_n3A_180 = arith.constant true
          %select_n3A_181 = arith.select %select_n3A_180, %add3A_179, %select_n3A_176 : i32
          %eq3A_182 = arith.cmpi eq, %select_n3A_181, %select_n3A : i32
          %select_n3A_183 = arith.constant 0 : i32
          %select_n3A_184 = arith.select %eq3A_182, %select_n3A_183, %select_n3A_181 : i32
          %add3A_185 = arith.addi %select_n3A_184, %select_n3A_14 : i32
          %ne3A = arith.cmpi ne, %add3A_159, %add3A_177 : i32
          %or3A = arith.constant false
          %or3A_186 = arith.ori %or3A, %ne3A : i1
          %or3A_187 = arith.constant false
          %or3A_188 = arith.ori %or3A_186, %or3A_187 : i1
          %or3A_189 = arith.constant false
          %or3A_190 = arith.ori %or3A_188, %or3A_189 : i1
          %sub3A_191 = arith.constant 2 : i32
          %sub3A_192 = arith.subi %mul3A_153, %sub3A_191 : i32
          %add3A_193 = arith.constant 1 : i32
          %add3A_194 = arith.addi %sub3A_192, %add3A_193 : i32
          %ge3A = arith.cmpi sge, %while3A_146, %add3A_194 : i32
          %not3A = arith.constant true
          %not3A_195 = arith.xori %ge3A, %not3A : i1
          %and3A = arith.andi %or3A_190, %not3A_195 : i1
          %convert_element_type3A_196 = arith.extui %and3A : i1 to i32
          %cond3A_197 = arith.constant 0 : i32
          %cond3A_198 = arith.cmpi ne, %convert_element_type3A_196, %cond3A_197 : i32
          scf.if %cond3A_198 {
            "tpu.trace_start"() <{level = 10 : i32, message = "ep_copy_in"}> : () -> ()
            %rem3A_396 = arith.constant 2 : i32
            %rem3A_397 = arith.remui %while3A_147, %rem3A_396 : i32
            %mul3A_398 = arith.constant 1 : i32
            %mul3A_399 = arith.muli %mul3A_398, %add3A_177 : i32
            %dma_start3A_400 = arith.constant 0 : i32
            %dma_start3A_401 = arith.constant 0 : i32
            %dma_start3A_402 = arith.constant 0 : i32
            %dma_start3A_403 = tpu.memref_slice %run_scoped3A[%rem3A_397, %dma_start3A_400, %dma_start3A_401, %dma_start3A_402] : memref<2x1x2x128xi32, #tpu.memory_space<vmem>> -> memref<1x1x2x128xi32, #tpu.memory_space<vmem>>
            %dma_start3A_404 = tpu.memref_squeeze %dma_start3A_403 : memref<1x1x2x128xi32, #tpu.memory_space<vmem>> -> memref<1x2x128xi32, #tpu.memory_space<vmem>>
            %dma_start3A_405 = arith.constant 0 : i32
            %dma_start3A_406 = arith.constant 0 : i32
            %dma_start3A_407 = tpu.memref_slice %arg3[%mul3A_399, %dma_start3A_405, %dma_start3A_406] : memref<2500x2x128xi32, #tpu.memory_space<hbm>> -> memref<1x2x128xi32, #tpu.memory_space<hbm>>
            %dma_start3A_408 = tpu.memref_slice %run_scoped3A_17[%rem3A_397] : memref<2x!tpu.dma_semaphore, #tpu.memory_space<semaphore_mem>> -> memref<1x!tpu.dma_semaphore, #tpu.memory_space<semaphore_mem>>
            %dma_start3A_409 = tpu.memref_squeeze %dma_start3A_408 : memref<1x!tpu.dma_semaphore, #tpu.memory_space<semaphore_mem>> -> memref<!tpu.dma_semaphore, #tpu.memory_space<semaphore_mem>>
            %dma_start3A_410 = arith.constant 0 : i32
            %dma_start3A_411 = arith.constant 0 : i32
            %dma_start3A_412 = arith.constant 0 : i32
            %dma_start3A_413 = tpu.memref_slice %run_scoped3A[%rem3A_397, %dma_start3A_410, %dma_start3A_411, %dma_start3A_412] : memref<2x1x2x128xi32, #tpu.memory_space<vmem>> -> memref<1x1x2x128xi32, #tpu.memory_space<vmem>>
            %dma_start3A_414 = tpu.memref_squeeze %dma_start3A_413 : memref<1x1x2x128xi32, #tpu.memory_space<vmem>> -> memref<1x2x128xi32, #tpu.memory_space<vmem>>
            %dma_start3A_415 = arith.constant 0 : i32
            %dma_start3A_416 = arith.constant 0 : i32
            %dma_start3A_417 = tpu.memref_slice %arg3[%mul3A_399, %dma_start3A_415, %dma_start3A_416] : memref<2500x2x128xi32, #tpu.memory_space<hbm>> -> memref<1x2x128xi32, #tpu.memory_space<hbm>>
            tpu.enqueue_dma source(%dma_start3A_417 : memref<1x2x128xi32, #tpu.memory_space<hbm>>) target(%dma_start3A_414 : memref<1x2x128xi32, #tpu.memory_space<vmem>>) target_semaphore(%dma_start3A_409 : memref<!tpu.dma_semaphore, #tpu.memory_space<semaphore_mem>>)
            "tpu.trace_stop"() : () -> ()
          } else {
          }
          %and3A_199 = arith.constant true
          %and3A_200 = arith.andi %and3A, %and3A_199 : i1
          %add3A_201 = arith.constant 1 : i32
          %add3A_202 = arith.addi %while3A_147, %add3A_201 : i32
          %select_n3A_203 = arith.select %and3A_200, %add3A_202, %while3A_147 : i32
          %ne3A_204 = arith.cmpi ne, %add3A_159, %add3A_177 : i32
          %or3A_205 = arith.constant false
          %or3A_206 = arith.ori %or3A_205, %ne3A_204 : i1
          %or3A_207 = arith.constant false
          %or3A_208 = arith.ori %or3A_206, %or3A_207 : i1
          %sub3A_209 = arith.constant 2 : i32
          %sub3A_210 = arith.subi %mul3A_153, %sub3A_209 : i32
          %add3A_211 = arith.constant 1 : i32
          %add3A_212 = arith.addi %sub3A_210, %add3A_211 : i32
          %ge3A_213 = arith.cmpi sge, %while3A_146, %add3A_212 : i32
          %not3A_214 = arith.constant true
          %not3A_215 = arith.xori %ge3A_213, %not3A_214 : i1
          %and3A_216 = arith.andi %or3A_208, %not3A_215 : i1
          %ne3A_217 = arith.cmpi ne, %add3A_159, %add3A_169 : i32
          %or3A_218 = arith.constant false
          %or3A_219 = arith.ori %or3A_218, %ne3A_217 : i1
          %or3A_220 = arith.constant false
          %or3A_221 = arith.ori %or3A_219, %or3A_220 : i1
          %or3A_222 = arith.constant false
          %or3A_223 = arith.ori %or3A_221, %or3A_222 : i1
          %or3A_224 = arith.ori %or3A_223, %eq3A_155 : i1
          %convert_element_type3A_225 = arith.extui %or3A_224 : i1 to i32
          %cond3A_226 = arith.constant 0 : i32
          %cond3A_227 = arith.cmpi ne, %convert_element_type3A_225, %cond3A_226 : i32
          scf.if %cond3A_227 {
            "tpu.trace_start"() <{level = 10 : i32, message = "ep_wait_in"}> : () -> ()
            %mul3A_396 = arith.constant 1 : i32
            %mul3A_397 = arith.muli %mul3A_396, %add3A_159 : i32
            %rem3A_398 = arith.constant 2 : i32
            %rem3A_399 = arith.remui %while3A_148, %rem3A_398 : i32
            %dma_wait3A_400 = arith.constant 0 : i32
            %dma_wait3A_401 = arith.constant 0 : i32
            %dma_wait3A_402 = arith.constant 0 : i32
            %dma_wait3A_403 = tpu.memref_slice %run_scoped3A[%rem3A_399, %dma_wait3A_400, %dma_wait3A_401, %dma_wait3A_402] : memref<2x1x2x128xi32, #tpu.memory_space<vmem>> -> memref<1x1x2x128xi32, #tpu.memory_space<vmem>>
            %dma_wait3A_404 = tpu.memref_squeeze %dma_wait3A_403 : memref<1x1x2x128xi32, #tpu.memory_space<vmem>> -> memref<1x2x128xi32, #tpu.memory_space<vmem>>
            %dma_wait3A_405 = arith.constant 0 : i32
            %dma_wait3A_406 = arith.constant 0 : i32
            %dma_wait3A_407 = tpu.memref_slice %arg3[%mul3A_397, %dma_wait3A_405, %dma_wait3A_406] : memref<2500x2x128xi32, #tpu.memory_space<hbm>> -> memref<1x2x128xi32, #tpu.memory_space<hbm>>
            %dma_wait3A_408 = tpu.memref_slice %run_scoped3A_17[%rem3A_399] : memref<2x!tpu.dma_semaphore, #tpu.memory_space<semaphore_mem>> -> memref<1x!tpu.dma_semaphore, #tpu.memory_space<semaphore_mem>>
            %dma_wait3A_409 = tpu.memref_squeeze %dma_wait3A_408 : memref<1x!tpu.dma_semaphore, #tpu.memory_space<semaphore_mem>> -> memref<!tpu.dma_semaphore, #tpu.memory_space<semaphore_mem>>
            %dma_wait3A_410 = arith.constant 0 : i32
            %dma_wait3A_411 = arith.constant 0 : i32
            %dma_wait3A_412 = arith.constant 0 : i32
            %dma_wait3A_413 = tpu.memref_slice %run_scoped3A[%rem3A_399, %dma_wait3A_410, %dma_wait3A_411, %dma_wait3A_412] : memref<2x1x2x128xi32, #tpu.memory_space<vmem>> -> memref<1x1x2x128xi32, #tpu.memory_space<vmem>>
            %dma_wait3A_414 = tpu.memref_squeeze %dma_wait3A_413 : memref<1x1x2x128xi32, #tpu.memory_space<vmem>> -> memref<1x2x128xi32, #tpu.memory_space<vmem>>
            %dma_wait3A_415 = arith.constant 0 : i32
            %dma_wait3A_416 = arith.constant 0 : i32
            %dma_wait3A_417 = tpu.memref_slice %arg3[%mul3A_397, %dma_wait3A_415, %dma_wait3A_416] : memref<2500x2x128xi32, #tpu.memory_space<hbm>> -> memref<1x2x128xi32, #tpu.memory_space<hbm>>
            tpu.wait_dma2 semaphore(%dma_wait3A_409 : memref<!tpu.dma_semaphore, #tpu.memory_space<semaphore_mem>>) src(%dma_wait3A_417 : memref<1x2x128xi32, #tpu.memory_space<hbm>>) dst(%dma_wait3A_414 : memref<1x2x128xi32, #tpu.memory_space<vmem>>)
            "tpu.trace_stop"() : () -> ()
          } else {
          }
          %ne3A_228 = arith.cmpi ne, %add3A_159, %add3A_169 : i32
          %or3A_229 = arith.constant false
          %or3A_230 = arith.ori %or3A_229, %ne3A_228 : i1
          %or3A_231 = arith.constant false
          %or3A_232 = arith.ori %or3A_230, %or3A_231 : i1
          %or3A_233 = arith.ori %or3A_232, %eq3A_155 : i1
          %convert_element_type3A_234 = arith.extui %or3A_233 : i1 to i32
          %cond3A_235 = arith.constant 0 : i32
          %cond3A_236 = arith.cmpi ne, %convert_element_type3A_234, %cond3A_235 : i32
          scf.if %cond3A_236 {
          } else {
          }
          %rem3A_237 = arith.constant 2 : i32
          %rem3A_238 = arith.remui %while3A_148, %rem3A_237 : i32
          %rem3A_239 = arith.constant 2 : i32
          %rem3A_240 = arith.remui %while3A_149, %rem3A_239 : i32
          %dma_start3A_241 = arith.constant 0 : i32
          %dma_start3A_242 = arith.constant 0 : i32
          "tpu.trace_start"() <{level = 10 : i32, message = "ep_run_kernel"}> : () -> ()
          %dma_start3A_243 = arith.constant 0 : i32
          %dma_start3A_244 = arith.constant 0 : i32
          %dma_start3A_245 = tpu.memref_slice %run_scoped3A_18[%rem3A_240, %dma_start3A_243, %dma_start3A_244] : memref<2x256x128xf32, #tpu.memory_space<vmem>> -> memref<1x256x128xf32, #tpu.memory_space<vmem>>
          %dma_start3A_246 = tpu.memref_squeeze %dma_start3A_245 : memref<1x256x128xf32, #tpu.memory_space<vmem>> -> memref<256x128xf32, #tpu.memory_space<vmem>>
          %dma_start3A_247 = arith.constant 0 : i32
          %dma_start3A_248 = arith.constant 0 : i32
          %dma_start3A_249 = tpu.memref_slice %dma_start3A_246[%dma_start3A_247, %dma_start3A_248] : memref<256x128xf32, #tpu.memory_space<vmem>> -> memref<128x128xf32, #tpu.memory_space<vmem>>
          %dma_start3A_250 = arith.constant 0 : i32
          %dma_start3A_251 = arith.constant 0 : i32
          %dma_start3A_252 = arith.constant 0 : i32
          %dma_start3A_253 = tpu.memref_slice %run_scoped3A[%rem3A_238, %dma_start3A_250, %dma_start3A_251, %dma_start3A_252] : memref<2x1x2x128xi32, #tpu.memory_space<vmem>> -> memref<1x1x2x128xi32, #tpu.memory_space<vmem>>
          %dma_start3A_254 = tpu.memref_squeeze %dma_start3A_253 : memref<1x1x2x128xi32, #tpu.memory_space<vmem>> -> memref<1x2x128xi32, #tpu.memory_space<vmem>>
          %dma_start3A_255 = arith.constant 0 : i32
          %dma_start3A_256 = tpu.memref_slice %dma_start3A_254[%dma_start3A_241, %dma_start3A_242, %dma_start3A_255] : memref<1x2x128xi32, #tpu.memory_space<vmem>> -> memref<1x1x128xi32, #tpu.memory_space<vmem>>
          %dma_start3A_257 = tpu.memref_squeeze %dma_start3A_256 : memref<1x1x128xi32, #tpu.memory_space<vmem>> -> memref<128xi32, #tpu.memory_space<vmem>>
          %dma_start3A_258 = arith.constant 0 : i32
          %dma_start3A_259 = arith.constant 0 : i32
          %dma_start3A_260 = tpu.memref_slice %arg2[%dma_start3A_258, %dma_start3A_259] : memref<320000x128xf32, #tpu.memory_space<hbm>> -> memref<320000x128xf32, #tpu.memory_space<hbm>>
          tpu.enqueue_indirect_dma source(%dma_start3A_260 : memref<320000x128xf32, #tpu.memory_space<hbm>>) target(%dma_start3A_249 : memref<128x128xf32, #tpu.memory_space<vmem>>) offsets(%dma_start3A_257 : memref<128xi32, #tpu.memory_space<vmem>>) semaphore(%arg5 : memref<!tpu.dma_semaphore, #tpu.memory_space<semaphore_mem>>)
          %dma_start3A_261 = arith.constant 0 : i32
          %dma_start3A_262 = arith.constant 1 : i32
          %dma_start3A_263 = arith.constant 0 : i32
          %dma_start3A_264 = arith.constant 0 : i32
          %dma_start3A_265 = tpu.memref_slice %run_scoped3A_18[%rem3A_240, %dma_start3A_263, %dma_start3A_264] : memref<2x256x128xf32, #tpu.memory_space<vmem>> -> memref<1x256x128xf32, #tpu.memory_space<vmem>>
          %dma_start3A_266 = tpu.memref_squeeze %dma_start3A_265 : memref<1x256x128xf32, #tpu.memory_space<vmem>> -> memref<256x128xf32, #tpu.memory_space<vmem>>
          %dma_start3A_267 = arith.constant 128 : i32
          %dma_start3A_268 = arith.constant 0 : i32
          %dma_start3A_269 = tpu.memref_slice %dma_start3A_266[%dma_start3A_267, %dma_start3A_268] : memref<256x128xf32, #tpu.memory_space<vmem>> -> memref<128x128xf32, #tpu.memory_space<vmem>>
          %dma_start3A_270 = arith.constant 0 : i32
          %dma_start3A_271 = arith.constant 0 : i32
          %dma_start3A_272 = arith.constant 0 : i32
          %dma_start3A_273 = tpu.memref_slice %run_scoped3A[%rem3A_238, %dma_start3A_270, %dma_start3A_271, %dma_start3A_272] : memref<2x1x2x128xi32, #tpu.memory_space<vmem>> -> memref<1x1x2x128xi32, #tpu.memory_space<vmem>>
          %dma_start3A_274 = tpu.memref_squeeze %dma_start3A_273 : memref<1x1x2x128xi32, #tpu.memory_space<vmem>> -> memref<1x2x128xi32, #tpu.memory_space<vmem>>
          %dma_start3A_275 = arith.constant 0 : i32
          %dma_start3A_276 = tpu.memref_slice %dma_start3A_274[%dma_start3A_261, %dma_start3A_262, %dma_start3A_275] : memref<1x2x128xi32, #tpu.memory_space<vmem>> -> memref<1x1x128xi32, #tpu.memory_space<vmem>>
          %dma_start3A_277 = tpu.memref_squeeze %dma_start3A_276 : memref<1x1x128xi32, #tpu.memory_space<vmem>> -> memref<128xi32, #tpu.memory_space<vmem>>
          %dma_start3A_278 = arith.constant 0 : i32
          %dma_start3A_279 = arith.constant 0 : i32
          %dma_start3A_280 = tpu.memref_slice %arg2[%dma_start3A_278, %dma_start3A_279] : memref<320000x128xf32, #tpu.memory_space<hbm>> -> memref<320000x128xf32, #tpu.memory_space<hbm>>
          tpu.enqueue_indirect_dma source(%dma_start3A_280 : memref<320000x128xf32, #tpu.memory_space<hbm>>) target(%dma_start3A_269 : memref<128x128xf32, #tpu.memory_space<vmem>>) offsets(%dma_start3A_277 : memref<128xi32, #tpu.memory_space<vmem>>) semaphore(%arg5 : memref<!tpu.dma_semaphore, #tpu.memory_space<semaphore_mem>>)
          %dma_wait3A = arith.constant 0 : i32
          %dma_wait3A_281 = arith.constant 0 : i32
          %dma_wait3A_282 = arith.constant 0 : i32
          %dma_wait3A_283 = arith.constant 0 : i32
          %dma_wait3A_284 = tpu.memref_slice %run_scoped3A_18[%rem3A_240, %dma_wait3A_282, %dma_wait3A_283] : memref<2x256x128xf32, #tpu.memory_space<vmem>> -> memref<1x256x128xf32, #tpu.memory_space<vmem>>
          %dma_wait3A_285 = tpu.memref_squeeze %dma_wait3A_284 : memref<1x256x128xf32, #tpu.memory_space<vmem>> -> memref<256x128xf32, #tpu.memory_space<vmem>>
          %dma_wait3A_286 = arith.constant 0 : i32
          %dma_wait3A_287 = arith.constant 0 : i32
          %dma_wait3A_288 = tpu.memref_slice %dma_wait3A_285[%dma_wait3A_286, %dma_wait3A_287] : memref<256x128xf32, #tpu.memory_space<vmem>> -> memref<128x128xf32, #tpu.memory_space<vmem>>
          %dma_wait3A_289 = arith.constant 0 : i32
          %dma_wait3A_290 = arith.constant 0 : i32
          %dma_wait3A_291 = arith.constant 0 : i32
          %dma_wait3A_292 = tpu.memref_slice %run_scoped3A[%rem3A_238, %dma_wait3A_289, %dma_wait3A_290, %dma_wait3A_291] : memref<2x1x2x128xi32, #tpu.memory_space<vmem>> -> memref<1x1x2x128xi32, #tpu.memory_space<vmem>>
          %dma_wait3A_293 = tpu.memref_squeeze %dma_wait3A_292 : memref<1x1x2x128xi32, #tpu.memory_space<vmem>> -> memref<1x2x128xi32, #tpu.memory_space<vmem>>
          %dma_wait3A_294 = arith.constant 0 : i32
          %dma_wait3A_295 = tpu.memref_slice %dma_wait3A_293[%dma_wait3A, %dma_wait3A_281, %dma_wait3A_294] : memref<1x2x128xi32, #tpu.memory_space<vmem>> -> memref<1x1x128xi32, #tpu.memory_space<vmem>>
          %dma_wait3A_296 = tpu.memref_squeeze %dma_wait3A_295 : memref<1x1x128xi32, #tpu.memory_space<vmem>> -> memref<128xi32, #tpu.memory_space<vmem>>
          %dma_wait3A_297 = arith.constant 0 : i32
          %dma_wait3A_298 = arith.constant 0 : i32
          %dma_wait3A_299 = tpu.memref_slice %arg2[%dma_wait3A_297, %dma_wait3A_298] : memref<320000x128xf32, #tpu.memory_space<hbm>> -> memref<320000x128xf32, #tpu.memory_space<hbm>>
          tpu.wait_indirect_dma semaphore(%arg5 : memref<!tpu.dma_semaphore, #tpu.memory_space<semaphore_mem>>) src(%dma_wait3A_299 : memref<320000x128xf32, #tpu.memory_space<hbm>>) dst(%dma_wait3A_288 : memref<128x128xf32, #tpu.memory_space<vmem>>)
          %dma_wait3A_300 = arith.constant 0 : i32
          %dma_wait3A_301 = arith.constant 1 : i32
          %dma_wait3A_302 = arith.constant 0 : i32
          %dma_wait3A_303 = arith.constant 0 : i32
          %dma_wait3A_304 = tpu.memref_slice %run_scoped3A_18[%rem3A_240, %dma_wait3A_302, %dma_wait3A_303] : memref<2x256x128xf32, #tpu.memory_space<vmem>> -> memref<1x256x128xf32, #tpu.memory_space<vmem>>
          %dma_wait3A_305 = tpu.memref_squeeze %dma_wait3A_304 : memref<1x256x128xf32, #tpu.memory_space<vmem>> -> memref<256x128xf32, #tpu.memory_space<vmem>>
          %dma_wait3A_306 = arith.constant 128 : i32
          %dma_wait3A_307 = arith.constant 0 : i32
          %dma_wait3A_308 = tpu.memref_slice %dma_wait3A_305[%dma_wait3A_306, %dma_wait3A_307] : memref<256x128xf32, #tpu.memory_space<vmem>> -> memref<128x128xf32, #tpu.memory_space<vmem>>
          %dma_wait3A_309 = arith.constant 0 : i32
          %dma_wait3A_310 = arith.constant 0 : i32
          %dma_wait3A_311 = arith.constant 0 : i32
          %dma_wait3A_312 = tpu.memref_slice %run_scoped3A[%rem3A_238, %dma_wait3A_309, %dma_wait3A_310, %dma_wait3A_311] : memref<2x1x2x128xi32, #tpu.memory_space<vmem>> -> memref<1x1x2x128xi32, #tpu.memory_space<vmem>>
          %dma_wait3A_313 = tpu.memref_squeeze %dma_wait3A_312 : memref<1x1x2x128xi32, #tpu.memory_space<vmem>> -> memref<1x2x128xi32, #tpu.memory_space<vmem>>
          %dma_wait3A_314 = arith.constant 0 : i32
          %dma_wait3A_315 = tpu.memref_slice %dma_wait3A_313[%dma_wait3A_300, %dma_wait3A_301, %dma_wait3A_314] : memref<1x2x128xi32, #tpu.memory_space<vmem>> -> memref<1x1x128xi32, #tpu.memory_space<vmem>>
          %dma_wait3A_316 = tpu.memref_squeeze %dma_wait3A_315 : memref<1x1x128xi32, #tpu.memory_space<vmem>> -> memref<128xi32, #tpu.memory_space<vmem>>
          %dma_wait3A_317 = arith.constant 0 : i32
          %dma_wait3A_318 = arith.constant 0 : i32
          %dma_wait3A_319 = tpu.memref_slice %arg2[%dma_wait3A_317, %dma_wait3A_318] : memref<320000x128xf32, #tpu.memory_space<hbm>> -> memref<320000x128xf32, #tpu.memory_space<hbm>>
          tpu.wait_indirect_dma semaphore(%arg5 : memref<!tpu.dma_semaphore, #tpu.memory_space<semaphore_mem>>) src(%dma_wait3A_319 : memref<320000x128xf32, #tpu.memory_space<hbm>>) dst(%dma_wait3A_308 : memref<128x128xf32, #tpu.memory_space<vmem>>)
          "tpu.trace_stop"() : () -> ()
          %ne3A_320 = arith.cmpi ne, %add3A_159, %add3A_177 : i32
          %or3A_321 = arith.constant false
          %or3A_322 = arith.ori %or3A_321, %ne3A_320 : i1
          %or3A_323 = arith.constant false
          %or3A_324 = arith.ori %or3A_322, %or3A_323 : i1
          %or3A_325 = arith.constant false
          %or3A_326 = arith.ori %or3A_324, %or3A_325 : i1
          %or3A_327 = arith.ori %or3A_326, %eq3A_158 : i1
          %convert_element_type3A_328 = arith.extui %or3A_327 : i1 to i32
          %cond3A_329 = arith.constant 0 : i32
          %cond3A_330 = arith.cmpi ne, %convert_element_type3A_328, %cond3A_329 : i32
          scf.if %cond3A_330 {
          } else {
          }
          %and3A_331 = arith.constant false
          %and3A_332 = arith.andi %or3A_327, %and3A_331 : i1
          %ne3A_333 = arith.cmpi ne, %add3A_159, %add3A_177 : i32
          %or3A_334 = arith.constant false
          %or3A_335 = arith.ori %or3A_334, %ne3A_333 : i1
          %or3A_336 = arith.constant false
          %or3A_337 = arith.ori %or3A_335, %or3A_336 : i1
          %or3A_338 = arith.ori %or3A_337, %eq3A_158 : i1
          %convert_element_type3A_339 = arith.extui %or3A_338 : i1 to i32
          %cond3A_340 = arith.constant 0 : i32
          %cond3A_341 = arith.cmpi ne, %convert_element_type3A_339, %cond3A_340 : i32
          scf.if %cond3A_341 {
            "tpu.trace_start"() <{level = 10 : i32, message = "ep_copy_out"}> : () -> ()
            %rem3A_396 = arith.constant 2 : i32
            %rem3A_397 = arith.remui %while3A_149, %rem3A_396 : i32
            %mul3A_398 = arith.constant 256 : i32
            %mul3A_399 = arith.muli %mul3A_398, %add3A_159 : i32
            %dma_start3A_400 = arith.constant 0 : i32
            %dma_start3A_401 = arith.constant 0 : i32
            %dma_start3A_402 = tpu.memref_slice %run_scoped3A_18[%rem3A_397, %dma_start3A_400, %dma_start3A_401] : memref<2x256x128xf32, #tpu.memory_space<vmem>> -> memref<1x256x128xf32, #tpu.memory_space<vmem>>
            %dma_start3A_403 = tpu.memref_squeeze %dma_start3A_402 : memref<1x256x128xf32, #tpu.memory_space<vmem>> -> memref<256x128xf32, #tpu.memory_space<vmem>>
            %dma_start3A_404 = arith.constant 0 : i32
            %dma_start3A_405 = tpu.memref_slice %arg4[%mul3A_399, %dma_start3A_404] : memref<640000x128xf32, #tpu.memory_space<hbm>> -> memref<256x128xf32, #tpu.memory_space<hbm>>
            %dma_start3A_406 = tpu.memref_slice %run_scoped3A_19[%rem3A_397] : memref<2x!tpu.dma_semaphore, #tpu.memory_space<semaphore_mem>> -> memref<1x!tpu.dma_semaphore, #tpu.memory_space<semaphore_mem>>
            %dma_start3A_407 = tpu.memref_squeeze %dma_start3A_406 : memref<1x!tpu.dma_semaphore, #tpu.memory_space<semaphore_mem>> -> memref<!tpu.dma_semaphore, #tpu.memory_space<semaphore_mem>>
            %dma_start3A_408 = arith.constant 0 : i32
            %dma_start3A_409 = tpu.memref_slice %arg4[%mul3A_399, %dma_start3A_408] : memref<640000x128xf32, #tpu.memory_space<hbm>> -> memref<256x128xf32, #tpu.memory_space<hbm>>
            %dma_start3A_410 = arith.constant 0 : i32
            %dma_start3A_411 = arith.constant 0 : i32
            %dma_start3A_412 = tpu.memref_slice %run_scoped3A_18[%rem3A_397, %dma_start3A_410, %dma_start3A_411] : memref<2x256x128xf32, #tpu.memory_space<vmem>> -> memref<1x256x128xf32, #tpu.memory_space<vmem>>
            %dma_start3A_413 = tpu.memref_squeeze %dma_start3A_412 : memref<1x256x128xf32, #tpu.memory_space<vmem>> -> memref<256x128xf32, #tpu.memory_space<vmem>>
            tpu.enqueue_dma source(%dma_start3A_413 : memref<256x128xf32, #tpu.memory_space<vmem>>) target(%dma_start3A_409 : memref<256x128xf32, #tpu.memory_space<hbm>>) target_semaphore(%dma_start3A_407 : memref<!tpu.dma_semaphore, #tpu.memory_space<semaphore_mem>>)
            "tpu.trace_stop"() : () -> ()
          } else {
          }
          %and3A_342 = arith.constant true
          %and3A_343 = arith.andi %or3A_338, %and3A_342 : i1
          %add3A_344 = arith.constant 1 : i32
          %add3A_345 = arith.addi %while3A_149, %add3A_344 : i32
          %select_n3A_346 = arith.select %and3A_343, %add3A_345, %while3A_149 : i32
          %ne3A_347 = arith.cmpi ne, %add3A_159, %add3A_169 : i32
          %or3A_348 = arith.constant false
          %or3A_349 = arith.ori %or3A_348, %ne3A_347 : i1
          %or3A_350 = arith.constant false
          %or3A_351 = arith.ori %or3A_349, %or3A_350 : i1
          %or3A_352 = arith.constant false
          %or3A_353 = arith.ori %or3A_351, %or3A_352 : i1
          %not3A_354 = arith.constant true
          %not3A_355 = arith.xori %eq3A_155, %not3A_354 : i1
          %and3A_356 = arith.andi %or3A_353, %not3A_355 : i1
          %convert_element_type3A_357 = arith.extui %and3A_356 : i1 to i32
          %cond3A_358 = arith.constant 0 : i32
          %cond3A_359 = arith.cmpi ne, %convert_element_type3A_357, %cond3A_358 : i32
          scf.if %cond3A_359 {
          } else {
          }
          %and3A_360 = arith.constant false
          %and3A_361 = arith.andi %and3A_356, %and3A_360 : i1
          %ne3A_362 = arith.cmpi ne, %add3A_159, %add3A_169 : i32
          %or3A_363 = arith.constant false
          %or3A_364 = arith.ori %or3A_363, %ne3A_362 : i1
          %or3A_365 = arith.constant false
          %or3A_366 = arith.ori %or3A_364, %or3A_365 : i1
          %not3A_367 = arith.constant true
          %not3A_368 = arith.xori %eq3A_155, %not3A_367 : i1
          %and3A_369 = arith.andi %or3A_366, %not3A_368 : i1
          %convert_element_type3A_370 = arith.extui %and3A_369 : i1 to i32
          %cond3A_371 = arith.constant 0 : i32
          %cond3A_372 = arith.cmpi ne, %convert_element_type3A_370, %cond3A_371 : i32
          scf.if %cond3A_372 {
            "tpu.trace_start"() <{level = 10 : i32, message = "ep_wait_out"}> : () -> ()
            %rem3A_396 = arith.constant 2 : i32
            %rem3A_397 = arith.remui %while3A_150, %rem3A_396 : i32
            %mul3A_398 = arith.constant 256 : i32
            %mul3A_399 = arith.muli %mul3A_398, %add3A_169 : i32
            %dma_wait3A_400 = arith.constant 0 : i32
            %dma_wait3A_401 = arith.constant 0 : i32
            %dma_wait3A_402 = tpu.memref_slice %run_scoped3A_18[%rem3A_397, %dma_wait3A_400, %dma_wait3A_401] : memref<2x256x128xf32, #tpu.memory_space<vmem>> -> memref<1x256x128xf32, #tpu.memory_space<vmem>>
            %dma_wait3A_403 = tpu.memref_squeeze %dma_wait3A_402 : memref<1x256x128xf32, #tpu.memory_space<vmem>> -> memref<256x128xf32, #tpu.memory_space<vmem>>
            %dma_wait3A_404 = arith.constant 0 : i32
            %dma_wait3A_405 = tpu.memref_slice %arg4[%mul3A_399, %dma_wait3A_404] : memref<640000x128xf32, #tpu.memory_space<hbm>> -> memref<256x128xf32, #tpu.memory_space<hbm>>
            %dma_wait3A_406 = tpu.memref_slice %run_scoped3A_19[%rem3A_397] : memref<2x!tpu.dma_semaphore, #tpu.memory_space<semaphore_mem>> -> memref<1x!tpu.dma_semaphore, #tpu.memory_space<semaphore_mem>>
            %dma_wait3A_407 = tpu.memref_squeeze %dma_wait3A_406 : memref<1x!tpu.dma_semaphore, #tpu.memory_space<semaphore_mem>> -> memref<!tpu.dma_semaphore, #tpu.memory_space<semaphore_mem>>
            %dma_wait3A_408 = arith.constant 0 : i32
            %dma_wait3A_409 = tpu.memref_slice %arg4[%mul3A_399, %dma_wait3A_408] : memref<640000x128xf32, #tpu.memory_space<hbm>> -> memref<256x128xf32, #tpu.memory_space<hbm>>
            %dma_wait3A_410 = arith.constant 0 : i32
            %dma_wait3A_411 = arith.constant 0 : i32
            %dma_wait3A_412 = tpu.memref_slice %run_scoped3A_18[%rem3A_397, %dma_wait3A_410, %dma_wait3A_411] : memref<2x256x128xf32, #tpu.memory_space<vmem>> -> memref<1x256x128xf32, #tpu.memory_space<vmem>>
            %dma_wait3A_413 = tpu.memref_squeeze %dma_wait3A_412 : memref<1x256x128xf32, #tpu.memory_space<vmem>> -> memref<256x128xf32, #tpu.memory_space<vmem>>
            tpu.wait_dma2 semaphore(%dma_wait3A_407 : memref<!tpu.dma_semaphore, #tpu.memory_space<semaphore_mem>>) src(%dma_wait3A_413 : memref<256x128xf32, #tpu.memory_space<vmem>>) dst(%dma_wait3A_409 : memref<256x128xf32, #tpu.memory_space<hbm>>)
            "tpu.trace_stop"() : () -> ()
          } else {
          }
          %and3A_373 = arith.constant true
          %and3A_374 = arith.andi %and3A_369, %and3A_373 : i1
          %add3A_375 = arith.constant 1 : i32
          %add3A_376 = arith.addi %while3A_150, %add3A_375 : i32
          %select_n3A_377 = arith.select %and3A_374, %add3A_376, %while3A_150 : i32
          %ne3A_378 = arith.cmpi ne, %add3A_159, %add3A_177 : i32
          %or3A_379 = arith.constant false
          %or3A_380 = arith.ori %or3A_379, %ne3A_378 : i1
          %or3A_381 = arith.constant false
          %or3A_382 = arith.ori %or3A_380, %or3A_381 : i1
          %or3A_383 = arith.constant false
          %or3A_384 = arith.ori %or3A_382, %or3A_383 : i1
          %or3A_385 = arith.ori %or3A_384, %eq3A_158 : i1
          %add3A_386 = arith.constant 1 : i32
          %add3A_387 = arith.addi %while3A_148, %add3A_386 : i32
          %select_n3A_388 = arith.select %or3A_385, %add3A_387, %while3A_148 : i32
          %add3A_389 = arith.constant 1 : i32
          %add3A_390 = arith.addi %while3A_151, %add3A_389 : i32
          %select_n3A_391 = arith.constant true
          %select_n3A_392 = arith.select %select_n3A_391, %add3A_390, %while3A_151 : i32
          %eq3A_393 = arith.cmpi eq, %select_n3A_392, %select_n3A : i32
          %select_n3A_394 = arith.constant 0 : i32
          %select_n3A_395 = arith.select %eq3A_393, %select_n3A_394, %select_n3A_392 : i32
          scf.yield %select_n3A_203, %select_n3A_388, %select_n3A_346, %select_n3A_377, %select_n3A_395 : i32, i32, i32, i32, i32
        }
        %while3A_93 = arith.constant 1 : i32
        %while3A_94:5 = scf.for %while3A_146 = %while3A_90 to %while3A_86 step %while3A_93 iter_args(%while3A_147 = %while3A_92#0, %while3A_148 = %while3A_92#1, %while3A_149 = %while3A_92#2, %while3A_150 = %while3A_92#3, %while3A_151 = %while3A_92#4) -> (i32, i32, i32, i32, i32)  : i32 {
          %mul3A_152 = arith.constant 1 : i32
          %mul3A_153 = arith.muli %mul3A_152, %select_n3A : i32
          %eq3A_154 = arith.constant 0 : i32
          %eq3A_155 = arith.cmpi eq, %while3A_146, %eq3A_154 : i32
          %sub3A_156 = arith.constant 1 : i32
          %sub3A_157 = arith.subi %mul3A_153, %sub3A_156 : i32
          %eq3A_158 = arith.cmpi eq, %while3A_146, %sub3A_157 : i32
          %add3A_159 = arith.addi %while3A_151, %select_n3A_14 : i32
          %sub3A_160 = arith.constant 1 : i32
          %sub3A_161 = arith.subi %while3A_151, %sub3A_160 : i32
          %select_n3A_162 = arith.constant true
          %select_n3A_163 = arith.select %select_n3A_162, %sub3A_161, %while3A_151 : i32
          %eq3A_164 = arith.constant -1 : i32
          %eq3A_165 = arith.cmpi eq, %select_n3A_163, %eq3A_164 : i32
          %sub3A_166 = arith.constant 1 : i32
          %sub3A_167 = arith.subi %select_n3A, %sub3A_166 : i32
          %select_n3A_168 = arith.select %eq3A_165, %sub3A_167, %select_n3A_163 : i32
          %add3A_169 = arith.addi %select_n3A_168, %select_n3A_14 : i32
          %add3A_170 = arith.constant 1 : i32
          %add3A_171 = arith.addi %while3A_151, %add3A_170 : i32
          %select_n3A_172 = arith.constant true
          %select_n3A_173 = arith.select %select_n3A_172, %add3A_171, %while3A_151 : i32
          %eq3A_174 = arith.cmpi eq, %select_n3A_173, %select_n3A : i32
          %select_n3A_175 = arith.constant 0 : i32
          %select_n3A_176 = arith.select %eq3A_174, %select_n3A_175, %select_n3A_173 : i32
          %add3A_177 = arith.addi %select_n3A_176, %select_n3A_14 : i32
          %add3A_178 = arith.constant 1 : i32
          %add3A_179 = arith.addi %select_n3A_176, %add3A_178 : i32
          %select_n3A_180 = arith.constant true
          %select_n3A_181 = arith.select %select_n3A_180, %add3A_179, %select_n3A_176 : i32
          %eq3A_182 = arith.cmpi eq, %select_n3A_181, %select_n3A : i32
          %select_n3A_183 = arith.constant 0 : i32
          %select_n3A_184 = arith.select %eq3A_182, %select_n3A_183, %select_n3A_181 : i32
          %add3A_185 = arith.addi %select_n3A_184, %select_n3A_14 : i32
          %ne3A = arith.cmpi ne, %add3A_159, %add3A_177 : i32
          %or3A = arith.constant false
          %or3A_186 = arith.ori %or3A, %ne3A : i1
          %or3A_187 = arith.constant false
          %or3A_188 = arith.ori %or3A_186, %or3A_187 : i1
          %or3A_189 = arith.constant false
          %or3A_190 = arith.ori %or3A_188, %or3A_189 : i1
          %sub3A_191 = arith.constant 2 : i32
          %sub3A_192 = arith.subi %mul3A_153, %sub3A_191 : i32
          %add3A_193 = arith.constant 1 : i32
          %add3A_194 = arith.addi %sub3A_192, %add3A_193 : i32
          %ge3A = arith.cmpi sge, %while3A_146, %add3A_194 : i32
          %not3A = arith.constant true
          %not3A_195 = arith.xori %ge3A, %not3A : i1
          %and3A = arith.andi %or3A_190, %not3A_195 : i1
          %convert_element_type3A_196 = arith.extui %and3A : i1 to i32
          %cond3A_197 = arith.constant 0 : i32
          %cond3A_198 = arith.cmpi ne, %convert_element_type3A_196, %cond3A_197 : i32
          scf.if %cond3A_198 {
            "tpu.trace_start"() <{level = 10 : i32, message = "ep_copy_in"}> : () -> ()
            %rem3A_396 = arith.constant 2 : i32
            %rem3A_397 = arith.remui %while3A_147, %rem3A_396 : i32
            %mul3A_398 = arith.constant 1 : i32
            %mul3A_399 = arith.muli %mul3A_398, %add3A_177 : i32
            %dma_start3A_400 = arith.constant 0 : i32
            %dma_start3A_401 = arith.constant 0 : i32
            %dma_start3A_402 = arith.constant 0 : i32
            %dma_start3A_403 = tpu.memref_slice %run_scoped3A[%rem3A_397, %dma_start3A_400, %dma_start3A_401, %dma_start3A_402] : memref<2x1x2x128xi32, #tpu.memory_space<vmem>> -> memref<1x1x2x128xi32, #tpu.memory_space<vmem>>
            %dma_start3A_404 = tpu.memref_squeeze %dma_start3A_403 : memref<1x1x2x128xi32, #tpu.memory_space<vmem>> -> memref<1x2x128xi32, #tpu.memory_space<vmem>>
            %dma_start3A_405 = arith.constant 0 : i32
            %dma_start3A_406 = arith.constant 0 : i32
            %dma_start3A_407 = tpu.memref_slice %arg3[%mul3A_399, %dma_start3A_405, %dma_start3A_406] : memref<2500x2x128xi32, #tpu.memory_space<hbm>> -> memref<1x2x128xi32, #tpu.memory_space<hbm>>
            %dma_start3A_408 = tpu.memref_slice %run_scoped3A_17[%rem3A_397] : memref<2x!tpu.dma_semaphore, #tpu.memory_space<semaphore_mem>> -> memref<1x!tpu.dma_semaphore, #tpu.memory_space<semaphore_mem>>
            %dma_start3A_409 = tpu.memref_squeeze %dma_start3A_408 : memref<1x!tpu.dma_semaphore, #tpu.memory_space<semaphore_mem>> -> memref<!tpu.dma_semaphore, #tpu.memory_space<semaphore_mem>>
            %dma_start3A_410 = arith.constant 0 : i32
            %dma_start3A_411 = arith.constant 0 : i32
            %dma_start3A_412 = arith.constant 0 : i32
            %dma_start3A_413 = tpu.memref_slice %run_scoped3A[%rem3A_397, %dma_start3A_410, %dma_start3A_411, %dma_start3A_412] : memref<2x1x2x128xi32, #tpu.memory_space<vmem>> -> memref<1x1x2x128xi32, #tpu.memory_space<vmem>>
            %dma_start3A_414 = tpu.memref_squeeze %dma_start3A_413 : memref<1x1x2x128xi32, #tpu.memory_space<vmem>> -> memref<1x2x128xi32, #tpu.memory_space<vmem>>
            %dma_start3A_415 = arith.constant 0 : i32
            %dma_start3A_416 = arith.constant 0 : i32
            %dma_start3A_417 = tpu.memref_slice %arg3[%mul3A_399, %dma_start3A_415, %dma_start3A_416] : memref<2500x2x128xi32, #tpu.memory_space<hbm>> -> memref<1x2x128xi32, #tpu.memory_space<hbm>>
            tpu.enqueue_dma source(%dma_start3A_417 : memref<1x2x128xi32, #tpu.memory_space<hbm>>) target(%dma_start3A_414 : memref<1x2x128xi32, #tpu.memory_space<vmem>>) target_semaphore(%dma_start3A_409 : memref<!tpu.dma_semaphore, #tpu.memory_space<semaphore_mem>>)
            "tpu.trace_stop"() : () -> ()
          } else {
          }
          %and3A_199 = arith.constant true
          %and3A_200 = arith.andi %and3A, %and3A_199 : i1
          %add3A_201 = arith.constant 1 : i32
          %add3A_202 = arith.addi %while3A_147, %add3A_201 : i32
          %select_n3A_203 = arith.select %and3A_200, %add3A_202, %while3A_147 : i32
          %ne3A_204 = arith.cmpi ne, %add3A_159, %add3A_177 : i32
          %or3A_205 = arith.constant false
          %or3A_206 = arith.ori %or3A_205, %ne3A_204 : i1
          %or3A_207 = arith.constant false
          %or3A_208 = arith.ori %or3A_206, %or3A_207 : i1
          %sub3A_209 = arith.constant 2 : i32
          %sub3A_210 = arith.subi %mul3A_153, %sub3A_209 : i32
          %add3A_211 = arith.constant 1 : i32
          %add3A_212 = arith.addi %sub3A_210, %add3A_211 : i32
          %ge3A_213 = arith.cmpi sge, %while3A_146, %add3A_212 : i32
          %not3A_214 = arith.constant true
          %not3A_215 = arith.xori %ge3A_213, %not3A_214 : i1
          %and3A_216 = arith.andi %or3A_208, %not3A_215 : i1
          %ne3A_217 = arith.cmpi ne, %add3A_159, %add3A_169 : i32
          %or3A_218 = arith.constant false
          %or3A_219 = arith.ori %or3A_218, %ne3A_217 : i1
          %or3A_220 = arith.constant false
          %or3A_221 = arith.ori %or3A_219, %or3A_220 : i1
          %or3A_222 = arith.constant false
          %or3A_223 = arith.ori %or3A_221, %or3A_222 : i1
          %or3A_224 = arith.ori %or3A_223, %eq3A_155 : i1
          %convert_element_type3A_225 = arith.extui %or3A_224 : i1 to i32
          %cond3A_226 = arith.constant 0 : i32
          %cond3A_227 = arith.cmpi ne, %convert_element_type3A_225, %cond3A_226 : i32
          scf.if %cond3A_227 {
            "tpu.trace_start"() <{level = 10 : i32, message = "ep_wait_in"}> : () -> ()
            %mul3A_396 = arith.constant 1 : i32
            %mul3A_397 = arith.muli %mul3A_396, %add3A_159 : i32
            %rem3A_398 = arith.constant 2 : i32
            %rem3A_399 = arith.remui %while3A_148, %rem3A_398 : i32
            %dma_wait3A_400 = arith.constant 0 : i32
            %dma_wait3A_401 = arith.constant 0 : i32
            %dma_wait3A_402 = arith.constant 0 : i32
            %dma_wait3A_403 = tpu.memref_slice %run_scoped3A[%rem3A_399, %dma_wait3A_400, %dma_wait3A_401, %dma_wait3A_402] : memref<2x1x2x128xi32, #tpu.memory_space<vmem>> -> memref<1x1x2x128xi32, #tpu.memory_space<vmem>>
            %dma_wait3A_404 = tpu.memref_squeeze %dma_wait3A_403 : memref<1x1x2x128xi32, #tpu.memory_space<vmem>> -> memref<1x2x128xi32, #tpu.memory_space<vmem>>
            %dma_wait3A_405 = arith.constant 0 : i32
            %dma_wait3A_406 = arith.constant 0 : i32
            %dma_wait3A_407 = tpu.memref_slice %arg3[%mul3A_397, %dma_wait3A_405, %dma_wait3A_406] : memref<2500x2x128xi32, #tpu.memory_space<hbm>> -> memref<1x2x128xi32, #tpu.memory_space<hbm>>
            %dma_wait3A_408 = tpu.memref_slice %run_scoped3A_17[%rem3A_399] : memref<2x!tpu.dma_semaphore, #tpu.memory_space<semaphore_mem>> -> memref<1x!tpu.dma_semaphore, #tpu.memory_space<semaphore_mem>>
            %dma_wait3A_409 = tpu.memref_squeeze %dma_wait3A_408 : memref<1x!tpu.dma_semaphore, #tpu.memory_space<semaphore_mem>> -> memref<!tpu.dma_semaphore, #tpu.memory_space<semaphore_mem>>
            %dma_wait3A_410 = arith.constant 0 : i32
            %dma_wait3A_411 = arith.constant 0 : i32
            %dma_wait3A_412 = arith.constant 0 : i32
            %dma_wait3A_413 = tpu.memref_slice %run_scoped3A[%rem3A_399, %dma_wait3A_410, %dma_wait3A_411, %dma_wait3A_412] : memref<2x1x2x128xi32, #tpu.memory_space<vmem>> -> memref<1x1x2x128xi32, #tpu.memory_space<vmem>>
            %dma_wait3A_414 = tpu.memref_squeeze %dma_wait3A_413 : memref<1x1x2x128xi32, #tpu.memory_space<vmem>> -> memref<1x2x128xi32, #tpu.memory_space<vmem>>
            %dma_wait3A_415 = arith.constant 0 : i32
            %dma_wait3A_416 = arith.constant 0 : i32
            %dma_wait3A_417 = tpu.memref_slice %arg3[%mul3A_397, %dma_wait3A_415, %dma_wait3A_416] : memref<2500x2x128xi32, #tpu.memory_space<hbm>> -> memref<1x2x128xi32, #tpu.memory_space<hbm>>
            tpu.wait_dma2 semaphore(%dma_wait3A_409 : memref<!tpu.dma_semaphore, #tpu.memory_space<semaphore_mem>>) src(%dma_wait3A_417 : memref<1x2x128xi32, #tpu.memory_space<hbm>>) dst(%dma_wait3A_414 : memref<1x2x128xi32, #tpu.memory_space<vmem>>)
            "tpu.trace_stop"() : () -> ()
          } else {
          }
          %ne3A_228 = arith.cmpi ne, %add3A_159, %add3A_169 : i32
          %or3A_229 = arith.constant false
          %or3A_230 = arith.ori %or3A_229, %ne3A_228 : i1
          %or3A_231 = arith.constant false
          %or3A_232 = arith.ori %or3A_230, %or3A_231 : i1
          %or3A_233 = arith.ori %or3A_232, %eq3A_155 : i1
          %convert_element_type3A_234 = arith.extui %or3A_233 : i1 to i32
          %cond3A_235 = arith.constant 0 : i32
          %cond3A_236 = arith.cmpi ne, %convert_element_type3A_234, %cond3A_235 : i32
          scf.if %cond3A_236 {
          } else {
          }
          %rem3A_237 = arith.constant 2 : i32
          %rem3A_238 = arith.remui %while3A_148, %rem3A_237 : i32
          %rem3A_239 = arith.constant 2 : i32
          %rem3A_240 = arith.remui %while3A_149, %rem3A_239 : i32
          %dma_start3A_241 = arith.constant 0 : i32
          %dma_start3A_242 = arith.constant 0 : i32
          "tpu.trace_start"() <{level = 10 : i32, message = "ep_run_kernel"}> : () -> ()
          %dma_start3A_243 = arith.constant 0 : i32
          %dma_start3A_244 = arith.constant 0 : i32
          %dma_start3A_245 = tpu.memref_slice %run_scoped3A_18[%rem3A_240, %dma_start3A_243, %dma_start3A_244] : memref<2x256x128xf32, #tpu.memory_space<vmem>> -> memref<1x256x128xf32, #tpu.memory_space<vmem>>
          %dma_start3A_246 = tpu.memref_squeeze %dma_start3A_245 : memref<1x256x128xf32, #tpu.memory_space<vmem>> -> memref<256x128xf32, #tpu.memory_space<vmem>>
          %dma_start3A_247 = arith.constant 0 : i32
          %dma_start3A_248 = arith.constant 0 : i32
          %dma_start3A_249 = tpu.memref_slice %dma_start3A_246[%dma_start3A_247, %dma_start3A_248] : memref<256x128xf32, #tpu.memory_space<vmem>> -> memref<128x128xf32, #tpu.memory_space<vmem>>
          %dma_start3A_250 = arith.constant 0 : i32
          %dma_start3A_251 = arith.constant 0 : i32
          %dma_start3A_252 = arith.constant 0 : i32
          %dma_start3A_253 = tpu.memref_slice %run_scoped3A[%rem3A_238, %dma_start3A_250, %dma_start3A_251, %dma_start3A_252] : memref<2x1x2x128xi32, #tpu.memory_space<vmem>> -> memref<1x1x2x128xi32, #tpu.memory_space<vmem>>
          %dma_start3A_254 = tpu.memref_squeeze %dma_start3A_253 : memref<1x1x2x128xi32, #tpu.memory_space<vmem>> -> memref<1x2x128xi32, #tpu.memory_space<vmem>>
          %dma_start3A_255 = arith.constant 0 : i32
          %dma_start3A_256 = tpu.memref_slice %dma_start3A_254[%dma_start3A_241, %dma_start3A_242, %dma_start3A_255] : memref<1x2x128xi32, #tpu.memory_space<vmem>> -> memref<1x1x128xi32, #tpu.memory_space<vmem>>
          %dma_start3A_257 = tpu.memref_squeeze %dma_start3A_256 : memref<1x1x128xi32, #tpu.memory_space<vmem>> -> memref<128xi32, #tpu.memory_space<vmem>>
          %dma_start3A_258 = arith.constant 0 : i32
          %dma_start3A_259 = arith.constant 0 : i32
          %dma_start3A_260 = tpu.memref_slice %arg2[%dma_start3A_258, %dma_start3A_259] : memref<320000x128xf32, #tpu.memory_space<hbm>> -> memref<320000x128xf32, #tpu.memory_space<hbm>>
          tpu.enqueue_indirect_dma source(%dma_start3A_260 : memref<320000x128xf32, #tpu.memory_space<hbm>>) target(%dma_start3A_249 : memref<128x128xf32, #tpu.memory_space<vmem>>) offsets(%dma_start3A_257 : memref<128xi32, #tpu.memory_space<vmem>>) semaphore(%arg5 : memref<!tpu.dma_semaphore, #tpu.memory_space<semaphore_mem>>)
          %dma_start3A_261 = arith.constant 0 : i32
          %dma_start3A_262 = arith.constant 1 : i32
          %dma_start3A_263 = arith.constant 0 : i32
          %dma_start3A_264 = arith.constant 0 : i32
          %dma_start3A_265 = tpu.memref_slice %run_scoped3A_18[%rem3A_240, %dma_start3A_263, %dma_start3A_264] : memref<2x256x128xf32, #tpu.memory_space<vmem>> -> memref<1x256x128xf32, #tpu.memory_space<vmem>>
          %dma_start3A_266 = tpu.memref_squeeze %dma_start3A_265 : memref<1x256x128xf32, #tpu.memory_space<vmem>> -> memref<256x128xf32, #tpu.memory_space<vmem>>
          %dma_start3A_267 = arith.constant 128 : i32
          %dma_start3A_268 = arith.constant 0 : i32
          %dma_start3A_269 = tpu.memref_slice %dma_start3A_266[%dma_start3A_267, %dma_start3A_268] : memref<256x128xf32, #tpu.memory_space<vmem>> -> memref<128x128xf32, #tpu.memory_space<vmem>>
          %dma_start3A_270 = arith.constant 0 : i32
          %dma_start3A_271 = arith.constant 0 : i32
          %dma_start3A_272 = arith.constant 0 : i32
          %dma_start3A_273 = tpu.memref_slice %run_scoped3A[%rem3A_238, %dma_start3A_270, %dma_start3A_271, %dma_start3A_272] : memref<2x1x2x128xi32, #tpu.memory_space<vmem>> -> memref<1x1x2x128xi32, #tpu.memory_space<vmem>>
          %dma_start3A_274 = tpu.memref_squeeze %dma_start3A_273 : memref<1x1x2x128xi32, #tpu.memory_space<vmem>> -> memref<1x2x128xi32, #tpu.memory_space<vmem>>
          %dma_start3A_275 = arith.constant 0 : i32
          %dma_start3A_276 = tpu.memref_slice %dma_start3A_274[%dma_start3A_261, %dma_start3A_262, %dma_start3A_275] : memref<1x2x128xi32, #tpu.memory_space<vmem>> -> memref<1x1x128xi32, #tpu.memory_space<vmem>>
          %dma_start3A_277 = tpu.memref_squeeze %dma_start3A_276 : memref<1x1x128xi32, #tpu.memory_space<vmem>> -> memref<128xi32, #tpu.memory_space<vmem>>
          %dma_start3A_278 = arith.constant 0 : i32
          %dma_start3A_279 = arith.constant 0 : i32
          %dma_start3A_280 = tpu.memref_slice %arg2[%dma_start3A_278, %dma_start3A_279] : memref<320000x128xf32, #tpu.memory_space<hbm>> -> memref<320000x128xf32, #tpu.memory_space<hbm>>
          tpu.enqueue_indirect_dma source(%dma_start3A_280 : memref<320000x128xf32, #tpu.memory_space<hbm>>) target(%dma_start3A_269 : memref<128x128xf32, #tpu.memory_space<vmem>>) offsets(%dma_start3A_277 : memref<128xi32, #tpu.memory_space<vmem>>) semaphore(%arg5 : memref<!tpu.dma_semaphore, #tpu.memory_space<semaphore_mem>>)
          %dma_wait3A = arith.constant 0 : i32
          %dma_wait3A_281 = arith.constant 0 : i32
          %dma_wait3A_282 = arith.constant 0 : i32
          %dma_wait3A_283 = arith.constant 0 : i32
          %dma_wait3A_284 = tpu.memref_slice %run_scoped3A_18[%rem3A_240, %dma_wait3A_282, %dma_wait3A_283] : memref<2x256x128xf32, #tpu.memory_space<vmem>> -> memref<1x256x128xf32, #tpu.memory_space<vmem>>
          %dma_wait3A_285 = tpu.memref_squeeze %dma_wait3A_284 : memref<1x256x128xf32, #tpu.memory_space<vmem>> -> memref<256x128xf32, #tpu.memory_space<vmem>>
          %dma_wait3A_286 = arith.constant 0 : i32
          %dma_wait3A_287 = arith.constant 0 : i32
          %dma_wait3A_288 = tpu.memref_slice %dma_wait3A_285[%dma_wait3A_286, %dma_wait3A_287] : memref<256x128xf32, #tpu.memory_space<vmem>> -> memref<128x128xf32, #tpu.memory_space<vmem>>
          %dma_wait3A_289 = arith.constant 0 : i32
          %dma_wait3A_290 = arith.constant 0 : i32
          %dma_wait3A_291 = arith.constant 0 : i32
          %dma_wait3A_292 = tpu.memref_slice %run_scoped3A[%rem3A_238, %dma_wait3A_289, %dma_wait3A_290, %dma_wait3A_291] : memref<2x1x2x128xi32, #tpu.memory_space<vmem>> -> memref<1x1x2x128xi32, #tpu.memory_space<vmem>>
          %dma_wait3A_293 = tpu.memref_squeeze %dma_wait3A_292 : memref<1x1x2x128xi32, #tpu.memory_space<vmem>> -> memref<1x2x128xi32, #tpu.memory_space<vmem>>
          %dma_wait3A_294 = arith.constant 0 : i32
          %dma_wait3A_295 = tpu.memref_slice %dma_wait3A_293[%dma_wait3A, %dma_wait3A_281, %dma_wait3A_294] : memref<1x2x128xi32, #tpu.memory_space<vmem>> -> memref<1x1x128xi32, #tpu.memory_space<vmem>>
          %dma_wait3A_296 = tpu.memref_squeeze %dma_wait3A_295 : memref<1x1x128xi32, #tpu.memory_space<vmem>> -> memref<128xi32, #tpu.memory_space<vmem>>
          %dma_wait3A_297 = arith.constant 0 : i32
          %dma_wait3A_298 = arith.constant 0 : i32
          %dma_wait3A_299 = tpu.memref_slice %arg2[%dma_wait3A_297, %dma_wait3A_298] : memref<320000x128xf32, #tpu.memory_space<hbm>> -> memref<320000x128xf32, #tpu.memory_space<hbm>>
          tpu.wait_indirect_dma semaphore(%arg5 : memref<!tpu.dma_semaphore, #tpu.memory_space<semaphore_mem>>) src(%dma_wait3A_299 : memref<320000x128xf32, #tpu.memory_space<hbm>>) dst(%dma_wait3A_288 : memref<128x128xf32, #tpu.memory_space<vmem>>)
          %dma_wait3A_300 = arith.constant 0 : i32
          %dma_wait3A_301 = arith.constant 1 : i32
          %dma_wait3A_302 = arith.constant 0 : i32
          %dma_wait3A_303 = arith.constant 0 : i32
          %dma_wait3A_304 = tpu.memref_slice %run_scoped3A_18[%rem3A_240, %dma_wait3A_302, %dma_wait3A_303] : memref<2x256x128xf32, #tpu.memory_space<vmem>> -> memref<1x256x128xf32, #tpu.memory_space<vmem>>
          %dma_wait3A_305 = tpu.memref_squeeze %dma_wait3A_304 : memref<1x256x128xf32, #tpu.memory_space<vmem>> -> memref<256x128xf32, #tpu.memory_space<vmem>>
          %dma_wait3A_306 = arith.constant 128 : i32
          %dma_wait3A_307 = arith.constant 0 : i32
          %dma_wait3A_308 = tpu.memref_slice %dma_wait3A_305[%dma_wait3A_306, %dma_wait3A_307] : memref<256x128xf32, #tpu.memory_space<vmem>> -> memref<128x128xf32, #tpu.memory_space<vmem>>
          %dma_wait3A_309 = arith.constant 0 : i32
          %dma_wait3A_310 = arith.constant 0 : i32
          %dma_wait3A_311 = arith.constant 0 : i32
          %dma_wait3A_312 = tpu.memref_slice %run_scoped3A[%rem3A_238, %dma_wait3A_309, %dma_wait3A_310, %dma_wait3A_311] : memref<2x1x2x128xi32, #tpu.memory_space<vmem>> -> memref<1x1x2x128xi32, #tpu.memory_space<vmem>>
          %dma_wait3A_313 = tpu.memref_squeeze %dma_wait3A_312 : memref<1x1x2x128xi32, #tpu.memory_space<vmem>> -> memref<1x2x128xi32, #tpu.memory_space<vmem>>
          %dma_wait3A_314 = arith.constant 0 : i32
          %dma_wait3A_315 = tpu.memref_slice %dma_wait3A_313[%dma_wait3A_300, %dma_wait3A_301, %dma_wait3A_314] : memref<1x2x128xi32, #tpu.memory_space<vmem>> -> memref<1x1x128xi32, #tpu.memory_space<vmem>>
          %dma_wait3A_316 = tpu.memref_squeeze %dma_wait3A_315 : memref<1x1x128xi32, #tpu.memory_space<vmem>> -> memref<128xi32, #tpu.memory_space<vmem>>
          %dma_wait3A_317 = arith.constant 0 : i32
          %dma_wait3A_318 = arith.constant 0 : i32
          %dma_wait3A_319 = tpu.memref_slice %arg2[%dma_wait3A_317, %dma_wait3A_318] : memref<320000x128xf32, #tpu.memory_space<hbm>> -> memref<320000x128xf32, #tpu.memory_space<hbm>>
          tpu.wait_indirect_dma semaphore(%arg5 : memref<!tpu.dma_semaphore, #tpu.memory_space<semaphore_mem>>) src(%dma_wait3A_319 : memref<320000x128xf32, #tpu.memory_space<hbm>>) dst(%dma_wait3A_308 : memref<128x128xf32, #tpu.memory_space<vmem>>)
          "tpu.trace_stop"() : () -> ()
          %ne3A_320 = arith.cmpi ne, %add3A_159, %add3A_177 : i32
          %or3A_321 = arith.constant false
          %or3A_322 = arith.ori %or3A_321, %ne3A_320 : i1
          %or3A_323 = arith.constant false
          %or3A_324 = arith.ori %or3A_322, %or3A_323 : i1
          %or3A_325 = arith.constant false
          %or3A_326 = arith.ori %or3A_324, %or3A_325 : i1
          %or3A_327 = arith.ori %or3A_326, %eq3A_158 : i1
          %convert_element_type3A_328 = arith.extui %or3A_327 : i1 to i32
          %cond3A_329 = arith.constant 0 : i32
          %cond3A_330 = arith.cmpi ne, %convert_element_type3A_328, %cond3A_329 : i32
          scf.if %cond3A_330 {
          } else {
          }
          %and3A_331 = arith.constant false
          %and3A_332 = arith.andi %or3A_327, %and3A_331 : i1
          %ne3A_333 = arith.cmpi ne, %add3A_159, %add3A_177 : i32
          %or3A_334 = arith.constant false
          %or3A_335 = arith.ori %or3A_334, %ne3A_333 : i1
          %or3A_336 = arith.constant false
          %or3A_337 = arith.ori %or3A_335, %or3A_336 : i1
          %or3A_338 = arith.ori %or3A_337, %eq3A_158 : i1
          %convert_element_type3A_339 = arith.extui %or3A_338 : i1 to i32
          %cond3A_340 = arith.constant 0 : i32
          %cond3A_341 = arith.cmpi ne, %convert_element_type3A_339, %cond3A_340 : i32
          scf.if %cond3A_341 {
            "tpu.trace_start"() <{level = 10 : i32, message = "ep_copy_out"}> : () -> ()
            %rem3A_396 = arith.constant 2 : i32
            %rem3A_397 = arith.remui %while3A_149, %rem3A_396 : i32
            %mul3A_398 = arith.constant 256 : i32
            %mul3A_399 = arith.muli %mul3A_398, %add3A_159 : i32
            %dma_start3A_400 = arith.constant 0 : i32
            %dma_start3A_401 = arith.constant 0 : i32
            %dma_start3A_402 = tpu.memref_slice %run_scoped3A_18[%rem3A_397, %dma_start3A_400, %dma_start3A_401] : memref<2x256x128xf32, #tpu.memory_space<vmem>> -> memref<1x256x128xf32, #tpu.memory_space<vmem>>
            %dma_start3A_403 = tpu.memref_squeeze %dma_start3A_402 : memref<1x256x128xf32, #tpu.memory_space<vmem>> -> memref<256x128xf32, #tpu.memory_space<vmem>>
            %dma_start3A_404 = arith.constant 0 : i32
            %dma_start3A_405 = tpu.memref_slice %arg4[%mul3A_399, %dma_start3A_404] : memref<640000x128xf32, #tpu.memory_space<hbm>> -> memref<256x128xf32, #tpu.memory_space<hbm>>
            %dma_start3A_406 = tpu.memref_slice %run_scoped3A_19[%rem3A_397] : memref<2x!tpu.dma_semaphore, #tpu.memory_space<semaphore_mem>> -> memref<1x!tpu.dma_semaphore, #tpu.memory_space<semaphore_mem>>
            %dma_start3A_407 = tpu.memref_squeeze %dma_start3A_406 : memref<1x!tpu.dma_semaphore, #tpu.memory_space<semaphore_mem>> -> memref<!tpu.dma_semaphore, #tpu.memory_space<semaphore_mem>>
            %dma_start3A_408 = arith.constant 0 : i32
            %dma_start3A_409 = tpu.memref_slice %arg4[%mul3A_399, %dma_start3A_408] : memref<640000x128xf32, #tpu.memory_space<hbm>> -> memref<256x128xf32, #tpu.memory_space<hbm>>
            %dma_start3A_410 = arith.constant 0 : i32
            %dma_start3A_411 = arith.constant 0 : i32
            %dma_start3A_412 = tpu.memref_slice %run_scoped3A_18[%rem3A_397, %dma_start3A_410, %dma_start3A_411] : memref<2x256x128xf32, #tpu.memory_space<vmem>> -> memref<1x256x128xf32, #tpu.memory_space<vmem>>
            %dma_start3A_413 = tpu.memref_squeeze %dma_start3A_412 : memref<1x256x128xf32, #tpu.memory_space<vmem>> -> memref<256x128xf32, #tpu.memory_space<vmem>>
            tpu.enqueue_dma source(%dma_start3A_413 : memref<256x128xf32, #tpu.memory_space<vmem>>) target(%dma_start3A_409 : memref<256x128xf32, #tpu.memory_space<hbm>>) target_semaphore(%dma_start3A_407 : memref<!tpu.dma_semaphore, #tpu.memory_space<semaphore_mem>>)
            "tpu.trace_stop"() : () -> ()
          } else {
          }
          %and3A_342 = arith.constant true
          %and3A_343 = arith.andi %or3A_338, %and3A_342 : i1
          %add3A_344 = arith.constant 1 : i32
          %add3A_345 = arith.addi %while3A_149, %add3A_344 : i32
          %select_n3A_346 = arith.select %and3A_343, %add3A_345, %while3A_149 : i32
          %ne3A_347 = arith.cmpi ne, %add3A_159, %add3A_169 : i32
          %or3A_348 = arith.constant false
          %or3A_349 = arith.ori %or3A_348, %ne3A_347 : i1
          %or3A_350 = arith.constant false
          %or3A_351 = arith.ori %or3A_349, %or3A_350 : i1
          %or3A_352 = arith.constant false
          %or3A_353 = arith.ori %or3A_351, %or3A_352 : i1
          %not3A_354 = arith.constant true
          %not3A_355 = arith.xori %eq3A_155, %not3A_354 : i1
          %and3A_356 = arith.andi %or3A_353, %not3A_355 : i1
          %convert_element_type3A_357 = arith.extui %and3A_356 : i1 to i32
          %cond3A_358 = arith.constant 0 : i32
          %cond3A_359 = arith.cmpi ne, %convert_element_type3A_357, %cond3A_358 : i32
          scf.if %cond3A_359 {
          } else {
          }
          %and3A_360 = arith.constant false
          %and3A_361 = arith.andi %and3A_356, %and3A_360 : i1
          %ne3A_362 = arith.cmpi ne, %add3A_159, %add3A_169 : i32
          %or3A_363 = arith.constant false
          %or3A_364 = arith.ori %or3A_363, %ne3A_362 : i1
          %or3A_365 = arith.constant false
          %or3A_366 = arith.ori %or3A_364, %or3A_365 : i1
          %not3A_367 = arith.constant true
          %not3A_368 = arith.xori %eq3A_155, %not3A_367 : i1
          %and3A_369 = arith.andi %or3A_366, %not3A_368 : i1
          %convert_element_type3A_370 = arith.extui %and3A_369 : i1 to i32
          %cond3A_371 = arith.constant 0 : i32
          %cond3A_372 = arith.cmpi ne, %convert_element_type3A_370, %cond3A_371 : i32
          scf.if %cond3A_372 {
            "tpu.trace_start"() <{level = 10 : i32, message = "ep_wait_out"}> : () -> ()
            %rem3A_396 = arith.constant 2 : i32
            %rem3A_397 = arith.remui %while3A_150, %rem3A_396 : i32
            %mul3A_398 = arith.constant 256 : i32
            %mul3A_399 = arith.muli %mul3A_398, %add3A_169 : i32
            %dma_wait3A_400 = arith.constant 0 : i32
            %dma_wait3A_401 = arith.constant 0 : i32
            %dma_wait3A_402 = tpu.memref_slice %run_scoped3A_18[%rem3A_397, %dma_wait3A_400, %dma_wait3A_401] : memref<2x256x128xf32, #tpu.memory_space<vmem>> -> memref<1x256x128xf32, #tpu.memory_space<vmem>>
            %dma_wait3A_403 = tpu.memref_squeeze %dma_wait3A_402 : memref<1x256x128xf32, #tpu.memory_space<vmem>> -> memref<256x128xf32, #tpu.memory_space<vmem>>
            %dma_wait3A_404 = arith.constant 0 : i32
            %dma_wait3A_405 = tpu.memref_slice %arg4[%mul3A_399, %dma_wait3A_404] : memref<640000x128xf32, #tpu.memory_space<hbm>> -> memref<256x128xf32, #tpu.memory_space<hbm>>
            %dma_wait3A_406 = tpu.memref_slice %run_scoped3A_19[%rem3A_397] : memref<2x!tpu.dma_semaphore, #tpu.memory_space<semaphore_mem>> -> memref<1x!tpu.dma_semaphore, #tpu.memory_space<semaphore_mem>>
            %dma_wait3A_407 = tpu.memref_squeeze %dma_wait3A_406 : memref<1x!tpu.dma_semaphore, #tpu.memory_space<semaphore_mem>> -> memref<!tpu.dma_semaphore, #tpu.memory_space<semaphore_mem>>
            %dma_wait3A_408 = arith.constant 0 : i32
            %dma_wait3A_409 = tpu.memref_slice %arg4[%mul3A_399, %dma_wait3A_408] : memref<640000x128xf32, #tpu.memory_space<hbm>> -> memref<256x128xf32, #tpu.memory_space<hbm>>
            %dma_wait3A_410 = arith.constant 0 : i32
            %dma_wait3A_411 = arith.constant 0 : i32
            %dma_wait3A_412 = tpu.memref_slice %run_scoped3A_18[%rem3A_397, %dma_wait3A_410, %dma_wait3A_411] : memref<2x256x128xf32, #tpu.memory_space<vmem>> -> memref<1x256x128xf32, #tpu.memory_space<vmem>>
            %dma_wait3A_413 = tpu.memref_squeeze %dma_wait3A_412 : memref<1x256x128xf32, #tpu.memory_space<vmem>> -> memref<256x128xf32, #tpu.memory_space<vmem>>
            tpu.wait_dma2 semaphore(%dma_wait3A_407 : memref<!tpu.dma_semaphore, #tpu.memory_space<semaphore_mem>>) src(%dma_wait3A_413 : memref<256x128xf32, #tpu.memory_space<vmem>>) dst(%dma_wait3A_409 : memref<256x128xf32, #tpu.memory_space<hbm>>)
            "tpu.trace_stop"() : () -> ()
          } else {
          }
          %and3A_373 = arith.constant true
          %and3A_374 = arith.andi %and3A_369, %and3A_373 : i1
          %add3A_375 = arith.constant 1 : i32
          %add3A_376 = arith.addi %while3A_150, %add3A_375 : i32
          %select_n3A_377 = arith.select %and3A_374, %add3A_376, %while3A_150 : i32
          %ne3A_378 = arith.cmpi ne, %add3A_159, %add3A_177 : i32
          %or3A_379 = arith.constant false
          %or3A_380 = arith.ori %or3A_379, %ne3A_378 : i1
          %or3A_381 = arith.constant false
          %or3A_382 = arith.ori %or3A_380, %or3A_381 : i1
          %or3A_383 = arith.constant false
          %or3A_384 = arith.ori %or3A_382, %or3A_383 : i1
          %or3A_385 = arith.ori %or3A_384, %eq3A_158 : i1
          %add3A_386 = arith.constant 1 : i32
          %add3A_387 = arith.addi %while3A_148, %add3A_386 : i32
          %select_n3A_388 = arith.select %or3A_385, %add3A_387, %while3A_148 : i32
          %add3A_389 = arith.constant 1 : i32
          %add3A_390 = arith.addi %while3A_151, %add3A_389 : i32
          %select_n3A_391 = arith.constant true
          %select_n3A_392 = arith.select %select_n3A_391, %add3A_390, %while3A_151 : i32
          %eq3A_393 = arith.cmpi eq, %select_n3A_392, %select_n3A : i32
          %select_n3A_394 = arith.constant 0 : i32
          %select_n3A_395 = arith.select %eq3A_393, %select_n3A_394, %select_n3A_392 : i32
          scf.yield %select_n3A_203, %select_n3A_388, %select_n3A_346, %select_n3A_377, %select_n3A_395 : i32, i32, i32, i32, i32
        }
        %sub3A_95 = arith.constant 1 : i32
        %sub3A_96 = arith.subi %while3A_94#4, %sub3A_95 : i32
        %select_n3A_97 = arith.constant true
        %select_n3A_98 = arith.select %select_n3A_97, %sub3A_96, %while3A_94#4 : i32
        %eq3A_99 = arith.constant -1 : i32
        %eq3A_100 = arith.cmpi eq, %select_n3A_98, %eq3A_99 : i32
        %sub3A_101 = arith.constant 1 : i32
        %sub3A_102 = arith.subi %select_n3A, %sub3A_101 : i32
        %select_n3A_103 = arith.select %eq3A_100, %sub3A_102, %select_n3A_98 : i32
        %sub3A_104 = arith.constant 1 : i32
        %sub3A_105 = arith.subi %mul3A_16, %sub3A_104 : i32
        %mul3A_106 = arith.constant 1 : i32
        %mul3A_107 = arith.muli %mul3A_106, %select_n3A : i32
        %eq3A_108 = arith.constant 0 : i32
        %eq3A_109 = arith.cmpi eq, %sub3A_105, %eq3A_108 : i32
        %sub3A_110 = arith.constant 1 : i32
        %sub3A_111 = arith.subi %mul3A_107, %sub3A_110 : i32
        %eq3A_112 = arith.cmpi eq, %sub3A_105, %sub3A_111 : i32
        %add3A_113 = arith.addi %select_n3A_103, %select_n3A_14 : i32
        %sub3A_114 = arith.constant 1 : i32
        %sub3A_115 = arith.subi %select_n3A_103, %sub3A_114 : i32
        %select_n3A_116 = arith.constant true
        %select_n3A_117 = arith.select %select_n3A_116, %sub3A_115, %select_n3A_103 : i32
        %eq3A_118 = arith.constant -1 : i32
        %eq3A_119 = arith.cmpi eq, %select_n3A_117, %eq3A_118 : i32
        %sub3A_120 = arith.constant 1 : i32
        %sub3A_121 = arith.subi %select_n3A, %sub3A_120 : i32
        %select_n3A_122 = arith.select %eq3A_119, %sub3A_121, %select_n3A_117 : i32
        %add3A_123 = arith.addi %select_n3A_122, %select_n3A_14 : i32
        %add3A_124 = arith.constant 1 : i32
        %add3A_125 = arith.addi %select_n3A_103, %add3A_124 : i32
        %select_n3A_126 = arith.constant true
        %select_n3A_127 = arith.select %select_n3A_126, %add3A_125, %select_n3A_103 : i32
        %eq3A_128 = arith.cmpi eq, %select_n3A_127, %select_n3A : i32
        %select_n3A_129 = arith.constant 0 : i32
        %select_n3A_130 = arith.select %eq3A_128, %select_n3A_129, %select_n3A_127 : i32
        %add3A_131 = arith.addi %select_n3A_130, %select_n3A_14 : i32
        %add3A_132 = arith.constant 1 : i32
        %add3A_133 = arith.addi %select_n3A_130, %add3A_132 : i32
        %select_n3A_134 = arith.constant true
        %select_n3A_135 = arith.select %select_n3A_134, %add3A_133, %select_n3A_130 : i32
        %eq3A_136 = arith.cmpi eq, %select_n3A_135, %select_n3A : i32
        %select_n3A_137 = arith.constant 0 : i32
        %select_n3A_138 = arith.select %eq3A_136, %select_n3A_137, %select_n3A_135 : i32
        %add3A_139 = arith.addi %select_n3A_138, %select_n3A_14 : i32
        %convert_element_type3A_140 = arith.extui %eq3A_112 : i1 to i32
        %cond3A_141 = arith.constant 0 : i32
        %cond3A_142 = arith.cmpi ne, %convert_element_type3A_140, %cond3A_141 : i32
        scf.if %cond3A_142 {
        } else {
        }
        %convert_element_type3A_143 = arith.extui %eq3A_112 : i1 to i32
        %cond3A_144 = arith.constant 0 : i32
        %cond3A_145 = arith.cmpi ne, %convert_element_type3A_143, %cond3A_144 : i32
        scf.if %cond3A_145 {
          "tpu.trace_start"() <{level = 10 : i32, message = "ep_finalize"}> : () -> ()
          %rem3A_146 = arith.constant 2 : i32
          %rem3A_147 = arith.remui %while3A_94#3, %rem3A_146 : i32
          %mul3A_148 = arith.constant 256 : i32
          %mul3A_149 = arith.muli %mul3A_148, %add3A_113 : i32
          %dma_wait3A = arith.constant 0 : i32
          %dma_wait3A_150 = arith.constant 0 : i32
          %dma_wait3A_151 = tpu.memref_slice %run_scoped3A_18[%rem3A_147, %dma_wait3A, %dma_wait3A_150] : memref<2x256x128xf32, #tpu.memory_space<vmem>> -> memref<1x256x128xf32, #tpu.memory_space<vmem>>
          %dma_wait3A_152 = tpu.memref_squeeze %dma_wait3A_151 : memref<1x256x128xf32, #tpu.memory_space<vmem>> -> memref<256x128xf32, #tpu.memory_space<vmem>>
          %dma_wait3A_153 = arith.constant 0 : i32
          %dma_wait3A_154 = tpu.memref_slice %arg4[%mul3A_149, %dma_wait3A_153] : memref<640000x128xf32, #tpu.memory_space<hbm>> -> memref<256x128xf32, #tpu.memory_space<hbm>>
          %dma_wait3A_155 = tpu.memref_slice %run_scoped3A_19[%rem3A_147] : memref<2x!tpu.dma_semaphore, #tpu.memory_space<semaphore_mem>> -> memref<1x!tpu.dma_semaphore, #tpu.memory_space<semaphore_mem>>
          %dma_wait3A_156 = tpu.memref_squeeze %dma_wait3A_155 : memref<1x!tpu.dma_semaphore, #tpu.memory_space<semaphore_mem>> -> memref<!tpu.dma_semaphore, #tpu.memory_space<semaphore_mem>>
          %dma_wait3A_157 = arith.constant 0 : i32
          %dma_wait3A_158 = tpu.memref_slice %arg4[%mul3A_149, %dma_wait3A_157] : memref<640000x128xf32, #tpu.memory_space<hbm>> -> memref<256x128xf32, #tpu.memory_space<hbm>>
          %dma_wait3A_159 = arith.constant 0 : i32
          %dma_wait3A_160 = arith.constant 0 : i32
          %dma_wait3A_161 = tpu.memref_slice %run_scoped3A_18[%rem3A_147, %dma_wait3A_159, %dma_wait3A_160] : memref<2x256x128xf32, #tpu.memory_space<vmem>> -> memref<1x256x128xf32, #tpu.memory_space<vmem>>
          %dma_wait3A_162 = tpu.memref_squeeze %dma_wait3A_161 : memref<1x256x128xf32, #tpu.memory_space<vmem>> -> memref<256x128xf32, #tpu.memory_space<vmem>>
          tpu.wait_dma2 semaphore(%dma_wait3A_156 : memref<!tpu.dma_semaphore, #tpu.memory_space<semaphore_mem>>) src(%dma_wait3A_162 : memref<256x128xf32, #tpu.memory_space<vmem>>) dst(%dma_wait3A_158 : memref<256x128xf32, #tpu.memory_space<hbm>>)
          "tpu.trace_stop"() : () -> ()
        } else {
        }
      } else {
      }
      tpu.yield
    }) : () -> ()
    return
  }
}

#map = affine_map<(d0, d1) -> (0, 0)>
#map1 = affine_map<(d0, d1) -> (0, 0, 0)>
module attributes {stable_mosaic.version = 14 : i64} {
  func.func @gather_kernel(%arg0: i32, %arg1: i32, %arg2: memref<320000x128xf32, #tpu.memory_space<hbm>>, %arg3: memref<625x2x128xi32, #tpu.memory_space<hbm>>, %arg4: memref<160000x128xf32, #tpu.memory_space<hbm>>, %arg5: memref<!tpu.dma_semaphore, #tpu.memory_space<semaphore_mem>>) attributes {dimension_semantics = [#tpu.dimension_semantics<core_parallel>, #tpu.dimension_semantics<subcore_parallel>], iteration_bounds = array<i64: 2, 16>, scalar_prefetch = 0 : i64, scratch_operands = 1 : i64, tpu.core_type = #tpu.core_type<sc_vector_subcore>, window_params = [{transform_indices = #map}, {transform_indices = #map1}, {transform_indices = #map}]} {
    %mul3A = arith.constant 1 : i32
    %mul3A_0 = arith.muli %arg1, %mul3A : i32
    %add3A = arith.constant 0 : i32
    %add3A_1 = arith.addi %add3A, %mul3A_0 : i32
    %mul3A_2 = arith.constant 16 : i32
    %mul3A_3 = arith.muli %arg0, %mul3A_2 : i32
    %add3A_4 = arith.addi %add3A_1, %mul3A_3 : i32
    %lt3A = arith.constant 17 : i32
    %lt3A_5 = arith.cmpi slt, %add3A_4, %lt3A : i32
    %jit3A = arith.constant 20 : i32
    %jit3A_6 = arith.constant 19 : i32
    %select_n3A = arith.select %lt3A_5, %jit3A, %jit3A_6 : i32
    %lt3A_7 = arith.constant 17 : i32
    %lt3A_8 = arith.cmpi slt, %add3A_4, %lt3A_7 : i32
    %mul3A_9 = arith.muli %add3A_4, %select_n3A : i32
    %mul3A_10 = arith.constant 19 : i32
    %mul3A_11 = arith.muli %add3A_4, %mul3A_10 : i32
    %add3A_12 = arith.constant 17 : i32
    %add3A_13 = arith.addi %mul3A_11, %add3A_12 : i32
    %select_n3A_14 = arith.select %lt3A_8, %mul3A_9, %add3A_13 : i32
    %mul3A_15 = arith.constant 1 : i32
    %mul3A_16 = arith.muli %mul3A_15, %select_n3A : i32
    "tpu.region"() ({
      %run_scoped3A = memref.alloca() : memref<2x1x2x128xi32, #tpu.memory_space<vmem>>
      %run_scoped3A_17 = tpu.sem_alloc : memref<2x!tpu.dma_semaphore, #tpu.memory_space<semaphore_mem>>
      %run_scoped3A_18 = memref.alloca() : memref<2x256x128xf32, #tpu.memory_space<vmem>>
      %run_scoped3A_19 = tpu.sem_alloc : memref<2x!tpu.dma_semaphore, #tpu.memory_space<semaphore_mem>>
      %gt3A = arith.constant 0 : i32
      %gt3A_20 = arith.cmpi sgt, %mul3A_16, %gt3A : i32
      %convert_element_type3A = arith.extui %gt3A_20 : i1 to i32
      %cond3A = arith.constant 0 : i32
      %cond3A_21 = arith.cmpi ne, %convert_element_type3A, %cond3A : i32
      scf.if %cond3A_21 {
        %mul3A_22 = arith.constant 1 : i32
        %mul3A_23 = arith.muli %mul3A_22, %select_n3A : i32
        %sub3A = arith.constant 1 : i32
        %sub3A_24 = arith.subi %mul3A_23, %sub3A : i32
        %eq3A = arith.constant 0 : i32
        %eq3A_25 = arith.cmpi eq, %sub3A_24, %eq3A : i32
        %add3A_26 = arith.constant 0 : i32
        %add3A_27 = arith.addi %add3A_26, %select_n3A_14 : i32
        %select_n3A_28 = arith.constant true
        %select_n3A_29 = arith.constant 0 : i32
        %select_n3A_30 = arith.constant -1 : i32
        %select_n3A_31 = arith.select %select_n3A_28, %select_n3A_30, %select_n3A_29 : i32
        %eq3A_32 = arith.constant -1 : i32
        %eq3A_33 = arith.cmpi eq, %select_n3A_31, %eq3A_32 : i32
        %sub3A_34 = arith.constant 1 : i32
        %sub3A_35 = arith.subi %select_n3A, %sub3A_34 : i32
        %select_n3A_36 = arith.select %eq3A_33, %sub3A_35, %select_n3A_31 : i32
        %add3A_37 = arith.addi %select_n3A_36, %select_n3A_14 : i32
        %select_n3A_38 = arith.constant true
        %select_n3A_39 = arith.constant 0 : i32
        %select_n3A_40 = arith.constant 1 : i32
        %select_n3A_41 = arith.select %select_n3A_38, %select_n3A_40, %select_n3A_39 : i32
        %eq3A_42 = arith.cmpi eq, %select_n3A_41, %select_n3A : i32
        %select_n3A_43 = arith.constant 0 : i32
        %select_n3A_44 = arith.select %eq3A_42, %select_n3A_43, %select_n3A_41 : i32
        %add3A_45 = arith.addi %select_n3A_44, %select_n3A_14 : i32
        %add3A_46 = arith.constant 1 : i32
        %add3A_47 = arith.addi %select_n3A_44, %add3A_46 : i32
        %select_n3A_48 = arith.constant true
        %select_n3A_49 = arith.select %select_n3A_48, %add3A_47, %select_n3A_44 : i32
        %eq3A_50 = arith.cmpi eq, %select_n3A_49, %select_n3A : i32
        %select_n3A_51 = arith.constant 0 : i32
        %select_n3A_52 = arith.select %eq3A_50, %select_n3A_51, %select_n3A_49 : i32
        %add3A_53 = arith.addi %select_n3A_52, %select_n3A_14 : i32
        "tpu.trace_start"() <{level = 10 : i32, message = "ep_initialize_0"}> : () -> ()
        %rem3A = arith.constant 0 : i32
        %rem3A_54 = arith.constant 2 : i32
        %rem3A_55 = arith.remui %rem3A, %rem3A_54 : i32
        %mul3A_56 = arith.constant 1 : i32
        %mul3A_57 = arith.muli %mul3A_56, %add3A_27 : i32
        %dma_start3A = arith.constant 0 : i32
        %dma_start3A_58 = arith.constant 0 : i32
        %dma_start3A_59 = arith.constant 0 : i32
        %dma_start3A_60 = tpu.memref_slice %run_scoped3A[%rem3A_55, %dma_start3A, %dma_start3A_58, %dma_start3A_59] : memref<2x1x2x128xi32, #tpu.memory_space<vmem>> -> memref<1x1x2x128xi32, #tpu.memory_space<vmem>>
        %dma_start3A_61 = tpu.memref_squeeze %dma_start3A_60 : memref<1x1x2x128xi32, #tpu.memory_space<vmem>> -> memref<1x2x128xi32, #tpu.memory_space<vmem>>
        %dma_start3A_62 = arith.constant 0 : i32
        %dma_start3A_63 = arith.constant 0 : i32
        %dma_start3A_64 = tpu.memref_slice %arg3[%mul3A_57, %dma_start3A_62, %dma_start3A_63] : memref<625x2x128xi32, #tpu.memory_space<hbm>> -> memref<1x2x128xi32, #tpu.memory_space<hbm>>
        %dma_start3A_65 = tpu.memref_slice %run_scoped3A_17[%rem3A_55] : memref<2x!tpu.dma_semaphore, #tpu.memory_space<semaphore_mem>> -> memref<1x!tpu.dma_semaphore, #tpu.memory_space<semaphore_mem>>
        %dma_start3A_66 = tpu.memref_squeeze %dma_start3A_65 : memref<1x!tpu.dma_semaphore, #tpu.memory_space<semaphore_mem>> -> memref<!tpu.dma_semaphore, #tpu.memory_space<semaphore_mem>>
        %dma_start3A_67 = arith.constant 0 : i32
        %dma_start3A_68 = arith.constant 0 : i32
        %dma_start3A_69 = arith.constant 0 : i32
        %dma_start3A_70 = tpu.memref_slice %run_scoped3A[%rem3A_55, %dma_start3A_67, %dma_start3A_68, %dma_start3A_69] : memref<2x1x2x128xi32, #tpu.memory_space<vmem>> -> memref<1x1x2x128xi32, #tpu.memory_space<vmem>>
        %dma_start3A_71 = tpu.memref_squeeze %dma_start3A_70 : memref<1x1x2x128xi32, #tpu.memory_space<vmem>> -> memref<1x2x128xi32, #tpu.memory_space<vmem>>
        %dma_start3A_72 = arith.constant 0 : i32
        %dma_start3A_73 = arith.constant 0 : i32
        %dma_start3A_74 = tpu.memref_slice %arg3[%mul3A_57, %dma_start3A_72, %dma_start3A_73] : memref<625x2x128xi32, #tpu.memory_space<hbm>> -> memref<1x2x128xi32, #tpu.memory_space<hbm>>
        tpu.enqueue_dma source(%dma_start3A_74 : memref<1x2x128xi32, #tpu.memory_space<hbm>>) target(%dma_start3A_71 : memref<1x2x128xi32, #tpu.memory_space<vmem>>) target_semaphore(%dma_start3A_66 : memref<!tpu.dma_semaphore, #tpu.memory_space<semaphore_mem>>)
        %add3A_75 = arith.constant 0 : i32
        %add3A_76 = arith.constant 1 : i32
        %add3A_77 = arith.addi %add3A_75, %add3A_76 : i32
        %select_n3A_78 = arith.constant true
        %select_n3A_79 = arith.constant 0 : i32
        %select_n3A_80 = arith.select %select_n3A_78, %add3A_77, %select_n3A_79 : i32
        %while3A = arith.constant 0 : i32
        %while3A_81 = arith.constant 0 : i32
        %while3A_82 = arith.constant 0 : i32
        %while3A_83 = arith.constant 0 : i32
        %while3A_84 = arith.constant 0 : i32
        "tpu.trace_stop"() : () -> ()
        %while3A_85 = arith.subi %mul3A_16, %while3A : i32
        %while3A_86 = arith.addi %while3A, %while3A_85 : i32
        %while3A_87 = arith.constant 1 : i32
        %while3A_88 = arith.divsi %while3A_85, %while3A_87 : i32
        %while3A_89 = arith.muli %while3A_88, %while3A_87 : i32
        %while3A_90 = arith.addi %while3A, %while3A_89 : i32
        %while3A_91 = arith.constant 1 : i32
        %while3A_92:5 = scf.for %while3A_146 = %while3A to %while3A_90 step %while3A_91 iter_args(%while3A_147 = %select_n3A_80, %while3A_148 = %while3A_81, %while3A_149 = %while3A_82, %while3A_150 = %while3A_83, %while3A_151 = %while3A_84) -> (i32, i32, i32, i32, i32)  : i32 {
          %mul3A_152 = arith.constant 1 : i32
          %mul3A_153 = arith.muli %mul3A_152, %select_n3A : i32
          %eq3A_154 = arith.constant 0 : i32
          %eq3A_155 = arith.cmpi eq, %while3A_146, %eq3A_154 : i32
          %sub3A_156 = arith.constant 1 : i32
          %sub3A_157 = arith.subi %mul3A_153, %sub3A_156 : i32
          %eq3A_158 = arith.cmpi eq, %while3A_146, %sub3A_157 : i32
          %add3A_159 = arith.addi %while3A_151, %select_n3A_14 : i32
          %sub3A_160 = arith.constant 1 : i32
          %sub3A_161 = arith.subi %while3A_151, %sub3A_160 : i32
          %select_n3A_162 = arith.constant true
          %select_n3A_163 = arith.select %select_n3A_162, %sub3A_161, %while3A_151 : i32
          %eq3A_164 = arith.constant -1 : i32
          %eq3A_165 = arith.cmpi eq, %select_n3A_163, %eq3A_164 : i32
          %sub3A_166 = arith.constant 1 : i32
          %sub3A_167 = arith.subi %select_n3A, %sub3A_166 : i32
          %select_n3A_168 = arith.select %eq3A_165, %sub3A_167, %select_n3A_163 : i32
          %add3A_169 = arith.addi %select_n3A_168, %select_n3A_14 : i32
          %add3A_170 = arith.constant 1 : i32
          %add3A_171 = arith.addi %while3A_151, %add3A_170 : i32
          %select_n3A_172 = arith.constant true
          %select_n3A_173 = arith.select %select_n3A_172, %add3A_171, %while3A_151 : i32
          %eq3A_174 = arith.cmpi eq, %select_n3A_173, %select_n3A : i32
          %select_n3A_175 = arith.constant 0 : i32
          %select_n3A_176 = arith.select %eq3A_174, %select_n3A_175, %select_n3A_173 : i32
          %add3A_177 = arith.addi %select_n3A_176, %select_n3A_14 : i32
          %add3A_178 = arith.constant 1 : i32
          %add3A_179 = arith.addi %select_n3A_176, %add3A_178 : i32
          %select_n3A_180 = arith.constant true
          %select_n3A_181 = arith.select %select_n3A_180, %add3A_179, %select_n3A_176 : i32
          %eq3A_182 = arith.cmpi eq, %select_n3A_181, %select_n3A : i32
          %select_n3A_183 = arith.constant 0 : i32
          %select_n3A_184 = arith.select %eq3A_182, %select_n3A_183, %select_n3A_181 : i32
          %add3A_185 = arith.addi %select_n3A_184, %select_n3A_14 : i32
          %ne3A = arith.cmpi ne, %add3A_159, %add3A_177 : i32
          %or3A = arith.constant false
          %or3A_186 = arith.ori %or3A, %ne3A : i1
          %or3A_187 = arith.constant false
          %or3A_188 = arith.ori %or3A_186, %or3A_187 : i1
          %or3A_189 = arith.constant false
          %or3A_190 = arith.ori %or3A_188, %or3A_189 : i1
          %sub3A_191 = arith.constant 2 : i32
          %sub3A_192 = arith.subi %mul3A_153, %sub3A_191 : i32
          %add3A_193 = arith.constant 1 : i32
          %add3A_194 = arith.addi %sub3A_192, %add3A_193 : i32
          %ge3A = arith.cmpi sge, %while3A_146, %add3A_194 : i32
          %not3A = arith.constant true
          %not3A_195 = arith.xori %ge3A, %not3A : i1
          %and3A = arith.andi %or3A_190, %not3A_195 : i1
          %convert_element_type3A_196 = arith.extui %and3A : i1 to i32
          %cond3A_197 = arith.constant 0 : i32
          %cond3A_198 = arith.cmpi ne, %convert_element_type3A_196, %cond3A_197 : i32
          scf.if %cond3A_198 {
            "tpu.trace_start"() <{level = 10 : i32, message = "ep_copy_in"}> : () -> ()
            %rem3A_396 = arith.constant 2 : i32
            %rem3A_397 = arith.remui %while3A_147, %rem3A_396 : i32
            %mul3A_398 = arith.constant 1 : i32
            %mul3A_399 = arith.muli %mul3A_398, %add3A_177 : i32
            %dma_start3A_400 = arith.constant 0 : i32
            %dma_start3A_401 = arith.constant 0 : i32
            %dma_start3A_402 = arith.constant 0 : i32
            %dma_start3A_403 = tpu.memref_slice %run_scoped3A[%rem3A_397, %dma_start3A_400, %dma_start3A_401, %dma_start3A_402] : memref<2x1x2x128xi32, #tpu.memory_space<vmem>> -> memref<1x1x2x128xi32, #tpu.memory_space<vmem>>
            %dma_start3A_404 = tpu.memref_squeeze %dma_start3A_403 : memref<1x1x2x128xi32, #tpu.memory_space<vmem>> -> memref<1x2x128xi32, #tpu.memory_space<vmem>>
            %dma_start3A_405 = arith.constant 0 : i32
            %dma_start3A_406 = arith.constant 0 : i32
            %dma_start3A_407 = tpu.memref_slice %arg3[%mul3A_399, %dma_start3A_405, %dma_start3A_406] : memref<625x2x128xi32, #tpu.memory_space<hbm>> -> memref<1x2x128xi32, #tpu.memory_space<hbm>>
            %dma_start3A_408 = tpu.memref_slice %run_scoped3A_17[%rem3A_397] : memref<2x!tpu.dma_semaphore, #tpu.memory_space<semaphore_mem>> -> memref<1x!tpu.dma_semaphore, #tpu.memory_space<semaphore_mem>>
            %dma_start3A_409 = tpu.memref_squeeze %dma_start3A_408 : memref<1x!tpu.dma_semaphore, #tpu.memory_space<semaphore_mem>> -> memref<!tpu.dma_semaphore, #tpu.memory_space<semaphore_mem>>
            %dma_start3A_410 = arith.constant 0 : i32
            %dma_start3A_411 = arith.constant 0 : i32
            %dma_start3A_412 = arith.constant 0 : i32
            %dma_start3A_413 = tpu.memref_slice %run_scoped3A[%rem3A_397, %dma_start3A_410, %dma_start3A_411, %dma_start3A_412] : memref<2x1x2x128xi32, #tpu.memory_space<vmem>> -> memref<1x1x2x128xi32, #tpu.memory_space<vmem>>
            %dma_start3A_414 = tpu.memref_squeeze %dma_start3A_413 : memref<1x1x2x128xi32, #tpu.memory_space<vmem>> -> memref<1x2x128xi32, #tpu.memory_space<vmem>>
            %dma_start3A_415 = arith.constant 0 : i32
            %dma_start3A_416 = arith.constant 0 : i32
            %dma_start3A_417 = tpu.memref_slice %arg3[%mul3A_399, %dma_start3A_415, %dma_start3A_416] : memref<625x2x128xi32, #tpu.memory_space<hbm>> -> memref<1x2x128xi32, #tpu.memory_space<hbm>>
            tpu.enqueue_dma source(%dma_start3A_417 : memref<1x2x128xi32, #tpu.memory_space<hbm>>) target(%dma_start3A_414 : memref<1x2x128xi32, #tpu.memory_space<vmem>>) target_semaphore(%dma_start3A_409 : memref<!tpu.dma_semaphore, #tpu.memory_space<semaphore_mem>>)
            "tpu.trace_stop"() : () -> ()
          } else {
          }
          %and3A_199 = arith.constant true
          %and3A_200 = arith.andi %and3A, %and3A_199 : i1
          %add3A_201 = arith.constant 1 : i32
          %add3A_202 = arith.addi %while3A_147, %add3A_201 : i32
          %select_n3A_203 = arith.select %and3A_200, %add3A_202, %while3A_147 : i32
          %ne3A_204 = arith.cmpi ne, %add3A_159, %add3A_177 : i32
          %or3A_205 = arith.constant false
          %or3A_206 = arith.ori %or3A_205, %ne3A_204 : i1
          %or3A_207 = arith.constant false
          %or3A_208 = arith.ori %or3A_206, %or3A_207 : i1
          %sub3A_209 = arith.constant 2 : i32
          %sub3A_210 = arith.subi %mul3A_153, %sub3A_209 : i32
          %add3A_211 = arith.constant 1 : i32
          %add3A_212 = arith.addi %sub3A_210, %add3A_211 : i32
          %ge3A_213 = arith.cmpi sge, %while3A_146, %add3A_212 : i32
          %not3A_214 = arith.constant true
          %not3A_215 = arith.xori %ge3A_213, %not3A_214 : i1
          %and3A_216 = arith.andi %or3A_208, %not3A_215 : i1
          %ne3A_217 = arith.cmpi ne, %add3A_159, %add3A_169 : i32
          %or3A_218 = arith.constant false
          %or3A_219 = arith.ori %or3A_218, %ne3A_217 : i1
          %or3A_220 = arith.constant false
          %or3A_221 = arith.ori %or3A_219, %or3A_220 : i1
          %or3A_222 = arith.constant false
          %or3A_223 = arith.ori %or3A_221, %or3A_222 : i1
          %or3A_224 = arith.ori %or3A_223, %eq3A_155 : i1
          %convert_element_type3A_225 = arith.extui %or3A_224 : i1 to i32
          %cond3A_226 = arith.constant 0 : i32
          %cond3A_227 = arith.cmpi ne, %convert_element_type3A_225, %cond3A_226 : i32
          scf.if %cond3A_227 {
            "tpu.trace_start"() <{level = 10 : i32, message = "ep_wait_in"}> : () -> ()
            %mul3A_396 = arith.constant 1 : i32
            %mul3A_397 = arith.muli %mul3A_396, %add3A_159 : i32
            %rem3A_398 = arith.constant 2 : i32
            %rem3A_399 = arith.remui %while3A_148, %rem3A_398 : i32
            %dma_wait3A_400 = arith.constant 0 : i32
            %dma_wait3A_401 = arith.constant 0 : i32
            %dma_wait3A_402 = arith.constant 0 : i32
            %dma_wait3A_403 = tpu.memref_slice %run_scoped3A[%rem3A_399, %dma_wait3A_400, %dma_wait3A_401, %dma_wait3A_402] : memref<2x1x2x128xi32, #tpu.memory_space<vmem>> -> memref<1x1x2x128xi32, #tpu.memory_space<vmem>>
            %dma_wait3A_404 = tpu.memref_squeeze %dma_wait3A_403 : memref<1x1x2x128xi32, #tpu.memory_space<vmem>> -> memref<1x2x128xi32, #tpu.memory_space<vmem>>
            %dma_wait3A_405 = arith.constant 0 : i32
            %dma_wait3A_406 = arith.constant 0 : i32
            %dma_wait3A_407 = tpu.memref_slice %arg3[%mul3A_397, %dma_wait3A_405, %dma_wait3A_406] : memref<625x2x128xi32, #tpu.memory_space<hbm>> -> memref<1x2x128xi32, #tpu.memory_space<hbm>>
            %dma_wait3A_408 = tpu.memref_slice %run_scoped3A_17[%rem3A_399] : memref<2x!tpu.dma_semaphore, #tpu.memory_space<semaphore_mem>> -> memref<1x!tpu.dma_semaphore, #tpu.memory_space<semaphore_mem>>
            %dma_wait3A_409 = tpu.memref_squeeze %dma_wait3A_408 : memref<1x!tpu.dma_semaphore, #tpu.memory_space<semaphore_mem>> -> memref<!tpu.dma_semaphore, #tpu.memory_space<semaphore_mem>>
            %dma_wait3A_410 = arith.constant 0 : i32
            %dma_wait3A_411 = arith.constant 0 : i32
            %dma_wait3A_412 = arith.constant 0 : i32
            %dma_wait3A_413 = tpu.memref_slice %run_scoped3A[%rem3A_399, %dma_wait3A_410, %dma_wait3A_411, %dma_wait3A_412] : memref<2x1x2x128xi32, #tpu.memory_space<vmem>> -> memref<1x1x2x128xi32, #tpu.memory_space<vmem>>
            %dma_wait3A_414 = tpu.memref_squeeze %dma_wait3A_413 : memref<1x1x2x128xi32, #tpu.memory_space<vmem>> -> memref<1x2x128xi32, #tpu.memory_space<vmem>>
            %dma_wait3A_415 = arith.constant 0 : i32
            %dma_wait3A_416 = arith.constant 0 : i32
            %dma_wait3A_417 = tpu.memref_slice %arg3[%mul3A_397, %dma_wait3A_415, %dma_wait3A_416] : memref<625x2x128xi32, #tpu.memory_space<hbm>> -> memref<1x2x128xi32, #tpu.memory_space<hbm>>
            tpu.wait_dma2 semaphore(%dma_wait3A_409 : memref<!tpu.dma_semaphore, #tpu.memory_space<semaphore_mem>>) src(%dma_wait3A_417 : memref<1x2x128xi32, #tpu.memory_space<hbm>>) dst(%dma_wait3A_414 : memref<1x2x128xi32, #tpu.memory_space<vmem>>)
            "tpu.trace_stop"() : () -> ()
          } else {
          }
          %ne3A_228 = arith.cmpi ne, %add3A_159, %add3A_169 : i32
          %or3A_229 = arith.constant false
          %or3A_230 = arith.ori %or3A_229, %ne3A_228 : i1
          %or3A_231 = arith.constant false
          %or3A_232 = arith.ori %or3A_230, %or3A_231 : i1
          %or3A_233 = arith.ori %or3A_232, %eq3A_155 : i1
          %convert_element_type3A_234 = arith.extui %or3A_233 : i1 to i32
          %cond3A_235 = arith.constant 0 : i32
          %cond3A_236 = arith.cmpi ne, %convert_element_type3A_234, %cond3A_235 : i32
          scf.if %cond3A_236 {
          } else {
          }
          %rem3A_237 = arith.constant 2 : i32
          %rem3A_238 = arith.remui %while3A_148, %rem3A_237 : i32
          %rem3A_239 = arith.constant 2 : i32
          %rem3A_240 = arith.remui %while3A_149, %rem3A_239 : i32
          %dma_start3A_241 = arith.constant 0 : i32
          %dma_start3A_242 = arith.constant 0 : i32
          "tpu.trace_start"() <{level = 10 : i32, message = "ep_run_kernel"}> : () -> ()
          %dma_start3A_243 = arith.constant 0 : i32
          %dma_start3A_244 = arith.constant 0 : i32
          %dma_start3A_245 = tpu.memref_slice %run_scoped3A_18[%rem3A_240, %dma_start3A_243, %dma_start3A_244] : memref<2x256x128xf32, #tpu.memory_space<vmem>> -> memref<1x256x128xf32, #tpu.memory_space<vmem>>
          %dma_start3A_246 = tpu.memref_squeeze %dma_start3A_245 : memref<1x256x128xf32, #tpu.memory_space<vmem>> -> memref<256x128xf32, #tpu.memory_space<vmem>>
          %dma_start3A_247 = arith.constant 0 : i32
          %dma_start3A_248 = arith.constant 0 : i32
          %dma_start3A_249 = tpu.memref_slice %dma_start3A_246[%dma_start3A_247, %dma_start3A_248] : memref<256x128xf32, #tpu.memory_space<vmem>> -> memref<128x128xf32, #tpu.memory_space<vmem>>
          %dma_start3A_250 = arith.constant 0 : i32
          %dma_start3A_251 = arith.constant 0 : i32
          %dma_start3A_252 = arith.constant 0 : i32
          %dma_start3A_253 = tpu.memref_slice %run_scoped3A[%rem3A_238, %dma_start3A_250, %dma_start3A_251, %dma_start3A_252] : memref<2x1x2x128xi32, #tpu.memory_space<vmem>> -> memref<1x1x2x128xi32, #tpu.memory_space<vmem>>
          %dma_start3A_254 = tpu.memref_squeeze %dma_start3A_253 : memref<1x1x2x128xi32, #tpu.memory_space<vmem>> -> memref<1x2x128xi32, #tpu.memory_space<vmem>>
          %dma_start3A_255 = arith.constant 0 : i32
          %dma_start3A_256 = tpu.memref_slice %dma_start3A_254[%dma_start3A_241, %dma_start3A_242, %dma_start3A_255] : memref<1x2x128xi32, #tpu.memory_space<vmem>> -> memref<1x1x128xi32, #tpu.memory_space<vmem>>
          %dma_start3A_257 = tpu.memref_squeeze %dma_start3A_256 : memref<1x1x128xi32, #tpu.memory_space<vmem>> -> memref<128xi32, #tpu.memory_space<vmem>>
          %dma_start3A_258 = arith.constant 0 : i32
          %dma_start3A_259 = arith.constant 0 : i32
          %dma_start3A_260 = tpu.memref_slice %arg2[%dma_start3A_258, %dma_start3A_259] : memref<320000x128xf32, #tpu.memory_space<hbm>> -> memref<320000x128xf32, #tpu.memory_space<hbm>>
          tpu.enqueue_indirect_dma source(%dma_start3A_260 : memref<320000x128xf32, #tpu.memory_space<hbm>>) target(%dma_start3A_249 : memref<128x128xf32, #tpu.memory_space<vmem>>) offsets(%dma_start3A_257 : memref<128xi32, #tpu.memory_space<vmem>>) semaphore(%arg5 : memref<!tpu.dma_semaphore, #tpu.memory_space<semaphore_mem>>)
          %dma_start3A_261 = arith.constant 0 : i32
          %dma_start3A_262 = arith.constant 1 : i32
          %dma_start3A_263 = arith.constant 0 : i32
          %dma_start3A_264 = arith.constant 0 : i32
          %dma_start3A_265 = tpu.memref_slice %run_scoped3A_18[%rem3A_240, %dma_start3A_263, %dma_start3A_264] : memref<2x256x128xf32, #tpu.memory_space<vmem>> -> memref<1x256x128xf32, #tpu.memory_space<vmem>>
          %dma_start3A_266 = tpu.memref_squeeze %dma_start3A_265 : memref<1x256x128xf32, #tpu.memory_space<vmem>> -> memref<256x128xf32, #tpu.memory_space<vmem>>
          %dma_start3A_267 = arith.constant 128 : i32
          %dma_start3A_268 = arith.constant 0 : i32
          %dma_start3A_269 = tpu.memref_slice %dma_start3A_266[%dma_start3A_267, %dma_start3A_268] : memref<256x128xf32, #tpu.memory_space<vmem>> -> memref<128x128xf32, #tpu.memory_space<vmem>>
          %dma_start3A_270 = arith.constant 0 : i32
          %dma_start3A_271 = arith.constant 0 : i32
          %dma_start3A_272 = arith.constant 0 : i32
          %dma_start3A_273 = tpu.memref_slice %run_scoped3A[%rem3A_238, %dma_start3A_270, %dma_start3A_271, %dma_start3A_272] : memref<2x1x2x128xi32, #tpu.memory_space<vmem>> -> memref<1x1x2x128xi32, #tpu.memory_space<vmem>>
          %dma_start3A_274 = tpu.memref_squeeze %dma_start3A_273 : memref<1x1x2x128xi32, #tpu.memory_space<vmem>> -> memref<1x2x128xi32, #tpu.memory_space<vmem>>
          %dma_start3A_275 = arith.constant 0 : i32
          %dma_start3A_276 = tpu.memref_slice %dma_start3A_274[%dma_start3A_261, %dma_start3A_262, %dma_start3A_275] : memref<1x2x128xi32, #tpu.memory_space<vmem>> -> memref<1x1x128xi32, #tpu.memory_space<vmem>>
          %dma_start3A_277 = tpu.memref_squeeze %dma_start3A_276 : memref<1x1x128xi32, #tpu.memory_space<vmem>> -> memref<128xi32, #tpu.memory_space<vmem>>
          %dma_start3A_278 = arith.constant 0 : i32
          %dma_start3A_279 = arith.constant 0 : i32
          %dma_start3A_280 = tpu.memref_slice %arg2[%dma_start3A_278, %dma_start3A_279] : memref<320000x128xf32, #tpu.memory_space<hbm>> -> memref<320000x128xf32, #tpu.memory_space<hbm>>
          tpu.enqueue_indirect_dma source(%dma_start3A_280 : memref<320000x128xf32, #tpu.memory_space<hbm>>) target(%dma_start3A_269 : memref<128x128xf32, #tpu.memory_space<vmem>>) offsets(%dma_start3A_277 : memref<128xi32, #tpu.memory_space<vmem>>) semaphore(%arg5 : memref<!tpu.dma_semaphore, #tpu.memory_space<semaphore_mem>>)
          %dma_wait3A = arith.constant 0 : i32
          %dma_wait3A_281 = arith.constant 0 : i32
          %dma_wait3A_282 = arith.constant 0 : i32
          %dma_wait3A_283 = arith.constant 0 : i32
          %dma_wait3A_284 = tpu.memref_slice %run_scoped3A_18[%rem3A_240, %dma_wait3A_282, %dma_wait3A_283] : memref<2x256x128xf32, #tpu.memory_space<vmem>> -> memref<1x256x128xf32, #tpu.memory_space<vmem>>
          %dma_wait3A_285 = tpu.memref_squeeze %dma_wait3A_284 : memref<1x256x128xf32, #tpu.memory_space<vmem>> -> memref<256x128xf32, #tpu.memory_space<vmem>>
          %dma_wait3A_286 = arith.constant 0 : i32
          %dma_wait3A_287 = arith.constant 0 : i32
          %dma_wait3A_288 = tpu.memref_slice %dma_wait3A_285[%dma_wait3A_286, %dma_wait3A_287] : memref<256x128xf32, #tpu.memory_space<vmem>> -> memref<128x128xf32, #tpu.memory_space<vmem>>
          %dma_wait3A_289 = arith.constant 0 : i32
          %dma_wait3A_290 = arith.constant 0 : i32
          %dma_wait3A_291 = arith.constant 0 : i32
          %dma_wait3A_292 = tpu.memref_slice %run_scoped3A[%rem3A_238, %dma_wait3A_289, %dma_wait3A_290, %dma_wait3A_291] : memref<2x1x2x128xi32, #tpu.memory_space<vmem>> -> memref<1x1x2x128xi32, #tpu.memory_space<vmem>>
          %dma_wait3A_293 = tpu.memref_squeeze %dma_wait3A_292 : memref<1x1x2x128xi32, #tpu.memory_space<vmem>> -> memref<1x2x128xi32, #tpu.memory_space<vmem>>
          %dma_wait3A_294 = arith.constant 0 : i32
          %dma_wait3A_295 = tpu.memref_slice %dma_wait3A_293[%dma_wait3A, %dma_wait3A_281, %dma_wait3A_294] : memref<1x2x128xi32, #tpu.memory_space<vmem>> -> memref<1x1x128xi32, #tpu.memory_space<vmem>>
          %dma_wait3A_296 = tpu.memref_squeeze %dma_wait3A_295 : memref<1x1x128xi32, #tpu.memory_space<vmem>> -> memref<128xi32, #tpu.memory_space<vmem>>
          %dma_wait3A_297 = arith.constant 0 : i32
          %dma_wait3A_298 = arith.constant 0 : i32
          %dma_wait3A_299 = tpu.memref_slice %arg2[%dma_wait3A_297, %dma_wait3A_298] : memref<320000x128xf32, #tpu.memory_space<hbm>> -> memref<320000x128xf32, #tpu.memory_space<hbm>>
          tpu.wait_indirect_dma semaphore(%arg5 : memref<!tpu.dma_semaphore, #tpu.memory_space<semaphore_mem>>) src(%dma_wait3A_299 : memref<320000x128xf32, #tpu.memory_space<hbm>>) dst(%dma_wait3A_288 : memref<128x128xf32, #tpu.memory_space<vmem>>)
          %dma_wait3A_300 = arith.constant 0 : i32
          %dma_wait3A_301 = arith.constant 1 : i32
          %dma_wait3A_302 = arith.constant 0 : i32
          %dma_wait3A_303 = arith.constant 0 : i32
          %dma_wait3A_304 = tpu.memref_slice %run_scoped3A_18[%rem3A_240, %dma_wait3A_302, %dma_wait3A_303] : memref<2x256x128xf32, #tpu.memory_space<vmem>> -> memref<1x256x128xf32, #tpu.memory_space<vmem>>
          %dma_wait3A_305 = tpu.memref_squeeze %dma_wait3A_304 : memref<1x256x128xf32, #tpu.memory_space<vmem>> -> memref<256x128xf32, #tpu.memory_space<vmem>>
          %dma_wait3A_306 = arith.constant 128 : i32
          %dma_wait3A_307 = arith.constant 0 : i32
          %dma_wait3A_308 = tpu.memref_slice %dma_wait3A_305[%dma_wait3A_306, %dma_wait3A_307] : memref<256x128xf32, #tpu.memory_space<vmem>> -> memref<128x128xf32, #tpu.memory_space<vmem>>
          %dma_wait3A_309 = arith.constant 0 : i32
          %dma_wait3A_310 = arith.constant 0 : i32
          %dma_wait3A_311 = arith.constant 0 : i32
          %dma_wait3A_312 = tpu.memref_slice %run_scoped3A[%rem3A_238, %dma_wait3A_309, %dma_wait3A_310, %dma_wait3A_311] : memref<2x1x2x128xi32, #tpu.memory_space<vmem>> -> memref<1x1x2x128xi32, #tpu.memory_space<vmem>>
          %dma_wait3A_313 = tpu.memref_squeeze %dma_wait3A_312 : memref<1x1x2x128xi32, #tpu.memory_space<vmem>> -> memref<1x2x128xi32, #tpu.memory_space<vmem>>
          %dma_wait3A_314 = arith.constant 0 : i32
          %dma_wait3A_315 = tpu.memref_slice %dma_wait3A_313[%dma_wait3A_300, %dma_wait3A_301, %dma_wait3A_314] : memref<1x2x128xi32, #tpu.memory_space<vmem>> -> memref<1x1x128xi32, #tpu.memory_space<vmem>>
          %dma_wait3A_316 = tpu.memref_squeeze %dma_wait3A_315 : memref<1x1x128xi32, #tpu.memory_space<vmem>> -> memref<128xi32, #tpu.memory_space<vmem>>
          %dma_wait3A_317 = arith.constant 0 : i32
          %dma_wait3A_318 = arith.constant 0 : i32
          %dma_wait3A_319 = tpu.memref_slice %arg2[%dma_wait3A_317, %dma_wait3A_318] : memref<320000x128xf32, #tpu.memory_space<hbm>> -> memref<320000x128xf32, #tpu.memory_space<hbm>>
          tpu.wait_indirect_dma semaphore(%arg5 : memref<!tpu.dma_semaphore, #tpu.memory_space<semaphore_mem>>) src(%dma_wait3A_319 : memref<320000x128xf32, #tpu.memory_space<hbm>>) dst(%dma_wait3A_308 : memref<128x128xf32, #tpu.memory_space<vmem>>)
          "tpu.trace_stop"() : () -> ()
          %ne3A_320 = arith.cmpi ne, %add3A_159, %add3A_177 : i32
          %or3A_321 = arith.constant false
          %or3A_322 = arith.ori %or3A_321, %ne3A_320 : i1
          %or3A_323 = arith.constant false
          %or3A_324 = arith.ori %or3A_322, %or3A_323 : i1
          %or3A_325 = arith.constant false
          %or3A_326 = arith.ori %or3A_324, %or3A_325 : i1
          %or3A_327 = arith.ori %or3A_326, %eq3A_158 : i1
          %convert_element_type3A_328 = arith.extui %or3A_327 : i1 to i32
          %cond3A_329 = arith.constant 0 : i32
          %cond3A_330 = arith.cmpi ne, %convert_element_type3A_328, %cond3A_329 : i32
          scf.if %cond3A_330 {
          } else {
          }
          %and3A_331 = arith.constant false
          %and3A_332 = arith.andi %or3A_327, %and3A_331 : i1
          %ne3A_333 = arith.cmpi ne, %add3A_159, %add3A_177 : i32
          %or3A_334 = arith.constant false
          %or3A_335 = arith.ori %or3A_334, %ne3A_333 : i1
          %or3A_336 = arith.constant false
          %or3A_337 = arith.ori %or3A_335, %or3A_336 : i1
          %or3A_338 = arith.ori %or3A_337, %eq3A_158 : i1
          %convert_element_type3A_339 = arith.extui %or3A_338 : i1 to i32
          %cond3A_340 = arith.constant 0 : i32
          %cond3A_341 = arith.cmpi ne, %convert_element_type3A_339, %cond3A_340 : i32
          scf.if %cond3A_341 {
            "tpu.trace_start"() <{level = 10 : i32, message = "ep_copy_out"}> : () -> ()
            %rem3A_396 = arith.constant 2 : i32
            %rem3A_397 = arith.remui %while3A_149, %rem3A_396 : i32
            %mul3A_398 = arith.constant 256 : i32
            %mul3A_399 = arith.muli %mul3A_398, %add3A_159 : i32
            %dma_start3A_400 = arith.constant 0 : i32
            %dma_start3A_401 = arith.constant 0 : i32
            %dma_start3A_402 = tpu.memref_slice %run_scoped3A_18[%rem3A_397, %dma_start3A_400, %dma_start3A_401] : memref<2x256x128xf32, #tpu.memory_space<vmem>> -> memref<1x256x128xf32, #tpu.memory_space<vmem>>
            %dma_start3A_403 = tpu.memref_squeeze %dma_start3A_402 : memref<1x256x128xf32, #tpu.memory_space<vmem>> -> memref<256x128xf32, #tpu.memory_space<vmem>>
            %dma_start3A_404 = arith.constant 0 : i32
            %dma_start3A_405 = tpu.memref_slice %arg4[%mul3A_399, %dma_start3A_404] : memref<160000x128xf32, #tpu.memory_space<hbm>> -> memref<256x128xf32, #tpu.memory_space<hbm>>
            %dma_start3A_406 = tpu.memref_slice %run_scoped3A_19[%rem3A_397] : memref<2x!tpu.dma_semaphore, #tpu.memory_space<semaphore_mem>> -> memref<1x!tpu.dma_semaphore, #tpu.memory_space<semaphore_mem>>
            %dma_start3A_407 = tpu.memref_squeeze %dma_start3A_406 : memref<1x!tpu.dma_semaphore, #tpu.memory_space<semaphore_mem>> -> memref<!tpu.dma_semaphore, #tpu.memory_space<semaphore_mem>>
            %dma_start3A_408 = arith.constant 0 : i32
            %dma_start3A_409 = tpu.memref_slice %arg4[%mul3A_399, %dma_start3A_408] : memref<160000x128xf32, #tpu.memory_space<hbm>> -> memref<256x128xf32, #tpu.memory_space<hbm>>
            %dma_start3A_410 = arith.constant 0 : i32
            %dma_start3A_411 = arith.constant 0 : i32
            %dma_start3A_412 = tpu.memref_slice %run_scoped3A_18[%rem3A_397, %dma_start3A_410, %dma_start3A_411] : memref<2x256x128xf32, #tpu.memory_space<vmem>> -> memref<1x256x128xf32, #tpu.memory_space<vmem>>
            %dma_start3A_413 = tpu.memref_squeeze %dma_start3A_412 : memref<1x256x128xf32, #tpu.memory_space<vmem>> -> memref<256x128xf32, #tpu.memory_space<vmem>>
            tpu.enqueue_dma source(%dma_start3A_413 : memref<256x128xf32, #tpu.memory_space<vmem>>) target(%dma_start3A_409 : memref<256x128xf32, #tpu.memory_space<hbm>>) target_semaphore(%dma_start3A_407 : memref<!tpu.dma_semaphore, #tpu.memory_space<semaphore_mem>>)
            "tpu.trace_stop"() : () -> ()
          } else {
          }
          %and3A_342 = arith.constant true
          %and3A_343 = arith.andi %or3A_338, %and3A_342 : i1
          %add3A_344 = arith.constant 1 : i32
          %add3A_345 = arith.addi %while3A_149, %add3A_344 : i32
          %select_n3A_346 = arith.select %and3A_343, %add3A_345, %while3A_149 : i32
          %ne3A_347 = arith.cmpi ne, %add3A_159, %add3A_169 : i32
          %or3A_348 = arith.constant false
          %or3A_349 = arith.ori %or3A_348, %ne3A_347 : i1
          %or3A_350 = arith.constant false
          %or3A_351 = arith.ori %or3A_349, %or3A_350 : i1
          %or3A_352 = arith.constant false
          %or3A_353 = arith.ori %or3A_351, %or3A_352 : i1
          %not3A_354 = arith.constant true
          %not3A_355 = arith.xori %eq3A_155, %not3A_354 : i1
          %and3A_356 = arith.andi %or3A_353, %not3A_355 : i1
          %convert_element_type3A_357 = arith.extui %and3A_356 : i1 to i32
          %cond3A_358 = arith.constant 0 : i32
          %cond3A_359 = arith.cmpi ne, %convert_element_type3A_357, %cond3A_358 : i32
          scf.if %cond3A_359 {
          } else {
          }
          %and3A_360 = arith.constant false
          %and3A_361 = arith.andi %and3A_356, %and3A_360 : i1
          %ne3A_362 = arith.cmpi ne, %add3A_159, %add3A_169 : i32
          %or3A_363 = arith.constant false
          %or3A_364 = arith.ori %or3A_363, %ne3A_362 : i1
          %or3A_365 = arith.constant false
          %or3A_366 = arith.ori %or3A_364, %or3A_365 : i1
          %not3A_367 = arith.constant true
          %not3A_368 = arith.xori %eq3A_155, %not3A_367 : i1
          %and3A_369 = arith.andi %or3A_366, %not3A_368 : i1
          %convert_element_type3A_370 = arith.extui %and3A_369 : i1 to i32
          %cond3A_371 = arith.constant 0 : i32
          %cond3A_372 = arith.cmpi ne, %convert_element_type3A_370, %cond3A_371 : i32
          scf.if %cond3A_372 {
            "tpu.trace_start"() <{level = 10 : i32, message = "ep_wait_out"}> : () -> ()
            %rem3A_396 = arith.constant 2 : i32
            %rem3A_397 = arith.remui %while3A_150, %rem3A_396 : i32
            %mul3A_398 = arith.constant 256 : i32
            %mul3A_399 = arith.muli %mul3A_398, %add3A_169 : i32
            %dma_wait3A_400 = arith.constant 0 : i32
            %dma_wait3A_401 = arith.constant 0 : i32
            %dma_wait3A_402 = tpu.memref_slice %run_scoped3A_18[%rem3A_397, %dma_wait3A_400, %dma_wait3A_401] : memref<2x256x128xf32, #tpu.memory_space<vmem>> -> memref<1x256x128xf32, #tpu.memory_space<vmem>>
            %dma_wait3A_403 = tpu.memref_squeeze %dma_wait3A_402 : memref<1x256x128xf32, #tpu.memory_space<vmem>> -> memref<256x128xf32, #tpu.memory_space<vmem>>
            %dma_wait3A_404 = arith.constant 0 : i32
            %dma_wait3A_405 = tpu.memref_slice %arg4[%mul3A_399, %dma_wait3A_404] : memref<160000x128xf32, #tpu.memory_space<hbm>> -> memref<256x128xf32, #tpu.memory_space<hbm>>
            %dma_wait3A_406 = tpu.memref_slice %run_scoped3A_19[%rem3A_397] : memref<2x!tpu.dma_semaphore, #tpu.memory_space<semaphore_mem>> -> memref<1x!tpu.dma_semaphore, #tpu.memory_space<semaphore_mem>>
            %dma_wait3A_407 = tpu.memref_squeeze %dma_wait3A_406 : memref<1x!tpu.dma_semaphore, #tpu.memory_space<semaphore_mem>> -> memref<!tpu.dma_semaphore, #tpu.memory_space<semaphore_mem>>
            %dma_wait3A_408 = arith.constant 0 : i32
            %dma_wait3A_409 = tpu.memref_slice %arg4[%mul3A_399, %dma_wait3A_408] : memref<160000x128xf32, #tpu.memory_space<hbm>> -> memref<256x128xf32, #tpu.memory_space<hbm>>
            %dma_wait3A_410 = arith.constant 0 : i32
            %dma_wait3A_411 = arith.constant 0 : i32
            %dma_wait3A_412 = tpu.memref_slice %run_scoped3A_18[%rem3A_397, %dma_wait3A_410, %dma_wait3A_411] : memref<2x256x128xf32, #tpu.memory_space<vmem>> -> memref<1x256x128xf32, #tpu.memory_space<vmem>>
            %dma_wait3A_413 = tpu.memref_squeeze %dma_wait3A_412 : memref<1x256x128xf32, #tpu.memory_space<vmem>> -> memref<256x128xf32, #tpu.memory_space<vmem>>
            tpu.wait_dma2 semaphore(%dma_wait3A_407 : memref<!tpu.dma_semaphore, #tpu.memory_space<semaphore_mem>>) src(%dma_wait3A_413 : memref<256x128xf32, #tpu.memory_space<vmem>>) dst(%dma_wait3A_409 : memref<256x128xf32, #tpu.memory_space<hbm>>)
            "tpu.trace_stop"() : () -> ()
          } else {
          }
          %and3A_373 = arith.constant true
          %and3A_374 = arith.andi %and3A_369, %and3A_373 : i1
          %add3A_375 = arith.constant 1 : i32
          %add3A_376 = arith.addi %while3A_150, %add3A_375 : i32
          %select_n3A_377 = arith.select %and3A_374, %add3A_376, %while3A_150 : i32
          %ne3A_378 = arith.cmpi ne, %add3A_159, %add3A_177 : i32
          %or3A_379 = arith.constant false
          %or3A_380 = arith.ori %or3A_379, %ne3A_378 : i1
          %or3A_381 = arith.constant false
          %or3A_382 = arith.ori %or3A_380, %or3A_381 : i1
          %or3A_383 = arith.constant false
          %or3A_384 = arith.ori %or3A_382, %or3A_383 : i1
          %or3A_385 = arith.ori %or3A_384, %eq3A_158 : i1
          %add3A_386 = arith.constant 1 : i32
          %add3A_387 = arith.addi %while3A_148, %add3A_386 : i32
          %select_n3A_388 = arith.select %or3A_385, %add3A_387, %while3A_148 : i32
          %add3A_389 = arith.constant 1 : i32
          %add3A_390 = arith.addi %while3A_151, %add3A_389 : i32
          %select_n3A_391 = arith.constant true
          %select_n3A_392 = arith.select %select_n3A_391, %add3A_390, %while3A_151 : i32
          %eq3A_393 = arith.cmpi eq, %select_n3A_392, %select_n3A : i32
          %select_n3A_394 = arith.constant 0 : i32
          %select_n3A_395 = arith.select %eq3A_393, %select_n3A_394, %select_n3A_392 : i32
          scf.yield %select_n3A_203, %select_n3A_388, %select_n3A_346, %select_n3A_377, %select_n3A_395 : i32, i32, i32, i32, i32
        }
        %while3A_93 = arith.constant 1 : i32
        %while3A_94:5 = scf.for %while3A_146 = %while3A_90 to %while3A_86 step %while3A_93 iter_args(%while3A_147 = %while3A_92#0, %while3A_148 = %while3A_92#1, %while3A_149 = %while3A_92#2, %while3A_150 = %while3A_92#3, %while3A_151 = %while3A_92#4) -> (i32, i32, i32, i32, i32)  : i32 {
          %mul3A_152 = arith.constant 1 : i32
          %mul3A_153 = arith.muli %mul3A_152, %select_n3A : i32
          %eq3A_154 = arith.constant 0 : i32
          %eq3A_155 = arith.cmpi eq, %while3A_146, %eq3A_154 : i32
          %sub3A_156 = arith.constant 1 : i32
          %sub3A_157 = arith.subi %mul3A_153, %sub3A_156 : i32
          %eq3A_158 = arith.cmpi eq, %while3A_146, %sub3A_157 : i32
          %add3A_159 = arith.addi %while3A_151, %select_n3A_14 : i32
          %sub3A_160 = arith.constant 1 : i32
          %sub3A_161 = arith.subi %while3A_151, %sub3A_160 : i32
          %select_n3A_162 = arith.constant true
          %select_n3A_163 = arith.select %select_n3A_162, %sub3A_161, %while3A_151 : i32
          %eq3A_164 = arith.constant -1 : i32
          %eq3A_165 = arith.cmpi eq, %select_n3A_163, %eq3A_164 : i32
          %sub3A_166 = arith.constant 1 : i32
          %sub3A_167 = arith.subi %select_n3A, %sub3A_166 : i32
          %select_n3A_168 = arith.select %eq3A_165, %sub3A_167, %select_n3A_163 : i32
          %add3A_169 = arith.addi %select_n3A_168, %select_n3A_14 : i32
          %add3A_170 = arith.constant 1 : i32
          %add3A_171 = arith.addi %while3A_151, %add3A_170 : i32
          %select_n3A_172 = arith.constant true
          %select_n3A_173 = arith.select %select_n3A_172, %add3A_171, %while3A_151 : i32
          %eq3A_174 = arith.cmpi eq, %select_n3A_173, %select_n3A : i32
          %select_n3A_175 = arith.constant 0 : i32
          %select_n3A_176 = arith.select %eq3A_174, %select_n3A_175, %select_n3A_173 : i32
          %add3A_177 = arith.addi %select_n3A_176, %select_n3A_14 : i32
          %add3A_178 = arith.constant 1 : i32
          %add3A_179 = arith.addi %select_n3A_176, %add3A_178 : i32
          %select_n3A_180 = arith.constant true
          %select_n3A_181 = arith.select %select_n3A_180, %add3A_179, %select_n3A_176 : i32
          %eq3A_182 = arith.cmpi eq, %select_n3A_181, %select_n3A : i32
          %select_n3A_183 = arith.constant 0 : i32
          %select_n3A_184 = arith.select %eq3A_182, %select_n3A_183, %select_n3A_181 : i32
          %add3A_185 = arith.addi %select_n3A_184, %select_n3A_14 : i32
          %ne3A = arith.cmpi ne, %add3A_159, %add3A_177 : i32
          %or3A = arith.constant false
          %or3A_186 = arith.ori %or3A, %ne3A : i1
          %or3A_187 = arith.constant false
          %or3A_188 = arith.ori %or3A_186, %or3A_187 : i1
          %or3A_189 = arith.constant false
          %or3A_190 = arith.ori %or3A_188, %or3A_189 : i1
          %sub3A_191 = arith.constant 2 : i32
          %sub3A_192 = arith.subi %mul3A_153, %sub3A_191 : i32
          %add3A_193 = arith.constant 1 : i32
          %add3A_194 = arith.addi %sub3A_192, %add3A_193 : i32
          %ge3A = arith.cmpi sge, %while3A_146, %add3A_194 : i32
          %not3A = arith.constant true
          %not3A_195 = arith.xori %ge3A, %not3A : i1
          %and3A = arith.andi %or3A_190, %not3A_195 : i1
          %convert_element_type3A_196 = arith.extui %and3A : i1 to i32
          %cond3A_197 = arith.constant 0 : i32
          %cond3A_198 = arith.cmpi ne, %convert_element_type3A_196, %cond3A_197 : i32
          scf.if %cond3A_198 {
            "tpu.trace_start"() <{level = 10 : i32, message = "ep_copy_in"}> : () -> ()
            %rem3A_396 = arith.constant 2 : i32
            %rem3A_397 = arith.remui %while3A_147, %rem3A_396 : i32
            %mul3A_398 = arith.constant 1 : i32
            %mul3A_399 = arith.muli %mul3A_398, %add3A_177 : i32
            %dma_start3A_400 = arith.constant 0 : i32
            %dma_start3A_401 = arith.constant 0 : i32
            %dma_start3A_402 = arith.constant 0 : i32
            %dma_start3A_403 = tpu.memref_slice %run_scoped3A[%rem3A_397, %dma_start3A_400, %dma_start3A_401, %dma_start3A_402] : memref<2x1x2x128xi32, #tpu.memory_space<vmem>> -> memref<1x1x2x128xi32, #tpu.memory_space<vmem>>
            %dma_start3A_404 = tpu.memref_squeeze %dma_start3A_403 : memref<1x1x2x128xi32, #tpu.memory_space<vmem>> -> memref<1x2x128xi32, #tpu.memory_space<vmem>>
            %dma_start3A_405 = arith.constant 0 : i32
            %dma_start3A_406 = arith.constant 0 : i32
            %dma_start3A_407 = tpu.memref_slice %arg3[%mul3A_399, %dma_start3A_405, %dma_start3A_406] : memref<625x2x128xi32, #tpu.memory_space<hbm>> -> memref<1x2x128xi32, #tpu.memory_space<hbm>>
            %dma_start3A_408 = tpu.memref_slice %run_scoped3A_17[%rem3A_397] : memref<2x!tpu.dma_semaphore, #tpu.memory_space<semaphore_mem>> -> memref<1x!tpu.dma_semaphore, #tpu.memory_space<semaphore_mem>>
            %dma_start3A_409 = tpu.memref_squeeze %dma_start3A_408 : memref<1x!tpu.dma_semaphore, #tpu.memory_space<semaphore_mem>> -> memref<!tpu.dma_semaphore, #tpu.memory_space<semaphore_mem>>
            %dma_start3A_410 = arith.constant 0 : i32
            %dma_start3A_411 = arith.constant 0 : i32
            %dma_start3A_412 = arith.constant 0 : i32
            %dma_start3A_413 = tpu.memref_slice %run_scoped3A[%rem3A_397, %dma_start3A_410, %dma_start3A_411, %dma_start3A_412] : memref<2x1x2x128xi32, #tpu.memory_space<vmem>> -> memref<1x1x2x128xi32, #tpu.memory_space<vmem>>
            %dma_start3A_414 = tpu.memref_squeeze %dma_start3A_413 : memref<1x1x2x128xi32, #tpu.memory_space<vmem>> -> memref<1x2x128xi32, #tpu.memory_space<vmem>>
            %dma_start3A_415 = arith.constant 0 : i32
            %dma_start3A_416 = arith.constant 0 : i32
            %dma_start3A_417 = tpu.memref_slice %arg3[%mul3A_399, %dma_start3A_415, %dma_start3A_416] : memref<625x2x128xi32, #tpu.memory_space<hbm>> -> memref<1x2x128xi32, #tpu.memory_space<hbm>>
            tpu.enqueue_dma source(%dma_start3A_417 : memref<1x2x128xi32, #tpu.memory_space<hbm>>) target(%dma_start3A_414 : memref<1x2x128xi32, #tpu.memory_space<vmem>>) target_semaphore(%dma_start3A_409 : memref<!tpu.dma_semaphore, #tpu.memory_space<semaphore_mem>>)
            "tpu.trace_stop"() : () -> ()
          } else {
          }
          %and3A_199 = arith.constant true
          %and3A_200 = arith.andi %and3A, %and3A_199 : i1
          %add3A_201 = arith.constant 1 : i32
          %add3A_202 = arith.addi %while3A_147, %add3A_201 : i32
          %select_n3A_203 = arith.select %and3A_200, %add3A_202, %while3A_147 : i32
          %ne3A_204 = arith.cmpi ne, %add3A_159, %add3A_177 : i32
          %or3A_205 = arith.constant false
          %or3A_206 = arith.ori %or3A_205, %ne3A_204 : i1
          %or3A_207 = arith.constant false
          %or3A_208 = arith.ori %or3A_206, %or3A_207 : i1
          %sub3A_209 = arith.constant 2 : i32
          %sub3A_210 = arith.subi %mul3A_153, %sub3A_209 : i32
          %add3A_211 = arith.constant 1 : i32
          %add3A_212 = arith.addi %sub3A_210, %add3A_211 : i32
          %ge3A_213 = arith.cmpi sge, %while3A_146, %add3A_212 : i32
          %not3A_214 = arith.constant true
          %not3A_215 = arith.xori %ge3A_213, %not3A_214 : i1
          %and3A_216 = arith.andi %or3A_208, %not3A_215 : i1
          %ne3A_217 = arith.cmpi ne, %add3A_159, %add3A_169 : i32
          %or3A_218 = arith.constant false
          %or3A_219 = arith.ori %or3A_218, %ne3A_217 : i1
          %or3A_220 = arith.constant false
          %or3A_221 = arith.ori %or3A_219, %or3A_220 : i1
          %or3A_222 = arith.constant false
          %or3A_223 = arith.ori %or3A_221, %or3A_222 : i1
          %or3A_224 = arith.ori %or3A_223, %eq3A_155 : i1
          %convert_element_type3A_225 = arith.extui %or3A_224 : i1 to i32
          %cond3A_226 = arith.constant 0 : i32
          %cond3A_227 = arith.cmpi ne, %convert_element_type3A_225, %cond3A_226 : i32
          scf.if %cond3A_227 {
            "tpu.trace_start"() <{level = 10 : i32, message = "ep_wait_in"}> : () -> ()
            %mul3A_396 = arith.constant 1 : i32
            %mul3A_397 = arith.muli %mul3A_396, %add3A_159 : i32
            %rem3A_398 = arith.constant 2 : i32
            %rem3A_399 = arith.remui %while3A_148, %rem3A_398 : i32
            %dma_wait3A_400 = arith.constant 0 : i32
            %dma_wait3A_401 = arith.constant 0 : i32
            %dma_wait3A_402 = arith.constant 0 : i32
            %dma_wait3A_403 = tpu.memref_slice %run_scoped3A[%rem3A_399, %dma_wait3A_400, %dma_wait3A_401, %dma_wait3A_402] : memref<2x1x2x128xi32, #tpu.memory_space<vmem>> -> memref<1x1x2x128xi32, #tpu.memory_space<vmem>>
            %dma_wait3A_404 = tpu.memref_squeeze %dma_wait3A_403 : memref<1x1x2x128xi32, #tpu.memory_space<vmem>> -> memref<1x2x128xi32, #tpu.memory_space<vmem>>
            %dma_wait3A_405 = arith.constant 0 : i32
            %dma_wait3A_406 = arith.constant 0 : i32
            %dma_wait3A_407 = tpu.memref_slice %arg3[%mul3A_397, %dma_wait3A_405, %dma_wait3A_406] : memref<625x2x128xi32, #tpu.memory_space<hbm>> -> memref<1x2x128xi32, #tpu.memory_space<hbm>>
            %dma_wait3A_408 = tpu.memref_slice %run_scoped3A_17[%rem3A_399] : memref<2x!tpu.dma_semaphore, #tpu.memory_space<semaphore_mem>> -> memref<1x!tpu.dma_semaphore, #tpu.memory_space<semaphore_mem>>
            %dma_wait3A_409 = tpu.memref_squeeze %dma_wait3A_408 : memref<1x!tpu.dma_semaphore, #tpu.memory_space<semaphore_mem>> -> memref<!tpu.dma_semaphore, #tpu.memory_space<semaphore_mem>>
            %dma_wait3A_410 = arith.constant 0 : i32
            %dma_wait3A_411 = arith.constant 0 : i32
            %dma_wait3A_412 = arith.constant 0 : i32
            %dma_wait3A_413 = tpu.memref_slice %run_scoped3A[%rem3A_399, %dma_wait3A_410, %dma_wait3A_411, %dma_wait3A_412] : memref<2x1x2x128xi32, #tpu.memory_space<vmem>> -> memref<1x1x2x128xi32, #tpu.memory_space<vmem>>
            %dma_wait3A_414 = tpu.memref_squeeze %dma_wait3A_413 : memref<1x1x2x128xi32, #tpu.memory_space<vmem>> -> memref<1x2x128xi32, #tpu.memory_space<vmem>>
            %dma_wait3A_415 = arith.constant 0 : i32
            %dma_wait3A_416 = arith.constant 0 : i32
            %dma_wait3A_417 = tpu.memref_slice %arg3[%mul3A_397, %dma_wait3A_415, %dma_wait3A_416] : memref<625x2x128xi32, #tpu.memory_space<hbm>> -> memref<1x2x128xi32, #tpu.memory_space<hbm>>
            tpu.wait_dma2 semaphore(%dma_wait3A_409 : memref<!tpu.dma_semaphore, #tpu.memory_space<semaphore_mem>>) src(%dma_wait3A_417 : memref<1x2x128xi32, #tpu.memory_space<hbm>>) dst(%dma_wait3A_414 : memref<1x2x128xi32, #tpu.memory_space<vmem>>)
            "tpu.trace_stop"() : () -> ()
          } else {
          }
          %ne3A_228 = arith.cmpi ne, %add3A_159, %add3A_169 : i32
          %or3A_229 = arith.constant false
          %or3A_230 = arith.ori %or3A_229, %ne3A_228 : i1
          %or3A_231 = arith.constant false
          %or3A_232 = arith.ori %or3A_230, %or3A_231 : i1
          %or3A_233 = arith.ori %or3A_232, %eq3A_155 : i1
          %convert_element_type3A_234 = arith.extui %or3A_233 : i1 to i32
          %cond3A_235 = arith.constant 0 : i32
          %cond3A_236 = arith.cmpi ne, %convert_element_type3A_234, %cond3A_235 : i32
          scf.if %cond3A_236 {
          } else {
          }
          %rem3A_237 = arith.constant 2 : i32
          %rem3A_238 = arith.remui %while3A_148, %rem3A_237 : i32
          %rem3A_239 = arith.constant 2 : i32
          %rem3A_240 = arith.remui %while3A_149, %rem3A_239 : i32
          %dma_start3A_241 = arith.constant 0 : i32
          %dma_start3A_242 = arith.constant 0 : i32
          "tpu.trace_start"() <{level = 10 : i32, message = "ep_run_kernel"}> : () -> ()
          %dma_start3A_243 = arith.constant 0 : i32
          %dma_start3A_244 = arith.constant 0 : i32
          %dma_start3A_245 = tpu.memref_slice %run_scoped3A_18[%rem3A_240, %dma_start3A_243, %dma_start3A_244] : memref<2x256x128xf32, #tpu.memory_space<vmem>> -> memref<1x256x128xf32, #tpu.memory_space<vmem>>
          %dma_start3A_246 = tpu.memref_squeeze %dma_start3A_245 : memref<1x256x128xf32, #tpu.memory_space<vmem>> -> memref<256x128xf32, #tpu.memory_space<vmem>>
          %dma_start3A_247 = arith.constant 0 : i32
          %dma_start3A_248 = arith.constant 0 : i32
          %dma_start3A_249 = tpu.memref_slice %dma_start3A_246[%dma_start3A_247, %dma_start3A_248] : memref<256x128xf32, #tpu.memory_space<vmem>> -> memref<128x128xf32, #tpu.memory_space<vmem>>
          %dma_start3A_250 = arith.constant 0 : i32
          %dma_start3A_251 = arith.constant 0 : i32
          %dma_start3A_252 = arith.constant 0 : i32
          %dma_start3A_253 = tpu.memref_slice %run_scoped3A[%rem3A_238, %dma_start3A_250, %dma_start3A_251, %dma_start3A_252] : memref<2x1x2x128xi32, #tpu.memory_space<vmem>> -> memref<1x1x2x128xi32, #tpu.memory_space<vmem>>
          %dma_start3A_254 = tpu.memref_squeeze %dma_start3A_253 : memref<1x1x2x128xi32, #tpu.memory_space<vmem>> -> memref<1x2x128xi32, #tpu.memory_space<vmem>>
          %dma_start3A_255 = arith.constant 0 : i32
          %dma_start3A_256 = tpu.memref_slice %dma_start3A_254[%dma_start3A_241, %dma_start3A_242, %dma_start3A_255] : memref<1x2x128xi32, #tpu.memory_space<vmem>> -> memref<1x1x128xi32, #tpu.memory_space<vmem>>
          %dma_start3A_257 = tpu.memref_squeeze %dma_start3A_256 : memref<1x1x128xi32, #tpu.memory_space<vmem>> -> memref<128xi32, #tpu.memory_space<vmem>>
          %dma_start3A_258 = arith.constant 0 : i32
          %dma_start3A_259 = arith.constant 0 : i32
          %dma_start3A_260 = tpu.memref_slice %arg2[%dma_start3A_258, %dma_start3A_259] : memref<320000x128xf32, #tpu.memory_space<hbm>> -> memref<320000x128xf32, #tpu.memory_space<hbm>>
          tpu.enqueue_indirect_dma source(%dma_start3A_260 : memref<320000x128xf32, #tpu.memory_space<hbm>>) target(%dma_start3A_249 : memref<128x128xf32, #tpu.memory_space<vmem>>) offsets(%dma_start3A_257 : memref<128xi32, #tpu.memory_space<vmem>>) semaphore(%arg5 : memref<!tpu.dma_semaphore, #tpu.memory_space<semaphore_mem>>)
          %dma_start3A_261 = arith.constant 0 : i32
          %dma_start3A_262 = arith.constant 1 : i32
          %dma_start3A_263 = arith.constant 0 : i32
          %dma_start3A_264 = arith.constant 0 : i32
          %dma_start3A_265 = tpu.memref_slice %run_scoped3A_18[%rem3A_240, %dma_start3A_263, %dma_start3A_264] : memref<2x256x128xf32, #tpu.memory_space<vmem>> -> memref<1x256x128xf32, #tpu.memory_space<vmem>>
          %dma_start3A_266 = tpu.memref_squeeze %dma_start3A_265 : memref<1x256x128xf32, #tpu.memory_space<vmem>> -> memref<256x128xf32, #tpu.memory_space<vmem>>
          %dma_start3A_267 = arith.constant 128 : i32
          %dma_start3A_268 = arith.constant 0 : i32
          %dma_start3A_269 = tpu.memref_slice %dma_start3A_266[%dma_start3A_267, %dma_start3A_268] : memref<256x128xf32, #tpu.memory_space<vmem>> -> memref<128x128xf32, #tpu.memory_space<vmem>>
          %dma_start3A_270 = arith.constant 0 : i32
          %dma_start3A_271 = arith.constant 0 : i32
          %dma_start3A_272 = arith.constant 0 : i32
          %dma_start3A_273 = tpu.memref_slice %run_scoped3A[%rem3A_238, %dma_start3A_270, %dma_start3A_271, %dma_start3A_272] : memref<2x1x2x128xi32, #tpu.memory_space<vmem>> -> memref<1x1x2x128xi32, #tpu.memory_space<vmem>>
          %dma_start3A_274 = tpu.memref_squeeze %dma_start3A_273 : memref<1x1x2x128xi32, #tpu.memory_space<vmem>> -> memref<1x2x128xi32, #tpu.memory_space<vmem>>
          %dma_start3A_275 = arith.constant 0 : i32
          %dma_start3A_276 = tpu.memref_slice %dma_start3A_274[%dma_start3A_261, %dma_start3A_262, %dma_start3A_275] : memref<1x2x128xi32, #tpu.memory_space<vmem>> -> memref<1x1x128xi32, #tpu.memory_space<vmem>>
          %dma_start3A_277 = tpu.memref_squeeze %dma_start3A_276 : memref<1x1x128xi32, #tpu.memory_space<vmem>> -> memref<128xi32, #tpu.memory_space<vmem>>
          %dma_start3A_278 = arith.constant 0 : i32
          %dma_start3A_279 = arith.constant 0 : i32
          %dma_start3A_280 = tpu.memref_slice %arg2[%dma_start3A_278, %dma_start3A_279] : memref<320000x128xf32, #tpu.memory_space<hbm>> -> memref<320000x128xf32, #tpu.memory_space<hbm>>
          tpu.enqueue_indirect_dma source(%dma_start3A_280 : memref<320000x128xf32, #tpu.memory_space<hbm>>) target(%dma_start3A_269 : memref<128x128xf32, #tpu.memory_space<vmem>>) offsets(%dma_start3A_277 : memref<128xi32, #tpu.memory_space<vmem>>) semaphore(%arg5 : memref<!tpu.dma_semaphore, #tpu.memory_space<semaphore_mem>>)
          %dma_wait3A = arith.constant 0 : i32
          %dma_wait3A_281 = arith.constant 0 : i32
          %dma_wait3A_282 = arith.constant 0 : i32
          %dma_wait3A_283 = arith.constant 0 : i32
          %dma_wait3A_284 = tpu.memref_slice %run_scoped3A_18[%rem3A_240, %dma_wait3A_282, %dma_wait3A_283] : memref<2x256x128xf32, #tpu.memory_space<vmem>> -> memref<1x256x128xf32, #tpu.memory_space<vmem>>
          %dma_wait3A_285 = tpu.memref_squeeze %dma_wait3A_284 : memref<1x256x128xf32, #tpu.memory_space<vmem>> -> memref<256x128xf32, #tpu.memory_space<vmem>>
          %dma_wait3A_286 = arith.constant 0 : i32
          %dma_wait3A_287 = arith.constant 0 : i32
          %dma_wait3A_288 = tpu.memref_slice %dma_wait3A_285[%dma_wait3A_286, %dma_wait3A_287] : memref<256x128xf32, #tpu.memory_space<vmem>> -> memref<128x128xf32, #tpu.memory_space<vmem>>
          %dma_wait3A_289 = arith.constant 0 : i32
          %dma_wait3A_290 = arith.constant 0 : i32
          %dma_wait3A_291 = arith.constant 0 : i32
          %dma_wait3A_292 = tpu.memref_slice %run_scoped3A[%rem3A_238, %dma_wait3A_289, %dma_wait3A_290, %dma_wait3A_291] : memref<2x1x2x128xi32, #tpu.memory_space<vmem>> -> memref<1x1x2x128xi32, #tpu.memory_space<vmem>>
          %dma_wait3A_293 = tpu.memref_squeeze %dma_wait3A_292 : memref<1x1x2x128xi32, #tpu.memory_space<vmem>> -> memref<1x2x128xi32, #tpu.memory_space<vmem>>
          %dma_wait3A_294 = arith.constant 0 : i32
          %dma_wait3A_295 = tpu.memref_slice %dma_wait3A_293[%dma_wait3A, %dma_wait3A_281, %dma_wait3A_294] : memref<1x2x128xi32, #tpu.memory_space<vmem>> -> memref<1x1x128xi32, #tpu.memory_space<vmem>>
          %dma_wait3A_296 = tpu.memref_squeeze %dma_wait3A_295 : memref<1x1x128xi32, #tpu.memory_space<vmem>> -> memref<128xi32, #tpu.memory_space<vmem>>
          %dma_wait3A_297 = arith.constant 0 : i32
          %dma_wait3A_298 = arith.constant 0 : i32
          %dma_wait3A_299 = tpu.memref_slice %arg2[%dma_wait3A_297, %dma_wait3A_298] : memref<320000x128xf32, #tpu.memory_space<hbm>> -> memref<320000x128xf32, #tpu.memory_space<hbm>>
          tpu.wait_indirect_dma semaphore(%arg5 : memref<!tpu.dma_semaphore, #tpu.memory_space<semaphore_mem>>) src(%dma_wait3A_299 : memref<320000x128xf32, #tpu.memory_space<hbm>>) dst(%dma_wait3A_288 : memref<128x128xf32, #tpu.memory_space<vmem>>)
          %dma_wait3A_300 = arith.constant 0 : i32
          %dma_wait3A_301 = arith.constant 1 : i32
          %dma_wait3A_302 = arith.constant 0 : i32
          %dma_wait3A_303 = arith.constant 0 : i32
          %dma_wait3A_304 = tpu.memref_slice %run_scoped3A_18[%rem3A_240, %dma_wait3A_302, %dma_wait3A_303] : memref<2x256x128xf32, #tpu.memory_space<vmem>> -> memref<1x256x128xf32, #tpu.memory_space<vmem>>
          %dma_wait3A_305 = tpu.memref_squeeze %dma_wait3A_304 : memref<1x256x128xf32, #tpu.memory_space<vmem>> -> memref<256x128xf32, #tpu.memory_space<vmem>>
          %dma_wait3A_306 = arith.constant 128 : i32
          %dma_wait3A_307 = arith.constant 0 : i32
          %dma_wait3A_308 = tpu.memref_slice %dma_wait3A_305[%dma_wait3A_306, %dma_wait3A_307] : memref<256x128xf32, #tpu.memory_space<vmem>> -> memref<128x128xf32, #tpu.memory_space<vmem>>
          %dma_wait3A_309 = arith.constant 0 : i32
          %dma_wait3A_310 = arith.constant 0 : i32
          %dma_wait3A_311 = arith.constant 0 : i32
          %dma_wait3A_312 = tpu.memref_slice %run_scoped3A[%rem3A_238, %dma_wait3A_309, %dma_wait3A_310, %dma_wait3A_311] : memref<2x1x2x128xi32, #tpu.memory_space<vmem>> -> memref<1x1x2x128xi32, #tpu.memory_space<vmem>>
          %dma_wait3A_313 = tpu.memref_squeeze %dma_wait3A_312 : memref<1x1x2x128xi32, #tpu.memory_space<vmem>> -> memref<1x2x128xi32, #tpu.memory_space<vmem>>
          %dma_wait3A_314 = arith.constant 0 : i32
          %dma_wait3A_315 = tpu.memref_slice %dma_wait3A_313[%dma_wait3A_300, %dma_wait3A_301, %dma_wait3A_314] : memref<1x2x128xi32, #tpu.memory_space<vmem>> -> memref<1x1x128xi32, #tpu.memory_space<vmem>>
          %dma_wait3A_316 = tpu.memref_squeeze %dma_wait3A_315 : memref<1x1x128xi32, #tpu.memory_space<vmem>> -> memref<128xi32, #tpu.memory_space<vmem>>
          %dma_wait3A_317 = arith.constant 0 : i32
          %dma_wait3A_318 = arith.constant 0 : i32
          %dma_wait3A_319 = tpu.memref_slice %arg2[%dma_wait3A_317, %dma_wait3A_318] : memref<320000x128xf32, #tpu.memory_space<hbm>> -> memref<320000x128xf32, #tpu.memory_space<hbm>>
          tpu.wait_indirect_dma semaphore(%arg5 : memref<!tpu.dma_semaphore, #tpu.memory_space<semaphore_mem>>) src(%dma_wait3A_319 : memref<320000x128xf32, #tpu.memory_space<hbm>>) dst(%dma_wait3A_308 : memref<128x128xf32, #tpu.memory_space<vmem>>)
          "tpu.trace_stop"() : () -> ()
          %ne3A_320 = arith.cmpi ne, %add3A_159, %add3A_177 : i32
          %or3A_321 = arith.constant false
          %or3A_322 = arith.ori %or3A_321, %ne3A_320 : i1
          %or3A_323 = arith.constant false
          %or3A_324 = arith.ori %or3A_322, %or3A_323 : i1
          %or3A_325 = arith.constant false
          %or3A_326 = arith.ori %or3A_324, %or3A_325 : i1
          %or3A_327 = arith.ori %or3A_326, %eq3A_158 : i1
          %convert_element_type3A_328 = arith.extui %or3A_327 : i1 to i32
          %cond3A_329 = arith.constant 0 : i32
          %cond3A_330 = arith.cmpi ne, %convert_element_type3A_328, %cond3A_329 : i32
          scf.if %cond3A_330 {
          } else {
          }
          %and3A_331 = arith.constant false
          %and3A_332 = arith.andi %or3A_327, %and3A_331 : i1
          %ne3A_333 = arith.cmpi ne, %add3A_159, %add3A_177 : i32
          %or3A_334 = arith.constant false
          %or3A_335 = arith.ori %or3A_334, %ne3A_333 : i1
          %or3A_336 = arith.constant false
          %or3A_337 = arith.ori %or3A_335, %or3A_336 : i1
          %or3A_338 = arith.ori %or3A_337, %eq3A_158 : i1
          %convert_element_type3A_339 = arith.extui %or3A_338 : i1 to i32
          %cond3A_340 = arith.constant 0 : i32
          %cond3A_341 = arith.cmpi ne, %convert_element_type3A_339, %cond3A_340 : i32
          scf.if %cond3A_341 {
            "tpu.trace_start"() <{level = 10 : i32, message = "ep_copy_out"}> : () -> ()
            %rem3A_396 = arith.constant 2 : i32
            %rem3A_397 = arith.remui %while3A_149, %rem3A_396 : i32
            %mul3A_398 = arith.constant 256 : i32
            %mul3A_399 = arith.muli %mul3A_398, %add3A_159 : i32
            %dma_start3A_400 = arith.constant 0 : i32
            %dma_start3A_401 = arith.constant 0 : i32
            %dma_start3A_402 = tpu.memref_slice %run_scoped3A_18[%rem3A_397, %dma_start3A_400, %dma_start3A_401] : memref<2x256x128xf32, #tpu.memory_space<vmem>> -> memref<1x256x128xf32, #tpu.memory_space<vmem>>
            %dma_start3A_403 = tpu.memref_squeeze %dma_start3A_402 : memref<1x256x128xf32, #tpu.memory_space<vmem>> -> memref<256x128xf32, #tpu.memory_space<vmem>>
            %dma_start3A_404 = arith.constant 0 : i32
            %dma_start3A_405 = tpu.memref_slice %arg4[%mul3A_399, %dma_start3A_404] : memref<160000x128xf32, #tpu.memory_space<hbm>> -> memref<256x128xf32, #tpu.memory_space<hbm>>
            %dma_start3A_406 = tpu.memref_slice %run_scoped3A_19[%rem3A_397] : memref<2x!tpu.dma_semaphore, #tpu.memory_space<semaphore_mem>> -> memref<1x!tpu.dma_semaphore, #tpu.memory_space<semaphore_mem>>
            %dma_start3A_407 = tpu.memref_squeeze %dma_start3A_406 : memref<1x!tpu.dma_semaphore, #tpu.memory_space<semaphore_mem>> -> memref<!tpu.dma_semaphore, #tpu.memory_space<semaphore_mem>>
            %dma_start3A_408 = arith.constant 0 : i32
            %dma_start3A_409 = tpu.memref_slice %arg4[%mul3A_399, %dma_start3A_408] : memref<160000x128xf32, #tpu.memory_space<hbm>> -> memref<256x128xf32, #tpu.memory_space<hbm>>
            %dma_start3A_410 = arith.constant 0 : i32
            %dma_start3A_411 = arith.constant 0 : i32
            %dma_start3A_412 = tpu.memref_slice %run_scoped3A_18[%rem3A_397, %dma_start3A_410, %dma_start3A_411] : memref<2x256x128xf32, #tpu.memory_space<vmem>> -> memref<1x256x128xf32, #tpu.memory_space<vmem>>
            %dma_start3A_413 = tpu.memref_squeeze %dma_start3A_412 : memref<1x256x128xf32, #tpu.memory_space<vmem>> -> memref<256x128xf32, #tpu.memory_space<vmem>>
            tpu.enqueue_dma source(%dma_start3A_413 : memref<256x128xf32, #tpu.memory_space<vmem>>) target(%dma_start3A_409 : memref<256x128xf32, #tpu.memory_space<hbm>>) target_semaphore(%dma_start3A_407 : memref<!tpu.dma_semaphore, #tpu.memory_space<semaphore_mem>>)
            "tpu.trace_stop"() : () -> ()
          } else {
          }
          %and3A_342 = arith.constant true
          %and3A_343 = arith.andi %or3A_338, %and3A_342 : i1
          %add3A_344 = arith.constant 1 : i32
          %add3A_345 = arith.addi %while3A_149, %add3A_344 : i32
          %select_n3A_346 = arith.select %and3A_343, %add3A_345, %while3A_149 : i32
          %ne3A_347 = arith.cmpi ne, %add3A_159, %add3A_169 : i32
          %or3A_348 = arith.constant false
          %or3A_349 = arith.ori %or3A_348, %ne3A_347 : i1
          %or3A_350 = arith.constant false
          %or3A_351 = arith.ori %or3A_349, %or3A_350 : i1
          %or3A_352 = arith.constant false
          %or3A_353 = arith.ori %or3A_351, %or3A_352 : i1
          %not3A_354 = arith.constant true
          %not3A_355 = arith.xori %eq3A_155, %not3A_354 : i1
          %and3A_356 = arith.andi %or3A_353, %not3A_355 : i1
          %convert_element_type3A_357 = arith.extui %and3A_356 : i1 to i32
          %cond3A_358 = arith.constant 0 : i32
          %cond3A_359 = arith.cmpi ne, %convert_element_type3A_357, %cond3A_358 : i32
          scf.if %cond3A_359 {
          } else {
          }
          %and3A_360 = arith.constant false
          %and3A_361 = arith.andi %and3A_356, %and3A_360 : i1
          %ne3A_362 = arith.cmpi ne, %add3A_159, %add3A_169 : i32
          %or3A_363 = arith.constant false
          %or3A_364 = arith.ori %or3A_363, %ne3A_362 : i1
          %or3A_365 = arith.constant false
          %or3A_366 = arith.ori %or3A_364, %or3A_365 : i1
          %not3A_367 = arith.constant true
          %not3A_368 = arith.xori %eq3A_155, %not3A_367 : i1
          %and3A_369 = arith.andi %or3A_366, %not3A_368 : i1
          %convert_element_type3A_370 = arith.extui %and3A_369 : i1 to i32
          %cond3A_371 = arith.constant 0 : i32
          %cond3A_372 = arith.cmpi ne, %convert_element_type3A_370, %cond3A_371 : i32
          scf.if %cond3A_372 {
            "tpu.trace_start"() <{level = 10 : i32, message = "ep_wait_out"}> : () -> ()
            %rem3A_396 = arith.constant 2 : i32
            %rem3A_397 = arith.remui %while3A_150, %rem3A_396 : i32
            %mul3A_398 = arith.constant 256 : i32
            %mul3A_399 = arith.muli %mul3A_398, %add3A_169 : i32
            %dma_wait3A_400 = arith.constant 0 : i32
            %dma_wait3A_401 = arith.constant 0 : i32
            %dma_wait3A_402 = tpu.memref_slice %run_scoped3A_18[%rem3A_397, %dma_wait3A_400, %dma_wait3A_401] : memref<2x256x128xf32, #tpu.memory_space<vmem>> -> memref<1x256x128xf32, #tpu.memory_space<vmem>>
            %dma_wait3A_403 = tpu.memref_squeeze %dma_wait3A_402 : memref<1x256x128xf32, #tpu.memory_space<vmem>> -> memref<256x128xf32, #tpu.memory_space<vmem>>
            %dma_wait3A_404 = arith.constant 0 : i32
            %dma_wait3A_405 = tpu.memref_slice %arg4[%mul3A_399, %dma_wait3A_404] : memref<160000x128xf32, #tpu.memory_space<hbm>> -> memref<256x128xf32, #tpu.memory_space<hbm>>
            %dma_wait3A_406 = tpu.memref_slice %run_scoped3A_19[%rem3A_397] : memref<2x!tpu.dma_semaphore, #tpu.memory_space<semaphore_mem>> -> memref<1x!tpu.dma_semaphore, #tpu.memory_space<semaphore_mem>>
            %dma_wait3A_407 = tpu.memref_squeeze %dma_wait3A_406 : memref<1x!tpu.dma_semaphore, #tpu.memory_space<semaphore_mem>> -> memref<!tpu.dma_semaphore, #tpu.memory_space<semaphore_mem>>
            %dma_wait3A_408 = arith.constant 0 : i32
            %dma_wait3A_409 = tpu.memref_slice %arg4[%mul3A_399, %dma_wait3A_408] : memref<160000x128xf32, #tpu.memory_space<hbm>> -> memref<256x128xf32, #tpu.memory_space<hbm>>
            %dma_wait3A_410 = arith.constant 0 : i32
            %dma_wait3A_411 = arith.constant 0 : i32
            %dma_wait3A_412 = tpu.memref_slice %run_scoped3A_18[%rem3A_397, %dma_wait3A_410, %dma_wait3A_411] : memref<2x256x128xf32, #tpu.memory_space<vmem>> -> memref<1x256x128xf32, #tpu.memory_space<vmem>>
            %dma_wait3A_413 = tpu.memref_squeeze %dma_wait3A_412 : memref<1x256x128xf32, #tpu.memory_space<vmem>> -> memref<256x128xf32, #tpu.memory_space<vmem>>
            tpu.wait_dma2 semaphore(%dma_wait3A_407 : memref<!tpu.dma_semaphore, #tpu.memory_space<semaphore_mem>>) src(%dma_wait3A_413 : memref<256x128xf32, #tpu.memory_space<vmem>>) dst(%dma_wait3A_409 : memref<256x128xf32, #tpu.memory_space<hbm>>)
            "tpu.trace_stop"() : () -> ()
          } else {
          }
          %and3A_373 = arith.constant true
          %and3A_374 = arith.andi %and3A_369, %and3A_373 : i1
          %add3A_375 = arith.constant 1 : i32
          %add3A_376 = arith.addi %while3A_150, %add3A_375 : i32
          %select_n3A_377 = arith.select %and3A_374, %add3A_376, %while3A_150 : i32
          %ne3A_378 = arith.cmpi ne, %add3A_159, %add3A_177 : i32
          %or3A_379 = arith.constant false
          %or3A_380 = arith.ori %or3A_379, %ne3A_378 : i1
          %or3A_381 = arith.constant false
          %or3A_382 = arith.ori %or3A_380, %or3A_381 : i1
          %or3A_383 = arith.constant false
          %or3A_384 = arith.ori %or3A_382, %or3A_383 : i1
          %or3A_385 = arith.ori %or3A_384, %eq3A_158 : i1
          %add3A_386 = arith.constant 1 : i32
          %add3A_387 = arith.addi %while3A_148, %add3A_386 : i32
          %select_n3A_388 = arith.select %or3A_385, %add3A_387, %while3A_148 : i32
          %add3A_389 = arith.constant 1 : i32
          %add3A_390 = arith.addi %while3A_151, %add3A_389 : i32
          %select_n3A_391 = arith.constant true
          %select_n3A_392 = arith.select %select_n3A_391, %add3A_390, %while3A_151 : i32
          %eq3A_393 = arith.cmpi eq, %select_n3A_392, %select_n3A : i32
          %select_n3A_394 = arith.constant 0 : i32
          %select_n3A_395 = arith.select %eq3A_393, %select_n3A_394, %select_n3A_392 : i32
          scf.yield %select_n3A_203, %select_n3A_388, %select_n3A_346, %select_n3A_377, %select_n3A_395 : i32, i32, i32, i32, i32
        }
        %sub3A_95 = arith.constant 1 : i32
        %sub3A_96 = arith.subi %while3A_94#4, %sub3A_95 : i32
        %select_n3A_97 = arith.constant true
        %select_n3A_98 = arith.select %select_n3A_97, %sub3A_96, %while3A_94#4 : i32
        %eq3A_99 = arith.constant -1 : i32
        %eq3A_100 = arith.cmpi eq, %select_n3A_98, %eq3A_99 : i32
        %sub3A_101 = arith.constant 1 : i32
        %sub3A_102 = arith.subi %select_n3A, %sub3A_101 : i32
        %select_n3A_103 = arith.select %eq3A_100, %sub3A_102, %select_n3A_98 : i32
        %sub3A_104 = arith.constant 1 : i32
        %sub3A_105 = arith.subi %mul3A_16, %sub3A_104 : i32
        %mul3A_106 = arith.constant 1 : i32
        %mul3A_107 = arith.muli %mul3A_106, %select_n3A : i32
        %eq3A_108 = arith.constant 0 : i32
        %eq3A_109 = arith.cmpi eq, %sub3A_105, %eq3A_108 : i32
        %sub3A_110 = arith.constant 1 : i32
        %sub3A_111 = arith.subi %mul3A_107, %sub3A_110 : i32
        %eq3A_112 = arith.cmpi eq, %sub3A_105, %sub3A_111 : i32
        %add3A_113 = arith.addi %select_n3A_103, %select_n3A_14 : i32
        %sub3A_114 = arith.constant 1 : i32
        %sub3A_115 = arith.subi %select_n3A_103, %sub3A_114 : i32
        %select_n3A_116 = arith.constant true
        %select_n3A_117 = arith.select %select_n3A_116, %sub3A_115, %select_n3A_103 : i32
        %eq3A_118 = arith.constant -1 : i32
        %eq3A_119 = arith.cmpi eq, %select_n3A_117, %eq3A_118 : i32
        %sub3A_120 = arith.constant 1 : i32
        %sub3A_121 = arith.subi %select_n3A, %sub3A_120 : i32
        %select_n3A_122 = arith.select %eq3A_119, %sub3A_121, %select_n3A_117 : i32
        %add3A_123 = arith.addi %select_n3A_122, %select_n3A_14 : i32
        %add3A_124 = arith.constant 1 : i32
        %add3A_125 = arith.addi %select_n3A_103, %add3A_124 : i32
        %select_n3A_126 = arith.constant true
        %select_n3A_127 = arith.select %select_n3A_126, %add3A_125, %select_n3A_103 : i32
        %eq3A_128 = arith.cmpi eq, %select_n3A_127, %select_n3A : i32
        %select_n3A_129 = arith.constant 0 : i32
        %select_n3A_130 = arith.select %eq3A_128, %select_n3A_129, %select_n3A_127 : i32
        %add3A_131 = arith.addi %select_n3A_130, %select_n3A_14 : i32
        %add3A_132 = arith.constant 1 : i32
        %add3A_133 = arith.addi %select_n3A_130, %add3A_132 : i32
        %select_n3A_134 = arith.constant true
        %select_n3A_135 = arith.select %select_n3A_134, %add3A_133, %select_n3A_130 : i32
        %eq3A_136 = arith.cmpi eq, %select_n3A_135, %select_n3A : i32
        %select_n3A_137 = arith.constant 0 : i32
        %select_n3A_138 = arith.select %eq3A_136, %select_n3A_137, %select_n3A_135 : i32
        %add3A_139 = arith.addi %select_n3A_138, %select_n3A_14 : i32
        %convert_element_type3A_140 = arith.extui %eq3A_112 : i1 to i32
        %cond3A_141 = arith.constant 0 : i32
        %cond3A_142 = arith.cmpi ne, %convert_element_type3A_140, %cond3A_141 : i32
        scf.if %cond3A_142 {
        } else {
        }
        %convert_element_type3A_143 = arith.extui %eq3A_112 : i1 to i32
        %cond3A_144 = arith.constant 0 : i32
        %cond3A_145 = arith.cmpi ne, %convert_element_type3A_143, %cond3A_144 : i32
        scf.if %cond3A_145 {
          "tpu.trace_start"() <{level = 10 : i32, message = "ep_finalize"}> : () -> ()
          %rem3A_146 = arith.constant 2 : i32
          %rem3A_147 = arith.remui %while3A_94#3, %rem3A_146 : i32
          %mul3A_148 = arith.constant 256 : i32
          %mul3A_149 = arith.muli %mul3A_148, %add3A_113 : i32
          %dma_wait3A = arith.constant 0 : i32
          %dma_wait3A_150 = arith.constant 0 : i32
          %dma_wait3A_151 = tpu.memref_slice %run_scoped3A_18[%rem3A_147, %dma_wait3A, %dma_wait3A_150] : memref<2x256x128xf32, #tpu.memory_space<vmem>> -> memref<1x256x128xf32, #tpu.memory_space<vmem>>
          %dma_wait3A_152 = tpu.memref_squeeze %dma_wait3A_151 : memref<1x256x128xf32, #tpu.memory_space<vmem>> -> memref<256x128xf32, #tpu.memory_space<vmem>>
          %dma_wait3A_153 = arith.constant 0 : i32
          %dma_wait3A_154 = tpu.memref_slice %arg4[%mul3A_149, %dma_wait3A_153] : memref<160000x128xf32, #tpu.memory_space<hbm>> -> memref<256x128xf32, #tpu.memory_space<hbm>>
          %dma_wait3A_155 = tpu.memref_slice %run_scoped3A_19[%rem3A_147] : memref<2x!tpu.dma_semaphore, #tpu.memory_space<semaphore_mem>> -> memref<1x!tpu.dma_semaphore, #tpu.memory_space<semaphore_mem>>
          %dma_wait3A_156 = tpu.memref_squeeze %dma_wait3A_155 : memref<1x!tpu.dma_semaphore, #tpu.memory_space<semaphore_mem>> -> memref<!tpu.dma_semaphore, #tpu.memory_space<semaphore_mem>>
          %dma_wait3A_157 = arith.constant 0 : i32
          %dma_wait3A_158 = tpu.memref_slice %arg4[%mul3A_149, %dma_wait3A_157] : memref<160000x128xf32, #tpu.memory_space<hbm>> -> memref<256x128xf32, #tpu.memory_space<hbm>>
          %dma_wait3A_159 = arith.constant 0 : i32
          %dma_wait3A_160 = arith.constant 0 : i32
          %dma_wait3A_161 = tpu.memref_slice %run_scoped3A_18[%rem3A_147, %dma_wait3A_159, %dma_wait3A_160] : memref<2x256x128xf32, #tpu.memory_space<vmem>> -> memref<1x256x128xf32, #tpu.memory_space<vmem>>
          %dma_wait3A_162 = tpu.memref_squeeze %dma_wait3A_161 : memref<1x256x128xf32, #tpu.memory_space<vmem>> -> memref<256x128xf32, #tpu.memory_space<vmem>>
          tpu.wait_dma2 semaphore(%dma_wait3A_156 : memref<!tpu.dma_semaphore, #tpu.memory_space<semaphore_mem>>) src(%dma_wait3A_162 : memref<256x128xf32, #tpu.memory_space<vmem>>) dst(%dma_wait3A_158 : memref<256x128xf32, #tpu.memory_space<hbm>>)
          "tpu.trace_stop"() : () -> ()
        } else {
        }
      } else {
      }
      tpu.yield
    }) : () -> ()
    return
  }
}

#map = affine_map<(d0, d1) -> (0, 0)>
#map1 = affine_map<(d0, d1) -> (0, 0, 0)>
module attributes {stable_mosaic.version = 14 : i64} {
  func.func @gather_kernel(%arg0: i32, %arg1: i32, %arg2: memref<320000x128xf32, #tpu.memory_space<hbm>>, %arg3: memref<625x2x128xi32, #tpu.memory_space<hbm>>, %arg4: memref<160000x128xf32, #tpu.memory_space<hbm>>, %arg5: memref<!tpu.dma_semaphore, #tpu.memory_space<semaphore_mem>>) attributes {dimension_semantics = [#tpu.dimension_semantics<core_parallel>, #tpu.dimension_semantics<subcore_parallel>], iteration_bounds = array<i64: 2, 16>, scalar_prefetch = 0 : i64, scratch_operands = 1 : i64, tpu.core_type = #tpu.core_type<sc_vector_subcore>, window_params = [{transform_indices = #map}, {transform_indices = #map1}, {transform_indices = #map}]} {
    %mul3A = arith.constant 1 : i32
    %mul3A_0 = arith.muli %arg1, %mul3A : i32
    %add3A = arith.constant 0 : i32
    %add3A_1 = arith.addi %add3A, %mul3A_0 : i32
    %mul3A_2 = arith.constant 16 : i32
    %mul3A_3 = arith.muli %arg0, %mul3A_2 : i32
    %add3A_4 = arith.addi %add3A_1, %mul3A_3 : i32
    %lt3A = arith.constant 17 : i32
    %lt3A_5 = arith.cmpi slt, %add3A_4, %lt3A : i32
    %jit3A = arith.constant 20 : i32
    %jit3A_6 = arith.constant 19 : i32
    %select_n3A = arith.select %lt3A_5, %jit3A, %jit3A_6 : i32
    %lt3A_7 = arith.constant 17 : i32
    %lt3A_8 = arith.cmpi slt, %add3A_4, %lt3A_7 : i32
    %mul3A_9 = arith.muli %add3A_4, %select_n3A : i32
    %mul3A_10 = arith.constant 19 : i32
    %mul3A_11 = arith.muli %add3A_4, %mul3A_10 : i32
    %add3A_12 = arith.constant 17 : i32
    %add3A_13 = arith.addi %mul3A_11, %add3A_12 : i32
    %select_n3A_14 = arith.select %lt3A_8, %mul3A_9, %add3A_13 : i32
    %mul3A_15 = arith.constant 1 : i32
    %mul3A_16 = arith.muli %mul3A_15, %select_n3A : i32
    "tpu.region"() ({
      %run_scoped3A = memref.alloca() : memref<2x1x2x128xi32, #tpu.memory_space<vmem>>
      %run_scoped3A_17 = tpu.sem_alloc : memref<2x!tpu.dma_semaphore, #tpu.memory_space<semaphore_mem>>
      %run_scoped3A_18 = memref.alloca() : memref<2x256x128xf32, #tpu.memory_space<vmem>>
      %run_scoped3A_19 = tpu.sem_alloc : memref<2x!tpu.dma_semaphore, #tpu.memory_space<semaphore_mem>>
      %gt3A = arith.constant 0 : i32
      %gt3A_20 = arith.cmpi sgt, %mul3A_16, %gt3A : i32
      %convert_element_type3A = arith.extui %gt3A_20 : i1 to i32
      %cond3A = arith.constant 0 : i32
      %cond3A_21 = arith.cmpi ne, %convert_element_type3A, %cond3A : i32
      scf.if %cond3A_21 {
        %mul3A_22 = arith.constant 1 : i32
        %mul3A_23 = arith.muli %mul3A_22, %select_n3A : i32
        %sub3A = arith.constant 1 : i32
        %sub3A_24 = arith.subi %mul3A_23, %sub3A : i32
        %eq3A = arith.constant 0 : i32
        %eq3A_25 = arith.cmpi eq, %sub3A_24, %eq3A : i32
        %add3A_26 = arith.constant 0 : i32
        %add3A_27 = arith.addi %add3A_26, %select_n3A_14 : i32
        %select_n3A_28 = arith.constant true
        %select_n3A_29 = arith.constant 0 : i32
        %select_n3A_30 = arith.constant -1 : i32
        %select_n3A_31 = arith.select %select_n3A_28, %select_n3A_30, %select_n3A_29 : i32
        %eq3A_32 = arith.constant -1 : i32
        %eq3A_33 = arith.cmpi eq, %select_n3A_31, %eq3A_32 : i32
        %sub3A_34 = arith.constant 1 : i32
        %sub3A_35 = arith.subi %select_n3A, %sub3A_34 : i32
        %select_n3A_36 = arith.select %eq3A_33, %sub3A_35, %select_n3A_31 : i32
        %add3A_37 = arith.addi %select_n3A_36, %select_n3A_14 : i32
        %select_n3A_38 = arith.constant true
        %select_n3A_39 = arith.constant 0 : i32
        %select_n3A_40 = arith.constant 1 : i32
        %select_n3A_41 = arith.select %select_n3A_38, %select_n3A_40, %select_n3A_39 : i32
        %eq3A_42 = arith.cmpi eq, %select_n3A_41, %select_n3A : i32
        %select_n3A_43 = arith.constant 0 : i32
        %select_n3A_44 = arith.select %eq3A_42, %select_n3A_43, %select_n3A_41 : i32
        %add3A_45 = arith.addi %select_n3A_44, %select_n3A_14 : i32
        %add3A_46 = arith.constant 1 : i32
        %add3A_47 = arith.addi %select_n3A_44, %add3A_46 : i32
        %select_n3A_48 = arith.constant true
        %select_n3A_49 = arith.select %select_n3A_48, %add3A_47, %select_n3A_44 : i32
        %eq3A_50 = arith.cmpi eq, %select_n3A_49, %select_n3A : i32
        %select_n3A_51 = arith.constant 0 : i32
        %select_n3A_52 = arith.select %eq3A_50, %select_n3A_51, %select_n3A_49 : i32
        %add3A_53 = arith.addi %select_n3A_52, %select_n3A_14 : i32
        "tpu.trace_start"() <{level = 10 : i32, message = "ep_initialize_0"}> : () -> ()
        %rem3A = arith.constant 0 : i32
        %rem3A_54 = arith.constant 2 : i32
        %rem3A_55 = arith.remui %rem3A, %rem3A_54 : i32
        %mul3A_56 = arith.constant 1 : i32
        %mul3A_57 = arith.muli %mul3A_56, %add3A_27 : i32
        %dma_start3A = arith.constant 0 : i32
        %dma_start3A_58 = arith.constant 0 : i32
        %dma_start3A_59 = arith.constant 0 : i32
        %dma_start3A_60 = tpu.memref_slice %run_scoped3A[%rem3A_55, %dma_start3A, %dma_start3A_58, %dma_start3A_59] : memref<2x1x2x128xi32, #tpu.memory_space<vmem>> -> memref<1x1x2x128xi32, #tpu.memory_space<vmem>>
        %dma_start3A_61 = tpu.memref_squeeze %dma_start3A_60 : memref<1x1x2x128xi32, #tpu.memory_space<vmem>> -> memref<1x2x128xi32, #tpu.memory_space<vmem>>
        %dma_start3A_62 = arith.constant 0 : i32
        %dma_start3A_63 = arith.constant 0 : i32
        %dma_start3A_64 = tpu.memref_slice %arg3[%mul3A_57, %dma_start3A_62, %dma_start3A_63] : memref<625x2x128xi32, #tpu.memory_space<hbm>> -> memref<1x2x128xi32, #tpu.memory_space<hbm>>
        %dma_start3A_65 = tpu.memref_slice %run_scoped3A_17[%rem3A_55] : memref<2x!tpu.dma_semaphore, #tpu.memory_space<semaphore_mem>> -> memref<1x!tpu.dma_semaphore, #tpu.memory_space<semaphore_mem>>
        %dma_start3A_66 = tpu.memref_squeeze %dma_start3A_65 : memref<1x!tpu.dma_semaphore, #tpu.memory_space<semaphore_mem>> -> memref<!tpu.dma_semaphore, #tpu.memory_space<semaphore_mem>>
        %dma_start3A_67 = arith.constant 0 : i32
        %dma_start3A_68 = arith.constant 0 : i32
        %dma_start3A_69 = arith.constant 0 : i32
        %dma_start3A_70 = tpu.memref_slice %run_scoped3A[%rem3A_55, %dma_start3A_67, %dma_start3A_68, %dma_start3A_69] : memref<2x1x2x128xi32, #tpu.memory_space<vmem>> -> memref<1x1x2x128xi32, #tpu.memory_space<vmem>>
        %dma_start3A_71 = tpu.memref_squeeze %dma_start3A_70 : memref<1x1x2x128xi32, #tpu.memory_space<vmem>> -> memref<1x2x128xi32, #tpu.memory_space<vmem>>
        %dma_start3A_72 = arith.constant 0 : i32
        %dma_start3A_73 = arith.constant 0 : i32
        %dma_start3A_74 = tpu.memref_slice %arg3[%mul3A_57, %dma_start3A_72, %dma_start3A_73] : memref<625x2x128xi32, #tpu.memory_space<hbm>> -> memref<1x2x128xi32, #tpu.memory_space<hbm>>
        tpu.enqueue_dma source(%dma_start3A_74 : memref<1x2x128xi32, #tpu.memory_space<hbm>>) target(%dma_start3A_71 : memref<1x2x128xi32, #tpu.memory_space<vmem>>) target_semaphore(%dma_start3A_66 : memref<!tpu.dma_semaphore, #tpu.memory_space<semaphore_mem>>)
        %add3A_75 = arith.constant 0 : i32
        %add3A_76 = arith.constant 1 : i32
        %add3A_77 = arith.addi %add3A_75, %add3A_76 : i32
        %select_n3A_78 = arith.constant true
        %select_n3A_79 = arith.constant 0 : i32
        %select_n3A_80 = arith.select %select_n3A_78, %add3A_77, %select_n3A_79 : i32
        %while3A = arith.constant 0 : i32
        %while3A_81 = arith.constant 0 : i32
        %while3A_82 = arith.constant 0 : i32
        %while3A_83 = arith.constant 0 : i32
        %while3A_84 = arith.constant 0 : i32
        "tpu.trace_stop"() : () -> ()
        %while3A_85 = arith.subi %mul3A_16, %while3A : i32
        %while3A_86 = arith.addi %while3A, %while3A_85 : i32
        %while3A_87 = arith.constant 1 : i32
        %while3A_88 = arith.divsi %while3A_85, %while3A_87 : i32
        %while3A_89 = arith.muli %while3A_88, %while3A_87 : i32
        %while3A_90 = arith.addi %while3A, %while3A_89 : i32
        %while3A_91 = arith.constant 1 : i32
        %while3A_92:5 = scf.for %while3A_146 = %while3A to %while3A_90 step %while3A_91 iter_args(%while3A_147 = %select_n3A_80, %while3A_148 = %while3A_81, %while3A_149 = %while3A_82, %while3A_150 = %while3A_83, %while3A_151 = %while3A_84) -> (i32, i32, i32, i32, i32)  : i32 {
          %mul3A_152 = arith.constant 1 : i32
          %mul3A_153 = arith.muli %mul3A_152, %select_n3A : i32
          %eq3A_154 = arith.constant 0 : i32
          %eq3A_155 = arith.cmpi eq, %while3A_146, %eq3A_154 : i32
          %sub3A_156 = arith.constant 1 : i32
          %sub3A_157 = arith.subi %mul3A_153, %sub3A_156 : i32
          %eq3A_158 = arith.cmpi eq, %while3A_146, %sub3A_157 : i32
          %add3A_159 = arith.addi %while3A_151, %select_n3A_14 : i32
          %sub3A_160 = arith.constant 1 : i32
          %sub3A_161 = arith.subi %while3A_151, %sub3A_160 : i32
          %select_n3A_162 = arith.constant true
          %select_n3A_163 = arith.select %select_n3A_162, %sub3A_161, %while3A_151 : i32
          %eq3A_164 = arith.constant -1 : i32
          %eq3A_165 = arith.cmpi eq, %select_n3A_163, %eq3A_164 : i32
          %sub3A_166 = arith.constant 1 : i32
          %sub3A_167 = arith.subi %select_n3A, %sub3A_166 : i32
          %select_n3A_168 = arith.select %eq3A_165, %sub3A_167, %select_n3A_163 : i32
          %add3A_169 = arith.addi %select_n3A_168, %select_n3A_14 : i32
          %add3A_170 = arith.constant 1 : i32
          %add3A_171 = arith.addi %while3A_151, %add3A_170 : i32
          %select_n3A_172 = arith.constant true
          %select_n3A_173 = arith.select %select_n3A_172, %add3A_171, %while3A_151 : i32
          %eq3A_174 = arith.cmpi eq, %select_n3A_173, %select_n3A : i32
          %select_n3A_175 = arith.constant 0 : i32
          %select_n3A_176 = arith.select %eq3A_174, %select_n3A_175, %select_n3A_173 : i32
          %add3A_177 = arith.addi %select_n3A_176, %select_n3A_14 : i32
          %add3A_178 = arith.constant 1 : i32
          %add3A_179 = arith.addi %select_n3A_176, %add3A_178 : i32
          %select_n3A_180 = arith.constant true
          %select_n3A_181 = arith.select %select_n3A_180, %add3A_179, %select_n3A_176 : i32
          %eq3A_182 = arith.cmpi eq, %select_n3A_181, %select_n3A : i32
          %select_n3A_183 = arith.constant 0 : i32
          %select_n3A_184 = arith.select %eq3A_182, %select_n3A_183, %select_n3A_181 : i32
          %add3A_185 = arith.addi %select_n3A_184, %select_n3A_14 : i32
          %ne3A = arith.cmpi ne, %add3A_159, %add3A_177 : i32
          %or3A = arith.constant false
          %or3A_186 = arith.ori %or3A, %ne3A : i1
          %or3A_187 = arith.constant false
          %or3A_188 = arith.ori %or3A_186, %or3A_187 : i1
          %or3A_189 = arith.constant false
          %or3A_190 = arith.ori %or3A_188, %or3A_189 : i1
          %sub3A_191 = arith.constant 2 : i32
          %sub3A_192 = arith.subi %mul3A_153, %sub3A_191 : i32
          %add3A_193 = arith.constant 1 : i32
          %add3A_194 = arith.addi %sub3A_192, %add3A_193 : i32
          %ge3A = arith.cmpi sge, %while3A_146, %add3A_194 : i32
          %not3A = arith.constant true
          %not3A_195 = arith.xori %ge3A, %not3A : i1
          %and3A = arith.andi %or3A_190, %not3A_195 : i1
          %convert_element_type3A_196 = arith.extui %and3A : i1 to i32
          %cond3A_197 = arith.constant 0 : i32
          %cond3A_198 = arith.cmpi ne, %convert_element_type3A_196, %cond3A_197 : i32
          scf.if %cond3A_198 {
            "tpu.trace_start"() <{level = 10 : i32, message = "ep_copy_in"}> : () -> ()
            %rem3A_396 = arith.constant 2 : i32
            %rem3A_397 = arith.remui %while3A_147, %rem3A_396 : i32
            %mul3A_398 = arith.constant 1 : i32
            %mul3A_399 = arith.muli %mul3A_398, %add3A_177 : i32
            %dma_start3A_400 = arith.constant 0 : i32
            %dma_start3A_401 = arith.constant 0 : i32
            %dma_start3A_402 = arith.constant 0 : i32
            %dma_start3A_403 = tpu.memref_slice %run_scoped3A[%rem3A_397, %dma_start3A_400, %dma_start3A_401, %dma_start3A_402] : memref<2x1x2x128xi32, #tpu.memory_space<vmem>> -> memref<1x1x2x128xi32, #tpu.memory_space<vmem>>
            %dma_start3A_404 = tpu.memref_squeeze %dma_start3A_403 : memref<1x1x2x128xi32, #tpu.memory_space<vmem>> -> memref<1x2x128xi32, #tpu.memory_space<vmem>>
            %dma_start3A_405 = arith.constant 0 : i32
            %dma_start3A_406 = arith.constant 0 : i32
            %dma_start3A_407 = tpu.memref_slice %arg3[%mul3A_399, %dma_start3A_405, %dma_start3A_406] : memref<625x2x128xi32, #tpu.memory_space<hbm>> -> memref<1x2x128xi32, #tpu.memory_space<hbm>>
            %dma_start3A_408 = tpu.memref_slice %run_scoped3A_17[%rem3A_397] : memref<2x!tpu.dma_semaphore, #tpu.memory_space<semaphore_mem>> -> memref<1x!tpu.dma_semaphore, #tpu.memory_space<semaphore_mem>>
            %dma_start3A_409 = tpu.memref_squeeze %dma_start3A_408 : memref<1x!tpu.dma_semaphore, #tpu.memory_space<semaphore_mem>> -> memref<!tpu.dma_semaphore, #tpu.memory_space<semaphore_mem>>
            %dma_start3A_410 = arith.constant 0 : i32
            %dma_start3A_411 = arith.constant 0 : i32
            %dma_start3A_412 = arith.constant 0 : i32
            %dma_start3A_413 = tpu.memref_slice %run_scoped3A[%rem3A_397, %dma_start3A_410, %dma_start3A_411, %dma_start3A_412] : memref<2x1x2x128xi32, #tpu.memory_space<vmem>> -> memref<1x1x2x128xi32, #tpu.memory_space<vmem>>
            %dma_start3A_414 = tpu.memref_squeeze %dma_start3A_413 : memref<1x1x2x128xi32, #tpu.memory_space<vmem>> -> memref<1x2x128xi32, #tpu.memory_space<vmem>>
            %dma_start3A_415 = arith.constant 0 : i32
            %dma_start3A_416 = arith.constant 0 : i32
            %dma_start3A_417 = tpu.memref_slice %arg3[%mul3A_399, %dma_start3A_415, %dma_start3A_416] : memref<625x2x128xi32, #tpu.memory_space<hbm>> -> memref<1x2x128xi32, #tpu.memory_space<hbm>>
            tpu.enqueue_dma source(%dma_start3A_417 : memref<1x2x128xi32, #tpu.memory_space<hbm>>) target(%dma_start3A_414 : memref<1x2x128xi32, #tpu.memory_space<vmem>>) target_semaphore(%dma_start3A_409 : memref<!tpu.dma_semaphore, #tpu.memory_space<semaphore_mem>>)
            "tpu.trace_stop"() : () -> ()
          } else {
          }
          %and3A_199 = arith.constant true
          %and3A_200 = arith.andi %and3A, %and3A_199 : i1
          %add3A_201 = arith.constant 1 : i32
          %add3A_202 = arith.addi %while3A_147, %add3A_201 : i32
          %select_n3A_203 = arith.select %and3A_200, %add3A_202, %while3A_147 : i32
          %ne3A_204 = arith.cmpi ne, %add3A_159, %add3A_177 : i32
          %or3A_205 = arith.constant false
          %or3A_206 = arith.ori %or3A_205, %ne3A_204 : i1
          %or3A_207 = arith.constant false
          %or3A_208 = arith.ori %or3A_206, %or3A_207 : i1
          %sub3A_209 = arith.constant 2 : i32
          %sub3A_210 = arith.subi %mul3A_153, %sub3A_209 : i32
          %add3A_211 = arith.constant 1 : i32
          %add3A_212 = arith.addi %sub3A_210, %add3A_211 : i32
          %ge3A_213 = arith.cmpi sge, %while3A_146, %add3A_212 : i32
          %not3A_214 = arith.constant true
          %not3A_215 = arith.xori %ge3A_213, %not3A_214 : i1
          %and3A_216 = arith.andi %or3A_208, %not3A_215 : i1
          %ne3A_217 = arith.cmpi ne, %add3A_159, %add3A_169 : i32
          %or3A_218 = arith.constant false
          %or3A_219 = arith.ori %or3A_218, %ne3A_217 : i1
          %or3A_220 = arith.constant false
          %or3A_221 = arith.ori %or3A_219, %or3A_220 : i1
          %or3A_222 = arith.constant false
          %or3A_223 = arith.ori %or3A_221, %or3A_222 : i1
          %or3A_224 = arith.ori %or3A_223, %eq3A_155 : i1
          %convert_element_type3A_225 = arith.extui %or3A_224 : i1 to i32
          %cond3A_226 = arith.constant 0 : i32
          %cond3A_227 = arith.cmpi ne, %convert_element_type3A_225, %cond3A_226 : i32
          scf.if %cond3A_227 {
            "tpu.trace_start"() <{level = 10 : i32, message = "ep_wait_in"}> : () -> ()
            %mul3A_396 = arith.constant 1 : i32
            %mul3A_397 = arith.muli %mul3A_396, %add3A_159 : i32
            %rem3A_398 = arith.constant 2 : i32
            %rem3A_399 = arith.remui %while3A_148, %rem3A_398 : i32
            %dma_wait3A_400 = arith.constant 0 : i32
            %dma_wait3A_401 = arith.constant 0 : i32
            %dma_wait3A_402 = arith.constant 0 : i32
            %dma_wait3A_403 = tpu.memref_slice %run_scoped3A[%rem3A_399, %dma_wait3A_400, %dma_wait3A_401, %dma_wait3A_402] : memref<2x1x2x128xi32, #tpu.memory_space<vmem>> -> memref<1x1x2x128xi32, #tpu.memory_space<vmem>>
            %dma_wait3A_404 = tpu.memref_squeeze %dma_wait3A_403 : memref<1x1x2x128xi32, #tpu.memory_space<vmem>> -> memref<1x2x128xi32, #tpu.memory_space<vmem>>
            %dma_wait3A_405 = arith.constant 0 : i32
            %dma_wait3A_406 = arith.constant 0 : i32
            %dma_wait3A_407 = tpu.memref_slice %arg3[%mul3A_397, %dma_wait3A_405, %dma_wait3A_406] : memref<625x2x128xi32, #tpu.memory_space<hbm>> -> memref<1x2x128xi32, #tpu.memory_space<hbm>>
            %dma_wait3A_408 = tpu.memref_slice %run_scoped3A_17[%rem3A_399] : memref<2x!tpu.dma_semaphore, #tpu.memory_space<semaphore_mem>> -> memref<1x!tpu.dma_semaphore, #tpu.memory_space<semaphore_mem>>
            %dma_wait3A_409 = tpu.memref_squeeze %dma_wait3A_408 : memref<1x!tpu.dma_semaphore, #tpu.memory_space<semaphore_mem>> -> memref<!tpu.dma_semaphore, #tpu.memory_space<semaphore_mem>>
            %dma_wait3A_410 = arith.constant 0 : i32
            %dma_wait3A_411 = arith.constant 0 : i32
            %dma_wait3A_412 = arith.constant 0 : i32
            %dma_wait3A_413 = tpu.memref_slice %run_scoped3A[%rem3A_399, %dma_wait3A_410, %dma_wait3A_411, %dma_wait3A_412] : memref<2x1x2x128xi32, #tpu.memory_space<vmem>> -> memref<1x1x2x128xi32, #tpu.memory_space<vmem>>
            %dma_wait3A_414 = tpu.memref_squeeze %dma_wait3A_413 : memref<1x1x2x128xi32, #tpu.memory_space<vmem>> -> memref<1x2x128xi32, #tpu.memory_space<vmem>>
            %dma_wait3A_415 = arith.constant 0 : i32
            %dma_wait3A_416 = arith.constant 0 : i32
            %dma_wait3A_417 = tpu.memref_slice %arg3[%mul3A_397, %dma_wait3A_415, %dma_wait3A_416] : memref<625x2x128xi32, #tpu.memory_space<hbm>> -> memref<1x2x128xi32, #tpu.memory_space<hbm>>
            tpu.wait_dma2 semaphore(%dma_wait3A_409 : memref<!tpu.dma_semaphore, #tpu.memory_space<semaphore_mem>>) src(%dma_wait3A_417 : memref<1x2x128xi32, #tpu.memory_space<hbm>>) dst(%dma_wait3A_414 : memref<1x2x128xi32, #tpu.memory_space<vmem>>)
            "tpu.trace_stop"() : () -> ()
          } else {
          }
          %ne3A_228 = arith.cmpi ne, %add3A_159, %add3A_169 : i32
          %or3A_229 = arith.constant false
          %or3A_230 = arith.ori %or3A_229, %ne3A_228 : i1
          %or3A_231 = arith.constant false
          %or3A_232 = arith.ori %or3A_230, %or3A_231 : i1
          %or3A_233 = arith.ori %or3A_232, %eq3A_155 : i1
          %convert_element_type3A_234 = arith.extui %or3A_233 : i1 to i32
          %cond3A_235 = arith.constant 0 : i32
          %cond3A_236 = arith.cmpi ne, %convert_element_type3A_234, %cond3A_235 : i32
          scf.if %cond3A_236 {
          } else {
          }
          %rem3A_237 = arith.constant 2 : i32
          %rem3A_238 = arith.remui %while3A_148, %rem3A_237 : i32
          %rem3A_239 = arith.constant 2 : i32
          %rem3A_240 = arith.remui %while3A_149, %rem3A_239 : i32
          %dma_start3A_241 = arith.constant 0 : i32
          %dma_start3A_242 = arith.constant 0 : i32
          "tpu.trace_start"() <{level = 10 : i32, message = "ep_run_kernel"}> : () -> ()
          %dma_start3A_243 = arith.constant 0 : i32
          %dma_start3A_244 = arith.constant 0 : i32
          %dma_start3A_245 = tpu.memref_slice %run_scoped3A_18[%rem3A_240, %dma_start3A_243, %dma_start3A_244] : memref<2x256x128xf32, #tpu.memory_space<vmem>> -> memref<1x256x128xf32, #tpu.memory_space<vmem>>
          %dma_start3A_246 = tpu.memref_squeeze %dma_start3A_245 : memref<1x256x128xf32, #tpu.memory_space<vmem>> -> memref<256x128xf32, #tpu.memory_space<vmem>>
          %dma_start3A_247 = arith.constant 0 : i32
          %dma_start3A_248 = arith.constant 0 : i32
          %dma_start3A_249 = tpu.memref_slice %dma_start3A_246[%dma_start3A_247, %dma_start3A_248] : memref<256x128xf32, #tpu.memory_space<vmem>> -> memref<128x128xf32, #tpu.memory_space<vmem>>
          %dma_start3A_250 = arith.constant 0 : i32
          %dma_start3A_251 = arith.constant 0 : i32
          %dma_start3A_252 = arith.constant 0 : i32
          %dma_start3A_253 = tpu.memref_slice %run_scoped3A[%rem3A_238, %dma_start3A_250, %dma_start3A_251, %dma_start3A_252] : memref<2x1x2x128xi32, #tpu.memory_space<vmem>> -> memref<1x1x2x128xi32, #tpu.memory_space<vmem>>
          %dma_start3A_254 = tpu.memref_squeeze %dma_start3A_253 : memref<1x1x2x128xi32, #tpu.memory_space<vmem>> -> memref<1x2x128xi32, #tpu.memory_space<vmem>>
          %dma_start3A_255 = arith.constant 0 : i32
          %dma_start3A_256 = tpu.memref_slice %dma_start3A_254[%dma_start3A_241, %dma_start3A_242, %dma_start3A_255] : memref<1x2x128xi32, #tpu.memory_space<vmem>> -> memref<1x1x128xi32, #tpu.memory_space<vmem>>
          %dma_start3A_257 = tpu.memref_squeeze %dma_start3A_256 : memref<1x1x128xi32, #tpu.memory_space<vmem>> -> memref<128xi32, #tpu.memory_space<vmem>>
          %dma_start3A_258 = arith.constant 0 : i32
          %dma_start3A_259 = arith.constant 0 : i32
          %dma_start3A_260 = tpu.memref_slice %arg2[%dma_start3A_258, %dma_start3A_259] : memref<320000x128xf32, #tpu.memory_space<hbm>> -> memref<320000x128xf32, #tpu.memory_space<hbm>>
          tpu.enqueue_indirect_dma source(%dma_start3A_260 : memref<320000x128xf32, #tpu.memory_space<hbm>>) target(%dma_start3A_249 : memref<128x128xf32, #tpu.memory_space<vmem>>) offsets(%dma_start3A_257 : memref<128xi32, #tpu.memory_space<vmem>>) semaphore(%arg5 : memref<!tpu.dma_semaphore, #tpu.memory_space<semaphore_mem>>)
          %dma_start3A_261 = arith.constant 0 : i32
          %dma_start3A_262 = arith.constant 1 : i32
          %dma_start3A_263 = arith.constant 0 : i32
          %dma_start3A_264 = arith.constant 0 : i32
          %dma_start3A_265 = tpu.memref_slice %run_scoped3A_18[%rem3A_240, %dma_start3A_263, %dma_start3A_264] : memref<2x256x128xf32, #tpu.memory_space<vmem>> -> memref<1x256x128xf32, #tpu.memory_space<vmem>>
          %dma_start3A_266 = tpu.memref_squeeze %dma_start3A_265 : memref<1x256x128xf32, #tpu.memory_space<vmem>> -> memref<256x128xf32, #tpu.memory_space<vmem>>
          %dma_start3A_267 = arith.constant 128 : i32
          %dma_start3A_268 = arith.constant 0 : i32
          %dma_start3A_269 = tpu.memref_slice %dma_start3A_266[%dma_start3A_267, %dma_start3A_268] : memref<256x128xf32, #tpu.memory_space<vmem>> -> memref<128x128xf32, #tpu.memory_space<vmem>>
          %dma_start3A_270 = arith.constant 0 : i32
          %dma_start3A_271 = arith.constant 0 : i32
          %dma_start3A_272 = arith.constant 0 : i32
          %dma_start3A_273 = tpu.memref_slice %run_scoped3A[%rem3A_238, %dma_start3A_270, %dma_start3A_271, %dma_start3A_272] : memref<2x1x2x128xi32, #tpu.memory_space<vmem>> -> memref<1x1x2x128xi32, #tpu.memory_space<vmem>>
          %dma_start3A_274 = tpu.memref_squeeze %dma_start3A_273 : memref<1x1x2x128xi32, #tpu.memory_space<vmem>> -> memref<1x2x128xi32, #tpu.memory_space<vmem>>
          %dma_start3A_275 = arith.constant 0 : i32
          %dma_start3A_276 = tpu.memref_slice %dma_start3A_274[%dma_start3A_261, %dma_start3A_262, %dma_start3A_275] : memref<1x2x128xi32, #tpu.memory_space<vmem>> -> memref<1x1x128xi32, #tpu.memory_space<vmem>>
          %dma_start3A_277 = tpu.memref_squeeze %dma_start3A_276 : memref<1x1x128xi32, #tpu.memory_space<vmem>> -> memref<128xi32, #tpu.memory_space<vmem>>
          %dma_start3A_278 = arith.constant 0 : i32
          %dma_start3A_279 = arith.constant 0 : i32
          %dma_start3A_280 = tpu.memref_slice %arg2[%dma_start3A_278, %dma_start3A_279] : memref<320000x128xf32, #tpu.memory_space<hbm>> -> memref<320000x128xf32, #tpu.memory_space<hbm>>
          tpu.enqueue_indirect_dma source(%dma_start3A_280 : memref<320000x128xf32, #tpu.memory_space<hbm>>) target(%dma_start3A_269 : memref<128x128xf32, #tpu.memory_space<vmem>>) offsets(%dma_start3A_277 : memref<128xi32, #tpu.memory_space<vmem>>) semaphore(%arg5 : memref<!tpu.dma_semaphore, #tpu.memory_space<semaphore_mem>>)
          %dma_wait3A = arith.constant 0 : i32
          %dma_wait3A_281 = arith.constant 0 : i32
          %dma_wait3A_282 = arith.constant 0 : i32
          %dma_wait3A_283 = arith.constant 0 : i32
          %dma_wait3A_284 = tpu.memref_slice %run_scoped3A_18[%rem3A_240, %dma_wait3A_282, %dma_wait3A_283] : memref<2x256x128xf32, #tpu.memory_space<vmem>> -> memref<1x256x128xf32, #tpu.memory_space<vmem>>
          %dma_wait3A_285 = tpu.memref_squeeze %dma_wait3A_284 : memref<1x256x128xf32, #tpu.memory_space<vmem>> -> memref<256x128xf32, #tpu.memory_space<vmem>>
          %dma_wait3A_286 = arith.constant 0 : i32
          %dma_wait3A_287 = arith.constant 0 : i32
          %dma_wait3A_288 = tpu.memref_slice %dma_wait3A_285[%dma_wait3A_286, %dma_wait3A_287] : memref<256x128xf32, #tpu.memory_space<vmem>> -> memref<128x128xf32, #tpu.memory_space<vmem>>
          %dma_wait3A_289 = arith.constant 0 : i32
          %dma_wait3A_290 = arith.constant 0 : i32
          %dma_wait3A_291 = arith.constant 0 : i32
          %dma_wait3A_292 = tpu.memref_slice %run_scoped3A[%rem3A_238, %dma_wait3A_289, %dma_wait3A_290, %dma_wait3A_291] : memref<2x1x2x128xi32, #tpu.memory_space<vmem>> -> memref<1x1x2x128xi32, #tpu.memory_space<vmem>>
          %dma_wait3A_293 = tpu.memref_squeeze %dma_wait3A_292 : memref<1x1x2x128xi32, #tpu.memory_space<vmem>> -> memref<1x2x128xi32, #tpu.memory_space<vmem>>
          %dma_wait3A_294 = arith.constant 0 : i32
          %dma_wait3A_295 = tpu.memref_slice %dma_wait3A_293[%dma_wait3A, %dma_wait3A_281, %dma_wait3A_294] : memref<1x2x128xi32, #tpu.memory_space<vmem>> -> memref<1x1x128xi32, #tpu.memory_space<vmem>>
          %dma_wait3A_296 = tpu.memref_squeeze %dma_wait3A_295 : memref<1x1x128xi32, #tpu.memory_space<vmem>> -> memref<128xi32, #tpu.memory_space<vmem>>
          %dma_wait3A_297 = arith.constant 0 : i32
          %dma_wait3A_298 = arith.constant 0 : i32
          %dma_wait3A_299 = tpu.memref_slice %arg2[%dma_wait3A_297, %dma_wait3A_298] : memref<320000x128xf32, #tpu.memory_space<hbm>> -> memref<320000x128xf32, #tpu.memory_space<hbm>>
          tpu.wait_indirect_dma semaphore(%arg5 : memref<!tpu.dma_semaphore, #tpu.memory_space<semaphore_mem>>) src(%dma_wait3A_299 : memref<320000x128xf32, #tpu.memory_space<hbm>>) dst(%dma_wait3A_288 : memref<128x128xf32, #tpu.memory_space<vmem>>)
          %dma_wait3A_300 = arith.constant 0 : i32
          %dma_wait3A_301 = arith.constant 1 : i32
          %dma_wait3A_302 = arith.constant 0 : i32
          %dma_wait3A_303 = arith.constant 0 : i32
          %dma_wait3A_304 = tpu.memref_slice %run_scoped3A_18[%rem3A_240, %dma_wait3A_302, %dma_wait3A_303] : memref<2x256x128xf32, #tpu.memory_space<vmem>> -> memref<1x256x128xf32, #tpu.memory_space<vmem>>
          %dma_wait3A_305 = tpu.memref_squeeze %dma_wait3A_304 : memref<1x256x128xf32, #tpu.memory_space<vmem>> -> memref<256x128xf32, #tpu.memory_space<vmem>>
          %dma_wait3A_306 = arith.constant 128 : i32
          %dma_wait3A_307 = arith.constant 0 : i32
          %dma_wait3A_308 = tpu.memref_slice %dma_wait3A_305[%dma_wait3A_306, %dma_wait3A_307] : memref<256x128xf32, #tpu.memory_space<vmem>> -> memref<128x128xf32, #tpu.memory_space<vmem>>
          %dma_wait3A_309 = arith.constant 0 : i32
          %dma_wait3A_310 = arith.constant 0 : i32
          %dma_wait3A_311 = arith.constant 0 : i32
          %dma_wait3A_312 = tpu.memref_slice %run_scoped3A[%rem3A_238, %dma_wait3A_309, %dma_wait3A_310, %dma_wait3A_311] : memref<2x1x2x128xi32, #tpu.memory_space<vmem>> -> memref<1x1x2x128xi32, #tpu.memory_space<vmem>>
          %dma_wait3A_313 = tpu.memref_squeeze %dma_wait3A_312 : memref<1x1x2x128xi32, #tpu.memory_space<vmem>> -> memref<1x2x128xi32, #tpu.memory_space<vmem>>
          %dma_wait3A_314 = arith.constant 0 : i32
          %dma_wait3A_315 = tpu.memref_slice %dma_wait3A_313[%dma_wait3A_300, %dma_wait3A_301, %dma_wait3A_314] : memref<1x2x128xi32, #tpu.memory_space<vmem>> -> memref<1x1x128xi32, #tpu.memory_space<vmem>>
          %dma_wait3A_316 = tpu.memref_squeeze %dma_wait3A_315 : memref<1x1x128xi32, #tpu.memory_space<vmem>> -> memref<128xi32, #tpu.memory_space<vmem>>
          %dma_wait3A_317 = arith.constant 0 : i32
          %dma_wait3A_318 = arith.constant 0 : i32
          %dma_wait3A_319 = tpu.memref_slice %arg2[%dma_wait3A_317, %dma_wait3A_318] : memref<320000x128xf32, #tpu.memory_space<hbm>> -> memref<320000x128xf32, #tpu.memory_space<hbm>>
          tpu.wait_indirect_dma semaphore(%arg5 : memref<!tpu.dma_semaphore, #tpu.memory_space<semaphore_mem>>) src(%dma_wait3A_319 : memref<320000x128xf32, #tpu.memory_space<hbm>>) dst(%dma_wait3A_308 : memref<128x128xf32, #tpu.memory_space<vmem>>)
          "tpu.trace_stop"() : () -> ()
          %ne3A_320 = arith.cmpi ne, %add3A_159, %add3A_177 : i32
          %or3A_321 = arith.constant false
          %or3A_322 = arith.ori %or3A_321, %ne3A_320 : i1
          %or3A_323 = arith.constant false
          %or3A_324 = arith.ori %or3A_322, %or3A_323 : i1
          %or3A_325 = arith.constant false
          %or3A_326 = arith.ori %or3A_324, %or3A_325 : i1
          %or3A_327 = arith.ori %or3A_326, %eq3A_158 : i1
          %convert_element_type3A_328 = arith.extui %or3A_327 : i1 to i32
          %cond3A_329 = arith.constant 0 : i32
          %cond3A_330 = arith.cmpi ne, %convert_element_type3A_328, %cond3A_329 : i32
          scf.if %cond3A_330 {
          } else {
          }
          %and3A_331 = arith.constant false
          %and3A_332 = arith.andi %or3A_327, %and3A_331 : i1
          %ne3A_333 = arith.cmpi ne, %add3A_159, %add3A_177 : i32
          %or3A_334 = arith.constant false
          %or3A_335 = arith.ori %or3A_334, %ne3A_333 : i1
          %or3A_336 = arith.constant false
          %or3A_337 = arith.ori %or3A_335, %or3A_336 : i1
          %or3A_338 = arith.ori %or3A_337, %eq3A_158 : i1
          %convert_element_type3A_339 = arith.extui %or3A_338 : i1 to i32
          %cond3A_340 = arith.constant 0 : i32
          %cond3A_341 = arith.cmpi ne, %convert_element_type3A_339, %cond3A_340 : i32
          scf.if %cond3A_341 {
            "tpu.trace_start"() <{level = 10 : i32, message = "ep_copy_out"}> : () -> ()
            %rem3A_396 = arith.constant 2 : i32
            %rem3A_397 = arith.remui %while3A_149, %rem3A_396 : i32
            %mul3A_398 = arith.constant 256 : i32
            %mul3A_399 = arith.muli %mul3A_398, %add3A_159 : i32
            %dma_start3A_400 = arith.constant 0 : i32
            %dma_start3A_401 = arith.constant 0 : i32
            %dma_start3A_402 = tpu.memref_slice %run_scoped3A_18[%rem3A_397, %dma_start3A_400, %dma_start3A_401] : memref<2x256x128xf32, #tpu.memory_space<vmem>> -> memref<1x256x128xf32, #tpu.memory_space<vmem>>
            %dma_start3A_403 = tpu.memref_squeeze %dma_start3A_402 : memref<1x256x128xf32, #tpu.memory_space<vmem>> -> memref<256x128xf32, #tpu.memory_space<vmem>>
            %dma_start3A_404 = arith.constant 0 : i32
            %dma_start3A_405 = tpu.memref_slice %arg4[%mul3A_399, %dma_start3A_404] : memref<160000x128xf32, #tpu.memory_space<hbm>> -> memref<256x128xf32, #tpu.memory_space<hbm>>
            %dma_start3A_406 = tpu.memref_slice %run_scoped3A_19[%rem3A_397] : memref<2x!tpu.dma_semaphore, #tpu.memory_space<semaphore_mem>> -> memref<1x!tpu.dma_semaphore, #tpu.memory_space<semaphore_mem>>
            %dma_start3A_407 = tpu.memref_squeeze %dma_start3A_406 : memref<1x!tpu.dma_semaphore, #tpu.memory_space<semaphore_mem>> -> memref<!tpu.dma_semaphore, #tpu.memory_space<semaphore_mem>>
            %dma_start3A_408 = arith.constant 0 : i32
            %dma_start3A_409 = tpu.memref_slice %arg4[%mul3A_399, %dma_start3A_408] : memref<160000x128xf32, #tpu.memory_space<hbm>> -> memref<256x128xf32, #tpu.memory_space<hbm>>
            %dma_start3A_410 = arith.constant 0 : i32
            %dma_start3A_411 = arith.constant 0 : i32
            %dma_start3A_412 = tpu.memref_slice %run_scoped3A_18[%rem3A_397, %dma_start3A_410, %dma_start3A_411] : memref<2x256x128xf32, #tpu.memory_space<vmem>> -> memref<1x256x128xf32, #tpu.memory_space<vmem>>
            %dma_start3A_413 = tpu.memref_squeeze %dma_start3A_412 : memref<1x256x128xf32, #tpu.memory_space<vmem>> -> memref<256x128xf32, #tpu.memory_space<vmem>>
            tpu.enqueue_dma source(%dma_start3A_413 : memref<256x128xf32, #tpu.memory_space<vmem>>) target(%dma_start3A_409 : memref<256x128xf32, #tpu.memory_space<hbm>>) target_semaphore(%dma_start3A_407 : memref<!tpu.dma_semaphore, #tpu.memory_space<semaphore_mem>>)
            "tpu.trace_stop"() : () -> ()
          } else {
          }
          %and3A_342 = arith.constant true
          %and3A_343 = arith.andi %or3A_338, %and3A_342 : i1
          %add3A_344 = arith.constant 1 : i32
          %add3A_345 = arith.addi %while3A_149, %add3A_344 : i32
          %select_n3A_346 = arith.select %and3A_343, %add3A_345, %while3A_149 : i32
          %ne3A_347 = arith.cmpi ne, %add3A_159, %add3A_169 : i32
          %or3A_348 = arith.constant false
          %or3A_349 = arith.ori %or3A_348, %ne3A_347 : i1
          %or3A_350 = arith.constant false
          %or3A_351 = arith.ori %or3A_349, %or3A_350 : i1
          %or3A_352 = arith.constant false
          %or3A_353 = arith.ori %or3A_351, %or3A_352 : i1
          %not3A_354 = arith.constant true
          %not3A_355 = arith.xori %eq3A_155, %not3A_354 : i1
          %and3A_356 = arith.andi %or3A_353, %not3A_355 : i1
          %convert_element_type3A_357 = arith.extui %and3A_356 : i1 to i32
          %cond3A_358 = arith.constant 0 : i32
          %cond3A_359 = arith.cmpi ne, %convert_element_type3A_357, %cond3A_358 : i32
          scf.if %cond3A_359 {
          } else {
          }
          %and3A_360 = arith.constant false
          %and3A_361 = arith.andi %and3A_356, %and3A_360 : i1
          %ne3A_362 = arith.cmpi ne, %add3A_159, %add3A_169 : i32
          %or3A_363 = arith.constant false
          %or3A_364 = arith.ori %or3A_363, %ne3A_362 : i1
          %or3A_365 = arith.constant false
          %or3A_366 = arith.ori %or3A_364, %or3A_365 : i1
          %not3A_367 = arith.constant true
          %not3A_368 = arith.xori %eq3A_155, %not3A_367 : i1
          %and3A_369 = arith.andi %or3A_366, %not3A_368 : i1
          %convert_element_type3A_370 = arith.extui %and3A_369 : i1 to i32
          %cond3A_371 = arith.constant 0 : i32
          %cond3A_372 = arith.cmpi ne, %convert_element_type3A_370, %cond3A_371 : i32
          scf.if %cond3A_372 {
            "tpu.trace_start"() <{level = 10 : i32, message = "ep_wait_out"}> : () -> ()
            %rem3A_396 = arith.constant 2 : i32
            %rem3A_397 = arith.remui %while3A_150, %rem3A_396 : i32
            %mul3A_398 = arith.constant 256 : i32
            %mul3A_399 = arith.muli %mul3A_398, %add3A_169 : i32
            %dma_wait3A_400 = arith.constant 0 : i32
            %dma_wait3A_401 = arith.constant 0 : i32
            %dma_wait3A_402 = tpu.memref_slice %run_scoped3A_18[%rem3A_397, %dma_wait3A_400, %dma_wait3A_401] : memref<2x256x128xf32, #tpu.memory_space<vmem>> -> memref<1x256x128xf32, #tpu.memory_space<vmem>>
            %dma_wait3A_403 = tpu.memref_squeeze %dma_wait3A_402 : memref<1x256x128xf32, #tpu.memory_space<vmem>> -> memref<256x128xf32, #tpu.memory_space<vmem>>
            %dma_wait3A_404 = arith.constant 0 : i32
            %dma_wait3A_405 = tpu.memref_slice %arg4[%mul3A_399, %dma_wait3A_404] : memref<160000x128xf32, #tpu.memory_space<hbm>> -> memref<256x128xf32, #tpu.memory_space<hbm>>
            %dma_wait3A_406 = tpu.memref_slice %run_scoped3A_19[%rem3A_397] : memref<2x!tpu.dma_semaphore, #tpu.memory_space<semaphore_mem>> -> memref<1x!tpu.dma_semaphore, #tpu.memory_space<semaphore_mem>>
            %dma_wait3A_407 = tpu.memref_squeeze %dma_wait3A_406 : memref<1x!tpu.dma_semaphore, #tpu.memory_space<semaphore_mem>> -> memref<!tpu.dma_semaphore, #tpu.memory_space<semaphore_mem>>
            %dma_wait3A_408 = arith.constant 0 : i32
            %dma_wait3A_409 = tpu.memref_slice %arg4[%mul3A_399, %dma_wait3A_408] : memref<160000x128xf32, #tpu.memory_space<hbm>> -> memref<256x128xf32, #tpu.memory_space<hbm>>
            %dma_wait3A_410 = arith.constant 0 : i32
            %dma_wait3A_411 = arith.constant 0 : i32
            %dma_wait3A_412 = tpu.memref_slice %run_scoped3A_18[%rem3A_397, %dma_wait3A_410, %dma_wait3A_411] : memref<2x256x128xf32, #tpu.memory_space<vmem>> -> memref<1x256x128xf32, #tpu.memory_space<vmem>>
            %dma_wait3A_413 = tpu.memref_squeeze %dma_wait3A_412 : memref<1x256x128xf32, #tpu.memory_space<vmem>> -> memref<256x128xf32, #tpu.memory_space<vmem>>
            tpu.wait_dma2 semaphore(%dma_wait3A_407 : memref<!tpu.dma_semaphore, #tpu.memory_space<semaphore_mem>>) src(%dma_wait3A_413 : memref<256x128xf32, #tpu.memory_space<vmem>>) dst(%dma_wait3A_409 : memref<256x128xf32, #tpu.memory_space<hbm>>)
            "tpu.trace_stop"() : () -> ()
          } else {
          }
          %and3A_373 = arith.constant true
          %and3A_374 = arith.andi %and3A_369, %and3A_373 : i1
          %add3A_375 = arith.constant 1 : i32
          %add3A_376 = arith.addi %while3A_150, %add3A_375 : i32
          %select_n3A_377 = arith.select %and3A_374, %add3A_376, %while3A_150 : i32
          %ne3A_378 = arith.cmpi ne, %add3A_159, %add3A_177 : i32
          %or3A_379 = arith.constant false
          %or3A_380 = arith.ori %or3A_379, %ne3A_378 : i1
          %or3A_381 = arith.constant false
          %or3A_382 = arith.ori %or3A_380, %or3A_381 : i1
          %or3A_383 = arith.constant false
          %or3A_384 = arith.ori %or3A_382, %or3A_383 : i1
          %or3A_385 = arith.ori %or3A_384, %eq3A_158 : i1
          %add3A_386 = arith.constant 1 : i32
          %add3A_387 = arith.addi %while3A_148, %add3A_386 : i32
          %select_n3A_388 = arith.select %or3A_385, %add3A_387, %while3A_148 : i32
          %add3A_389 = arith.constant 1 : i32
          %add3A_390 = arith.addi %while3A_151, %add3A_389 : i32
          %select_n3A_391 = arith.constant true
          %select_n3A_392 = arith.select %select_n3A_391, %add3A_390, %while3A_151 : i32
          %eq3A_393 = arith.cmpi eq, %select_n3A_392, %select_n3A : i32
          %select_n3A_394 = arith.constant 0 : i32
          %select_n3A_395 = arith.select %eq3A_393, %select_n3A_394, %select_n3A_392 : i32
          scf.yield %select_n3A_203, %select_n3A_388, %select_n3A_346, %select_n3A_377, %select_n3A_395 : i32, i32, i32, i32, i32
        }
        %while3A_93 = arith.constant 1 : i32
        %while3A_94:5 = scf.for %while3A_146 = %while3A_90 to %while3A_86 step %while3A_93 iter_args(%while3A_147 = %while3A_92#0, %while3A_148 = %while3A_92#1, %while3A_149 = %while3A_92#2, %while3A_150 = %while3A_92#3, %while3A_151 = %while3A_92#4) -> (i32, i32, i32, i32, i32)  : i32 {
          %mul3A_152 = arith.constant 1 : i32
          %mul3A_153 = arith.muli %mul3A_152, %select_n3A : i32
          %eq3A_154 = arith.constant 0 : i32
          %eq3A_155 = arith.cmpi eq, %while3A_146, %eq3A_154 : i32
          %sub3A_156 = arith.constant 1 : i32
          %sub3A_157 = arith.subi %mul3A_153, %sub3A_156 : i32
          %eq3A_158 = arith.cmpi eq, %while3A_146, %sub3A_157 : i32
          %add3A_159 = arith.addi %while3A_151, %select_n3A_14 : i32
          %sub3A_160 = arith.constant 1 : i32
          %sub3A_161 = arith.subi %while3A_151, %sub3A_160 : i32
          %select_n3A_162 = arith.constant true
          %select_n3A_163 = arith.select %select_n3A_162, %sub3A_161, %while3A_151 : i32
          %eq3A_164 = arith.constant -1 : i32
          %eq3A_165 = arith.cmpi eq, %select_n3A_163, %eq3A_164 : i32
          %sub3A_166 = arith.constant 1 : i32
          %sub3A_167 = arith.subi %select_n3A, %sub3A_166 : i32
          %select_n3A_168 = arith.select %eq3A_165, %sub3A_167, %select_n3A_163 : i32
          %add3A_169 = arith.addi %select_n3A_168, %select_n3A_14 : i32
          %add3A_170 = arith.constant 1 : i32
          %add3A_171 = arith.addi %while3A_151, %add3A_170 : i32
          %select_n3A_172 = arith.constant true
          %select_n3A_173 = arith.select %select_n3A_172, %add3A_171, %while3A_151 : i32
          %eq3A_174 = arith.cmpi eq, %select_n3A_173, %select_n3A : i32
          %select_n3A_175 = arith.constant 0 : i32
          %select_n3A_176 = arith.select %eq3A_174, %select_n3A_175, %select_n3A_173 : i32
          %add3A_177 = arith.addi %select_n3A_176, %select_n3A_14 : i32
          %add3A_178 = arith.constant 1 : i32
          %add3A_179 = arith.addi %select_n3A_176, %add3A_178 : i32
          %select_n3A_180 = arith.constant true
          %select_n3A_181 = arith.select %select_n3A_180, %add3A_179, %select_n3A_176 : i32
          %eq3A_182 = arith.cmpi eq, %select_n3A_181, %select_n3A : i32
          %select_n3A_183 = arith.constant 0 : i32
          %select_n3A_184 = arith.select %eq3A_182, %select_n3A_183, %select_n3A_181 : i32
          %add3A_185 = arith.addi %select_n3A_184, %select_n3A_14 : i32
          %ne3A = arith.cmpi ne, %add3A_159, %add3A_177 : i32
          %or3A = arith.constant false
          %or3A_186 = arith.ori %or3A, %ne3A : i1
          %or3A_187 = arith.constant false
          %or3A_188 = arith.ori %or3A_186, %or3A_187 : i1
          %or3A_189 = arith.constant false
          %or3A_190 = arith.ori %or3A_188, %or3A_189 : i1
          %sub3A_191 = arith.constant 2 : i32
          %sub3A_192 = arith.subi %mul3A_153, %sub3A_191 : i32
          %add3A_193 = arith.constant 1 : i32
          %add3A_194 = arith.addi %sub3A_192, %add3A_193 : i32
          %ge3A = arith.cmpi sge, %while3A_146, %add3A_194 : i32
          %not3A = arith.constant true
          %not3A_195 = arith.xori %ge3A, %not3A : i1
          %and3A = arith.andi %or3A_190, %not3A_195 : i1
          %convert_element_type3A_196 = arith.extui %and3A : i1 to i32
          %cond3A_197 = arith.constant 0 : i32
          %cond3A_198 = arith.cmpi ne, %convert_element_type3A_196, %cond3A_197 : i32
          scf.if %cond3A_198 {
            "tpu.trace_start"() <{level = 10 : i32, message = "ep_copy_in"}> : () -> ()
            %rem3A_396 = arith.constant 2 : i32
            %rem3A_397 = arith.remui %while3A_147, %rem3A_396 : i32
            %mul3A_398 = arith.constant 1 : i32
            %mul3A_399 = arith.muli %mul3A_398, %add3A_177 : i32
            %dma_start3A_400 = arith.constant 0 : i32
            %dma_start3A_401 = arith.constant 0 : i32
            %dma_start3A_402 = arith.constant 0 : i32
            %dma_start3A_403 = tpu.memref_slice %run_scoped3A[%rem3A_397, %dma_start3A_400, %dma_start3A_401, %dma_start3A_402] : memref<2x1x2x128xi32, #tpu.memory_space<vmem>> -> memref<1x1x2x128xi32, #tpu.memory_space<vmem>>
            %dma_start3A_404 = tpu.memref_squeeze %dma_start3A_403 : memref<1x1x2x128xi32, #tpu.memory_space<vmem>> -> memref<1x2x128xi32, #tpu.memory_space<vmem>>
            %dma_start3A_405 = arith.constant 0 : i32
            %dma_start3A_406 = arith.constant 0 : i32
            %dma_start3A_407 = tpu.memref_slice %arg3[%mul3A_399, %dma_start3A_405, %dma_start3A_406] : memref<625x2x128xi32, #tpu.memory_space<hbm>> -> memref<1x2x128xi32, #tpu.memory_space<hbm>>
            %dma_start3A_408 = tpu.memref_slice %run_scoped3A_17[%rem3A_397] : memref<2x!tpu.dma_semaphore, #tpu.memory_space<semaphore_mem>> -> memref<1x!tpu.dma_semaphore, #tpu.memory_space<semaphore_mem>>
            %dma_start3A_409 = tpu.memref_squeeze %dma_start3A_408 : memref<1x!tpu.dma_semaphore, #tpu.memory_space<semaphore_mem>> -> memref<!tpu.dma_semaphore, #tpu.memory_space<semaphore_mem>>
            %dma_start3A_410 = arith.constant 0 : i32
            %dma_start3A_411 = arith.constant 0 : i32
            %dma_start3A_412 = arith.constant 0 : i32
            %dma_start3A_413 = tpu.memref_slice %run_scoped3A[%rem3A_397, %dma_start3A_410, %dma_start3A_411, %dma_start3A_412] : memref<2x1x2x128xi32, #tpu.memory_space<vmem>> -> memref<1x1x2x128xi32, #tpu.memory_space<vmem>>
            %dma_start3A_414 = tpu.memref_squeeze %dma_start3A_413 : memref<1x1x2x128xi32, #tpu.memory_space<vmem>> -> memref<1x2x128xi32, #tpu.memory_space<vmem>>
            %dma_start3A_415 = arith.constant 0 : i32
            %dma_start3A_416 = arith.constant 0 : i32
            %dma_start3A_417 = tpu.memref_slice %arg3[%mul3A_399, %dma_start3A_415, %dma_start3A_416] : memref<625x2x128xi32, #tpu.memory_space<hbm>> -> memref<1x2x128xi32, #tpu.memory_space<hbm>>
            tpu.enqueue_dma source(%dma_start3A_417 : memref<1x2x128xi32, #tpu.memory_space<hbm>>) target(%dma_start3A_414 : memref<1x2x128xi32, #tpu.memory_space<vmem>>) target_semaphore(%dma_start3A_409 : memref<!tpu.dma_semaphore, #tpu.memory_space<semaphore_mem>>)
            "tpu.trace_stop"() : () -> ()
          } else {
          }
          %and3A_199 = arith.constant true
          %and3A_200 = arith.andi %and3A, %and3A_199 : i1
          %add3A_201 = arith.constant 1 : i32
          %add3A_202 = arith.addi %while3A_147, %add3A_201 : i32
          %select_n3A_203 = arith.select %and3A_200, %add3A_202, %while3A_147 : i32
          %ne3A_204 = arith.cmpi ne, %add3A_159, %add3A_177 : i32
          %or3A_205 = arith.constant false
          %or3A_206 = arith.ori %or3A_205, %ne3A_204 : i1
          %or3A_207 = arith.constant false
          %or3A_208 = arith.ori %or3A_206, %or3A_207 : i1
          %sub3A_209 = arith.constant 2 : i32
          %sub3A_210 = arith.subi %mul3A_153, %sub3A_209 : i32
          %add3A_211 = arith.constant 1 : i32
          %add3A_212 = arith.addi %sub3A_210, %add3A_211 : i32
          %ge3A_213 = arith.cmpi sge, %while3A_146, %add3A_212 : i32
          %not3A_214 = arith.constant true
          %not3A_215 = arith.xori %ge3A_213, %not3A_214 : i1
          %and3A_216 = arith.andi %or3A_208, %not3A_215 : i1
          %ne3A_217 = arith.cmpi ne, %add3A_159, %add3A_169 : i32
          %or3A_218 = arith.constant false
          %or3A_219 = arith.ori %or3A_218, %ne3A_217 : i1
          %or3A_220 = arith.constant false
          %or3A_221 = arith.ori %or3A_219, %or3A_220 : i1
          %or3A_222 = arith.constant false
          %or3A_223 = arith.ori %or3A_221, %or3A_222 : i1
          %or3A_224 = arith.ori %or3A_223, %eq3A_155 : i1
          %convert_element_type3A_225 = arith.extui %or3A_224 : i1 to i32
          %cond3A_226 = arith.constant 0 : i32
          %cond3A_227 = arith.cmpi ne, %convert_element_type3A_225, %cond3A_226 : i32
          scf.if %cond3A_227 {
            "tpu.trace_start"() <{level = 10 : i32, message = "ep_wait_in"}> : () -> ()
            %mul3A_396 = arith.constant 1 : i32
            %mul3A_397 = arith.muli %mul3A_396, %add3A_159 : i32
            %rem3A_398 = arith.constant 2 : i32
            %rem3A_399 = arith.remui %while3A_148, %rem3A_398 : i32
            %dma_wait3A_400 = arith.constant 0 : i32
            %dma_wait3A_401 = arith.constant 0 : i32
            %dma_wait3A_402 = arith.constant 0 : i32
            %dma_wait3A_403 = tpu.memref_slice %run_scoped3A[%rem3A_399, %dma_wait3A_400, %dma_wait3A_401, %dma_wait3A_402] : memref<2x1x2x128xi32, #tpu.memory_space<vmem>> -> memref<1x1x2x128xi32, #tpu.memory_space<vmem>>
            %dma_wait3A_404 = tpu.memref_squeeze %dma_wait3A_403 : memref<1x1x2x128xi32, #tpu.memory_space<vmem>> -> memref<1x2x128xi32, #tpu.memory_space<vmem>>
            %dma_wait3A_405 = arith.constant 0 : i32
            %dma_wait3A_406 = arith.constant 0 : i32
            %dma_wait3A_407 = tpu.memref_slice %arg3[%mul3A_397, %dma_wait3A_405, %dma_wait3A_406] : memref<625x2x128xi32, #tpu.memory_space<hbm>> -> memref<1x2x128xi32, #tpu.memory_space<hbm>>
            %dma_wait3A_408 = tpu.memref_slice %run_scoped3A_17[%rem3A_399] : memref<2x!tpu.dma_semaphore, #tpu.memory_space<semaphore_mem>> -> memref<1x!tpu.dma_semaphore, #tpu.memory_space<semaphore_mem>>
            %dma_wait3A_409 = tpu.memref_squeeze %dma_wait3A_408 : memref<1x!tpu.dma_semaphore, #tpu.memory_space<semaphore_mem>> -> memref<!tpu.dma_semaphore, #tpu.memory_space<semaphore_mem>>
            %dma_wait3A_410 = arith.constant 0 : i32
            %dma_wait3A_411 = arith.constant 0 : i32
            %dma_wait3A_412 = arith.constant 0 : i32
            %dma_wait3A_413 = tpu.memref_slice %run_scoped3A[%rem3A_399, %dma_wait3A_410, %dma_wait3A_411, %dma_wait3A_412] : memref<2x1x2x128xi32, #tpu.memory_space<vmem>> -> memref<1x1x2x128xi32, #tpu.memory_space<vmem>>
            %dma_wait3A_414 = tpu.memref_squeeze %dma_wait3A_413 : memref<1x1x2x128xi32, #tpu.memory_space<vmem>> -> memref<1x2x128xi32, #tpu.memory_space<vmem>>
            %dma_wait3A_415 = arith.constant 0 : i32
            %dma_wait3A_416 = arith.constant 0 : i32
            %dma_wait3A_417 = tpu.memref_slice %arg3[%mul3A_397, %dma_wait3A_415, %dma_wait3A_416] : memref<625x2x128xi32, #tpu.memory_space<hbm>> -> memref<1x2x128xi32, #tpu.memory_space<hbm>>
            tpu.wait_dma2 semaphore(%dma_wait3A_409 : memref<!tpu.dma_semaphore, #tpu.memory_space<semaphore_mem>>) src(%dma_wait3A_417 : memref<1x2x128xi32, #tpu.memory_space<hbm>>) dst(%dma_wait3A_414 : memref<1x2x128xi32, #tpu.memory_space<vmem>>)
            "tpu.trace_stop"() : () -> ()
          } else {
          }
          %ne3A_228 = arith.cmpi ne, %add3A_159, %add3A_169 : i32
          %or3A_229 = arith.constant false
          %or3A_230 = arith.ori %or3A_229, %ne3A_228 : i1
          %or3A_231 = arith.constant false
          %or3A_232 = arith.ori %or3A_230, %or3A_231 : i1
          %or3A_233 = arith.ori %or3A_232, %eq3A_155 : i1
          %convert_element_type3A_234 = arith.extui %or3A_233 : i1 to i32
          %cond3A_235 = arith.constant 0 : i32
          %cond3A_236 = arith.cmpi ne, %convert_element_type3A_234, %cond3A_235 : i32
          scf.if %cond3A_236 {
          } else {
          }
          %rem3A_237 = arith.constant 2 : i32
          %rem3A_238 = arith.remui %while3A_148, %rem3A_237 : i32
          %rem3A_239 = arith.constant 2 : i32
          %rem3A_240 = arith.remui %while3A_149, %rem3A_239 : i32
          %dma_start3A_241 = arith.constant 0 : i32
          %dma_start3A_242 = arith.constant 0 : i32
          "tpu.trace_start"() <{level = 10 : i32, message = "ep_run_kernel"}> : () -> ()
          %dma_start3A_243 = arith.constant 0 : i32
          %dma_start3A_244 = arith.constant 0 : i32
          %dma_start3A_245 = tpu.memref_slice %run_scoped3A_18[%rem3A_240, %dma_start3A_243, %dma_start3A_244] : memref<2x256x128xf32, #tpu.memory_space<vmem>> -> memref<1x256x128xf32, #tpu.memory_space<vmem>>
          %dma_start3A_246 = tpu.memref_squeeze %dma_start3A_245 : memref<1x256x128xf32, #tpu.memory_space<vmem>> -> memref<256x128xf32, #tpu.memory_space<vmem>>
          %dma_start3A_247 = arith.constant 0 : i32
          %dma_start3A_248 = arith.constant 0 : i32
          %dma_start3A_249 = tpu.memref_slice %dma_start3A_246[%dma_start3A_247, %dma_start3A_248] : memref<256x128xf32, #tpu.memory_space<vmem>> -> memref<128x128xf32, #tpu.memory_space<vmem>>
          %dma_start3A_250 = arith.constant 0 : i32
          %dma_start3A_251 = arith.constant 0 : i32
          %dma_start3A_252 = arith.constant 0 : i32
          %dma_start3A_253 = tpu.memref_slice %run_scoped3A[%rem3A_238, %dma_start3A_250, %dma_start3A_251, %dma_start3A_252] : memref<2x1x2x128xi32, #tpu.memory_space<vmem>> -> memref<1x1x2x128xi32, #tpu.memory_space<vmem>>
          %dma_start3A_254 = tpu.memref_squeeze %dma_start3A_253 : memref<1x1x2x128xi32, #tpu.memory_space<vmem>> -> memref<1x2x128xi32, #tpu.memory_space<vmem>>
          %dma_start3A_255 = arith.constant 0 : i32
          %dma_start3A_256 = tpu.memref_slice %dma_start3A_254[%dma_start3A_241, %dma_start3A_242, %dma_start3A_255] : memref<1x2x128xi32, #tpu.memory_space<vmem>> -> memref<1x1x128xi32, #tpu.memory_space<vmem>>
          %dma_start3A_257 = tpu.memref_squeeze %dma_start3A_256 : memref<1x1x128xi32, #tpu.memory_space<vmem>> -> memref<128xi32, #tpu.memory_space<vmem>>
          %dma_start3A_258 = arith.constant 0 : i32
          %dma_start3A_259 = arith.constant 0 : i32
          %dma_start3A_260 = tpu.memref_slice %arg2[%dma_start3A_258, %dma_start3A_259] : memref<320000x128xf32, #tpu.memory_space<hbm>> -> memref<320000x128xf32, #tpu.memory_space<hbm>>
          tpu.enqueue_indirect_dma source(%dma_start3A_260 : memref<320000x128xf32, #tpu.memory_space<hbm>>) target(%dma_start3A_249 : memref<128x128xf32, #tpu.memory_space<vmem>>) offsets(%dma_start3A_257 : memref<128xi32, #tpu.memory_space<vmem>>) semaphore(%arg5 : memref<!tpu.dma_semaphore, #tpu.memory_space<semaphore_mem>>)
          %dma_start3A_261 = arith.constant 0 : i32
          %dma_start3A_262 = arith.constant 1 : i32
          %dma_start3A_263 = arith.constant 0 : i32
          %dma_start3A_264 = arith.constant 0 : i32
          %dma_start3A_265 = tpu.memref_slice %run_scoped3A_18[%rem3A_240, %dma_start3A_263, %dma_start3A_264] : memref<2x256x128xf32, #tpu.memory_space<vmem>> -> memref<1x256x128xf32, #tpu.memory_space<vmem>>
          %dma_start3A_266 = tpu.memref_squeeze %dma_start3A_265 : memref<1x256x128xf32, #tpu.memory_space<vmem>> -> memref<256x128xf32, #tpu.memory_space<vmem>>
          %dma_start3A_267 = arith.constant 128 : i32
          %dma_start3A_268 = arith.constant 0 : i32
          %dma_start3A_269 = tpu.memref_slice %dma_start3A_266[%dma_start3A_267, %dma_start3A_268] : memref<256x128xf32, #tpu.memory_space<vmem>> -> memref<128x128xf32, #tpu.memory_space<vmem>>
          %dma_start3A_270 = arith.constant 0 : i32
          %dma_start3A_271 = arith.constant 0 : i32
          %dma_start3A_272 = arith.constant 0 : i32
          %dma_start3A_273 = tpu.memref_slice %run_scoped3A[%rem3A_238, %dma_start3A_270, %dma_start3A_271, %dma_start3A_272] : memref<2x1x2x128xi32, #tpu.memory_space<vmem>> -> memref<1x1x2x128xi32, #tpu.memory_space<vmem>>
          %dma_start3A_274 = tpu.memref_squeeze %dma_start3A_273 : memref<1x1x2x128xi32, #tpu.memory_space<vmem>> -> memref<1x2x128xi32, #tpu.memory_space<vmem>>
          %dma_start3A_275 = arith.constant 0 : i32
          %dma_start3A_276 = tpu.memref_slice %dma_start3A_274[%dma_start3A_261, %dma_start3A_262, %dma_start3A_275] : memref<1x2x128xi32, #tpu.memory_space<vmem>> -> memref<1x1x128xi32, #tpu.memory_space<vmem>>
          %dma_start3A_277 = tpu.memref_squeeze %dma_start3A_276 : memref<1x1x128xi32, #tpu.memory_space<vmem>> -> memref<128xi32, #tpu.memory_space<vmem>>
          %dma_start3A_278 = arith.constant 0 : i32
          %dma_start3A_279 = arith.constant 0 : i32
          %dma_start3A_280 = tpu.memref_slice %arg2[%dma_start3A_278, %dma_start3A_279] : memref<320000x128xf32, #tpu.memory_space<hbm>> -> memref<320000x128xf32, #tpu.memory_space<hbm>>
          tpu.enqueue_indirect_dma source(%dma_start3A_280 : memref<320000x128xf32, #tpu.memory_space<hbm>>) target(%dma_start3A_269 : memref<128x128xf32, #tpu.memory_space<vmem>>) offsets(%dma_start3A_277 : memref<128xi32, #tpu.memory_space<vmem>>) semaphore(%arg5 : memref<!tpu.dma_semaphore, #tpu.memory_space<semaphore_mem>>)
          %dma_wait3A = arith.constant 0 : i32
          %dma_wait3A_281 = arith.constant 0 : i32
          %dma_wait3A_282 = arith.constant 0 : i32
          %dma_wait3A_283 = arith.constant 0 : i32
          %dma_wait3A_284 = tpu.memref_slice %run_scoped3A_18[%rem3A_240, %dma_wait3A_282, %dma_wait3A_283] : memref<2x256x128xf32, #tpu.memory_space<vmem>> -> memref<1x256x128xf32, #tpu.memory_space<vmem>>
          %dma_wait3A_285 = tpu.memref_squeeze %dma_wait3A_284 : memref<1x256x128xf32, #tpu.memory_space<vmem>> -> memref<256x128xf32, #tpu.memory_space<vmem>>
          %dma_wait3A_286 = arith.constant 0 : i32
          %dma_wait3A_287 = arith.constant 0 : i32
          %dma_wait3A_288 = tpu.memref_slice %dma_wait3A_285[%dma_wait3A_286, %dma_wait3A_287] : memref<256x128xf32, #tpu.memory_space<vmem>> -> memref<128x128xf32, #tpu.memory_space<vmem>>
          %dma_wait3A_289 = arith.constant 0 : i32
          %dma_wait3A_290 = arith.constant 0 : i32
          %dma_wait3A_291 = arith.constant 0 : i32
          %dma_wait3A_292 = tpu.memref_slice %run_scoped3A[%rem3A_238, %dma_wait3A_289, %dma_wait3A_290, %dma_wait3A_291] : memref<2x1x2x128xi32, #tpu.memory_space<vmem>> -> memref<1x1x2x128xi32, #tpu.memory_space<vmem>>
          %dma_wait3A_293 = tpu.memref_squeeze %dma_wait3A_292 : memref<1x1x2x128xi32, #tpu.memory_space<vmem>> -> memref<1x2x128xi32, #tpu.memory_space<vmem>>
          %dma_wait3A_294 = arith.constant 0 : i32
          %dma_wait3A_295 = tpu.memref_slice %dma_wait3A_293[%dma_wait3A, %dma_wait3A_281, %dma_wait3A_294] : memref<1x2x128xi32, #tpu.memory_space<vmem>> -> memref<1x1x128xi32, #tpu.memory_space<vmem>>
          %dma_wait3A_296 = tpu.memref_squeeze %dma_wait3A_295 : memref<1x1x128xi32, #tpu.memory_space<vmem>> -> memref<128xi32, #tpu.memory_space<vmem>>
          %dma_wait3A_297 = arith.constant 0 : i32
          %dma_wait3A_298 = arith.constant 0 : i32
          %dma_wait3A_299 = tpu.memref_slice %arg2[%dma_wait3A_297, %dma_wait3A_298] : memref<320000x128xf32, #tpu.memory_space<hbm>> -> memref<320000x128xf32, #tpu.memory_space<hbm>>
          tpu.wait_indirect_dma semaphore(%arg5 : memref<!tpu.dma_semaphore, #tpu.memory_space<semaphore_mem>>) src(%dma_wait3A_299 : memref<320000x128xf32, #tpu.memory_space<hbm>>) dst(%dma_wait3A_288 : memref<128x128xf32, #tpu.memory_space<vmem>>)
          %dma_wait3A_300 = arith.constant 0 : i32
          %dma_wait3A_301 = arith.constant 1 : i32
          %dma_wait3A_302 = arith.constant 0 : i32
          %dma_wait3A_303 = arith.constant 0 : i32
          %dma_wait3A_304 = tpu.memref_slice %run_scoped3A_18[%rem3A_240, %dma_wait3A_302, %dma_wait3A_303] : memref<2x256x128xf32, #tpu.memory_space<vmem>> -> memref<1x256x128xf32, #tpu.memory_space<vmem>>
          %dma_wait3A_305 = tpu.memref_squeeze %dma_wait3A_304 : memref<1x256x128xf32, #tpu.memory_space<vmem>> -> memref<256x128xf32, #tpu.memory_space<vmem>>
          %dma_wait3A_306 = arith.constant 128 : i32
          %dma_wait3A_307 = arith.constant 0 : i32
          %dma_wait3A_308 = tpu.memref_slice %dma_wait3A_305[%dma_wait3A_306, %dma_wait3A_307] : memref<256x128xf32, #tpu.memory_space<vmem>> -> memref<128x128xf32, #tpu.memory_space<vmem>>
          %dma_wait3A_309 = arith.constant 0 : i32
          %dma_wait3A_310 = arith.constant 0 : i32
          %dma_wait3A_311 = arith.constant 0 : i32
          %dma_wait3A_312 = tpu.memref_slice %run_scoped3A[%rem3A_238, %dma_wait3A_309, %dma_wait3A_310, %dma_wait3A_311] : memref<2x1x2x128xi32, #tpu.memory_space<vmem>> -> memref<1x1x2x128xi32, #tpu.memory_space<vmem>>
          %dma_wait3A_313 = tpu.memref_squeeze %dma_wait3A_312 : memref<1x1x2x128xi32, #tpu.memory_space<vmem>> -> memref<1x2x128xi32, #tpu.memory_space<vmem>>
          %dma_wait3A_314 = arith.constant 0 : i32
          %dma_wait3A_315 = tpu.memref_slice %dma_wait3A_313[%dma_wait3A_300, %dma_wait3A_301, %dma_wait3A_314] : memref<1x2x128xi32, #tpu.memory_space<vmem>> -> memref<1x1x128xi32, #tpu.memory_space<vmem>>
          %dma_wait3A_316 = tpu.memref_squeeze %dma_wait3A_315 : memref<1x1x128xi32, #tpu.memory_space<vmem>> -> memref<128xi32, #tpu.memory_space<vmem>>
          %dma_wait3A_317 = arith.constant 0 : i32
          %dma_wait3A_318 = arith.constant 0 : i32
          %dma_wait3A_319 = tpu.memref_slice %arg2[%dma_wait3A_317, %dma_wait3A_318] : memref<320000x128xf32, #tpu.memory_space<hbm>> -> memref<320000x128xf32, #tpu.memory_space<hbm>>
          tpu.wait_indirect_dma semaphore(%arg5 : memref<!tpu.dma_semaphore, #tpu.memory_space<semaphore_mem>>) src(%dma_wait3A_319 : memref<320000x128xf32, #tpu.memory_space<hbm>>) dst(%dma_wait3A_308 : memref<128x128xf32, #tpu.memory_space<vmem>>)
          "tpu.trace_stop"() : () -> ()
          %ne3A_320 = arith.cmpi ne, %add3A_159, %add3A_177 : i32
          %or3A_321 = arith.constant false
          %or3A_322 = arith.ori %or3A_321, %ne3A_320 : i1
          %or3A_323 = arith.constant false
          %or3A_324 = arith.ori %or3A_322, %or3A_323 : i1
          %or3A_325 = arith.constant false
          %or3A_326 = arith.ori %or3A_324, %or3A_325 : i1
          %or3A_327 = arith.ori %or3A_326, %eq3A_158 : i1
          %convert_element_type3A_328 = arith.extui %or3A_327 : i1 to i32
          %cond3A_329 = arith.constant 0 : i32
          %cond3A_330 = arith.cmpi ne, %convert_element_type3A_328, %cond3A_329 : i32
          scf.if %cond3A_330 {
          } else {
          }
          %and3A_331 = arith.constant false
          %and3A_332 = arith.andi %or3A_327, %and3A_331 : i1
          %ne3A_333 = arith.cmpi ne, %add3A_159, %add3A_177 : i32
          %or3A_334 = arith.constant false
          %or3A_335 = arith.ori %or3A_334, %ne3A_333 : i1
          %or3A_336 = arith.constant false
          %or3A_337 = arith.ori %or3A_335, %or3A_336 : i1
          %or3A_338 = arith.ori %or3A_337, %eq3A_158 : i1
          %convert_element_type3A_339 = arith.extui %or3A_338 : i1 to i32
          %cond3A_340 = arith.constant 0 : i32
          %cond3A_341 = arith.cmpi ne, %convert_element_type3A_339, %cond3A_340 : i32
          scf.if %cond3A_341 {
            "tpu.trace_start"() <{level = 10 : i32, message = "ep_copy_out"}> : () -> ()
            %rem3A_396 = arith.constant 2 : i32
            %rem3A_397 = arith.remui %while3A_149, %rem3A_396 : i32
            %mul3A_398 = arith.constant 256 : i32
            %mul3A_399 = arith.muli %mul3A_398, %add3A_159 : i32
            %dma_start3A_400 = arith.constant 0 : i32
            %dma_start3A_401 = arith.constant 0 : i32
            %dma_start3A_402 = tpu.memref_slice %run_scoped3A_18[%rem3A_397, %dma_start3A_400, %dma_start3A_401] : memref<2x256x128xf32, #tpu.memory_space<vmem>> -> memref<1x256x128xf32, #tpu.memory_space<vmem>>
            %dma_start3A_403 = tpu.memref_squeeze %dma_start3A_402 : memref<1x256x128xf32, #tpu.memory_space<vmem>> -> memref<256x128xf32, #tpu.memory_space<vmem>>
            %dma_start3A_404 = arith.constant 0 : i32
            %dma_start3A_405 = tpu.memref_slice %arg4[%mul3A_399, %dma_start3A_404] : memref<160000x128xf32, #tpu.memory_space<hbm>> -> memref<256x128xf32, #tpu.memory_space<hbm>>
            %dma_start3A_406 = tpu.memref_slice %run_scoped3A_19[%rem3A_397] : memref<2x!tpu.dma_semaphore, #tpu.memory_space<semaphore_mem>> -> memref<1x!tpu.dma_semaphore, #tpu.memory_space<semaphore_mem>>
            %dma_start3A_407 = tpu.memref_squeeze %dma_start3A_406 : memref<1x!tpu.dma_semaphore, #tpu.memory_space<semaphore_mem>> -> memref<!tpu.dma_semaphore, #tpu.memory_space<semaphore_mem>>
            %dma_start3A_408 = arith.constant 0 : i32
            %dma_start3A_409 = tpu.memref_slice %arg4[%mul3A_399, %dma_start3A_408] : memref<160000x128xf32, #tpu.memory_space<hbm>> -> memref<256x128xf32, #tpu.memory_space<hbm>>
            %dma_start3A_410 = arith.constant 0 : i32
            %dma_start3A_411 = arith.constant 0 : i32
            %dma_start3A_412 = tpu.memref_slice %run_scoped3A_18[%rem3A_397, %dma_start3A_410, %dma_start3A_411] : memref<2x256x128xf32, #tpu.memory_space<vmem>> -> memref<1x256x128xf32, #tpu.memory_space<vmem>>
            %dma_start3A_413 = tpu.memref_squeeze %dma_start3A_412 : memref<1x256x128xf32, #tpu.memory_space<vmem>> -> memref<256x128xf32, #tpu.memory_space<vmem>>
            tpu.enqueue_dma source(%dma_start3A_413 : memref<256x128xf32, #tpu.memory_space<vmem>>) target(%dma_start3A_409 : memref<256x128xf32, #tpu.memory_space<hbm>>) target_semaphore(%dma_start3A_407 : memref<!tpu.dma_semaphore, #tpu.memory_space<semaphore_mem>>)
            "tpu.trace_stop"() : () -> ()
          } else {
          }
          %and3A_342 = arith.constant true
          %and3A_343 = arith.andi %or3A_338, %and3A_342 : i1
          %add3A_344 = arith.constant 1 : i32
          %add3A_345 = arith.addi %while3A_149, %add3A_344 : i32
          %select_n3A_346 = arith.select %and3A_343, %add3A_345, %while3A_149 : i32
          %ne3A_347 = arith.cmpi ne, %add3A_159, %add3A_169 : i32
          %or3A_348 = arith.constant false
          %or3A_349 = arith.ori %or3A_348, %ne3A_347 : i1
          %or3A_350 = arith.constant false
          %or3A_351 = arith.ori %or3A_349, %or3A_350 : i1
          %or3A_352 = arith.constant false
          %or3A_353 = arith.ori %or3A_351, %or3A_352 : i1
          %not3A_354 = arith.constant true
          %not3A_355 = arith.xori %eq3A_155, %not3A_354 : i1
          %and3A_356 = arith.andi %or3A_353, %not3A_355 : i1
          %convert_element_type3A_357 = arith.extui %and3A_356 : i1 to i32
          %cond3A_358 = arith.constant 0 : i32
          %cond3A_359 = arith.cmpi ne, %convert_element_type3A_357, %cond3A_358 : i32
          scf.if %cond3A_359 {
          } else {
          }
          %and3A_360 = arith.constant false
          %and3A_361 = arith.andi %and3A_356, %and3A_360 : i1
          %ne3A_362 = arith.cmpi ne, %add3A_159, %add3A_169 : i32
          %or3A_363 = arith.constant false
          %or3A_364 = arith.ori %or3A_363, %ne3A_362 : i1
          %or3A_365 = arith.constant false
          %or3A_366 = arith.ori %or3A_364, %or3A_365 : i1
          %not3A_367 = arith.constant true
          %not3A_368 = arith.xori %eq3A_155, %not3A_367 : i1
          %and3A_369 = arith.andi %or3A_366, %not3A_368 : i1
          %convert_element_type3A_370 = arith.extui %and3A_369 : i1 to i32
          %cond3A_371 = arith.constant 0 : i32
          %cond3A_372 = arith.cmpi ne, %convert_element_type3A_370, %cond3A_371 : i32
          scf.if %cond3A_372 {
            "tpu.trace_start"() <{level = 10 : i32, message = "ep_wait_out"}> : () -> ()
            %rem3A_396 = arith.constant 2 : i32
            %rem3A_397 = arith.remui %while3A_150, %rem3A_396 : i32
            %mul3A_398 = arith.constant 256 : i32
            %mul3A_399 = arith.muli %mul3A_398, %add3A_169 : i32
            %dma_wait3A_400 = arith.constant 0 : i32
            %dma_wait3A_401 = arith.constant 0 : i32
            %dma_wait3A_402 = tpu.memref_slice %run_scoped3A_18[%rem3A_397, %dma_wait3A_400, %dma_wait3A_401] : memref<2x256x128xf32, #tpu.memory_space<vmem>> -> memref<1x256x128xf32, #tpu.memory_space<vmem>>
            %dma_wait3A_403 = tpu.memref_squeeze %dma_wait3A_402 : memref<1x256x128xf32, #tpu.memory_space<vmem>> -> memref<256x128xf32, #tpu.memory_space<vmem>>
            %dma_wait3A_404 = arith.constant 0 : i32
            %dma_wait3A_405 = tpu.memref_slice %arg4[%mul3A_399, %dma_wait3A_404] : memref<160000x128xf32, #tpu.memory_space<hbm>> -> memref<256x128xf32, #tpu.memory_space<hbm>>
            %dma_wait3A_406 = tpu.memref_slice %run_scoped3A_19[%rem3A_397] : memref<2x!tpu.dma_semaphore, #tpu.memory_space<semaphore_mem>> -> memref<1x!tpu.dma_semaphore, #tpu.memory_space<semaphore_mem>>
            %dma_wait3A_407 = tpu.memref_squeeze %dma_wait3A_406 : memref<1x!tpu.dma_semaphore, #tpu.memory_space<semaphore_mem>> -> memref<!tpu.dma_semaphore, #tpu.memory_space<semaphore_mem>>
            %dma_wait3A_408 = arith.constant 0 : i32
            %dma_wait3A_409 = tpu.memref_slice %arg4[%mul3A_399, %dma_wait3A_408] : memref<160000x128xf32, #tpu.memory_space<hbm>> -> memref<256x128xf32, #tpu.memory_space<hbm>>
            %dma_wait3A_410 = arith.constant 0 : i32
            %dma_wait3A_411 = arith.constant 0 : i32
            %dma_wait3A_412 = tpu.memref_slice %run_scoped3A_18[%rem3A_397, %dma_wait3A_410, %dma_wait3A_411] : memref<2x256x128xf32, #tpu.memory_space<vmem>> -> memref<1x256x128xf32, #tpu.memory_space<vmem>>
            %dma_wait3A_413 = tpu.memref_squeeze %dma_wait3A_412 : memref<1x256x128xf32, #tpu.memory_space<vmem>> -> memref<256x128xf32, #tpu.memory_space<vmem>>
            tpu.wait_dma2 semaphore(%dma_wait3A_407 : memref<!tpu.dma_semaphore, #tpu.memory_space<semaphore_mem>>) src(%dma_wait3A_413 : memref<256x128xf32, #tpu.memory_space<vmem>>) dst(%dma_wait3A_409 : memref<256x128xf32, #tpu.memory_space<hbm>>)
            "tpu.trace_stop"() : () -> ()
          } else {
          }
          %and3A_373 = arith.constant true
          %and3A_374 = arith.andi %and3A_369, %and3A_373 : i1
          %add3A_375 = arith.constant 1 : i32
          %add3A_376 = arith.addi %while3A_150, %add3A_375 : i32
          %select_n3A_377 = arith.select %and3A_374, %add3A_376, %while3A_150 : i32
          %ne3A_378 = arith.cmpi ne, %add3A_159, %add3A_177 : i32
          %or3A_379 = arith.constant false
          %or3A_380 = arith.ori %or3A_379, %ne3A_378 : i1
          %or3A_381 = arith.constant false
          %or3A_382 = arith.ori %or3A_380, %or3A_381 : i1
          %or3A_383 = arith.constant false
          %or3A_384 = arith.ori %or3A_382, %or3A_383 : i1
          %or3A_385 = arith.ori %or3A_384, %eq3A_158 : i1
          %add3A_386 = arith.constant 1 : i32
          %add3A_387 = arith.addi %while3A_148, %add3A_386 : i32
          %select_n3A_388 = arith.select %or3A_385, %add3A_387, %while3A_148 : i32
          %add3A_389 = arith.constant 1 : i32
          %add3A_390 = arith.addi %while3A_151, %add3A_389 : i32
          %select_n3A_391 = arith.constant true
          %select_n3A_392 = arith.select %select_n3A_391, %add3A_390, %while3A_151 : i32
          %eq3A_393 = arith.cmpi eq, %select_n3A_392, %select_n3A : i32
          %select_n3A_394 = arith.constant 0 : i32
          %select_n3A_395 = arith.select %eq3A_393, %select_n3A_394, %select_n3A_392 : i32
          scf.yield %select_n3A_203, %select_n3A_388, %select_n3A_346, %select_n3A_377, %select_n3A_395 : i32, i32, i32, i32, i32
        }
        %sub3A_95 = arith.constant 1 : i32
        %sub3A_96 = arith.subi %while3A_94#4, %sub3A_95 : i32
        %select_n3A_97 = arith.constant true
        %select_n3A_98 = arith.select %select_n3A_97, %sub3A_96, %while3A_94#4 : i32
        %eq3A_99 = arith.constant -1 : i32
        %eq3A_100 = arith.cmpi eq, %select_n3A_98, %eq3A_99 : i32
        %sub3A_101 = arith.constant 1 : i32
        %sub3A_102 = arith.subi %select_n3A, %sub3A_101 : i32
        %select_n3A_103 = arith.select %eq3A_100, %sub3A_102, %select_n3A_98 : i32
        %sub3A_104 = arith.constant 1 : i32
        %sub3A_105 = arith.subi %mul3A_16, %sub3A_104 : i32
        %mul3A_106 = arith.constant 1 : i32
        %mul3A_107 = arith.muli %mul3A_106, %select_n3A : i32
        %eq3A_108 = arith.constant 0 : i32
        %eq3A_109 = arith.cmpi eq, %sub3A_105, %eq3A_108 : i32
        %sub3A_110 = arith.constant 1 : i32
        %sub3A_111 = arith.subi %mul3A_107, %sub3A_110 : i32
        %eq3A_112 = arith.cmpi eq, %sub3A_105, %sub3A_111 : i32
        %add3A_113 = arith.addi %select_n3A_103, %select_n3A_14 : i32
        %sub3A_114 = arith.constant 1 : i32
        %sub3A_115 = arith.subi %select_n3A_103, %sub3A_114 : i32
        %select_n3A_116 = arith.constant true
        %select_n3A_117 = arith.select %select_n3A_116, %sub3A_115, %select_n3A_103 : i32
        %eq3A_118 = arith.constant -1 : i32
        %eq3A_119 = arith.cmpi eq, %select_n3A_117, %eq3A_118 : i32
        %sub3A_120 = arith.constant 1 : i32
        %sub3A_121 = arith.subi %select_n3A, %sub3A_120 : i32
        %select_n3A_122 = arith.select %eq3A_119, %sub3A_121, %select_n3A_117 : i32
        %add3A_123 = arith.addi %select_n3A_122, %select_n3A_14 : i32
        %add3A_124 = arith.constant 1 : i32
        %add3A_125 = arith.addi %select_n3A_103, %add3A_124 : i32
        %select_n3A_126 = arith.constant true
        %select_n3A_127 = arith.select %select_n3A_126, %add3A_125, %select_n3A_103 : i32
        %eq3A_128 = arith.cmpi eq, %select_n3A_127, %select_n3A : i32
        %select_n3A_129 = arith.constant 0 : i32
        %select_n3A_130 = arith.select %eq3A_128, %select_n3A_129, %select_n3A_127 : i32
        %add3A_131 = arith.addi %select_n3A_130, %select_n3A_14 : i32
        %add3A_132 = arith.constant 1 : i32
        %add3A_133 = arith.addi %select_n3A_130, %add3A_132 : i32
        %select_n3A_134 = arith.constant true
        %select_n3A_135 = arith.select %select_n3A_134, %add3A_133, %select_n3A_130 : i32
        %eq3A_136 = arith.cmpi eq, %select_n3A_135, %select_n3A : i32
        %select_n3A_137 = arith.constant 0 : i32
        %select_n3A_138 = arith.select %eq3A_136, %select_n3A_137, %select_n3A_135 : i32
        %add3A_139 = arith.addi %select_n3A_138, %select_n3A_14 : i32
        %convert_element_type3A_140 = arith.extui %eq3A_112 : i1 to i32
        %cond3A_141 = arith.constant 0 : i32
        %cond3A_142 = arith.cmpi ne, %convert_element_type3A_140, %cond3A_141 : i32
        scf.if %cond3A_142 {
        } else {
        }
        %convert_element_type3A_143 = arith.extui %eq3A_112 : i1 to i32
        %cond3A_144 = arith.constant 0 : i32
        %cond3A_145 = arith.cmpi ne, %convert_element_type3A_143, %cond3A_144 : i32
        scf.if %cond3A_145 {
          "tpu.trace_start"() <{level = 10 : i32, message = "ep_finalize"}> : () -> ()
          %rem3A_146 = arith.constant 2 : i32
          %rem3A_147 = arith.remui %while3A_94#3, %rem3A_146 : i32
          %mul3A_148 = arith.constant 256 : i32
          %mul3A_149 = arith.muli %mul3A_148, %add3A_113 : i32
          %dma_wait3A = arith.constant 0 : i32
          %dma_wait3A_150 = arith.constant 0 : i32
          %dma_wait3A_151 = tpu.memref_slice %run_scoped3A_18[%rem3A_147, %dma_wait3A, %dma_wait3A_150] : memref<2x256x128xf32, #tpu.memory_space<vmem>> -> memref<1x256x128xf32, #tpu.memory_space<vmem>>
          %dma_wait3A_152 = tpu.memref_squeeze %dma_wait3A_151 : memref<1x256x128xf32, #tpu.memory_space<vmem>> -> memref<256x128xf32, #tpu.memory_space<vmem>>
          %dma_wait3A_153 = arith.constant 0 : i32
          %dma_wait3A_154 = tpu.memref_slice %arg4[%mul3A_149, %dma_wait3A_153] : memref<160000x128xf32, #tpu.memory_space<hbm>> -> memref<256x128xf32, #tpu.memory_space<hbm>>
          %dma_wait3A_155 = tpu.memref_slice %run_scoped3A_19[%rem3A_147] : memref<2x!tpu.dma_semaphore, #tpu.memory_space<semaphore_mem>> -> memref<1x!tpu.dma_semaphore, #tpu.memory_space<semaphore_mem>>
          %dma_wait3A_156 = tpu.memref_squeeze %dma_wait3A_155 : memref<1x!tpu.dma_semaphore, #tpu.memory_space<semaphore_mem>> -> memref<!tpu.dma_semaphore, #tpu.memory_space<semaphore_mem>>
          %dma_wait3A_157 = arith.constant 0 : i32
          %dma_wait3A_158 = tpu.memref_slice %arg4[%mul3A_149, %dma_wait3A_157] : memref<160000x128xf32, #tpu.memory_space<hbm>> -> memref<256x128xf32, #tpu.memory_space<hbm>>
          %dma_wait3A_159 = arith.constant 0 : i32
          %dma_wait3A_160 = arith.constant 0 : i32
          %dma_wait3A_161 = tpu.memref_slice %run_scoped3A_18[%rem3A_147, %dma_wait3A_159, %dma_wait3A_160] : memref<2x256x128xf32, #tpu.memory_space<vmem>> -> memref<1x256x128xf32, #tpu.memory_space<vmem>>
          %dma_wait3A_162 = tpu.memref_squeeze %dma_wait3A_161 : memref<1x256x128xf32, #tpu.memory_space<vmem>> -> memref<256x128xf32, #tpu.memory_space<vmem>>
          tpu.wait_dma2 semaphore(%dma_wait3A_156 : memref<!tpu.dma_semaphore, #tpu.memory_space<semaphore_mem>>) src(%dma_wait3A_162 : memref<256x128xf32, #tpu.memory_space<vmem>>) dst(%dma_wait3A_158 : memref<256x128xf32, #tpu.memory_space<hbm>>)
          "tpu.trace_stop"() : () -> ()
        } else {
        }
      } else {
      }
      tpu.yield
    }) : () -> ()
    return
  }
}

#map = affine_map<(d0, d1) -> (0, 0)>
#map1 = affine_map<(d0, d1) -> (0, 0, 0)>
module attributes {stable_mosaic.version = 14 : i64} {
  func.func @gather_kernel(%arg0: i32, %arg1: i32, %arg2: memref<320000x128xf32, #tpu.memory_space<hbm>>, %arg3: memref<1250x2x128xi32, #tpu.memory_space<hbm>>, %arg4: memref<320000x128xf32, #tpu.memory_space<hbm>>, %arg5: memref<!tpu.dma_semaphore, #tpu.memory_space<semaphore_mem>>) attributes {dimension_semantics = [#tpu.dimension_semantics<core_parallel>, #tpu.dimension_semantics<subcore_parallel>], iteration_bounds = array<i64: 2, 16>, scalar_prefetch = 0 : i64, scratch_operands = 1 : i64, tpu.core_type = #tpu.core_type<sc_vector_subcore>, window_params = [{transform_indices = #map}, {transform_indices = #map1}, {transform_indices = #map}]} {
    %mul3A = arith.constant 1 : i32
    %mul3A_0 = arith.muli %arg1, %mul3A : i32
    %add3A = arith.constant 0 : i32
    %add3A_1 = arith.addi %add3A, %mul3A_0 : i32
    %mul3A_2 = arith.constant 16 : i32
    %mul3A_3 = arith.muli %arg0, %mul3A_2 : i32
    %add3A_4 = arith.addi %add3A_1, %mul3A_3 : i32
    %lt3A = arith.constant 2 : i32
    %lt3A_5 = arith.cmpi slt, %add3A_4, %lt3A : i32
    %jit3A = arith.constant 40 : i32
    %jit3A_6 = arith.constant 39 : i32
    %select_n3A = arith.select %lt3A_5, %jit3A, %jit3A_6 : i32
    %lt3A_7 = arith.constant 2 : i32
    %lt3A_8 = arith.cmpi slt, %add3A_4, %lt3A_7 : i32
    %mul3A_9 = arith.muli %add3A_4, %select_n3A : i32
    %mul3A_10 = arith.constant 39 : i32
    %mul3A_11 = arith.muli %add3A_4, %mul3A_10 : i32
    %add3A_12 = arith.constant 2 : i32
    %add3A_13 = arith.addi %mul3A_11, %add3A_12 : i32
    %select_n3A_14 = arith.select %lt3A_8, %mul3A_9, %add3A_13 : i32
    %mul3A_15 = arith.constant 1 : i32
    %mul3A_16 = arith.muli %mul3A_15, %select_n3A : i32
    "tpu.region"() ({
      %run_scoped3A = memref.alloca() : memref<2x1x2x128xi32, #tpu.memory_space<vmem>>
      %run_scoped3A_17 = tpu.sem_alloc : memref<2x!tpu.dma_semaphore, #tpu.memory_space<semaphore_mem>>
      %run_scoped3A_18 = memref.alloca() : memref<2x256x128xf32, #tpu.memory_space<vmem>>
      %run_scoped3A_19 = tpu.sem_alloc : memref<2x!tpu.dma_semaphore, #tpu.memory_space<semaphore_mem>>
      %gt3A = arith.constant 0 : i32
      %gt3A_20 = arith.cmpi sgt, %mul3A_16, %gt3A : i32
      %convert_element_type3A = arith.extui %gt3A_20 : i1 to i32
      %cond3A = arith.constant 0 : i32
      %cond3A_21 = arith.cmpi ne, %convert_element_type3A, %cond3A : i32
      scf.if %cond3A_21 {
        %mul3A_22 = arith.constant 1 : i32
        %mul3A_23 = arith.muli %mul3A_22, %select_n3A : i32
        %sub3A = arith.constant 1 : i32
        %sub3A_24 = arith.subi %mul3A_23, %sub3A : i32
        %eq3A = arith.constant 0 : i32
        %eq3A_25 = arith.cmpi eq, %sub3A_24, %eq3A : i32
        %add3A_26 = arith.constant 0 : i32
        %add3A_27 = arith.addi %add3A_26, %select_n3A_14 : i32
        %select_n3A_28 = arith.constant true
        %select_n3A_29 = arith.constant 0 : i32
        %select_n3A_30 = arith.constant -1 : i32
        %select_n3A_31 = arith.select %select_n3A_28, %select_n3A_30, %select_n3A_29 : i32
        %eq3A_32 = arith.constant -1 : i32
        %eq3A_33 = arith.cmpi eq, %select_n3A_31, %eq3A_32 : i32
        %sub3A_34 = arith.constant 1 : i32
        %sub3A_35 = arith.subi %select_n3A, %sub3A_34 : i32
        %select_n3A_36 = arith.select %eq3A_33, %sub3A_35, %select_n3A_31 : i32
        %add3A_37 = arith.addi %select_n3A_36, %select_n3A_14 : i32
        %select_n3A_38 = arith.constant true
        %select_n3A_39 = arith.constant 0 : i32
        %select_n3A_40 = arith.constant 1 : i32
        %select_n3A_41 = arith.select %select_n3A_38, %select_n3A_40, %select_n3A_39 : i32
        %eq3A_42 = arith.cmpi eq, %select_n3A_41, %select_n3A : i32
        %select_n3A_43 = arith.constant 0 : i32
        %select_n3A_44 = arith.select %eq3A_42, %select_n3A_43, %select_n3A_41 : i32
        %add3A_45 = arith.addi %select_n3A_44, %select_n3A_14 : i32
        %add3A_46 = arith.constant 1 : i32
        %add3A_47 = arith.addi %select_n3A_44, %add3A_46 : i32
        %select_n3A_48 = arith.constant true
        %select_n3A_49 = arith.select %select_n3A_48, %add3A_47, %select_n3A_44 : i32
        %eq3A_50 = arith.cmpi eq, %select_n3A_49, %select_n3A : i32
        %select_n3A_51 = arith.constant 0 : i32
        %select_n3A_52 = arith.select %eq3A_50, %select_n3A_51, %select_n3A_49 : i32
        %add3A_53 = arith.addi %select_n3A_52, %select_n3A_14 : i32
        "tpu.trace_start"() <{level = 10 : i32, message = "ep_initialize_0"}> : () -> ()
        %rem3A = arith.constant 0 : i32
        %rem3A_54 = arith.constant 2 : i32
        %rem3A_55 = arith.remui %rem3A, %rem3A_54 : i32
        %mul3A_56 = arith.constant 1 : i32
        %mul3A_57 = arith.muli %mul3A_56, %add3A_27 : i32
        %dma_start3A = arith.constant 0 : i32
        %dma_start3A_58 = arith.constant 0 : i32
        %dma_start3A_59 = arith.constant 0 : i32
        %dma_start3A_60 = tpu.memref_slice %run_scoped3A[%rem3A_55, %dma_start3A, %dma_start3A_58, %dma_start3A_59] : memref<2x1x2x128xi32, #tpu.memory_space<vmem>> -> memref<1x1x2x128xi32, #tpu.memory_space<vmem>>
        %dma_start3A_61 = tpu.memref_squeeze %dma_start3A_60 : memref<1x1x2x128xi32, #tpu.memory_space<vmem>> -> memref<1x2x128xi32, #tpu.memory_space<vmem>>
        %dma_start3A_62 = arith.constant 0 : i32
        %dma_start3A_63 = arith.constant 0 : i32
        %dma_start3A_64 = tpu.memref_slice %arg3[%mul3A_57, %dma_start3A_62, %dma_start3A_63] : memref<1250x2x128xi32, #tpu.memory_space<hbm>> -> memref<1x2x128xi32, #tpu.memory_space<hbm>>
        %dma_start3A_65 = tpu.memref_slice %run_scoped3A_17[%rem3A_55] : memref<2x!tpu.dma_semaphore, #tpu.memory_space<semaphore_mem>> -> memref<1x!tpu.dma_semaphore, #tpu.memory_space<semaphore_mem>>
        %dma_start3A_66 = tpu.memref_squeeze %dma_start3A_65 : memref<1x!tpu.dma_semaphore, #tpu.memory_space<semaphore_mem>> -> memref<!tpu.dma_semaphore, #tpu.memory_space<semaphore_mem>>
        %dma_start3A_67 = arith.constant 0 : i32
        %dma_start3A_68 = arith.constant 0 : i32
        %dma_start3A_69 = arith.constant 0 : i32
        %dma_start3A_70 = tpu.memref_slice %run_scoped3A[%rem3A_55, %dma_start3A_67, %dma_start3A_68, %dma_start3A_69] : memref<2x1x2x128xi32, #tpu.memory_space<vmem>> -> memref<1x1x2x128xi32, #tpu.memory_space<vmem>>
        %dma_start3A_71 = tpu.memref_squeeze %dma_start3A_70 : memref<1x1x2x128xi32, #tpu.memory_space<vmem>> -> memref<1x2x128xi32, #tpu.memory_space<vmem>>
        %dma_start3A_72 = arith.constant 0 : i32
        %dma_start3A_73 = arith.constant 0 : i32
        %dma_start3A_74 = tpu.memref_slice %arg3[%mul3A_57, %dma_start3A_72, %dma_start3A_73] : memref<1250x2x128xi32, #tpu.memory_space<hbm>> -> memref<1x2x128xi32, #tpu.memory_space<hbm>>
        tpu.enqueue_dma source(%dma_start3A_74 : memref<1x2x128xi32, #tpu.memory_space<hbm>>) target(%dma_start3A_71 : memref<1x2x128xi32, #tpu.memory_space<vmem>>) target_semaphore(%dma_start3A_66 : memref<!tpu.dma_semaphore, #tpu.memory_space<semaphore_mem>>)
        %add3A_75 = arith.constant 0 : i32
        %add3A_76 = arith.constant 1 : i32
        %add3A_77 = arith.addi %add3A_75, %add3A_76 : i32
        %select_n3A_78 = arith.constant true
        %select_n3A_79 = arith.constant 0 : i32
        %select_n3A_80 = arith.select %select_n3A_78, %add3A_77, %select_n3A_79 : i32
        %while3A = arith.constant 0 : i32
        %while3A_81 = arith.constant 0 : i32
        %while3A_82 = arith.constant 0 : i32
        %while3A_83 = arith.constant 0 : i32
        %while3A_84 = arith.constant 0 : i32
        "tpu.trace_stop"() : () -> ()
        %while3A_85 = arith.subi %mul3A_16, %while3A : i32
        %while3A_86 = arith.addi %while3A, %while3A_85 : i32
        %while3A_87 = arith.constant 1 : i32
        %while3A_88 = arith.divsi %while3A_85, %while3A_87 : i32
        %while3A_89 = arith.muli %while3A_88, %while3A_87 : i32
        %while3A_90 = arith.addi %while3A, %while3A_89 : i32
        %while3A_91 = arith.constant 1 : i32
        %while3A_92:5 = scf.for %while3A_146 = %while3A to %while3A_90 step %while3A_91 iter_args(%while3A_147 = %select_n3A_80, %while3A_148 = %while3A_81, %while3A_149 = %while3A_82, %while3A_150 = %while3A_83, %while3A_151 = %while3A_84) -> (i32, i32, i32, i32, i32)  : i32 {
          %mul3A_152 = arith.constant 1 : i32
          %mul3A_153 = arith.muli %mul3A_152, %select_n3A : i32
          %eq3A_154 = arith.constant 0 : i32
          %eq3A_155 = arith.cmpi eq, %while3A_146, %eq3A_154 : i32
          %sub3A_156 = arith.constant 1 : i32
          %sub3A_157 = arith.subi %mul3A_153, %sub3A_156 : i32
          %eq3A_158 = arith.cmpi eq, %while3A_146, %sub3A_157 : i32
          %add3A_159 = arith.addi %while3A_151, %select_n3A_14 : i32
          %sub3A_160 = arith.constant 1 : i32
          %sub3A_161 = arith.subi %while3A_151, %sub3A_160 : i32
          %select_n3A_162 = arith.constant true
          %select_n3A_163 = arith.select %select_n3A_162, %sub3A_161, %while3A_151 : i32
          %eq3A_164 = arith.constant -1 : i32
          %eq3A_165 = arith.cmpi eq, %select_n3A_163, %eq3A_164 : i32
          %sub3A_166 = arith.constant 1 : i32
          %sub3A_167 = arith.subi %select_n3A, %sub3A_166 : i32
          %select_n3A_168 = arith.select %eq3A_165, %sub3A_167, %select_n3A_163 : i32
          %add3A_169 = arith.addi %select_n3A_168, %select_n3A_14 : i32
          %add3A_170 = arith.constant 1 : i32
          %add3A_171 = arith.addi %while3A_151, %add3A_170 : i32
          %select_n3A_172 = arith.constant true
          %select_n3A_173 = arith.select %select_n3A_172, %add3A_171, %while3A_151 : i32
          %eq3A_174 = arith.cmpi eq, %select_n3A_173, %select_n3A : i32
          %select_n3A_175 = arith.constant 0 : i32
          %select_n3A_176 = arith.select %eq3A_174, %select_n3A_175, %select_n3A_173 : i32
          %add3A_177 = arith.addi %select_n3A_176, %select_n3A_14 : i32
          %add3A_178 = arith.constant 1 : i32
          %add3A_179 = arith.addi %select_n3A_176, %add3A_178 : i32
          %select_n3A_180 = arith.constant true
          %select_n3A_181 = arith.select %select_n3A_180, %add3A_179, %select_n3A_176 : i32
          %eq3A_182 = arith.cmpi eq, %select_n3A_181, %select_n3A : i32
          %select_n3A_183 = arith.constant 0 : i32
          %select_n3A_184 = arith.select %eq3A_182, %select_n3A_183, %select_n3A_181 : i32
          %add3A_185 = arith.addi %select_n3A_184, %select_n3A_14 : i32
          %ne3A = arith.cmpi ne, %add3A_159, %add3A_177 : i32
          %or3A = arith.constant false
          %or3A_186 = arith.ori %or3A, %ne3A : i1
          %or3A_187 = arith.constant false
          %or3A_188 = arith.ori %or3A_186, %or3A_187 : i1
          %or3A_189 = arith.constant false
          %or3A_190 = arith.ori %or3A_188, %or3A_189 : i1
          %sub3A_191 = arith.constant 2 : i32
          %sub3A_192 = arith.subi %mul3A_153, %sub3A_191 : i32
          %add3A_193 = arith.constant 1 : i32
          %add3A_194 = arith.addi %sub3A_192, %add3A_193 : i32
          %ge3A = arith.cmpi sge, %while3A_146, %add3A_194 : i32
          %not3A = arith.constant true
          %not3A_195 = arith.xori %ge3A, %not3A : i1
          %and3A = arith.andi %or3A_190, %not3A_195 : i1
          %convert_element_type3A_196 = arith.extui %and3A : i1 to i32
          %cond3A_197 = arith.constant 0 : i32
          %cond3A_198 = arith.cmpi ne, %convert_element_type3A_196, %cond3A_197 : i32
          scf.if %cond3A_198 {
            "tpu.trace_start"() <{level = 10 : i32, message = "ep_copy_in"}> : () -> ()
            %rem3A_396 = arith.constant 2 : i32
            %rem3A_397 = arith.remui %while3A_147, %rem3A_396 : i32
            %mul3A_398 = arith.constant 1 : i32
            %mul3A_399 = arith.muli %mul3A_398, %add3A_177 : i32
            %dma_start3A_400 = arith.constant 0 : i32
            %dma_start3A_401 = arith.constant 0 : i32
            %dma_start3A_402 = arith.constant 0 : i32
            %dma_start3A_403 = tpu.memref_slice %run_scoped3A[%rem3A_397, %dma_start3A_400, %dma_start3A_401, %dma_start3A_402] : memref<2x1x2x128xi32, #tpu.memory_space<vmem>> -> memref<1x1x2x128xi32, #tpu.memory_space<vmem>>
            %dma_start3A_404 = tpu.memref_squeeze %dma_start3A_403 : memref<1x1x2x128xi32, #tpu.memory_space<vmem>> -> memref<1x2x128xi32, #tpu.memory_space<vmem>>
            %dma_start3A_405 = arith.constant 0 : i32
            %dma_start3A_406 = arith.constant 0 : i32
            %dma_start3A_407 = tpu.memref_slice %arg3[%mul3A_399, %dma_start3A_405, %dma_start3A_406] : memref<1250x2x128xi32, #tpu.memory_space<hbm>> -> memref<1x2x128xi32, #tpu.memory_space<hbm>>
            %dma_start3A_408 = tpu.memref_slice %run_scoped3A_17[%rem3A_397] : memref<2x!tpu.dma_semaphore, #tpu.memory_space<semaphore_mem>> -> memref<1x!tpu.dma_semaphore, #tpu.memory_space<semaphore_mem>>
            %dma_start3A_409 = tpu.memref_squeeze %dma_start3A_408 : memref<1x!tpu.dma_semaphore, #tpu.memory_space<semaphore_mem>> -> memref<!tpu.dma_semaphore, #tpu.memory_space<semaphore_mem>>
            %dma_start3A_410 = arith.constant 0 : i32
            %dma_start3A_411 = arith.constant 0 : i32
            %dma_start3A_412 = arith.constant 0 : i32
            %dma_start3A_413 = tpu.memref_slice %run_scoped3A[%rem3A_397, %dma_start3A_410, %dma_start3A_411, %dma_start3A_412] : memref<2x1x2x128xi32, #tpu.memory_space<vmem>> -> memref<1x1x2x128xi32, #tpu.memory_space<vmem>>
            %dma_start3A_414 = tpu.memref_squeeze %dma_start3A_413 : memref<1x1x2x128xi32, #tpu.memory_space<vmem>> -> memref<1x2x128xi32, #tpu.memory_space<vmem>>
            %dma_start3A_415 = arith.constant 0 : i32
            %dma_start3A_416 = arith.constant 0 : i32
            %dma_start3A_417 = tpu.memref_slice %arg3[%mul3A_399, %dma_start3A_415, %dma_start3A_416] : memref<1250x2x128xi32, #tpu.memory_space<hbm>> -> memref<1x2x128xi32, #tpu.memory_space<hbm>>
            tpu.enqueue_dma source(%dma_start3A_417 : memref<1x2x128xi32, #tpu.memory_space<hbm>>) target(%dma_start3A_414 : memref<1x2x128xi32, #tpu.memory_space<vmem>>) target_semaphore(%dma_start3A_409 : memref<!tpu.dma_semaphore, #tpu.memory_space<semaphore_mem>>)
            "tpu.trace_stop"() : () -> ()
          } else {
          }
          %and3A_199 = arith.constant true
          %and3A_200 = arith.andi %and3A, %and3A_199 : i1
          %add3A_201 = arith.constant 1 : i32
          %add3A_202 = arith.addi %while3A_147, %add3A_201 : i32
          %select_n3A_203 = arith.select %and3A_200, %add3A_202, %while3A_147 : i32
          %ne3A_204 = arith.cmpi ne, %add3A_159, %add3A_177 : i32
          %or3A_205 = arith.constant false
          %or3A_206 = arith.ori %or3A_205, %ne3A_204 : i1
          %or3A_207 = arith.constant false
          %or3A_208 = arith.ori %or3A_206, %or3A_207 : i1
          %sub3A_209 = arith.constant 2 : i32
          %sub3A_210 = arith.subi %mul3A_153, %sub3A_209 : i32
          %add3A_211 = arith.constant 1 : i32
          %add3A_212 = arith.addi %sub3A_210, %add3A_211 : i32
          %ge3A_213 = arith.cmpi sge, %while3A_146, %add3A_212 : i32
          %not3A_214 = arith.constant true
          %not3A_215 = arith.xori %ge3A_213, %not3A_214 : i1
          %and3A_216 = arith.andi %or3A_208, %not3A_215 : i1
          %ne3A_217 = arith.cmpi ne, %add3A_159, %add3A_169 : i32
          %or3A_218 = arith.constant false
          %or3A_219 = arith.ori %or3A_218, %ne3A_217 : i1
          %or3A_220 = arith.constant false
          %or3A_221 = arith.ori %or3A_219, %or3A_220 : i1
          %or3A_222 = arith.constant false
          %or3A_223 = arith.ori %or3A_221, %or3A_222 : i1
          %or3A_224 = arith.ori %or3A_223, %eq3A_155 : i1
          %convert_element_type3A_225 = arith.extui %or3A_224 : i1 to i32
          %cond3A_226 = arith.constant 0 : i32
          %cond3A_227 = arith.cmpi ne, %convert_element_type3A_225, %cond3A_226 : i32
          scf.if %cond3A_227 {
            "tpu.trace_start"() <{level = 10 : i32, message = "ep_wait_in"}> : () -> ()
            %mul3A_396 = arith.constant 1 : i32
            %mul3A_397 = arith.muli %mul3A_396, %add3A_159 : i32
            %rem3A_398 = arith.constant 2 : i32
            %rem3A_399 = arith.remui %while3A_148, %rem3A_398 : i32
            %dma_wait3A_400 = arith.constant 0 : i32
            %dma_wait3A_401 = arith.constant 0 : i32
            %dma_wait3A_402 = arith.constant 0 : i32
            %dma_wait3A_403 = tpu.memref_slice %run_scoped3A[%rem3A_399, %dma_wait3A_400, %dma_wait3A_401, %dma_wait3A_402] : memref<2x1x2x128xi32, #tpu.memory_space<vmem>> -> memref<1x1x2x128xi32, #tpu.memory_space<vmem>>
            %dma_wait3A_404 = tpu.memref_squeeze %dma_wait3A_403 : memref<1x1x2x128xi32, #tpu.memory_space<vmem>> -> memref<1x2x128xi32, #tpu.memory_space<vmem>>
            %dma_wait3A_405 = arith.constant 0 : i32
            %dma_wait3A_406 = arith.constant 0 : i32
            %dma_wait3A_407 = tpu.memref_slice %arg3[%mul3A_397, %dma_wait3A_405, %dma_wait3A_406] : memref<1250x2x128xi32, #tpu.memory_space<hbm>> -> memref<1x2x128xi32, #tpu.memory_space<hbm>>
            %dma_wait3A_408 = tpu.memref_slice %run_scoped3A_17[%rem3A_399] : memref<2x!tpu.dma_semaphore, #tpu.memory_space<semaphore_mem>> -> memref<1x!tpu.dma_semaphore, #tpu.memory_space<semaphore_mem>>
            %dma_wait3A_409 = tpu.memref_squeeze %dma_wait3A_408 : memref<1x!tpu.dma_semaphore, #tpu.memory_space<semaphore_mem>> -> memref<!tpu.dma_semaphore, #tpu.memory_space<semaphore_mem>>
            %dma_wait3A_410 = arith.constant 0 : i32
            %dma_wait3A_411 = arith.constant 0 : i32
            %dma_wait3A_412 = arith.constant 0 : i32
            %dma_wait3A_413 = tpu.memref_slice %run_scoped3A[%rem3A_399, %dma_wait3A_410, %dma_wait3A_411, %dma_wait3A_412] : memref<2x1x2x128xi32, #tpu.memory_space<vmem>> -> memref<1x1x2x128xi32, #tpu.memory_space<vmem>>
            %dma_wait3A_414 = tpu.memref_squeeze %dma_wait3A_413 : memref<1x1x2x128xi32, #tpu.memory_space<vmem>> -> memref<1x2x128xi32, #tpu.memory_space<vmem>>
            %dma_wait3A_415 = arith.constant 0 : i32
            %dma_wait3A_416 = arith.constant 0 : i32
            %dma_wait3A_417 = tpu.memref_slice %arg3[%mul3A_397, %dma_wait3A_415, %dma_wait3A_416] : memref<1250x2x128xi32, #tpu.memory_space<hbm>> -> memref<1x2x128xi32, #tpu.memory_space<hbm>>
            tpu.wait_dma2 semaphore(%dma_wait3A_409 : memref<!tpu.dma_semaphore, #tpu.memory_space<semaphore_mem>>) src(%dma_wait3A_417 : memref<1x2x128xi32, #tpu.memory_space<hbm>>) dst(%dma_wait3A_414 : memref<1x2x128xi32, #tpu.memory_space<vmem>>)
            "tpu.trace_stop"() : () -> ()
          } else {
          }
          %ne3A_228 = arith.cmpi ne, %add3A_159, %add3A_169 : i32
          %or3A_229 = arith.constant false
          %or3A_230 = arith.ori %or3A_229, %ne3A_228 : i1
          %or3A_231 = arith.constant false
          %or3A_232 = arith.ori %or3A_230, %or3A_231 : i1
          %or3A_233 = arith.ori %or3A_232, %eq3A_155 : i1
          %convert_element_type3A_234 = arith.extui %or3A_233 : i1 to i32
          %cond3A_235 = arith.constant 0 : i32
          %cond3A_236 = arith.cmpi ne, %convert_element_type3A_234, %cond3A_235 : i32
          scf.if %cond3A_236 {
          } else {
          }
          %rem3A_237 = arith.constant 2 : i32
          %rem3A_238 = arith.remui %while3A_148, %rem3A_237 : i32
          %rem3A_239 = arith.constant 2 : i32
          %rem3A_240 = arith.remui %while3A_149, %rem3A_239 : i32
          %dma_start3A_241 = arith.constant 0 : i32
          %dma_start3A_242 = arith.constant 0 : i32
          "tpu.trace_start"() <{level = 10 : i32, message = "ep_run_kernel"}> : () -> ()
          %dma_start3A_243 = arith.constant 0 : i32
          %dma_start3A_244 = arith.constant 0 : i32
          %dma_start3A_245 = tpu.memref_slice %run_scoped3A_18[%rem3A_240, %dma_start3A_243, %dma_start3A_244] : memref<2x256x128xf32, #tpu.memory_space<vmem>> -> memref<1x256x128xf32, #tpu.memory_space<vmem>>
          %dma_start3A_246 = tpu.memref_squeeze %dma_start3A_245 : memref<1x256x128xf32, #tpu.memory_space<vmem>> -> memref<256x128xf32, #tpu.memory_space<vmem>>
          %dma_start3A_247 = arith.constant 0 : i32
          %dma_start3A_248 = arith.constant 0 : i32
          %dma_start3A_249 = tpu.memref_slice %dma_start3A_246[%dma_start3A_247, %dma_start3A_248] : memref<256x128xf32, #tpu.memory_space<vmem>> -> memref<128x128xf32, #tpu.memory_space<vmem>>
          %dma_start3A_250 = arith.constant 0 : i32
          %dma_start3A_251 = arith.constant 0 : i32
          %dma_start3A_252 = arith.constant 0 : i32
          %dma_start3A_253 = tpu.memref_slice %run_scoped3A[%rem3A_238, %dma_start3A_250, %dma_start3A_251, %dma_start3A_252] : memref<2x1x2x128xi32, #tpu.memory_space<vmem>> -> memref<1x1x2x128xi32, #tpu.memory_space<vmem>>
          %dma_start3A_254 = tpu.memref_squeeze %dma_start3A_253 : memref<1x1x2x128xi32, #tpu.memory_space<vmem>> -> memref<1x2x128xi32, #tpu.memory_space<vmem>>
          %dma_start3A_255 = arith.constant 0 : i32
          %dma_start3A_256 = tpu.memref_slice %dma_start3A_254[%dma_start3A_241, %dma_start3A_242, %dma_start3A_255] : memref<1x2x128xi32, #tpu.memory_space<vmem>> -> memref<1x1x128xi32, #tpu.memory_space<vmem>>
          %dma_start3A_257 = tpu.memref_squeeze %dma_start3A_256 : memref<1x1x128xi32, #tpu.memory_space<vmem>> -> memref<128xi32, #tpu.memory_space<vmem>>
          %dma_start3A_258 = arith.constant 0 : i32
          %dma_start3A_259 = arith.constant 0 : i32
          %dma_start3A_260 = tpu.memref_slice %arg2[%dma_start3A_258, %dma_start3A_259] : memref<320000x128xf32, #tpu.memory_space<hbm>> -> memref<320000x128xf32, #tpu.memory_space<hbm>>
          tpu.enqueue_indirect_dma source(%dma_start3A_260 : memref<320000x128xf32, #tpu.memory_space<hbm>>) target(%dma_start3A_249 : memref<128x128xf32, #tpu.memory_space<vmem>>) offsets(%dma_start3A_257 : memref<128xi32, #tpu.memory_space<vmem>>) semaphore(%arg5 : memref<!tpu.dma_semaphore, #tpu.memory_space<semaphore_mem>>)
          %dma_start3A_261 = arith.constant 0 : i32
          %dma_start3A_262 = arith.constant 1 : i32
          %dma_start3A_263 = arith.constant 0 : i32
          %dma_start3A_264 = arith.constant 0 : i32
          %dma_start3A_265 = tpu.memref_slice %run_scoped3A_18[%rem3A_240, %dma_start3A_263, %dma_start3A_264] : memref<2x256x128xf32, #tpu.memory_space<vmem>> -> memref<1x256x128xf32, #tpu.memory_space<vmem>>
          %dma_start3A_266 = tpu.memref_squeeze %dma_start3A_265 : memref<1x256x128xf32, #tpu.memory_space<vmem>> -> memref<256x128xf32, #tpu.memory_space<vmem>>
          %dma_start3A_267 = arith.constant 128 : i32
          %dma_start3A_268 = arith.constant 0 : i32
          %dma_start3A_269 = tpu.memref_slice %dma_start3A_266[%dma_start3A_267, %dma_start3A_268] : memref<256x128xf32, #tpu.memory_space<vmem>> -> memref<128x128xf32, #tpu.memory_space<vmem>>
          %dma_start3A_270 = arith.constant 0 : i32
          %dma_start3A_271 = arith.constant 0 : i32
          %dma_start3A_272 = arith.constant 0 : i32
          %dma_start3A_273 = tpu.memref_slice %run_scoped3A[%rem3A_238, %dma_start3A_270, %dma_start3A_271, %dma_start3A_272] : memref<2x1x2x128xi32, #tpu.memory_space<vmem>> -> memref<1x1x2x128xi32, #tpu.memory_space<vmem>>
          %dma_start3A_274 = tpu.memref_squeeze %dma_start3A_273 : memref<1x1x2x128xi32, #tpu.memory_space<vmem>> -> memref<1x2x128xi32, #tpu.memory_space<vmem>>
          %dma_start3A_275 = arith.constant 0 : i32
          %dma_start3A_276 = tpu.memref_slice %dma_start3A_274[%dma_start3A_261, %dma_start3A_262, %dma_start3A_275] : memref<1x2x128xi32, #tpu.memory_space<vmem>> -> memref<1x1x128xi32, #tpu.memory_space<vmem>>
          %dma_start3A_277 = tpu.memref_squeeze %dma_start3A_276 : memref<1x1x128xi32, #tpu.memory_space<vmem>> -> memref<128xi32, #tpu.memory_space<vmem>>
          %dma_start3A_278 = arith.constant 0 : i32
          %dma_start3A_279 = arith.constant 0 : i32
          %dma_start3A_280 = tpu.memref_slice %arg2[%dma_start3A_278, %dma_start3A_279] : memref<320000x128xf32, #tpu.memory_space<hbm>> -> memref<320000x128xf32, #tpu.memory_space<hbm>>
          tpu.enqueue_indirect_dma source(%dma_start3A_280 : memref<320000x128xf32, #tpu.memory_space<hbm>>) target(%dma_start3A_269 : memref<128x128xf32, #tpu.memory_space<vmem>>) offsets(%dma_start3A_277 : memref<128xi32, #tpu.memory_space<vmem>>) semaphore(%arg5 : memref<!tpu.dma_semaphore, #tpu.memory_space<semaphore_mem>>)
          %dma_wait3A = arith.constant 0 : i32
          %dma_wait3A_281 = arith.constant 0 : i32
          %dma_wait3A_282 = arith.constant 0 : i32
          %dma_wait3A_283 = arith.constant 0 : i32
          %dma_wait3A_284 = tpu.memref_slice %run_scoped3A_18[%rem3A_240, %dma_wait3A_282, %dma_wait3A_283] : memref<2x256x128xf32, #tpu.memory_space<vmem>> -> memref<1x256x128xf32, #tpu.memory_space<vmem>>
          %dma_wait3A_285 = tpu.memref_squeeze %dma_wait3A_284 : memref<1x256x128xf32, #tpu.memory_space<vmem>> -> memref<256x128xf32, #tpu.memory_space<vmem>>
          %dma_wait3A_286 = arith.constant 0 : i32
          %dma_wait3A_287 = arith.constant 0 : i32
          %dma_wait3A_288 = tpu.memref_slice %dma_wait3A_285[%dma_wait3A_286, %dma_wait3A_287] : memref<256x128xf32, #tpu.memory_space<vmem>> -> memref<128x128xf32, #tpu.memory_space<vmem>>
          %dma_wait3A_289 = arith.constant 0 : i32
          %dma_wait3A_290 = arith.constant 0 : i32
          %dma_wait3A_291 = arith.constant 0 : i32
          %dma_wait3A_292 = tpu.memref_slice %run_scoped3A[%rem3A_238, %dma_wait3A_289, %dma_wait3A_290, %dma_wait3A_291] : memref<2x1x2x128xi32, #tpu.memory_space<vmem>> -> memref<1x1x2x128xi32, #tpu.memory_space<vmem>>
          %dma_wait3A_293 = tpu.memref_squeeze %dma_wait3A_292 : memref<1x1x2x128xi32, #tpu.memory_space<vmem>> -> memref<1x2x128xi32, #tpu.memory_space<vmem>>
          %dma_wait3A_294 = arith.constant 0 : i32
          %dma_wait3A_295 = tpu.memref_slice %dma_wait3A_293[%dma_wait3A, %dma_wait3A_281, %dma_wait3A_294] : memref<1x2x128xi32, #tpu.memory_space<vmem>> -> memref<1x1x128xi32, #tpu.memory_space<vmem>>
          %dma_wait3A_296 = tpu.memref_squeeze %dma_wait3A_295 : memref<1x1x128xi32, #tpu.memory_space<vmem>> -> memref<128xi32, #tpu.memory_space<vmem>>
          %dma_wait3A_297 = arith.constant 0 : i32
          %dma_wait3A_298 = arith.constant 0 : i32
          %dma_wait3A_299 = tpu.memref_slice %arg2[%dma_wait3A_297, %dma_wait3A_298] : memref<320000x128xf32, #tpu.memory_space<hbm>> -> memref<320000x128xf32, #tpu.memory_space<hbm>>
          tpu.wait_indirect_dma semaphore(%arg5 : memref<!tpu.dma_semaphore, #tpu.memory_space<semaphore_mem>>) src(%dma_wait3A_299 : memref<320000x128xf32, #tpu.memory_space<hbm>>) dst(%dma_wait3A_288 : memref<128x128xf32, #tpu.memory_space<vmem>>)
          %dma_wait3A_300 = arith.constant 0 : i32
          %dma_wait3A_301 = arith.constant 1 : i32
          %dma_wait3A_302 = arith.constant 0 : i32
          %dma_wait3A_303 = arith.constant 0 : i32
          %dma_wait3A_304 = tpu.memref_slice %run_scoped3A_18[%rem3A_240, %dma_wait3A_302, %dma_wait3A_303] : memref<2x256x128xf32, #tpu.memory_space<vmem>> -> memref<1x256x128xf32, #tpu.memory_space<vmem>>
          %dma_wait3A_305 = tpu.memref_squeeze %dma_wait3A_304 : memref<1x256x128xf32, #tpu.memory_space<vmem>> -> memref<256x128xf32, #tpu.memory_space<vmem>>
          %dma_wait3A_306 = arith.constant 128 : i32
          %dma_wait3A_307 = arith.constant 0 : i32
          %dma_wait3A_308 = tpu.memref_slice %dma_wait3A_305[%dma_wait3A_306, %dma_wait3A_307] : memref<256x128xf32, #tpu.memory_space<vmem>> -> memref<128x128xf32, #tpu.memory_space<vmem>>
          %dma_wait3A_309 = arith.constant 0 : i32
          %dma_wait3A_310 = arith.constant 0 : i32
          %dma_wait3A_311 = arith.constant 0 : i32
          %dma_wait3A_312 = tpu.memref_slice %run_scoped3A[%rem3A_238, %dma_wait3A_309, %dma_wait3A_310, %dma_wait3A_311] : memref<2x1x2x128xi32, #tpu.memory_space<vmem>> -> memref<1x1x2x128xi32, #tpu.memory_space<vmem>>
          %dma_wait3A_313 = tpu.memref_squeeze %dma_wait3A_312 : memref<1x1x2x128xi32, #tpu.memory_space<vmem>> -> memref<1x2x128xi32, #tpu.memory_space<vmem>>
          %dma_wait3A_314 = arith.constant 0 : i32
          %dma_wait3A_315 = tpu.memref_slice %dma_wait3A_313[%dma_wait3A_300, %dma_wait3A_301, %dma_wait3A_314] : memref<1x2x128xi32, #tpu.memory_space<vmem>> -> memref<1x1x128xi32, #tpu.memory_space<vmem>>
          %dma_wait3A_316 = tpu.memref_squeeze %dma_wait3A_315 : memref<1x1x128xi32, #tpu.memory_space<vmem>> -> memref<128xi32, #tpu.memory_space<vmem>>
          %dma_wait3A_317 = arith.constant 0 : i32
          %dma_wait3A_318 = arith.constant 0 : i32
          %dma_wait3A_319 = tpu.memref_slice %arg2[%dma_wait3A_317, %dma_wait3A_318] : memref<320000x128xf32, #tpu.memory_space<hbm>> -> memref<320000x128xf32, #tpu.memory_space<hbm>>
          tpu.wait_indirect_dma semaphore(%arg5 : memref<!tpu.dma_semaphore, #tpu.memory_space<semaphore_mem>>) src(%dma_wait3A_319 : memref<320000x128xf32, #tpu.memory_space<hbm>>) dst(%dma_wait3A_308 : memref<128x128xf32, #tpu.memory_space<vmem>>)
          "tpu.trace_stop"() : () -> ()
          %ne3A_320 = arith.cmpi ne, %add3A_159, %add3A_177 : i32
          %or3A_321 = arith.constant false
          %or3A_322 = arith.ori %or3A_321, %ne3A_320 : i1
          %or3A_323 = arith.constant false
          %or3A_324 = arith.ori %or3A_322, %or3A_323 : i1
          %or3A_325 = arith.constant false
          %or3A_326 = arith.ori %or3A_324, %or3A_325 : i1
          %or3A_327 = arith.ori %or3A_326, %eq3A_158 : i1
          %convert_element_type3A_328 = arith.extui %or3A_327 : i1 to i32
          %cond3A_329 = arith.constant 0 : i32
          %cond3A_330 = arith.cmpi ne, %convert_element_type3A_328, %cond3A_329 : i32
          scf.if %cond3A_330 {
          } else {
          }
          %and3A_331 = arith.constant false
          %and3A_332 = arith.andi %or3A_327, %and3A_331 : i1
          %ne3A_333 = arith.cmpi ne, %add3A_159, %add3A_177 : i32
          %or3A_334 = arith.constant false
          %or3A_335 = arith.ori %or3A_334, %ne3A_333 : i1
          %or3A_336 = arith.constant false
          %or3A_337 = arith.ori %or3A_335, %or3A_336 : i1
          %or3A_338 = arith.ori %or3A_337, %eq3A_158 : i1
          %convert_element_type3A_339 = arith.extui %or3A_338 : i1 to i32
          %cond3A_340 = arith.constant 0 : i32
          %cond3A_341 = arith.cmpi ne, %convert_element_type3A_339, %cond3A_340 : i32
          scf.if %cond3A_341 {
            "tpu.trace_start"() <{level = 10 : i32, message = "ep_copy_out"}> : () -> ()
            %rem3A_396 = arith.constant 2 : i32
            %rem3A_397 = arith.remui %while3A_149, %rem3A_396 : i32
            %mul3A_398 = arith.constant 256 : i32
            %mul3A_399 = arith.muli %mul3A_398, %add3A_159 : i32
            %dma_start3A_400 = arith.constant 0 : i32
            %dma_start3A_401 = arith.constant 0 : i32
            %dma_start3A_402 = tpu.memref_slice %run_scoped3A_18[%rem3A_397, %dma_start3A_400, %dma_start3A_401] : memref<2x256x128xf32, #tpu.memory_space<vmem>> -> memref<1x256x128xf32, #tpu.memory_space<vmem>>
            %dma_start3A_403 = tpu.memref_squeeze %dma_start3A_402 : memref<1x256x128xf32, #tpu.memory_space<vmem>> -> memref<256x128xf32, #tpu.memory_space<vmem>>
            %dma_start3A_404 = arith.constant 0 : i32
            %dma_start3A_405 = tpu.memref_slice %arg4[%mul3A_399, %dma_start3A_404] : memref<320000x128xf32, #tpu.memory_space<hbm>> -> memref<256x128xf32, #tpu.memory_space<hbm>>
            %dma_start3A_406 = tpu.memref_slice %run_scoped3A_19[%rem3A_397] : memref<2x!tpu.dma_semaphore, #tpu.memory_space<semaphore_mem>> -> memref<1x!tpu.dma_semaphore, #tpu.memory_space<semaphore_mem>>
            %dma_start3A_407 = tpu.memref_squeeze %dma_start3A_406 : memref<1x!tpu.dma_semaphore, #tpu.memory_space<semaphore_mem>> -> memref<!tpu.dma_semaphore, #tpu.memory_space<semaphore_mem>>
            %dma_start3A_408 = arith.constant 0 : i32
            %dma_start3A_409 = tpu.memref_slice %arg4[%mul3A_399, %dma_start3A_408] : memref<320000x128xf32, #tpu.memory_space<hbm>> -> memref<256x128xf32, #tpu.memory_space<hbm>>
            %dma_start3A_410 = arith.constant 0 : i32
            %dma_start3A_411 = arith.constant 0 : i32
            %dma_start3A_412 = tpu.memref_slice %run_scoped3A_18[%rem3A_397, %dma_start3A_410, %dma_start3A_411] : memref<2x256x128xf32, #tpu.memory_space<vmem>> -> memref<1x256x128xf32, #tpu.memory_space<vmem>>
            %dma_start3A_413 = tpu.memref_squeeze %dma_start3A_412 : memref<1x256x128xf32, #tpu.memory_space<vmem>> -> memref<256x128xf32, #tpu.memory_space<vmem>>
            tpu.enqueue_dma source(%dma_start3A_413 : memref<256x128xf32, #tpu.memory_space<vmem>>) target(%dma_start3A_409 : memref<256x128xf32, #tpu.memory_space<hbm>>) target_semaphore(%dma_start3A_407 : memref<!tpu.dma_semaphore, #tpu.memory_space<semaphore_mem>>)
            "tpu.trace_stop"() : () -> ()
          } else {
          }
          %and3A_342 = arith.constant true
          %and3A_343 = arith.andi %or3A_338, %and3A_342 : i1
          %add3A_344 = arith.constant 1 : i32
          %add3A_345 = arith.addi %while3A_149, %add3A_344 : i32
          %select_n3A_346 = arith.select %and3A_343, %add3A_345, %while3A_149 : i32
          %ne3A_347 = arith.cmpi ne, %add3A_159, %add3A_169 : i32
          %or3A_348 = arith.constant false
          %or3A_349 = arith.ori %or3A_348, %ne3A_347 : i1
          %or3A_350 = arith.constant false
          %or3A_351 = arith.ori %or3A_349, %or3A_350 : i1
          %or3A_352 = arith.constant false
          %or3A_353 = arith.ori %or3A_351, %or3A_352 : i1
          %not3A_354 = arith.constant true
          %not3A_355 = arith.xori %eq3A_155, %not3A_354 : i1
          %and3A_356 = arith.andi %or3A_353, %not3A_355 : i1
          %convert_element_type3A_357 = arith.extui %and3A_356 : i1 to i32
          %cond3A_358 = arith.constant 0 : i32
          %cond3A_359 = arith.cmpi ne, %convert_element_type3A_357, %cond3A_358 : i32
          scf.if %cond3A_359 {
          } else {
          }
          %and3A_360 = arith.constant false
          %and3A_361 = arith.andi %and3A_356, %and3A_360 : i1
          %ne3A_362 = arith.cmpi ne, %add3A_159, %add3A_169 : i32
          %or3A_363 = arith.constant false
          %or3A_364 = arith.ori %or3A_363, %ne3A_362 : i1
          %or3A_365 = arith.constant false
          %or3A_366 = arith.ori %or3A_364, %or3A_365 : i1
          %not3A_367 = arith.constant true
          %not3A_368 = arith.xori %eq3A_155, %not3A_367 : i1
          %and3A_369 = arith.andi %or3A_366, %not3A_368 : i1
          %convert_element_type3A_370 = arith.extui %and3A_369 : i1 to i32
          %cond3A_371 = arith.constant 0 : i32
          %cond3A_372 = arith.cmpi ne, %convert_element_type3A_370, %cond3A_371 : i32
          scf.if %cond3A_372 {
            "tpu.trace_start"() <{level = 10 : i32, message = "ep_wait_out"}> : () -> ()
            %rem3A_396 = arith.constant 2 : i32
            %rem3A_397 = arith.remui %while3A_150, %rem3A_396 : i32
            %mul3A_398 = arith.constant 256 : i32
            %mul3A_399 = arith.muli %mul3A_398, %add3A_169 : i32
            %dma_wait3A_400 = arith.constant 0 : i32
            %dma_wait3A_401 = arith.constant 0 : i32
            %dma_wait3A_402 = tpu.memref_slice %run_scoped3A_18[%rem3A_397, %dma_wait3A_400, %dma_wait3A_401] : memref<2x256x128xf32, #tpu.memory_space<vmem>> -> memref<1x256x128xf32, #tpu.memory_space<vmem>>
            %dma_wait3A_403 = tpu.memref_squeeze %dma_wait3A_402 : memref<1x256x128xf32, #tpu.memory_space<vmem>> -> memref<256x128xf32, #tpu.memory_space<vmem>>
            %dma_wait3A_404 = arith.constant 0 : i32
            %dma_wait3A_405 = tpu.memref_slice %arg4[%mul3A_399, %dma_wait3A_404] : memref<320000x128xf32, #tpu.memory_space<hbm>> -> memref<256x128xf32, #tpu.memory_space<hbm>>
            %dma_wait3A_406 = tpu.memref_slice %run_scoped3A_19[%rem3A_397] : memref<2x!tpu.dma_semaphore, #tpu.memory_space<semaphore_mem>> -> memref<1x!tpu.dma_semaphore, #tpu.memory_space<semaphore_mem>>
            %dma_wait3A_407 = tpu.memref_squeeze %dma_wait3A_406 : memref<1x!tpu.dma_semaphore, #tpu.memory_space<semaphore_mem>> -> memref<!tpu.dma_semaphore, #tpu.memory_space<semaphore_mem>>
            %dma_wait3A_408 = arith.constant 0 : i32
            %dma_wait3A_409 = tpu.memref_slice %arg4[%mul3A_399, %dma_wait3A_408] : memref<320000x128xf32, #tpu.memory_space<hbm>> -> memref<256x128xf32, #tpu.memory_space<hbm>>
            %dma_wait3A_410 = arith.constant 0 : i32
            %dma_wait3A_411 = arith.constant 0 : i32
            %dma_wait3A_412 = tpu.memref_slice %run_scoped3A_18[%rem3A_397, %dma_wait3A_410, %dma_wait3A_411] : memref<2x256x128xf32, #tpu.memory_space<vmem>> -> memref<1x256x128xf32, #tpu.memory_space<vmem>>
            %dma_wait3A_413 = tpu.memref_squeeze %dma_wait3A_412 : memref<1x256x128xf32, #tpu.memory_space<vmem>> -> memref<256x128xf32, #tpu.memory_space<vmem>>
            tpu.wait_dma2 semaphore(%dma_wait3A_407 : memref<!tpu.dma_semaphore, #tpu.memory_space<semaphore_mem>>) src(%dma_wait3A_413 : memref<256x128xf32, #tpu.memory_space<vmem>>) dst(%dma_wait3A_409 : memref<256x128xf32, #tpu.memory_space<hbm>>)
            "tpu.trace_stop"() : () -> ()
          } else {
          }
          %and3A_373 = arith.constant true
          %and3A_374 = arith.andi %and3A_369, %and3A_373 : i1
          %add3A_375 = arith.constant 1 : i32
          %add3A_376 = arith.addi %while3A_150, %add3A_375 : i32
          %select_n3A_377 = arith.select %and3A_374, %add3A_376, %while3A_150 : i32
          %ne3A_378 = arith.cmpi ne, %add3A_159, %add3A_177 : i32
          %or3A_379 = arith.constant false
          %or3A_380 = arith.ori %or3A_379, %ne3A_378 : i1
          %or3A_381 = arith.constant false
          %or3A_382 = arith.ori %or3A_380, %or3A_381 : i1
          %or3A_383 = arith.constant false
          %or3A_384 = arith.ori %or3A_382, %or3A_383 : i1
          %or3A_385 = arith.ori %or3A_384, %eq3A_158 : i1
          %add3A_386 = arith.constant 1 : i32
          %add3A_387 = arith.addi %while3A_148, %add3A_386 : i32
          %select_n3A_388 = arith.select %or3A_385, %add3A_387, %while3A_148 : i32
          %add3A_389 = arith.constant 1 : i32
          %add3A_390 = arith.addi %while3A_151, %add3A_389 : i32
          %select_n3A_391 = arith.constant true
          %select_n3A_392 = arith.select %select_n3A_391, %add3A_390, %while3A_151 : i32
          %eq3A_393 = arith.cmpi eq, %select_n3A_392, %select_n3A : i32
          %select_n3A_394 = arith.constant 0 : i32
          %select_n3A_395 = arith.select %eq3A_393, %select_n3A_394, %select_n3A_392 : i32
          scf.yield %select_n3A_203, %select_n3A_388, %select_n3A_346, %select_n3A_377, %select_n3A_395 : i32, i32, i32, i32, i32
        }
        %while3A_93 = arith.constant 1 : i32
        %while3A_94:5 = scf.for %while3A_146 = %while3A_90 to %while3A_86 step %while3A_93 iter_args(%while3A_147 = %while3A_92#0, %while3A_148 = %while3A_92#1, %while3A_149 = %while3A_92#2, %while3A_150 = %while3A_92#3, %while3A_151 = %while3A_92#4) -> (i32, i32, i32, i32, i32)  : i32 {
          %mul3A_152 = arith.constant 1 : i32
          %mul3A_153 = arith.muli %mul3A_152, %select_n3A : i32
          %eq3A_154 = arith.constant 0 : i32
          %eq3A_155 = arith.cmpi eq, %while3A_146, %eq3A_154 : i32
          %sub3A_156 = arith.constant 1 : i32
          %sub3A_157 = arith.subi %mul3A_153, %sub3A_156 : i32
          %eq3A_158 = arith.cmpi eq, %while3A_146, %sub3A_157 : i32
          %add3A_159 = arith.addi %while3A_151, %select_n3A_14 : i32
          %sub3A_160 = arith.constant 1 : i32
          %sub3A_161 = arith.subi %while3A_151, %sub3A_160 : i32
          %select_n3A_162 = arith.constant true
          %select_n3A_163 = arith.select %select_n3A_162, %sub3A_161, %while3A_151 : i32
          %eq3A_164 = arith.constant -1 : i32
          %eq3A_165 = arith.cmpi eq, %select_n3A_163, %eq3A_164 : i32
          %sub3A_166 = arith.constant 1 : i32
          %sub3A_167 = arith.subi %select_n3A, %sub3A_166 : i32
          %select_n3A_168 = arith.select %eq3A_165, %sub3A_167, %select_n3A_163 : i32
          %add3A_169 = arith.addi %select_n3A_168, %select_n3A_14 : i32
          %add3A_170 = arith.constant 1 : i32
          %add3A_171 = arith.addi %while3A_151, %add3A_170 : i32
          %select_n3A_172 = arith.constant true
          %select_n3A_173 = arith.select %select_n3A_172, %add3A_171, %while3A_151 : i32
          %eq3A_174 = arith.cmpi eq, %select_n3A_173, %select_n3A : i32
          %select_n3A_175 = arith.constant 0 : i32
          %select_n3A_176 = arith.select %eq3A_174, %select_n3A_175, %select_n3A_173 : i32
          %add3A_177 = arith.addi %select_n3A_176, %select_n3A_14 : i32
          %add3A_178 = arith.constant 1 : i32
          %add3A_179 = arith.addi %select_n3A_176, %add3A_178 : i32
          %select_n3A_180 = arith.constant true
          %select_n3A_181 = arith.select %select_n3A_180, %add3A_179, %select_n3A_176 : i32
          %eq3A_182 = arith.cmpi eq, %select_n3A_181, %select_n3A : i32
          %select_n3A_183 = arith.constant 0 : i32
          %select_n3A_184 = arith.select %eq3A_182, %select_n3A_183, %select_n3A_181 : i32
          %add3A_185 = arith.addi %select_n3A_184, %select_n3A_14 : i32
          %ne3A = arith.cmpi ne, %add3A_159, %add3A_177 : i32
          %or3A = arith.constant false
          %or3A_186 = arith.ori %or3A, %ne3A : i1
          %or3A_187 = arith.constant false
          %or3A_188 = arith.ori %or3A_186, %or3A_187 : i1
          %or3A_189 = arith.constant false
          %or3A_190 = arith.ori %or3A_188, %or3A_189 : i1
          %sub3A_191 = arith.constant 2 : i32
          %sub3A_192 = arith.subi %mul3A_153, %sub3A_191 : i32
          %add3A_193 = arith.constant 1 : i32
          %add3A_194 = arith.addi %sub3A_192, %add3A_193 : i32
          %ge3A = arith.cmpi sge, %while3A_146, %add3A_194 : i32
          %not3A = arith.constant true
          %not3A_195 = arith.xori %ge3A, %not3A : i1
          %and3A = arith.andi %or3A_190, %not3A_195 : i1
          %convert_element_type3A_196 = arith.extui %and3A : i1 to i32
          %cond3A_197 = arith.constant 0 : i32
          %cond3A_198 = arith.cmpi ne, %convert_element_type3A_196, %cond3A_197 : i32
          scf.if %cond3A_198 {
            "tpu.trace_start"() <{level = 10 : i32, message = "ep_copy_in"}> : () -> ()
            %rem3A_396 = arith.constant 2 : i32
            %rem3A_397 = arith.remui %while3A_147, %rem3A_396 : i32
            %mul3A_398 = arith.constant 1 : i32
            %mul3A_399 = arith.muli %mul3A_398, %add3A_177 : i32
            %dma_start3A_400 = arith.constant 0 : i32
            %dma_start3A_401 = arith.constant 0 : i32
            %dma_start3A_402 = arith.constant 0 : i32
            %dma_start3A_403 = tpu.memref_slice %run_scoped3A[%rem3A_397, %dma_start3A_400, %dma_start3A_401, %dma_start3A_402] : memref<2x1x2x128xi32, #tpu.memory_space<vmem>> -> memref<1x1x2x128xi32, #tpu.memory_space<vmem>>
            %dma_start3A_404 = tpu.memref_squeeze %dma_start3A_403 : memref<1x1x2x128xi32, #tpu.memory_space<vmem>> -> memref<1x2x128xi32, #tpu.memory_space<vmem>>
            %dma_start3A_405 = arith.constant 0 : i32
            %dma_start3A_406 = arith.constant 0 : i32
            %dma_start3A_407 = tpu.memref_slice %arg3[%mul3A_399, %dma_start3A_405, %dma_start3A_406] : memref<1250x2x128xi32, #tpu.memory_space<hbm>> -> memref<1x2x128xi32, #tpu.memory_space<hbm>>
            %dma_start3A_408 = tpu.memref_slice %run_scoped3A_17[%rem3A_397] : memref<2x!tpu.dma_semaphore, #tpu.memory_space<semaphore_mem>> -> memref<1x!tpu.dma_semaphore, #tpu.memory_space<semaphore_mem>>
            %dma_start3A_409 = tpu.memref_squeeze %dma_start3A_408 : memref<1x!tpu.dma_semaphore, #tpu.memory_space<semaphore_mem>> -> memref<!tpu.dma_semaphore, #tpu.memory_space<semaphore_mem>>
            %dma_start3A_410 = arith.constant 0 : i32
            %dma_start3A_411 = arith.constant 0 : i32
            %dma_start3A_412 = arith.constant 0 : i32
            %dma_start3A_413 = tpu.memref_slice %run_scoped3A[%rem3A_397, %dma_start3A_410, %dma_start3A_411, %dma_start3A_412] : memref<2x1x2x128xi32, #tpu.memory_space<vmem>> -> memref<1x1x2x128xi32, #tpu.memory_space<vmem>>
            %dma_start3A_414 = tpu.memref_squeeze %dma_start3A_413 : memref<1x1x2x128xi32, #tpu.memory_space<vmem>> -> memref<1x2x128xi32, #tpu.memory_space<vmem>>
            %dma_start3A_415 = arith.constant 0 : i32
            %dma_start3A_416 = arith.constant 0 : i32
            %dma_start3A_417 = tpu.memref_slice %arg3[%mul3A_399, %dma_start3A_415, %dma_start3A_416] : memref<1250x2x128xi32, #tpu.memory_space<hbm>> -> memref<1x2x128xi32, #tpu.memory_space<hbm>>
            tpu.enqueue_dma source(%dma_start3A_417 : memref<1x2x128xi32, #tpu.memory_space<hbm>>) target(%dma_start3A_414 : memref<1x2x128xi32, #tpu.memory_space<vmem>>) target_semaphore(%dma_start3A_409 : memref<!tpu.dma_semaphore, #tpu.memory_space<semaphore_mem>>)
            "tpu.trace_stop"() : () -> ()
          } else {
          }
          %and3A_199 = arith.constant true
          %and3A_200 = arith.andi %and3A, %and3A_199 : i1
          %add3A_201 = arith.constant 1 : i32
          %add3A_202 = arith.addi %while3A_147, %add3A_201 : i32
          %select_n3A_203 = arith.select %and3A_200, %add3A_202, %while3A_147 : i32
          %ne3A_204 = arith.cmpi ne, %add3A_159, %add3A_177 : i32
          %or3A_205 = arith.constant false
          %or3A_206 = arith.ori %or3A_205, %ne3A_204 : i1
          %or3A_207 = arith.constant false
          %or3A_208 = arith.ori %or3A_206, %or3A_207 : i1
          %sub3A_209 = arith.constant 2 : i32
          %sub3A_210 = arith.subi %mul3A_153, %sub3A_209 : i32
          %add3A_211 = arith.constant 1 : i32
          %add3A_212 = arith.addi %sub3A_210, %add3A_211 : i32
          %ge3A_213 = arith.cmpi sge, %while3A_146, %add3A_212 : i32
          %not3A_214 = arith.constant true
          %not3A_215 = arith.xori %ge3A_213, %not3A_214 : i1
          %and3A_216 = arith.andi %or3A_208, %not3A_215 : i1
          %ne3A_217 = arith.cmpi ne, %add3A_159, %add3A_169 : i32
          %or3A_218 = arith.constant false
          %or3A_219 = arith.ori %or3A_218, %ne3A_217 : i1
          %or3A_220 = arith.constant false
          %or3A_221 = arith.ori %or3A_219, %or3A_220 : i1
          %or3A_222 = arith.constant false
          %or3A_223 = arith.ori %or3A_221, %or3A_222 : i1
          %or3A_224 = arith.ori %or3A_223, %eq3A_155 : i1
          %convert_element_type3A_225 = arith.extui %or3A_224 : i1 to i32
          %cond3A_226 = arith.constant 0 : i32
          %cond3A_227 = arith.cmpi ne, %convert_element_type3A_225, %cond3A_226 : i32
          scf.if %cond3A_227 {
            "tpu.trace_start"() <{level = 10 : i32, message = "ep_wait_in"}> : () -> ()
            %mul3A_396 = arith.constant 1 : i32
            %mul3A_397 = arith.muli %mul3A_396, %add3A_159 : i32
            %rem3A_398 = arith.constant 2 : i32
            %rem3A_399 = arith.remui %while3A_148, %rem3A_398 : i32
            %dma_wait3A_400 = arith.constant 0 : i32
            %dma_wait3A_401 = arith.constant 0 : i32
            %dma_wait3A_402 = arith.constant 0 : i32
            %dma_wait3A_403 = tpu.memref_slice %run_scoped3A[%rem3A_399, %dma_wait3A_400, %dma_wait3A_401, %dma_wait3A_402] : memref<2x1x2x128xi32, #tpu.memory_space<vmem>> -> memref<1x1x2x128xi32, #tpu.memory_space<vmem>>
            %dma_wait3A_404 = tpu.memref_squeeze %dma_wait3A_403 : memref<1x1x2x128xi32, #tpu.memory_space<vmem>> -> memref<1x2x128xi32, #tpu.memory_space<vmem>>
            %dma_wait3A_405 = arith.constant 0 : i32
            %dma_wait3A_406 = arith.constant 0 : i32
            %dma_wait3A_407 = tpu.memref_slice %arg3[%mul3A_397, %dma_wait3A_405, %dma_wait3A_406] : memref<1250x2x128xi32, #tpu.memory_space<hbm>> -> memref<1x2x128xi32, #tpu.memory_space<hbm>>
            %dma_wait3A_408 = tpu.memref_slice %run_scoped3A_17[%rem3A_399] : memref<2x!tpu.dma_semaphore, #tpu.memory_space<semaphore_mem>> -> memref<1x!tpu.dma_semaphore, #tpu.memory_space<semaphore_mem>>
            %dma_wait3A_409 = tpu.memref_squeeze %dma_wait3A_408 : memref<1x!tpu.dma_semaphore, #tpu.memory_space<semaphore_mem>> -> memref<!tpu.dma_semaphore, #tpu.memory_space<semaphore_mem>>
            %dma_wait3A_410 = arith.constant 0 : i32
            %dma_wait3A_411 = arith.constant 0 : i32
            %dma_wait3A_412 = arith.constant 0 : i32
            %dma_wait3A_413 = tpu.memref_slice %run_scoped3A[%rem3A_399, %dma_wait3A_410, %dma_wait3A_411, %dma_wait3A_412] : memref<2x1x2x128xi32, #tpu.memory_space<vmem>> -> memref<1x1x2x128xi32, #tpu.memory_space<vmem>>
            %dma_wait3A_414 = tpu.memref_squeeze %dma_wait3A_413 : memref<1x1x2x128xi32, #tpu.memory_space<vmem>> -> memref<1x2x128xi32, #tpu.memory_space<vmem>>
            %dma_wait3A_415 = arith.constant 0 : i32
            %dma_wait3A_416 = arith.constant 0 : i32
            %dma_wait3A_417 = tpu.memref_slice %arg3[%mul3A_397, %dma_wait3A_415, %dma_wait3A_416] : memref<1250x2x128xi32, #tpu.memory_space<hbm>> -> memref<1x2x128xi32, #tpu.memory_space<hbm>>
            tpu.wait_dma2 semaphore(%dma_wait3A_409 : memref<!tpu.dma_semaphore, #tpu.memory_space<semaphore_mem>>) src(%dma_wait3A_417 : memref<1x2x128xi32, #tpu.memory_space<hbm>>) dst(%dma_wait3A_414 : memref<1x2x128xi32, #tpu.memory_space<vmem>>)
            "tpu.trace_stop"() : () -> ()
          } else {
          }
          %ne3A_228 = arith.cmpi ne, %add3A_159, %add3A_169 : i32
          %or3A_229 = arith.constant false
          %or3A_230 = arith.ori %or3A_229, %ne3A_228 : i1
          %or3A_231 = arith.constant false
          %or3A_232 = arith.ori %or3A_230, %or3A_231 : i1
          %or3A_233 = arith.ori %or3A_232, %eq3A_155 : i1
          %convert_element_type3A_234 = arith.extui %or3A_233 : i1 to i32
          %cond3A_235 = arith.constant 0 : i32
          %cond3A_236 = arith.cmpi ne, %convert_element_type3A_234, %cond3A_235 : i32
          scf.if %cond3A_236 {
          } else {
          }
          %rem3A_237 = arith.constant 2 : i32
          %rem3A_238 = arith.remui %while3A_148, %rem3A_237 : i32
          %rem3A_239 = arith.constant 2 : i32
          %rem3A_240 = arith.remui %while3A_149, %rem3A_239 : i32
          %dma_start3A_241 = arith.constant 0 : i32
          %dma_start3A_242 = arith.constant 0 : i32
          "tpu.trace_start"() <{level = 10 : i32, message = "ep_run_kernel"}> : () -> ()
          %dma_start3A_243 = arith.constant 0 : i32
          %dma_start3A_244 = arith.constant 0 : i32
          %dma_start3A_245 = tpu.memref_slice %run_scoped3A_18[%rem3A_240, %dma_start3A_243, %dma_start3A_244] : memref<2x256x128xf32, #tpu.memory_space<vmem>> -> memref<1x256x128xf32, #tpu.memory_space<vmem>>
          %dma_start3A_246 = tpu.memref_squeeze %dma_start3A_245 : memref<1x256x128xf32, #tpu.memory_space<vmem>> -> memref<256x128xf32, #tpu.memory_space<vmem>>
          %dma_start3A_247 = arith.constant 0 : i32
          %dma_start3A_248 = arith.constant 0 : i32
          %dma_start3A_249 = tpu.memref_slice %dma_start3A_246[%dma_start3A_247, %dma_start3A_248] : memref<256x128xf32, #tpu.memory_space<vmem>> -> memref<128x128xf32, #tpu.memory_space<vmem>>
          %dma_start3A_250 = arith.constant 0 : i32
          %dma_start3A_251 = arith.constant 0 : i32
          %dma_start3A_252 = arith.constant 0 : i32
          %dma_start3A_253 = tpu.memref_slice %run_scoped3A[%rem3A_238, %dma_start3A_250, %dma_start3A_251, %dma_start3A_252] : memref<2x1x2x128xi32, #tpu.memory_space<vmem>> -> memref<1x1x2x128xi32, #tpu.memory_space<vmem>>
          %dma_start3A_254 = tpu.memref_squeeze %dma_start3A_253 : memref<1x1x2x128xi32, #tpu.memory_space<vmem>> -> memref<1x2x128xi32, #tpu.memory_space<vmem>>
          %dma_start3A_255 = arith.constant 0 : i32
          %dma_start3A_256 = tpu.memref_slice %dma_start3A_254[%dma_start3A_241, %dma_start3A_242, %dma_start3A_255] : memref<1x2x128xi32, #tpu.memory_space<vmem>> -> memref<1x1x128xi32, #tpu.memory_space<vmem>>
          %dma_start3A_257 = tpu.memref_squeeze %dma_start3A_256 : memref<1x1x128xi32, #tpu.memory_space<vmem>> -> memref<128xi32, #tpu.memory_space<vmem>>
          %dma_start3A_258 = arith.constant 0 : i32
          %dma_start3A_259 = arith.constant 0 : i32
          %dma_start3A_260 = tpu.memref_slice %arg2[%dma_start3A_258, %dma_start3A_259] : memref<320000x128xf32, #tpu.memory_space<hbm>> -> memref<320000x128xf32, #tpu.memory_space<hbm>>
          tpu.enqueue_indirect_dma source(%dma_start3A_260 : memref<320000x128xf32, #tpu.memory_space<hbm>>) target(%dma_start3A_249 : memref<128x128xf32, #tpu.memory_space<vmem>>) offsets(%dma_start3A_257 : memref<128xi32, #tpu.memory_space<vmem>>) semaphore(%arg5 : memref<!tpu.dma_semaphore, #tpu.memory_space<semaphore_mem>>)
          %dma_start3A_261 = arith.constant 0 : i32
          %dma_start3A_262 = arith.constant 1 : i32
          %dma_start3A_263 = arith.constant 0 : i32
          %dma_start3A_264 = arith.constant 0 : i32
          %dma_start3A_265 = tpu.memref_slice %run_scoped3A_18[%rem3A_240, %dma_start3A_263, %dma_start3A_264] : memref<2x256x128xf32, #tpu.memory_space<vmem>> -> memref<1x256x128xf32, #tpu.memory_space<vmem>>
          %dma_start3A_266 = tpu.memref_squeeze %dma_start3A_265 : memref<1x256x128xf32, #tpu.memory_space<vmem>> -> memref<256x128xf32, #tpu.memory_space<vmem>>
          %dma_start3A_267 = arith.constant 128 : i32
          %dma_start3A_268 = arith.constant 0 : i32
          %dma_start3A_269 = tpu.memref_slice %dma_start3A_266[%dma_start3A_267, %dma_start3A_268] : memref<256x128xf32, #tpu.memory_space<vmem>> -> memref<128x128xf32, #tpu.memory_space<vmem>>
          %dma_start3A_270 = arith.constant 0 : i32
          %dma_start3A_271 = arith.constant 0 : i32
          %dma_start3A_272 = arith.constant 0 : i32
          %dma_start3A_273 = tpu.memref_slice %run_scoped3A[%rem3A_238, %dma_start3A_270, %dma_start3A_271, %dma_start3A_272] : memref<2x1x2x128xi32, #tpu.memory_space<vmem>> -> memref<1x1x2x128xi32, #tpu.memory_space<vmem>>
          %dma_start3A_274 = tpu.memref_squeeze %dma_start3A_273 : memref<1x1x2x128xi32, #tpu.memory_space<vmem>> -> memref<1x2x128xi32, #tpu.memory_space<vmem>>
          %dma_start3A_275 = arith.constant 0 : i32
          %dma_start3A_276 = tpu.memref_slice %dma_start3A_274[%dma_start3A_261, %dma_start3A_262, %dma_start3A_275] : memref<1x2x128xi32, #tpu.memory_space<vmem>> -> memref<1x1x128xi32, #tpu.memory_space<vmem>>
          %dma_start3A_277 = tpu.memref_squeeze %dma_start3A_276 : memref<1x1x128xi32, #tpu.memory_space<vmem>> -> memref<128xi32, #tpu.memory_space<vmem>>
          %dma_start3A_278 = arith.constant 0 : i32
          %dma_start3A_279 = arith.constant 0 : i32
          %dma_start3A_280 = tpu.memref_slice %arg2[%dma_start3A_278, %dma_start3A_279] : memref<320000x128xf32, #tpu.memory_space<hbm>> -> memref<320000x128xf32, #tpu.memory_space<hbm>>
          tpu.enqueue_indirect_dma source(%dma_start3A_280 : memref<320000x128xf32, #tpu.memory_space<hbm>>) target(%dma_start3A_269 : memref<128x128xf32, #tpu.memory_space<vmem>>) offsets(%dma_start3A_277 : memref<128xi32, #tpu.memory_space<vmem>>) semaphore(%arg5 : memref<!tpu.dma_semaphore, #tpu.memory_space<semaphore_mem>>)
          %dma_wait3A = arith.constant 0 : i32
          %dma_wait3A_281 = arith.constant 0 : i32
          %dma_wait3A_282 = arith.constant 0 : i32
          %dma_wait3A_283 = arith.constant 0 : i32
          %dma_wait3A_284 = tpu.memref_slice %run_scoped3A_18[%rem3A_240, %dma_wait3A_282, %dma_wait3A_283] : memref<2x256x128xf32, #tpu.memory_space<vmem>> -> memref<1x256x128xf32, #tpu.memory_space<vmem>>
          %dma_wait3A_285 = tpu.memref_squeeze %dma_wait3A_284 : memref<1x256x128xf32, #tpu.memory_space<vmem>> -> memref<256x128xf32, #tpu.memory_space<vmem>>
          %dma_wait3A_286 = arith.constant 0 : i32
          %dma_wait3A_287 = arith.constant 0 : i32
          %dma_wait3A_288 = tpu.memref_slice %dma_wait3A_285[%dma_wait3A_286, %dma_wait3A_287] : memref<256x128xf32, #tpu.memory_space<vmem>> -> memref<128x128xf32, #tpu.memory_space<vmem>>
          %dma_wait3A_289 = arith.constant 0 : i32
          %dma_wait3A_290 = arith.constant 0 : i32
          %dma_wait3A_291 = arith.constant 0 : i32
          %dma_wait3A_292 = tpu.memref_slice %run_scoped3A[%rem3A_238, %dma_wait3A_289, %dma_wait3A_290, %dma_wait3A_291] : memref<2x1x2x128xi32, #tpu.memory_space<vmem>> -> memref<1x1x2x128xi32, #tpu.memory_space<vmem>>
          %dma_wait3A_293 = tpu.memref_squeeze %dma_wait3A_292 : memref<1x1x2x128xi32, #tpu.memory_space<vmem>> -> memref<1x2x128xi32, #tpu.memory_space<vmem>>
          %dma_wait3A_294 = arith.constant 0 : i32
          %dma_wait3A_295 = tpu.memref_slice %dma_wait3A_293[%dma_wait3A, %dma_wait3A_281, %dma_wait3A_294] : memref<1x2x128xi32, #tpu.memory_space<vmem>> -> memref<1x1x128xi32, #tpu.memory_space<vmem>>
          %dma_wait3A_296 = tpu.memref_squeeze %dma_wait3A_295 : memref<1x1x128xi32, #tpu.memory_space<vmem>> -> memref<128xi32, #tpu.memory_space<vmem>>
          %dma_wait3A_297 = arith.constant 0 : i32
          %dma_wait3A_298 = arith.constant 0 : i32
          %dma_wait3A_299 = tpu.memref_slice %arg2[%dma_wait3A_297, %dma_wait3A_298] : memref<320000x128xf32, #tpu.memory_space<hbm>> -> memref<320000x128xf32, #tpu.memory_space<hbm>>
          tpu.wait_indirect_dma semaphore(%arg5 : memref<!tpu.dma_semaphore, #tpu.memory_space<semaphore_mem>>) src(%dma_wait3A_299 : memref<320000x128xf32, #tpu.memory_space<hbm>>) dst(%dma_wait3A_288 : memref<128x128xf32, #tpu.memory_space<vmem>>)
          %dma_wait3A_300 = arith.constant 0 : i32
          %dma_wait3A_301 = arith.constant 1 : i32
          %dma_wait3A_302 = arith.constant 0 : i32
          %dma_wait3A_303 = arith.constant 0 : i32
          %dma_wait3A_304 = tpu.memref_slice %run_scoped3A_18[%rem3A_240, %dma_wait3A_302, %dma_wait3A_303] : memref<2x256x128xf32, #tpu.memory_space<vmem>> -> memref<1x256x128xf32, #tpu.memory_space<vmem>>
          %dma_wait3A_305 = tpu.memref_squeeze %dma_wait3A_304 : memref<1x256x128xf32, #tpu.memory_space<vmem>> -> memref<256x128xf32, #tpu.memory_space<vmem>>
          %dma_wait3A_306 = arith.constant 128 : i32
          %dma_wait3A_307 = arith.constant 0 : i32
          %dma_wait3A_308 = tpu.memref_slice %dma_wait3A_305[%dma_wait3A_306, %dma_wait3A_307] : memref<256x128xf32, #tpu.memory_space<vmem>> -> memref<128x128xf32, #tpu.memory_space<vmem>>
          %dma_wait3A_309 = arith.constant 0 : i32
          %dma_wait3A_310 = arith.constant 0 : i32
          %dma_wait3A_311 = arith.constant 0 : i32
          %dma_wait3A_312 = tpu.memref_slice %run_scoped3A[%rem3A_238, %dma_wait3A_309, %dma_wait3A_310, %dma_wait3A_311] : memref<2x1x2x128xi32, #tpu.memory_space<vmem>> -> memref<1x1x2x128xi32, #tpu.memory_space<vmem>>
          %dma_wait3A_313 = tpu.memref_squeeze %dma_wait3A_312 : memref<1x1x2x128xi32, #tpu.memory_space<vmem>> -> memref<1x2x128xi32, #tpu.memory_space<vmem>>
          %dma_wait3A_314 = arith.constant 0 : i32
          %dma_wait3A_315 = tpu.memref_slice %dma_wait3A_313[%dma_wait3A_300, %dma_wait3A_301, %dma_wait3A_314] : memref<1x2x128xi32, #tpu.memory_space<vmem>> -> memref<1x1x128xi32, #tpu.memory_space<vmem>>
          %dma_wait3A_316 = tpu.memref_squeeze %dma_wait3A_315 : memref<1x1x128xi32, #tpu.memory_space<vmem>> -> memref<128xi32, #tpu.memory_space<vmem>>
          %dma_wait3A_317 = arith.constant 0 : i32
          %dma_wait3A_318 = arith.constant 0 : i32
          %dma_wait3A_319 = tpu.memref_slice %arg2[%dma_wait3A_317, %dma_wait3A_318] : memref<320000x128xf32, #tpu.memory_space<hbm>> -> memref<320000x128xf32, #tpu.memory_space<hbm>>
          tpu.wait_indirect_dma semaphore(%arg5 : memref<!tpu.dma_semaphore, #tpu.memory_space<semaphore_mem>>) src(%dma_wait3A_319 : memref<320000x128xf32, #tpu.memory_space<hbm>>) dst(%dma_wait3A_308 : memref<128x128xf32, #tpu.memory_space<vmem>>)
          "tpu.trace_stop"() : () -> ()
          %ne3A_320 = arith.cmpi ne, %add3A_159, %add3A_177 : i32
          %or3A_321 = arith.constant false
          %or3A_322 = arith.ori %or3A_321, %ne3A_320 : i1
          %or3A_323 = arith.constant false
          %or3A_324 = arith.ori %or3A_322, %or3A_323 : i1
          %or3A_325 = arith.constant false
          %or3A_326 = arith.ori %or3A_324, %or3A_325 : i1
          %or3A_327 = arith.ori %or3A_326, %eq3A_158 : i1
          %convert_element_type3A_328 = arith.extui %or3A_327 : i1 to i32
          %cond3A_329 = arith.constant 0 : i32
          %cond3A_330 = arith.cmpi ne, %convert_element_type3A_328, %cond3A_329 : i32
          scf.if %cond3A_330 {
          } else {
          }
          %and3A_331 = arith.constant false
          %and3A_332 = arith.andi %or3A_327, %and3A_331 : i1
          %ne3A_333 = arith.cmpi ne, %add3A_159, %add3A_177 : i32
          %or3A_334 = arith.constant false
          %or3A_335 = arith.ori %or3A_334, %ne3A_333 : i1
          %or3A_336 = arith.constant false
          %or3A_337 = arith.ori %or3A_335, %or3A_336 : i1
          %or3A_338 = arith.ori %or3A_337, %eq3A_158 : i1
          %convert_element_type3A_339 = arith.extui %or3A_338 : i1 to i32
          %cond3A_340 = arith.constant 0 : i32
          %cond3A_341 = arith.cmpi ne, %convert_element_type3A_339, %cond3A_340 : i32
          scf.if %cond3A_341 {
            "tpu.trace_start"() <{level = 10 : i32, message = "ep_copy_out"}> : () -> ()
            %rem3A_396 = arith.constant 2 : i32
            %rem3A_397 = arith.remui %while3A_149, %rem3A_396 : i32
            %mul3A_398 = arith.constant 256 : i32
            %mul3A_399 = arith.muli %mul3A_398, %add3A_159 : i32
            %dma_start3A_400 = arith.constant 0 : i32
            %dma_start3A_401 = arith.constant 0 : i32
            %dma_start3A_402 = tpu.memref_slice %run_scoped3A_18[%rem3A_397, %dma_start3A_400, %dma_start3A_401] : memref<2x256x128xf32, #tpu.memory_space<vmem>> -> memref<1x256x128xf32, #tpu.memory_space<vmem>>
            %dma_start3A_403 = tpu.memref_squeeze %dma_start3A_402 : memref<1x256x128xf32, #tpu.memory_space<vmem>> -> memref<256x128xf32, #tpu.memory_space<vmem>>
            %dma_start3A_404 = arith.constant 0 : i32
            %dma_start3A_405 = tpu.memref_slice %arg4[%mul3A_399, %dma_start3A_404] : memref<320000x128xf32, #tpu.memory_space<hbm>> -> memref<256x128xf32, #tpu.memory_space<hbm>>
            %dma_start3A_406 = tpu.memref_slice %run_scoped3A_19[%rem3A_397] : memref<2x!tpu.dma_semaphore, #tpu.memory_space<semaphore_mem>> -> memref<1x!tpu.dma_semaphore, #tpu.memory_space<semaphore_mem>>
            %dma_start3A_407 = tpu.memref_squeeze %dma_start3A_406 : memref<1x!tpu.dma_semaphore, #tpu.memory_space<semaphore_mem>> -> memref<!tpu.dma_semaphore, #tpu.memory_space<semaphore_mem>>
            %dma_start3A_408 = arith.constant 0 : i32
            %dma_start3A_409 = tpu.memref_slice %arg4[%mul3A_399, %dma_start3A_408] : memref<320000x128xf32, #tpu.memory_space<hbm>> -> memref<256x128xf32, #tpu.memory_space<hbm>>
            %dma_start3A_410 = arith.constant 0 : i32
            %dma_start3A_411 = arith.constant 0 : i32
            %dma_start3A_412 = tpu.memref_slice %run_scoped3A_18[%rem3A_397, %dma_start3A_410, %dma_start3A_411] : memref<2x256x128xf32, #tpu.memory_space<vmem>> -> memref<1x256x128xf32, #tpu.memory_space<vmem>>
            %dma_start3A_413 = tpu.memref_squeeze %dma_start3A_412 : memref<1x256x128xf32, #tpu.memory_space<vmem>> -> memref<256x128xf32, #tpu.memory_space<vmem>>
            tpu.enqueue_dma source(%dma_start3A_413 : memref<256x128xf32, #tpu.memory_space<vmem>>) target(%dma_start3A_409 : memref<256x128xf32, #tpu.memory_space<hbm>>) target_semaphore(%dma_start3A_407 : memref<!tpu.dma_semaphore, #tpu.memory_space<semaphore_mem>>)
            "tpu.trace_stop"() : () -> ()
          } else {
          }
          %and3A_342 = arith.constant true
          %and3A_343 = arith.andi %or3A_338, %and3A_342 : i1
          %add3A_344 = arith.constant 1 : i32
          %add3A_345 = arith.addi %while3A_149, %add3A_344 : i32
          %select_n3A_346 = arith.select %and3A_343, %add3A_345, %while3A_149 : i32
          %ne3A_347 = arith.cmpi ne, %add3A_159, %add3A_169 : i32
          %or3A_348 = arith.constant false
          %or3A_349 = arith.ori %or3A_348, %ne3A_347 : i1
          %or3A_350 = arith.constant false
          %or3A_351 = arith.ori %or3A_349, %or3A_350 : i1
          %or3A_352 = arith.constant false
          %or3A_353 = arith.ori %or3A_351, %or3A_352 : i1
          %not3A_354 = arith.constant true
          %not3A_355 = arith.xori %eq3A_155, %not3A_354 : i1
          %and3A_356 = arith.andi %or3A_353, %not3A_355 : i1
          %convert_element_type3A_357 = arith.extui %and3A_356 : i1 to i32
          %cond3A_358 = arith.constant 0 : i32
          %cond3A_359 = arith.cmpi ne, %convert_element_type3A_357, %cond3A_358 : i32
          scf.if %cond3A_359 {
          } else {
          }
          %and3A_360 = arith.constant false
          %and3A_361 = arith.andi %and3A_356, %and3A_360 : i1
          %ne3A_362 = arith.cmpi ne, %add3A_159, %add3A_169 : i32
          %or3A_363 = arith.constant false
          %or3A_364 = arith.ori %or3A_363, %ne3A_362 : i1
          %or3A_365 = arith.constant false
          %or3A_366 = arith.ori %or3A_364, %or3A_365 : i1
          %not3A_367 = arith.constant true
          %not3A_368 = arith.xori %eq3A_155, %not3A_367 : i1
          %and3A_369 = arith.andi %or3A_366, %not3A_368 : i1
          %convert_element_type3A_370 = arith.extui %and3A_369 : i1 to i32
          %cond3A_371 = arith.constant 0 : i32
          %cond3A_372 = arith.cmpi ne, %convert_element_type3A_370, %cond3A_371 : i32
          scf.if %cond3A_372 {
            "tpu.trace_start"() <{level = 10 : i32, message = "ep_wait_out"}> : () -> ()
            %rem3A_396 = arith.constant 2 : i32
            %rem3A_397 = arith.remui %while3A_150, %rem3A_396 : i32
            %mul3A_398 = arith.constant 256 : i32
            %mul3A_399 = arith.muli %mul3A_398, %add3A_169 : i32
            %dma_wait3A_400 = arith.constant 0 : i32
            %dma_wait3A_401 = arith.constant 0 : i32
            %dma_wait3A_402 = tpu.memref_slice %run_scoped3A_18[%rem3A_397, %dma_wait3A_400, %dma_wait3A_401] : memref<2x256x128xf32, #tpu.memory_space<vmem>> -> memref<1x256x128xf32, #tpu.memory_space<vmem>>
            %dma_wait3A_403 = tpu.memref_squeeze %dma_wait3A_402 : memref<1x256x128xf32, #tpu.memory_space<vmem>> -> memref<256x128xf32, #tpu.memory_space<vmem>>
            %dma_wait3A_404 = arith.constant 0 : i32
            %dma_wait3A_405 = tpu.memref_slice %arg4[%mul3A_399, %dma_wait3A_404] : memref<320000x128xf32, #tpu.memory_space<hbm>> -> memref<256x128xf32, #tpu.memory_space<hbm>>
            %dma_wait3A_406 = tpu.memref_slice %run_scoped3A_19[%rem3A_397] : memref<2x!tpu.dma_semaphore, #tpu.memory_space<semaphore_mem>> -> memref<1x!tpu.dma_semaphore, #tpu.memory_space<semaphore_mem>>
            %dma_wait3A_407 = tpu.memref_squeeze %dma_wait3A_406 : memref<1x!tpu.dma_semaphore, #tpu.memory_space<semaphore_mem>> -> memref<!tpu.dma_semaphore, #tpu.memory_space<semaphore_mem>>
            %dma_wait3A_408 = arith.constant 0 : i32
            %dma_wait3A_409 = tpu.memref_slice %arg4[%mul3A_399, %dma_wait3A_408] : memref<320000x128xf32, #tpu.memory_space<hbm>> -> memref<256x128xf32, #tpu.memory_space<hbm>>
            %dma_wait3A_410 = arith.constant 0 : i32
            %dma_wait3A_411 = arith.constant 0 : i32
            %dma_wait3A_412 = tpu.memref_slice %run_scoped3A_18[%rem3A_397, %dma_wait3A_410, %dma_wait3A_411] : memref<2x256x128xf32, #tpu.memory_space<vmem>> -> memref<1x256x128xf32, #tpu.memory_space<vmem>>
            %dma_wait3A_413 = tpu.memref_squeeze %dma_wait3A_412 : memref<1x256x128xf32, #tpu.memory_space<vmem>> -> memref<256x128xf32, #tpu.memory_space<vmem>>
            tpu.wait_dma2 semaphore(%dma_wait3A_407 : memref<!tpu.dma_semaphore, #tpu.memory_space<semaphore_mem>>) src(%dma_wait3A_413 : memref<256x128xf32, #tpu.memory_space<vmem>>) dst(%dma_wait3A_409 : memref<256x128xf32, #tpu.memory_space<hbm>>)
            "tpu.trace_stop"() : () -> ()
          } else {
          }
          %and3A_373 = arith.constant true
          %and3A_374 = arith.andi %and3A_369, %and3A_373 : i1
          %add3A_375 = arith.constant 1 : i32
          %add3A_376 = arith.addi %while3A_150, %add3A_375 : i32
          %select_n3A_377 = arith.select %and3A_374, %add3A_376, %while3A_150 : i32
          %ne3A_378 = arith.cmpi ne, %add3A_159, %add3A_177 : i32
          %or3A_379 = arith.constant false
          %or3A_380 = arith.ori %or3A_379, %ne3A_378 : i1
          %or3A_381 = arith.constant false
          %or3A_382 = arith.ori %or3A_380, %or3A_381 : i1
          %or3A_383 = arith.constant false
          %or3A_384 = arith.ori %or3A_382, %or3A_383 : i1
          %or3A_385 = arith.ori %or3A_384, %eq3A_158 : i1
          %add3A_386 = arith.constant 1 : i32
          %add3A_387 = arith.addi %while3A_148, %add3A_386 : i32
          %select_n3A_388 = arith.select %or3A_385, %add3A_387, %while3A_148 : i32
          %add3A_389 = arith.constant 1 : i32
          %add3A_390 = arith.addi %while3A_151, %add3A_389 : i32
          %select_n3A_391 = arith.constant true
          %select_n3A_392 = arith.select %select_n3A_391, %add3A_390, %while3A_151 : i32
          %eq3A_393 = arith.cmpi eq, %select_n3A_392, %select_n3A : i32
          %select_n3A_394 = arith.constant 0 : i32
          %select_n3A_395 = arith.select %eq3A_393, %select_n3A_394, %select_n3A_392 : i32
          scf.yield %select_n3A_203, %select_n3A_388, %select_n3A_346, %select_n3A_377, %select_n3A_395 : i32, i32, i32, i32, i32
        }
        %sub3A_95 = arith.constant 1 : i32
        %sub3A_96 = arith.subi %while3A_94#4, %sub3A_95 : i32
        %select_n3A_97 = arith.constant true
        %select_n3A_98 = arith.select %select_n3A_97, %sub3A_96, %while3A_94#4 : i32
        %eq3A_99 = arith.constant -1 : i32
        %eq3A_100 = arith.cmpi eq, %select_n3A_98, %eq3A_99 : i32
        %sub3A_101 = arith.constant 1 : i32
        %sub3A_102 = arith.subi %select_n3A, %sub3A_101 : i32
        %select_n3A_103 = arith.select %eq3A_100, %sub3A_102, %select_n3A_98 : i32
        %sub3A_104 = arith.constant 1 : i32
        %sub3A_105 = arith.subi %mul3A_16, %sub3A_104 : i32
        %mul3A_106 = arith.constant 1 : i32
        %mul3A_107 = arith.muli %mul3A_106, %select_n3A : i32
        %eq3A_108 = arith.constant 0 : i32
        %eq3A_109 = arith.cmpi eq, %sub3A_105, %eq3A_108 : i32
        %sub3A_110 = arith.constant 1 : i32
        %sub3A_111 = arith.subi %mul3A_107, %sub3A_110 : i32
        %eq3A_112 = arith.cmpi eq, %sub3A_105, %sub3A_111 : i32
        %add3A_113 = arith.addi %select_n3A_103, %select_n3A_14 : i32
        %sub3A_114 = arith.constant 1 : i32
        %sub3A_115 = arith.subi %select_n3A_103, %sub3A_114 : i32
        %select_n3A_116 = arith.constant true
        %select_n3A_117 = arith.select %select_n3A_116, %sub3A_115, %select_n3A_103 : i32
        %eq3A_118 = arith.constant -1 : i32
        %eq3A_119 = arith.cmpi eq, %select_n3A_117, %eq3A_118 : i32
        %sub3A_120 = arith.constant 1 : i32
        %sub3A_121 = arith.subi %select_n3A, %sub3A_120 : i32
        %select_n3A_122 = arith.select %eq3A_119, %sub3A_121, %select_n3A_117 : i32
        %add3A_123 = arith.addi %select_n3A_122, %select_n3A_14 : i32
        %add3A_124 = arith.constant 1 : i32
        %add3A_125 = arith.addi %select_n3A_103, %add3A_124 : i32
        %select_n3A_126 = arith.constant true
        %select_n3A_127 = arith.select %select_n3A_126, %add3A_125, %select_n3A_103 : i32
        %eq3A_128 = arith.cmpi eq, %select_n3A_127, %select_n3A : i32
        %select_n3A_129 = arith.constant 0 : i32
        %select_n3A_130 = arith.select %eq3A_128, %select_n3A_129, %select_n3A_127 : i32
        %add3A_131 = arith.addi %select_n3A_130, %select_n3A_14 : i32
        %add3A_132 = arith.constant 1 : i32
        %add3A_133 = arith.addi %select_n3A_130, %add3A_132 : i32
        %select_n3A_134 = arith.constant true
        %select_n3A_135 = arith.select %select_n3A_134, %add3A_133, %select_n3A_130 : i32
        %eq3A_136 = arith.cmpi eq, %select_n3A_135, %select_n3A : i32
        %select_n3A_137 = arith.constant 0 : i32
        %select_n3A_138 = arith.select %eq3A_136, %select_n3A_137, %select_n3A_135 : i32
        %add3A_139 = arith.addi %select_n3A_138, %select_n3A_14 : i32
        %convert_element_type3A_140 = arith.extui %eq3A_112 : i1 to i32
        %cond3A_141 = arith.constant 0 : i32
        %cond3A_142 = arith.cmpi ne, %convert_element_type3A_140, %cond3A_141 : i32
        scf.if %cond3A_142 {
        } else {
        }
        %convert_element_type3A_143 = arith.extui %eq3A_112 : i1 to i32
        %cond3A_144 = arith.constant 0 : i32
        %cond3A_145 = arith.cmpi ne, %convert_element_type3A_143, %cond3A_144 : i32
        scf.if %cond3A_145 {
          "tpu.trace_start"() <{level = 10 : i32, message = "ep_finalize"}> : () -> ()
          %rem3A_146 = arith.constant 2 : i32
          %rem3A_147 = arith.remui %while3A_94#3, %rem3A_146 : i32
          %mul3A_148 = arith.constant 256 : i32
          %mul3A_149 = arith.muli %mul3A_148, %add3A_113 : i32
          %dma_wait3A = arith.constant 0 : i32
          %dma_wait3A_150 = arith.constant 0 : i32
          %dma_wait3A_151 = tpu.memref_slice %run_scoped3A_18[%rem3A_147, %dma_wait3A, %dma_wait3A_150] : memref<2x256x128xf32, #tpu.memory_space<vmem>> -> memref<1x256x128xf32, #tpu.memory_space<vmem>>
          %dma_wait3A_152 = tpu.memref_squeeze %dma_wait3A_151 : memref<1x256x128xf32, #tpu.memory_space<vmem>> -> memref<256x128xf32, #tpu.memory_space<vmem>>
          %dma_wait3A_153 = arith.constant 0 : i32
          %dma_wait3A_154 = tpu.memref_slice %arg4[%mul3A_149, %dma_wait3A_153] : memref<320000x128xf32, #tpu.memory_space<hbm>> -> memref<256x128xf32, #tpu.memory_space<hbm>>
          %dma_wait3A_155 = tpu.memref_slice %run_scoped3A_19[%rem3A_147] : memref<2x!tpu.dma_semaphore, #tpu.memory_space<semaphore_mem>> -> memref<1x!tpu.dma_semaphore, #tpu.memory_space<semaphore_mem>>
          %dma_wait3A_156 = tpu.memref_squeeze %dma_wait3A_155 : memref<1x!tpu.dma_semaphore, #tpu.memory_space<semaphore_mem>> -> memref<!tpu.dma_semaphore, #tpu.memory_space<semaphore_mem>>
          %dma_wait3A_157 = arith.constant 0 : i32
          %dma_wait3A_158 = tpu.memref_slice %arg4[%mul3A_149, %dma_wait3A_157] : memref<320000x128xf32, #tpu.memory_space<hbm>> -> memref<256x128xf32, #tpu.memory_space<hbm>>
          %dma_wait3A_159 = arith.constant 0 : i32
          %dma_wait3A_160 = arith.constant 0 : i32
          %dma_wait3A_161 = tpu.memref_slice %run_scoped3A_18[%rem3A_147, %dma_wait3A_159, %dma_wait3A_160] : memref<2x256x128xf32, #tpu.memory_space<vmem>> -> memref<1x256x128xf32, #tpu.memory_space<vmem>>
          %dma_wait3A_162 = tpu.memref_squeeze %dma_wait3A_161 : memref<1x256x128xf32, #tpu.memory_space<vmem>> -> memref<256x128xf32, #tpu.memory_space<vmem>>
          tpu.wait_dma2 semaphore(%dma_wait3A_156 : memref<!tpu.dma_semaphore, #tpu.memory_space<semaphore_mem>>) src(%dma_wait3A_162 : memref<256x128xf32, #tpu.memory_space<vmem>>) dst(%dma_wait3A_158 : memref<256x128xf32, #tpu.memory_space<hbm>>)
          "tpu.trace_stop"() : () -> ()
        } else {
        }
      } else {
      }
      tpu.yield
    }) : () -> ()
    return
  }
}

module attributes {stable_mosaic.version = 14 : i64} {
  func.func @_tc_body_first(%arg0: i32, %arg1: memref<4000x128xf32, #tpu.memory_space<vmem>>, %arg2: memref<4x4000x128xf32, #tpu.memory_space<vmem>>, %arg3: memref<640x128xf32, #tpu.memory_space<vmem>>, %arg4: memref<1x128xf32, #tpu.memory_space<vmem>>, %arg5: memref<4000x128xf32, #tpu.memory_space<vmem>>) attributes {dimension_semantics = [#tpu.dimension_semantics<arbitrary>], iteration_bounds = array<i64: 40>, scalar_prefetch = 0 : i64, scratch_operands = 0 : i64, tpu.core_type = #tpu.core_type<tc>, window_params = [{transform_indices = @transform_0, window_bounds = array<i64: 4000, 128>}, {transform_indices = @transform_1, window_bounds = array<i64: 4, 4000, 128>}, {pipeline_mode = #tpu.pipeline_mode<synchronous>, transform_indices = @transform_2, window_bounds = array<i64: 640, 128>}, {pipeline_mode = #tpu.pipeline_mode<synchronous>, transform_indices = @transform_3, window_bounds = array<i64: 1, 128>}, {transform_indices = @transform_4, window_bounds = array<i64: 4000, 128>}]} {
    %get3A = arith.constant 0 : index
    %get3A_0 = arith.constant 0 : index
    %get3A_1 = vector.load %arg1[%get3A, %get3A_0] : memref<4000x128xf32, #tpu.memory_space<vmem>>, vector<4000x128xf32>
    %get3A_2 = arith.constant 0 : index
    %get3A_3 = arith.constant 0 : index
    %get3A_4 = arith.constant 0 : index
    %get3A_5 = vector.load %arg2[%get3A_2, %get3A_3, %get3A_4] : memref<4x4000x128xf32, #tpu.memory_space<vmem>>, vector<1x4000x128xf32>
    %get3A_6 = vector.shape_cast %get3A_5 : vector<1x4000x128xf32> to vector<4000x128xf32>
    %get3A_7 = arith.constant 1 : index
    %get3A_8 = arith.constant 0 : index
    %get3A_9 = arith.constant 0 : index
    %get3A_10 = vector.load %arg2[%get3A_7, %get3A_8, %get3A_9] : memref<4x4000x128xf32, #tpu.memory_space<vmem>>, vector<1x4000x128xf32>
    %get3A_11 = vector.shape_cast %get3A_10 : vector<1x4000x128xf32> to vector<4000x128xf32>
    %get3A_12 = arith.constant 2 : index
    %get3A_13 = arith.constant 0 : index
    %get3A_14 = arith.constant 0 : index
    %get3A_15 = vector.load %arg2[%get3A_12, %get3A_13, %get3A_14] : memref<4x4000x128xf32, #tpu.memory_space<vmem>>, vector<1x4000x128xf32>
    %get3A_16 = vector.shape_cast %get3A_15 : vector<1x4000x128xf32> to vector<4000x128xf32>
    %get3A_17 = arith.constant 3 : index
    %get3A_18 = arith.constant 0 : index
    %get3A_19 = arith.constant 0 : index
    %get3A_20 = vector.load %arg2[%get3A_17, %get3A_18, %get3A_19] : memref<4x4000x128xf32, #tpu.memory_space<vmem>>, vector<1x4000x128xf32>
    %get3A_21 = vector.shape_cast %get3A_20 : vector<1x4000x128xf32> to vector<4000x128xf32>
    %min3A = arith.minimumf %get3A_6, %get3A_11 : vector<4000x128xf32>
    %max3A = arith.maximumf %get3A_6, %get3A_11 : vector<4000x128xf32>
    %min3A_22 = arith.minimumf %get3A_16, %get3A_21 : vector<4000x128xf32>
    %max3A_23 = arith.maximumf %get3A_16, %get3A_21 : vector<4000x128xf32>
    %concatenate3A = tpu.concatenate %get3A_1, %min3A, %max3A, %min3A_22, %max3A_23 in 1 : vector<4000x128xf32>, vector<4000x128xf32>, vector<4000x128xf32>, vector<4000x128xf32>, vector<4000x128xf32> -> vector<4000x640xf32>
    %get3A_24 = arith.constant 0 : index
    %get3A_25 = arith.constant 0 : index
    %get3A_26 = vector.load %arg3[%get3A_24, %get3A_25] : memref<640x128xf32, #tpu.memory_space<vmem>>, vector<640x128xf32>
    %dot_general3A = arith.constant dense<0.000000e+00> : vector<4000x128xf32>
    %dot_general3A_27 = tpu.matmul %concatenate3A, %get3A_26, %dot_general3A {dimension_numbers = #tpu.dot_dimension_numbers<[1], [0], [0], [1], [0, 0, 1, 1], [], []>, transpose_lhs_hint = false} : vector<4000x640xf32>, vector<640x128xf32>, vector<4000x128xf32> -> vector<4000x128xf32>
    %get3A_28 = arith.constant 0 : index
    %get3A_29 = arith.constant 0 : index
    %get3A_30 = vector.load %arg4[%get3A_28, %get3A_29] : memref<1x128xf32, #tpu.memory_space<vmem>>, vector<1x128xf32>
    %add3A = vector.broadcast %get3A_30 : vector<1x128xf32> to vector<4000x128xf32>
    %add3A_31 = arith.addf %dot_general3A_27, %add3A : vector<4000x128xf32>
    %swap3A = arith.constant 0 : index
    %swap3A_32 = arith.constant 0 : index
    %swap3A_33 = vector.load %arg5[%swap3A, %swap3A_32] : memref<4000x128xf32, #tpu.memory_space<vmem>>, vector<4000x128xf32>
    tpu.vector_store %arg5[%swap3A, %swap3A_32], %add3A_31 {strides = array<i32>} : memref<4000x128xf32, #tpu.memory_space<vmem>>, vector<4000x128xf32>,
    return
  }
  func.func @transform_0(%arg0: i32) -> (i32, i32) {
    %add3A = arith.constant 0 : i32
    %add3A_0 = arith.addi %add3A, %arg0 : i32
    %c0_i32 = arith.constant 0 : i32
    %c0_i32_1 = arith.constant 0 : i32
    return %add3A_0, %c0_i32 : i32, i32
  }
  func.func @transform_1(%arg0: i32) -> (i32, i32, i32) {
    %c0_i32 = arith.constant 0 : i32
    %c0_i32_0 = arith.constant 0 : i32
    %c0_i32_1 = arith.constant 0 : i32
    return %c0_i32, %arg0, %c0_i32_0 : i32, i32, i32
  }
  func.func @transform_2(%arg0: i32) -> (i32, i32) {
    %c0_i32 = arith.constant 0 : i32
    %c0_i32_0 = arith.constant 0 : i32
    %c0_i32_1 = arith.constant 0 : i32
    return %c0_i32, %c0_i32_0 : i32, i32
  }
  func.func @transform_3(%arg0: i32) -> (i32, i32) {
    %c0_i32 = arith.constant 0 : i32
    %c0_i32_0 = arith.constant 0 : i32
    %c0_i32_1 = arith.constant 0 : i32
    return %c0_i32, %c0_i32_0 : i32, i32
  }
  func.func @transform_4(%arg0: i32) -> (i32, i32) {
    %add3A = arith.constant 0 : i32
    %add3A_0 = arith.addi %add3A, %arg0 : i32
    %c0_i32 = arith.constant 0 : i32
    %c0_i32_1 = arith.constant 0 : i32
    return %add3A_0, %c0_i32 : i32, i32
  }
}

module attributes {stable_mosaic.version = 14 : i64} {
  func.func @_tc_body_chained(%arg0: i32, %arg1: memref<4000x128xf32, #tpu.memory_space<vmem>>, %arg2: memref<4x4000x128xf32, #tpu.memory_space<vmem>>, %arg3: memref<640x128xf32, #tpu.memory_space<vmem>>, %arg4: memref<1x128xf32, #tpu.memory_space<vmem>>, %arg5: memref<320000x128xf32, #tpu.memory_space<any>>, %arg6: memref<4000x128xf32, #tpu.memory_space<vmem>>) attributes {dimension_semantics = [#tpu.dimension_semantics<arbitrary>], iteration_bounds = array<i64: 20>, scalar_prefetch = 0 : i64, scratch_operands = 0 : i64, tpu.core_type = #tpu.core_type<tc>, window_params = [{transform_indices = @transform_0, window_bounds = array<i64: 4000, 128>}, {transform_indices = @transform_1, window_bounds = array<i64: 4, 4000, 128>}, {pipeline_mode = #tpu.pipeline_mode<synchronous>, transform_indices = @transform_2, window_bounds = array<i64: 640, 128>}, {pipeline_mode = #tpu.pipeline_mode<synchronous>, transform_indices = @transform_3, window_bounds = array<i64: 1, 128>}, {}, {transform_indices = @transform_5, window_bounds = array<i64: 4000, 128>}]} {
    %get3A = arith.constant 0 : index
    %get3A_0 = arith.constant 0 : index
    %get3A_1 = vector.load %arg1[%get3A, %get3A_0] : memref<4000x128xf32, #tpu.memory_space<vmem>>, vector<4000x128xf32>
    %get3A_2 = arith.constant 0 : index
    %get3A_3 = arith.constant 0 : index
    %get3A_4 = arith.constant 0 : index
    %get3A_5 = vector.load %arg2[%get3A_2, %get3A_3, %get3A_4] : memref<4x4000x128xf32, #tpu.memory_space<vmem>>, vector<1x4000x128xf32>
    %get3A_6 = vector.shape_cast %get3A_5 : vector<1x4000x128xf32> to vector<4000x128xf32>
    %get3A_7 = arith.constant 1 : index
    %get3A_8 = arith.constant 0 : index
    %get3A_9 = arith.constant 0 : index
    %get3A_10 = vector.load %arg2[%get3A_7, %get3A_8, %get3A_9] : memref<4x4000x128xf32, #tpu.memory_space<vmem>>, vector<1x4000x128xf32>
    %get3A_11 = vector.shape_cast %get3A_10 : vector<1x4000x128xf32> to vector<4000x128xf32>
    %get3A_12 = arith.constant 2 : index
    %get3A_13 = arith.constant 0 : index
    %get3A_14 = arith.constant 0 : index
    %get3A_15 = vector.load %arg2[%get3A_12, %get3A_13, %get3A_14] : memref<4x4000x128xf32, #tpu.memory_space<vmem>>, vector<1x4000x128xf32>
    %get3A_16 = vector.shape_cast %get3A_15 : vector<1x4000x128xf32> to vector<4000x128xf32>
    %get3A_17 = arith.constant 3 : index
    %get3A_18 = arith.constant 0 : index
    %get3A_19 = arith.constant 0 : index
    %get3A_20 = vector.load %arg2[%get3A_17, %get3A_18, %get3A_19] : memref<4x4000x128xf32, #tpu.memory_space<vmem>>, vector<1x4000x128xf32>
    %get3A_21 = vector.shape_cast %get3A_20 : vector<1x4000x128xf32> to vector<4000x128xf32>
    %min3A = arith.minimumf %get3A_6, %get3A_11 : vector<4000x128xf32>
    %max3A = arith.maximumf %get3A_6, %get3A_11 : vector<4000x128xf32>
    %min3A_22 = arith.minimumf %get3A_16, %get3A_21 : vector<4000x128xf32>
    %max3A_23 = arith.maximumf %get3A_16, %get3A_21 : vector<4000x128xf32>
    %concatenate3A = tpu.concatenate %get3A_1, %min3A, %max3A, %min3A_22, %max3A_23 in 1 : vector<4000x128xf32>, vector<4000x128xf32>, vector<4000x128xf32>, vector<4000x128xf32>, vector<4000x128xf32> -> vector<4000x640xf32>
    %get3A_24 = arith.constant 0 : index
    %get3A_25 = arith.constant 0 : index
    %get3A_26 = vector.load %arg3[%get3A_24, %get3A_25] : memref<640x128xf32, #tpu.memory_space<vmem>>, vector<640x128xf32>
    %dot_general3A = arith.constant dense<0.000000e+00> : vector<4000x128xf32>
    %dot_general3A_27 = tpu.matmul %concatenate3A, %get3A_26, %dot_general3A {dimension_numbers = #tpu.dot_dimension_numbers<[1], [0], [0], [1], [0, 0, 1, 1], [], []>, transpose_lhs_hint = false} : vector<4000x640xf32>, vector<640x128xf32>, vector<4000x128xf32> -> vector<4000x128xf32>
    %get3A_28 = arith.constant 0 : index
    %get3A_29 = arith.constant 0 : index
    %get3A_30 = vector.load %arg4[%get3A_28, %get3A_29] : memref<1x128xf32, #tpu.memory_space<vmem>>, vector<1x128xf32>
    %add3A = vector.broadcast %get3A_30 : vector<1x128xf32> to vector<4000x128xf32>
    %add3A_31 = arith.addf %dot_general3A_27, %add3A : vector<4000x128xf32>
    %swap3A = arith.constant 0 : index
    %swap3A_32 = arith.constant 0 : index
    %swap3A_33 = vector.load %arg6[%swap3A, %swap3A_32] : memref<4000x128xf32, #tpu.memory_space<vmem>>, vector<4000x128xf32>
    tpu.vector_store %arg6[%swap3A, %swap3A_32], %add3A_31 {strides = array<i32>} : memref<4000x128xf32, #tpu.memory_space<vmem>>, vector<4000x128xf32>,
    return
  }
  func.func @transform_0(%arg0: i32) -> (i32, i32) {
    %add3A = arith.constant 40 : i32
    %add3A_0 = arith.addi %add3A, %arg0 : i32
    %c0_i32 = arith.constant 0 : i32
    %c0_i32_1 = arith.constant 0 : i32
    return %add3A_0, %c0_i32 : i32, i32
  }
  func.func @transform_1(%arg0: i32) -> (i32, i32, i32) {
    %c0_i32 = arith.constant 0 : i32
    %c0_i32_0 = arith.constant 0 : i32
    %c0_i32_1 = arith.constant 0 : i32
    return %c0_i32, %arg0, %c0_i32_0 : i32, i32, i32
  }
  func.func @transform_2(%arg0: i32) -> (i32, i32) {
    %c0_i32 = arith.constant 0 : i32
    %c0_i32_0 = arith.constant 0 : i32
    %c0_i32_1 = arith.constant 0 : i32
    return %c0_i32, %c0_i32_0 : i32, i32
  }
  func.func @transform_3(%arg0: i32) -> (i32, i32) {
    %c0_i32 = arith.constant 0 : i32
    %c0_i32_0 = arith.constant 0 : i32
    %c0_i32_1 = arith.constant 0 : i32
    return %c0_i32, %c0_i32_0 : i32, i32
  }
  func.func @transform_5(%arg0: i32) -> (i32, i32) {
    %add3A = arith.constant 40 : i32
    %add3A_0 = arith.addi %add3A, %arg0 : i32
    %c0_i32 = arith.constant 0 : i32
    %c0_i32_1 = arith.constant 0 : i32
    return %add3A_0, %c0_i32 : i32, i32
  }
}

module attributes {stable_mosaic.version = 14 : i64} {
  func.func @_tc_body_chained(%arg0: i32, %arg1: memref<4000x128xf32, #tpu.memory_space<vmem>>, %arg2: memref<4x4000x128xf32, #tpu.memory_space<vmem>>, %arg3: memref<640x128xf32, #tpu.memory_space<vmem>>, %arg4: memref<1x128xf32, #tpu.memory_space<vmem>>, %arg5: memref<320000x128xf32, #tpu.memory_space<any>>, %arg6: memref<4000x128xf32, #tpu.memory_space<vmem>>) attributes {dimension_semantics = [#tpu.dimension_semantics<arbitrary>], iteration_bounds = array<i64: 10>, scalar_prefetch = 0 : i64, scratch_operands = 0 : i64, tpu.core_type = #tpu.core_type<tc>, window_params = [{transform_indices = @transform_0, window_bounds = array<i64: 4000, 128>}, {transform_indices = @transform_1, window_bounds = array<i64: 4, 4000, 128>}, {pipeline_mode = #tpu.pipeline_mode<synchronous>, transform_indices = @transform_2, window_bounds = array<i64: 640, 128>}, {pipeline_mode = #tpu.pipeline_mode<synchronous>, transform_indices = @transform_3, window_bounds = array<i64: 1, 128>}, {}, {transform_indices = @transform_5, window_bounds = array<i64: 4000, 128>}]} {
    %get3A = arith.constant 0 : index
    %get3A_0 = arith.constant 0 : index
    %get3A_1 = vector.load %arg1[%get3A, %get3A_0] : memref<4000x128xf32, #tpu.memory_space<vmem>>, vector<4000x128xf32>
    %get3A_2 = arith.constant 0 : index
    %get3A_3 = arith.constant 0 : index
    %get3A_4 = arith.constant 0 : index
    %get3A_5 = vector.load %arg2[%get3A_2, %get3A_3, %get3A_4] : memref<4x4000x128xf32, #tpu.memory_space<vmem>>, vector<1x4000x128xf32>
    %get3A_6 = vector.shape_cast %get3A_5 : vector<1x4000x128xf32> to vector<4000x128xf32>
    %get3A_7 = arith.constant 1 : index
    %get3A_8 = arith.constant 0 : index
    %get3A_9 = arith.constant 0 : index
    %get3A_10 = vector.load %arg2[%get3A_7, %get3A_8, %get3A_9] : memref<4x4000x128xf32, #tpu.memory_space<vmem>>, vector<1x4000x128xf32>
    %get3A_11 = vector.shape_cast %get3A_10 : vector<1x4000x128xf32> to vector<4000x128xf32>
    %get3A_12 = arith.constant 2 : index
    %get3A_13 = arith.constant 0 : index
    %get3A_14 = arith.constant 0 : index
    %get3A_15 = vector.load %arg2[%get3A_12, %get3A_13, %get3A_14] : memref<4x4000x128xf32, #tpu.memory_space<vmem>>, vector<1x4000x128xf32>
    %get3A_16 = vector.shape_cast %get3A_15 : vector<1x4000x128xf32> to vector<4000x128xf32>
    %get3A_17 = arith.constant 3 : index
    %get3A_18 = arith.constant 0 : index
    %get3A_19 = arith.constant 0 : index
    %get3A_20 = vector.load %arg2[%get3A_17, %get3A_18, %get3A_19] : memref<4x4000x128xf32, #tpu.memory_space<vmem>>, vector<1x4000x128xf32>
    %get3A_21 = vector.shape_cast %get3A_20 : vector<1x4000x128xf32> to vector<4000x128xf32>
    %min3A = arith.minimumf %get3A_6, %get3A_11 : vector<4000x128xf32>
    %max3A = arith.maximumf %get3A_6, %get3A_11 : vector<4000x128xf32>
    %min3A_22 = arith.minimumf %get3A_16, %get3A_21 : vector<4000x128xf32>
    %max3A_23 = arith.maximumf %get3A_16, %get3A_21 : vector<4000x128xf32>
    %concatenate3A = tpu.concatenate %get3A_1, %min3A, %max3A, %min3A_22, %max3A_23 in 1 : vector<4000x128xf32>, vector<4000x128xf32>, vector<4000x128xf32>, vector<4000x128xf32>, vector<4000x128xf32> -> vector<4000x640xf32>
    %get3A_24 = arith.constant 0 : index
    %get3A_25 = arith.constant 0 : index
    %get3A_26 = vector.load %arg3[%get3A_24, %get3A_25] : memref<640x128xf32, #tpu.memory_space<vmem>>, vector<640x128xf32>
    %dot_general3A = arith.constant dense<0.000000e+00> : vector<4000x128xf32>
    %dot_general3A_27 = tpu.matmul %concatenate3A, %get3A_26, %dot_general3A {dimension_numbers = #tpu.dot_dimension_numbers<[1], [0], [0], [1], [0, 0, 1, 1], [], []>, transpose_lhs_hint = false} : vector<4000x640xf32>, vector<640x128xf32>, vector<4000x128xf32> -> vector<4000x128xf32>
    %get3A_28 = arith.constant 0 : index
    %get3A_29 = arith.constant 0 : index
    %get3A_30 = vector.load %arg4[%get3A_28, %get3A_29] : memref<1x128xf32, #tpu.memory_space<vmem>>, vector<1x128xf32>
    %add3A = vector.broadcast %get3A_30 : vector<1x128xf32> to vector<4000x128xf32>
    %add3A_31 = arith.addf %dot_general3A_27, %add3A : vector<4000x128xf32>
    %swap3A = arith.constant 0 : index
    %swap3A_32 = arith.constant 0 : index
    %swap3A_33 = vector.load %arg6[%swap3A, %swap3A_32] : memref<4000x128xf32, #tpu.memory_space<vmem>>, vector<4000x128xf32>
    tpu.vector_store %arg6[%swap3A, %swap3A_32], %add3A_31 {strides = array<i32>} : memref<4000x128xf32, #tpu.memory_space<vmem>>, vector<4000x128xf32>,
    return
  }
  func.func @transform_0(%arg0: i32) -> (i32, i32) {
    %add3A = arith.constant 60 : i32
    %add3A_0 = arith.addi %add3A, %arg0 : i32
    %c0_i32 = arith.constant 0 : i32
    %c0_i32_1 = arith.constant 0 : i32
    return %add3A_0, %c0_i32 : i32, i32
  }
  func.func @transform_1(%arg0: i32) -> (i32, i32, i32) {
    %c0_i32 = arith.constant 0 : i32
    %c0_i32_0 = arith.constant 0 : i32
    %c0_i32_1 = arith.constant 0 : i32
    return %c0_i32, %arg0, %c0_i32_0 : i32, i32, i32
  }
  func.func @transform_2(%arg0: i32) -> (i32, i32) {
    %c0_i32 = arith.constant 0 : i32
    %c0_i32_0 = arith.constant 0 : i32
    %c0_i32_1 = arith.constant 0 : i32
    return %c0_i32, %c0_i32_0 : i32, i32
  }
  func.func @transform_3(%arg0: i32) -> (i32, i32) {
    %c0_i32 = arith.constant 0 : i32
    %c0_i32_0 = arith.constant 0 : i32
    %c0_i32_1 = arith.constant 0 : i32
    return %c0_i32, %c0_i32_0 : i32, i32
  }
  func.func @transform_5(%arg0: i32) -> (i32, i32) {
    %add3A = arith.constant 60 : i32
    %add3A_0 = arith.addi %add3A, %arg0 : i32
    %c0_i32 = arith.constant 0 : i32
    %c0_i32_1 = arith.constant 0 : i32
    return %add3A_0, %c0_i32 : i32, i32
  }
}

module attributes {stable_mosaic.version = 14 : i64} {
  func.func @_tc_body_chained(%arg0: i32, %arg1: memref<4000x128xf32, #tpu.memory_space<vmem>>, %arg2: memref<4x4000x128xf32, #tpu.memory_space<vmem>>, %arg3: memref<640x128xf32, #tpu.memory_space<vmem>>, %arg4: memref<1x128xf32, #tpu.memory_space<vmem>>, %arg5: memref<320000x128xf32, #tpu.memory_space<any>>, %arg6: memref<4000x128xf32, #tpu.memory_space<vmem>>) attributes {dimension_semantics = [#tpu.dimension_semantics<arbitrary>], iteration_bounds = array<i64: 10>, scalar_prefetch = 0 : i64, scratch_operands = 0 : i64, tpu.core_type = #tpu.core_type<tc>, window_params = [{transform_indices = @transform_0, window_bounds = array<i64: 4000, 128>}, {transform_indices = @transform_1, window_bounds = array<i64: 4, 4000, 128>}, {pipeline_mode = #tpu.pipeline_mode<synchronous>, transform_indices = @transform_2, window_bounds = array<i64: 640, 128>}, {pipeline_mode = #tpu.pipeline_mode<synchronous>, transform_indices = @transform_3, window_bounds = array<i64: 1, 128>}, {}, {transform_indices = @transform_5, window_bounds = array<i64: 4000, 128>}]} {
    %get3A = arith.constant 0 : index
    %get3A_0 = arith.constant 0 : index
    %get3A_1 = vector.load %arg1[%get3A, %get3A_0] : memref<4000x128xf32, #tpu.memory_space<vmem>>, vector<4000x128xf32>
    %get3A_2 = arith.constant 0 : index
    %get3A_3 = arith.constant 0 : index
    %get3A_4 = arith.constant 0 : index
    %get3A_5 = vector.load %arg2[%get3A_2, %get3A_3, %get3A_4] : memref<4x4000x128xf32, #tpu.memory_space<vmem>>, vector<1x4000x128xf32>
    %get3A_6 = vector.shape_cast %get3A_5 : vector<1x4000x128xf32> to vector<4000x128xf32>
    %get3A_7 = arith.constant 1 : index
    %get3A_8 = arith.constant 0 : index
    %get3A_9 = arith.constant 0 : index
    %get3A_10 = vector.load %arg2[%get3A_7, %get3A_8, %get3A_9] : memref<4x4000x128xf32, #tpu.memory_space<vmem>>, vector<1x4000x128xf32>
    %get3A_11 = vector.shape_cast %get3A_10 : vector<1x4000x128xf32> to vector<4000x128xf32>
    %get3A_12 = arith.constant 2 : index
    %get3A_13 = arith.constant 0 : index
    %get3A_14 = arith.constant 0 : index
    %get3A_15 = vector.load %arg2[%get3A_12, %get3A_13, %get3A_14] : memref<4x4000x128xf32, #tpu.memory_space<vmem>>, vector<1x4000x128xf32>
    %get3A_16 = vector.shape_cast %get3A_15 : vector<1x4000x128xf32> to vector<4000x128xf32>
    %get3A_17 = arith.constant 3 : index
    %get3A_18 = arith.constant 0 : index
    %get3A_19 = arith.constant 0 : index
    %get3A_20 = vector.load %arg2[%get3A_17, %get3A_18, %get3A_19] : memref<4x4000x128xf32, #tpu.memory_space<vmem>>, vector<1x4000x128xf32>
    %get3A_21 = vector.shape_cast %get3A_20 : vector<1x4000x128xf32> to vector<4000x128xf32>
    %min3A = arith.minimumf %get3A_6, %get3A_11 : vector<4000x128xf32>
    %max3A = arith.maximumf %get3A_6, %get3A_11 : vector<4000x128xf32>
    %min3A_22 = arith.minimumf %get3A_16, %get3A_21 : vector<4000x128xf32>
    %max3A_23 = arith.maximumf %get3A_16, %get3A_21 : vector<4000x128xf32>
    %concatenate3A = tpu.concatenate %get3A_1, %min3A, %max3A, %min3A_22, %max3A_23 in 1 : vector<4000x128xf32>, vector<4000x128xf32>, vector<4000x128xf32>, vector<4000x128xf32>, vector<4000x128xf32> -> vector<4000x640xf32>
    %get3A_24 = arith.constant 0 : index
    %get3A_25 = arith.constant 0 : index
    %get3A_26 = vector.load %arg3[%get3A_24, %get3A_25] : memref<640x128xf32, #tpu.memory_space<vmem>>, vector<640x128xf32>
    %dot_general3A = arith.constant dense<0.000000e+00> : vector<4000x128xf32>
    %dot_general3A_27 = tpu.matmul %concatenate3A, %get3A_26, %dot_general3A {dimension_numbers = #tpu.dot_dimension_numbers<[1], [0], [0], [1], [0, 0, 1, 1], [], []>, transpose_lhs_hint = false} : vector<4000x640xf32>, vector<640x128xf32>, vector<4000x128xf32> -> vector<4000x128xf32>
    %get3A_28 = arith.constant 0 : index
    %get3A_29 = arith.constant 0 : index
    %get3A_30 = vector.load %arg4[%get3A_28, %get3A_29] : memref<1x128xf32, #tpu.memory_space<vmem>>, vector<1x128xf32>
    %add3A = vector.broadcast %get3A_30 : vector<1x128xf32> to vector<4000x128xf32>
    %add3A_31 = arith.addf %dot_general3A_27, %add3A : vector<4000x128xf32>
    %swap3A = arith.constant 0 : index
    %swap3A_32 = arith.constant 0 : index
    %swap3A_33 = vector.load %arg6[%swap3A, %swap3A_32] : memref<4000x128xf32, #tpu.memory_space<vmem>>, vector<4000x128xf32>
    tpu.vector_store %arg6[%swap3A, %swap3A_32], %add3A_31 {strides = array<i32>} : memref<4000x128xf32, #tpu.memory_space<vmem>>, vector<4000x128xf32>,
    return
  }
  func.func @transform_0(%arg0: i32) -> (i32, i32) {
    %add3A = arith.constant 70 : i32
    %add3A_0 = arith.addi %add3A, %arg0 : i32
    %c0_i32 = arith.constant 0 : i32
    %c0_i32_1 = arith.constant 0 : i32
    return %add3A_0, %c0_i32 : i32, i32
  }
  func.func @transform_1(%arg0: i32) -> (i32, i32, i32) {
    %c0_i32 = arith.constant 0 : i32
    %c0_i32_0 = arith.constant 0 : i32
    %c0_i32_1 = arith.constant 0 : i32
    return %c0_i32, %arg0, %c0_i32_0 : i32, i32, i32
  }
  func.func @transform_2(%arg0: i32) -> (i32, i32) {
    %c0_i32 = arith.constant 0 : i32
    %c0_i32_0 = arith.constant 0 : i32
    %c0_i32_1 = arith.constant 0 : i32
    return %c0_i32, %c0_i32_0 : i32, i32
  }
  func.func @transform_3(%arg0: i32) -> (i32, i32) {
    %c0_i32 = arith.constant 0 : i32
    %c0_i32_0 = arith.constant 0 : i32
    %c0_i32_1 = arith.constant 0 : i32
    return %c0_i32, %c0_i32_0 : i32, i32
  }
  func.func @transform_5(%arg0: i32) -> (i32, i32) {
    %add3A = arith.constant 70 : i32
    %add3A_0 = arith.addi %add3A, %arg0 : i32
    %c0_i32 = arith.constant 0 : i32
    %c0_i32_1 = arith.constant 0 : i32
    return %add3A_0, %c0_i32 : i32, i32
  }
}

</mosaic_0001>

<sc_bundles>
// kernel: kernel.10.cloned.1.call-start
scs
__scs_entry_jumppad:
0x0: {  	(pc) =	sbr.rel $0x88, $3  }
0x1: {  	(tag) =	ssettag $0x0;
	lr =	simm.s32 $0x1  }
0x2: {  	[smem:$0x3F9D] =	sst lr;
	_ =	strace $0xD0000000  }
0x3: {  	_ = 	snop  }
0x4: {  	_ = 	snop  }
0x5: {  	_ = 	snop  }
0x6: {  	_ = 	snop  }
0x7: {  	_ = 	snop  }
__scs_overlays_trampoline_lowered:
0x8: {  	[smem:$0x3FAC] =	sst s0  }
0x9: {  	[smem:$0x3FAD] =	sst s1  }
0xa: {  	[smem:$0x3FAE] =	sst s2  }
0xb: {  	[smem:$0x3FAF] =	sst s3  }
0xc: {  	[smem:$0x3FB0] =	sst s4  }
0xd: {  	[smem:$0x3FB1] =	sst s5  }
0xe: {  	[smem:$0x3FB2] =	sst s6  }
0xf: {  	[smem:$0x3FB3] =	sst s7  }
0x10: {  	[smem:$0x3FB4] =	sst s8  }
0x11: {  	[smem:$0x3FB5] =	sst s9;
	s0 =	simm.s32 @!p0 $0x0  }
0x12: {  	s1 =	sld [smem:$0x3F9B];
	s0 =	simm.s32 @p0 $0x1  }
0x13: {  	[smem:$0x3FB6] =	sst s0;
	s0 =	simm.s32 @!p1 $0x0  }
0x14: {  	s2 =	sld [smem:$0x3F9A];
	s0 =	simm.s32 @p1 $0x1  }
0x15: {  	[smem:$0x3FB7] =	sst s0;
	s0 =	simm.s32 @!p2 $0x0  }
0x16: {  	s3 =	sld [smem:$0x3FDB];
	s0 =	simm.s32 @p2 $0x1  }
0x17: {  	s4 =	simm.s32 $0x1BF5;
	[smem:$0x3FB9] =	sst s0  }
0x18: {  	s0 =	sld [smem:$0x3F9C];
	_ =	swait.ge [sflag:s4], $0x0  }
0x19: {  	s7 =	sld [smem:$0x3F9D]  }
0x1a: {  	s8 =	sadd.s32 $0xFFFFE003, lr  }
0x1b: {  	s9 =	sadd.s32 $0xFFFFFEF7, lr;
	s5 =	simm.s32 $0xFFFFFFFF;
	p2 =	slt.u32 s8, $0xFFFFF086  }
0x1c: {  	p1 =	slt.u32 s9, $0xF7A;
	s5 =	simm.s32 @!p2 $0x0  }
0x1d: {  	s5 =	simm.s32 @p1 $0x1;
	p0 =	seq.s32 s7, s2  }
0x1e: {  	s7 =	smul.u32 @!p0 $0xF7A, s2;
	p2 =	seq.s32 @!p0 s5, $0x0  }
0x1f: {  	s9 =	smul.u32 $0xF7A, s1;
	s8 =	simm.s32 @!p0 $0x1BF5;
	p2 =	por !p2, p0  }
0x20: {  	[sflag:s8] =	ssyncset.s32 @!p0 $0xFFFFF086;
	s6 =	sadd.s32 @!p0 s3, s7;
	s7 =	simm.s32 @!p0 $0x108  }
0x21: {  	s3 =	sadd.s32 s3, s9;
	s6 =	sadd.s32 @!p0 $0x88, s6;
	s7 =	simm.s32 @p2 $0x1082  }
0x22: {  	[simem:s7], [sflag:s8] =	dma.local @!p0 [hbm:s6], $0xF7A  }
0x23: {  	s9 =	sor.u32 $0xD0000000, s2;
	s6 =	simm.s32 $0x108;
	_ =	swait.ge @!p0 [sflag:s8], $0x0  }
0x24: {  	s3 =	sadd.s32 $0x88, s3;
	s6 =	simm.s32 @!p1 $0x1082;
	[sflag:s4] =	ssyncset.s32 $0xFFFFF086  }
0x25: {  	[simem:s6], [sflag:s4] =	dma.local [hbm:s3], $0xF7A  }
0x26: {  	[smem:$0x3F9D] =	sst s1;
	(tag) =	ssettag s2;
	_ =	strace s9  }
0x27: {  	s1 =	sld [smem:$0x3FAD]  }
0x28: {  	s2 =	sld [smem:$0x3FAE]  }
0x29: {  	s4 =	sld [smem:$0x3FB0]  }
0x2a: {  	p0 =	seq.s32 s5, $0x0;
	s5 =	sld [smem:$0x3FB1]  }
0x2b: {  	s6 =	sld [smem:$0x3FB2]  }
0x2c: {  	s7 =	sld [smem:$0x3FB3]  }
0x2d: {  	s3 =	simm.s32 $0x108;
	s8 =	sld [smem:$0x3FB4]  }
0x2e: {  	s3 =	simm.s32 @!p0 $0x1082;
	s9 =	sld [smem:$0x3FB5]  }
0x2f: {  	lr =	sadd.s32 s0, s3;
	s0 =	sld [smem:$0x3FAC]  }
0x30: {  	s3 =	sld [smem:$0x3FAF]  }
0x31: {  	[smem:$0x3FB8] =	sst s10  }
0x32: {  	s10 =	sld [smem:$0x3FB6];
	_ =	sdelay $0x3  }
0x33: {  	p0 =	seq.s32 s10, $0x1;
	s10 =	sld [smem:$0x3FB8];
	_ =	sdelay $0x3  }
0x34: {  	[smem:$0x3FB8] =	sst s10  }
0x35: {  	s10 =	sld [smem:$0x3FB7];
	_ =	sdelay $0x3  }
0x36: {  	p1 =	seq.s32 s10, $0x1;
	s10 =	sld [smem:$0x3FB8];
	_ =	sdelay $0x3  }
0x37: {  	[smem:$0x3FB8] =	sst s10  }
0x38: {  	s10 =	sld [smem:$0x3FB9]  }
0x39: {  	_ = 	snop;
	(pc) =	sbr.ind lr, $3  }
0x3a: {  	_ = 	snop  }
0x3b: {  	_ = 	snop  }
0x3c: {  	p2 =	seq.s32 s10, $0x1;
	s10 =	sld [smem:$0x3FB8]  }
0x3d: {  	_ =	shalt  }
0x3e: {  	_ =	shalt  }
0x3f: {  	_ =	shalt  }
0x40: {  	_ =	shalt  }
0x41: {  	_ =	shalt  }
0x42: {  	_ =	shalt  }
0x43: {  	_ =	shalt  }
0x44: {  	_ =	shalt  }
0x45: {  	_ =	shalt  }
0x46: {  	_ =	shalt  }
0x47: {  	_ =	shalt  }
0x48: {  	_ =	shalt  }
0x49: {  	_ =	shalt  }
0x4a: {  	_ =	shalt  }
0x4b: {  	_ =	shalt  }
0x4c: {  	_ =	shalt  }
0x4d: {  	_ =	shalt  }
0x4e: {  	_ =	shalt  }
0x4f: {  	_ =	shalt  }
0x50: {  	_ =	shalt  }
0x51: {  	_ =	shalt  }
0x52: {  	_ =	shalt  }
0x53: {  	_ =	shalt  }
0x54: {  	_ =	shalt  }
0x55: {  	_ =	shalt  }
0x56: {  	_ =	shalt  }
0x57: {  	_ =	shalt  }
0x58: {  	_ =	shalt  }
0x59: {  	_ =	shalt  }
0x5a: {  	_ =	shalt  }
0x5b: {  	_ =	shalt  }
0x5c: {  	_ =	shalt  }
0x5d: {  	_ =	shalt  }
0x5e: {  	_ =	shalt  }
0x5f: {  	_ =	shalt  }
0x60: {  	_ =	shalt  }
0x61: {  	_ =	shalt  }
0x62: {  	_ =	shalt  }
0x63: {  	_ =	shalt  }
0x64: {  	_ =	shalt  }
0x65: {  	_ =	shalt  }
0x66: {  	_ =	shalt  }
0x67: {  	_ =	shalt  }
0x68: {  	_ =	shalt  }
0x69: {  	_ =	shalt  }
0x6a: {  	_ =	shalt  }
0x6b: {  	_ =	shalt  }
0x6c: {  	_ =	shalt  }
0x6d: {  	_ =	shalt  }
0x6e: {  	_ =	shalt  }
0x6f: {  	_ =	shalt  }
0x70: {  	_ =	shalt  }
0x71: {  	_ =	shalt  }
0x72: {  	_ =	shalt  }
0x73: {  	_ =	shalt  }
0x74: {  	_ =	shalt  }
0x75: {  	_ =	shalt  }
0x76: {  	_ =	shalt  }
0x77: {  	_ =	shalt  }
0x78: {  	_ =	shalt  }
0x79: {  	_ =	shalt  }
0x7a: {  	_ =	shalt  }
0x7b: {  	_ =	shalt  }
0x7c: {  	_ =	shalt  }
0x7d: {  	_ =	shalt  }
0x7e: {  	_ =	shalt  }
0x7f: {  	_ =	shalt  }
0x80: {  	_ =	shalt  }
0x81: {  	_ =	shalt  }
0x82: {  	_ =	shalt  }
0x83: {  	_ =	shalt  }
0x84: {  	_ =	shalt  }
0x85: {  	_ =	shalt  }
0x86: {  	_ =	shalt  }
0x87: {  	_ =	shalt  }
.Lfunc_end0:
.L_simem_size_0:
called_computation_lowered:
.L_overlay_start_0:
0x88: {  	s2 =	sld [smem:$0x3FD9]  }
0x89: {  	s3 =	sld [smem:$0x3FFE];
	_ =	sdelay $0x1  }
0x8a: {  	s1 =	srdreg.scid  }
0x8b: {  	s0 =	sand.u32 $0x1, s1  }
0x8c: {  	s17 =	sshll.u32 s0, $0xA;
	s2 =	sadd.s32 s3, s2  }
0x8d: {  	s2 =	sadd.s32 s2, s17  }
0x8e: {  	[smem:$0x3FC4] =	sst s2  }
0x8f: {  	_ = 	snop  }
0x90: {  	s2 =	sld [smem:$0x3FC9]  }
0x91: {  	s18 =	sld [smem:$0x3FD0];
	(tm) =	ssettm $0x1  }
0x92: {  	s4 =	sld [smem:$0x3FFB];
	_ =	sdelay $0x3  }
0x93: {  	_ =	strace s4  }
0x94: {  	s4 =	sld [smem:$0x3FFC];
	_ =	sdelay $0x3  }
0x95: {  	_ =	strace s4  }
0x96: {  	s4 =	sld [smem:$0x3FFD];
	_ =	sdelay $0x3  }
0x97: {  	_ =	strace s4  }
0x98: {  	_ =	strace $0x8FFFFFFF  }
0x99: {  	s19 =	sld [smem:$0x3FDB];
	_ =	sdelay $0x1  }
0x9a: {  	s5 =	simm.s32 $_scs_section_size  }
0x9b: {  	s6 =	simm.s32 $_size__tile_overlayer_lowered;
	s7 =	simm.s32 $_tile_overlayer_lowered  }
0x9c: {  	s22 =	simm.s32 $0x1BFF;
	s21 =	sshll.u32 s7, $0x1;
	s4 =	sadd.s32 s5, s19  }
0x9d: {  	s8 =	simm.s32 $0x0;
	s20 =	sshll.u32 s6, $0x1;
	s6 =	sadd.s32 s21, s4  }
0x9e: {  	[timem:s8], [sflag:s22] =	dma.local [hbm:s6], s20  }
0x9f: {  	_ =	swait.ge [sflag:s22], s20  }
0xa0: {  	s5 =	ssub.s32 $0x0, s20;
	[sflag:s22] =	ssyncset.done $0x0  }
0xa1: {  	[sflag:s22] =	ssyncadd.s32 s5;
	_ =	sdelay $0x1  }
0xa2: {  	s23 =	simm.s32 $0x1B8B  }
0xa3: {  	_ =	swait.ge [sflag:s23], $0x1  }
0xa4: {  	[sflag:s23] =	ssyncset.done $0x0  }
0xa5: {  	s25 =	simm.s32 $0x1B8E;
	s24 =	sld [smem:$0x3FFE];
	[sflag:s23] =	ssyncadd.s32 $0xFFFFFFFF  }
0xa6: {  	s26 =	simm.s32 $execute0_lowered;
	[smem:$0x3FD2] =	sst s25  }
0xa7: {  	s6 =	sshll.u32 s26, $0x1;
	_ =	strace $0x80000046;
	[dreg:$0x1] =	wrdreg $0xFFFFFFFF  }
0xa8: {  	s28 =	simm.s32 $_size_execute0_lowered;
	s4 =	sadd.s32 s4, s6;
	[dreg:$0x0] =	wrdreg $0x0  }
0xa9: {  	s6 =	sshll.u32 s28, $0x1;
	[dreg:$0x2] =	wrdreg s4  }
0xaa: {  	[dreg:$0x3] =	wrdreg s6  }
0xab: {  	[dreg:$0x4] =	wrdreg $0xC0  }
0xac: {  	_ =	task [dreg:s8], $0x5FFFF  }
0xad: {  	[dreg:$0x1] =	wrdreg $0xFFFFFFFF  }
0xae: {  	[dreg:$0x0] =	wrdreg $0x60  }
0xaf: {  	[dreg:$0x2] =	wrdreg s2  }
0xb0: {  	[dreg:$0x3] =	wrdreg s18  }
0xb1: {  	[dreg:$0x4] =	wrdreg s24  }
0xb2: {  	[dreg:$0x5] =	wrdreg $0x9  }
0xb3: {  	_ =	task.clear_ibuf [dreg:s8], $0x6FFFF;
	_ =	strace $0x90000046  }
0xb4: {  	s29 =	simm.s32 $0x9;
	_ =	strace $0x8000004F  }
0xb5: {  	_ =	swait.ge [sflag:s29], $0x1  }
0xb6: {  	[sflag:s29] =	ssyncadd.s32 $0xFFFFFFFF  }
0xb7: {  	_ =	strace $0x9000004F  }
0xb8: {  	_ =	sfence  }
0xb9: {  	s30 =	sld [smem:$0x0];
	_ =	sdelay $0x2  }
0xba: {  	s31 =	sshll.u32 s1, $0xD;
	s1 =	sshrl.u32 s1, $0x2  }
0xbb: {  	s3 =	sand.u32 $0x4000, s31;
	s1 =	sadd.s32 s1, s30  }
0xbc: {  	s0 =	sor.u32 s3, s0;
	s1 =	sshll.u32 s1, $0x11  }
0xbd: {  	s0 =	sor.u32 s1, s0  }
0xbe: {  	s0 =	sadd.s32 $0x8F2B, s0  }
0xbf: {  	[sflag:s0] =	ssyncadd.remote.s32 $0x1  }
0xc0: {  	_ =	sfence.sel $0xFFFF  }
0xc1: {  	[dreg:$0x0] =	wrdreg $0xFFFFFFFF;
	(pc) =	sbr.abs _section_cstart, $3  }
0xc2: {  	[dreg:$0x1] =	wrdreg $0xFFFFFFFF  }
0xc3: {  	_ =	task.clear_ibuf [dreg:s8], $0x2FFFF;
	_ =	strace $0x9FFFFFFF  }
0xc4: {  	(tm) =	ssettm $0x7FFFFFFF  }
0xc5: {  	_ =	shalt  }
tec
execute0_lowered:
.L_overlay_start_1:
0x0: {  	(tag) =	ssettag $0x1  }
0x1: {  	s0 =	rddreg [dreg:$0x0];
	s1 =	srdreg.scid  }
0x2: {  	s3 =	rddreg [dreg:$0x1];
	s6 =	sand.u32 $0x1, s1  }
0x3: {  	s5 =	rddreg [dreg:$0x2];
	s2 =	stileid.u32;
	s7 =	sshll.u32 s6, $0x4  }
0x4: {  	s4 =	simm.s32 $0x0;
	s11 =	simm.s32 $0x80;
	s7 =	sor.u32 s2, s7  }
0x5: {  	s12 =	simm.s32 $0x0;
	[smem:$0x7FF] =	sst s4;
	s8 =	smul.u32 $0x4E, s7  }
0x6: {  	s10 =	sadd.s32 $0x1800, s5;
	_ =	strace $0x80000047;
	s9 =	smul.u32 $0x4F, s7  }
0x7: {  	[dreg:$0x4] =	wrdreg s10;
	p0 =	slt.u32 s7, $0x4;
	s5 =	sadd.s32 $0x4, s8  }
0x8: {  	s28 =	ssub.s32 $0x2, s6;
	s6 =	simm.s32 $0x4F;
	s5 =	smov.u32 @p0 s9  }
0x9: {  	s10 =	simm.s32 $0x1;
	s29 =	sshrl.u32 s28, $0x1;
	s9 =	sshll.u32 s5, $0x5  }
0xa: {  	s30 =	ssub.s32 s28, s29;
	s6 =	simm.s32 @!p0 $0x4E;
	s31 =	sand.u32 $0x1FFFFFE0, s9  }
0xb: {  	s8 =	sadd.s32 $0xFFFFFFFF, s6;
	s9 =	smax.u32 s30, $0x1;
	s7 =	sadd.s32 s3, s31  }
.LBB2_1:
0xc: {  	_ =	strace $0x80000048  }
0xd: {  	p0 =	seq.s32 s6, $0x1;
	s14 =	simm.s32 $0x1;
	p4 =	sne.s32 s6, $0x1  }
0xe: {  	[tilespmem:s4], [sflag:$0x2] =	stream.linear.gather [hbm4b:s7+s4], $0x100, $0x200038;
	[tilespmem:$0x10200] =	vst v63  }
.Ltmp0:
0xf: {  	s14 =	simm.s32 @p0 $0x0;
	(pc) =	sbr.rel @!p4 .LBB2_2-.Ltmp0, $4  }
0x10: {  	p1 =	sgt.u32 s8, $0x0;
	p0 =	sne.s32 s14, $0x0  }
0x11: {  	s13 =	simm.s32 $0x1;
	p2 =	por !p1, !p0  }
0x12: {  	p3 =	por $0x0, $0x0;
	_ =	strace $0x90000048;
	p2 =	por !p2, !p2  }
0x13: {  	p1 =	por $0x1, $0x1;
	s24 =	sand.u32 @p2 $0x1, s10;
	s28 =	sadd.s32 @p2 s5, s14  }
0x14: {  	s15 =	sshll.u32 @p2 s28, $0x5;
	s16 =	simm.s32 @p2 $0x0;
	s17 =	sshll.u32 @p2 s24, $0x8  }
0x15: {  	s18 =	sor.u32 @p2 $0x2, s24;
	_ =	strace @p2 $0x80000049;
	s30 =	simm.s32 $0x0  }
0x16: {  	s19 =	sand.u32 @!p1 $0x1, s4;
	p5 =	sne.s32 s6, $0x2;
	s15 =	sand.u32 @p2 $0x1FFFFFE0, s15  }
0x17: {  	p4 =	por p1, p1;
	p1 =	por $0x0, $0x0;
	s15 =	sadd.s32 @p2 s3, s15  }
0x18: {  	[tilespmem:s17], [sflag:s18] =	stream.linear.gather @p2 [hbm4b:s15+s16], $0x100, $0x200038;
	[tilespmem:$0x10200] =	vst v63  }
0x19: {  	p3 =	seq.s32 s8, $0x0;
	s18 =	sand.u32 $0x1, s4;
	_ =	strace @p2 $0x90000049  }
0x1a: {  	s20 =	sadd.s32 $0x0, s5;
	s26 =	sor.u32 $0x2, s18;
	_ =	strace $0x8000004A  }
0x1b: {  	s25 =	simm.s32 $0x1;
	s22 =	sor.u32 @!p4 $0x4, s19;
	_ =	swait.ge [sflag:s26], $0x100  }
0x1c: {  	s19 =	sadd.s32 $0x1, s14;
	p6 =	por p3, p0;
	[sflag:s26] =	ssyncset.done $0x0  }
0x1d: {  	p3 =	sgt.u32 s8, $0x1;
	s25 =	simm.s32 @!p6 $0x0;
	[sflag:s26] =	ssyncadd.s32 $0xFFFFFF00  }
0x1e: {  	s16 =	simm.s32 $0x2;
	s31 =	sshll.u32 s18, $0xF;
	_ =	strace $0x9000004A  }
0x1f: {  	s17 =	sand.u32 $0x100, s30;
	s21 =	sor.u32 $0x200, s31;
	_ =	strace $0x8000004B  }
0x20: {  	[tilespmem:s21], [sflag:$0x1] =	stream.indirect.gather [hbm4b:s0+s11], $0x80, s17, s11, $0x2000b8;
	[tilespmem:$0x10200] =	vst v63  }
0x21: {  	s15 =	sor.u32 $0x4200, s31;
	s26 =	sshll.u32 @p6 s20, $0xC;
	s17 =	sor.u32 $0x80, s17  }
0x22: {  	[tilespmem:s15], [sflag:$0x1] =	stream.indirect.gather [hbm4b:s0+s11], $0x80, s17, s11, $0x2000b8;
	[tilespmem:$0x10200] =	vst v63  }
0x23: {  	s17 =	simm.s32 $0x1;
	s15 =	simm.s32 $0x1;
	_ =	swait.ge [sflag:s10], $0x4000  }
0x24: {  	s17 =	simm.s32 @!p2 $0x0;
	p2 =	por $0x0, $0x0;
	[sflag:s10] =	ssyncset.done $0x0  }
0x25: {  	s20 =	simm.s32 $0x0;
	s15 =	simm.s32 @!p2 $0x0;
	[sflag:s10] =	ssyncadd.s32 $0xFFFFC000  }
0x26: {  	p2 =	seq.s32 s19, s6;
	s23 =	sadd.s32 $0x1, s17;
	_ =	swait.ge [sflag:s10], $0x4000  }
.Ltmp1:
0x27: {  	s19 =	simm.s32 @p2 $0x0;
	[sflag:s10] =	ssyncset.done $0x0;
	(pc) =	sbr.rel @!p5 .LBB2_4-.Ltmp1, $4  }
0x28: {  	s17 =	simm.s32 $0x0;
	p0 =	sne.s32 s14, s19;
	[sflag:s10] =	ssyncadd.s32 $0xFFFFC000  }
0x29: {  	s15 =	sadd.s32 $0x0, s15;
	p2 =	por !p3, !p0;
	_ =	strace $0x9000004B  }
0x2a: {  	p3 =	por $0x1, $0x1;
	p2 =	por !p2, !p2;
	_ =	strace @p6 $0x8000004C  }
0x2b: {  	s24 =	sand.u32 @p2 $0x1, s23;
	s28 =	sadd.s32 @p2 s5, s19;
	s29 =	rddreg [dreg:$0x4]  }
.LBB2_5:
0x2c: {  	s30 =	sshll.u32 @p2 s28, $0x5;
	s31 =	sand.u32 @p6 $0x1FFFF000, s26  }
0x2d: {  	s28 =	smov.u32 s14;
	s18 =	sor.u32 @p6 $0x4, s18;
	s14 =	sand.u32 @p2 $0x1FFFFFE0, s30  }
0x2e: {  	s30 =	simm.s32 @p6 $0x0;
	s1 =	sadd.s32 @p2 s3, s14;
	s14 =	sadd.s32 @p6 s29, s31  }
0x2f: {  	[hbm4b:s14+s30] =	stream.linear.scatter @p6 [tilespmem:s21], [sflag:s18], $0x8000, $0x200038;
	[tilespmem:$0x10200] =	vst v63  }
0x30: {  	_ =	strace @p6 $0x9000004C  }
0x31: {  	_ =	strace @!p4 $0x8000004D  }
0x32: {  	_ =	swait.ge @!p4 [sflag:s22], $0x8000  }
0x33: {  	s17 =	sadd.s32 s25, s17;
	s26 =	smov.u32 s13;
	[sflag:s22] =	ssyncset.done @!p4 $0x0  }
0x34: {  	s13 =	smov.u32 s16;
	s20 =	sadd.s32 s25, s20;
	[sflag:s22] =	ssyncadd.s32 @!p4 $0xFFFF8000  }
0x35: {  	s16 =	sadd.s32 $0x1, s16;
	s21 =	simm.s32 @p2 $0x0;
	_ =	strace @!p4 $0x9000004D  }
0x36: {  	s22 =	sshll.u32 @p2 s24, $0x8;
	s24 =	sor.u32 @p2 $0x2, s24;
	_ =	strace @p2 $0x80000049  }
0x37: {  	[tilespmem:s22], [sflag:s24] =	stream.linear.gather @p2 [hbm4b:s1+s21], $0x100, $0x200038;
	[tilespmem:$0x10200] =	vst v63  }
0x38: {  	s25 =	sshll.u32 s20, $0x8;
	s31 =	sand.u32 $0x1, s20;
	_ =	strace @p2 $0x90000049  }
0x39: {  	p5 =	sne.s32 s6, s16;
	s24 =	sor.u32 $0x2, s31;
	_ =	strace $0x8000004A  }
0x3a: {  	s29 =	sand.u32 @!p1 $0x1, s15;
	s14 =	smov.u32 s19;
	_ =	swait.ge [sflag:s24], $0x100  }
0x3b: {  	s18 =	sand.u32 $0x1, s17;
	s19 =	sadd.s32 $0x1, s19;
	[sflag:s24] =	ssyncset.done $0x0  }
0x3c: {  	s30 =	sshll.u32 s18, $0xF;
	p6 =	seq.s32 s8, s26;
	[sflag:s24] =	ssyncadd.s32 $0xFFFFFF00  }
0x3d: {  	p6 =	por p6, p0;
	p4 =	por p1, p1;
	_ =	strace $0x9000004A  }
0x3e: {  	s21 =	sor.u32 $0x200, s30;
	s31 =	sand.u32 $0x100, s25;
	_ =	strace $0x8000004B  }
0x3f: {  	[tilespmem:s21], [sflag:$0x1] =	stream.indirect.gather [hbm4b:s0+s11], $0x80, s31, s11, $0x2000b8;
	[tilespmem:$0x10200] =	vst v63  }
0x40: {  	p1 =	seq.s32 s13, $0x0;
	s1 =	sor.u32 $0x4200, s30;
	s22 =	sor.u32 $0x80, s31  }
0x41: {  	[tilespmem:s1], [sflag:$0x1] =	stream.indirect.gather [hbm4b:s0+s11], $0x80, s22, s11, $0x2000b8;
	[tilespmem:$0x10200] =	vst v63  }
0x42: {  	s25 =	simm.s32 $0x1;
	s24 =	sadd.s32 s5, s28;
	s1 =	simm.s32 $0x1  }
0x43: {  	s22 =	sor.u32 @!p4 $0x4, s29;
	_ =	swait.ge [sflag:s10], $0x4000;
	s1 =	simm.s32 @!p2 $0x0  }
0x44: {  	p2 =	sne.s32 s26, $0x0;
	s26 =	sshll.u32 @p6 s24, $0xC;
	[sflag:s10] =	ssyncset.done $0x0  }
0x45: {  	s25 =	simm.s32 @!p2 $0x0;
	p2 =	seq.s32 s19, s6;
	[sflag:s10] =	ssyncadd.s32 $0xFFFFC000  }
0x46: {  	s23 =	sadd.s32 s1, s23;
	s15 =	sadd.s32 s25, s15;
	_ =	swait.ge [sflag:s10], $0x4000  }
.Ltmp2:
0x47: {  	s19 =	simm.s32 @p2 $0x0;
	[sflag:s10] =	ssyncset.done $0x0;
	(pc) =	sbr.rel @p5 .LBB2_5-.Ltmp2, $4  }
0x48: {  	p2 =	slt.u32 s13, s8;
	p0 =	sne.s32 s14, s19;
	[sflag:s10] =	ssyncadd.s32 $0xFFFFC000  }
0x49: {  	s25 =	simm.s32 $0x1;
	p2 =	por !p2, !p0;
	_ =	strace $0x9000004B  }
0x4a: {  	s25 =	simm.s32 @!p6 $0x0;
	p2 =	por !p2, !p2;
	_ =	strace @p6 $0x8000004C  }
0x4b: {  	s24 =	sand.u32 @p2 $0x1, s23;
	s28 =	sadd.s32 @p2 s5, s19;
	s29 =	rddreg [dreg:$0x4]  }
.LBB2_6:
0x4c: {  	p5 =	por !p6, !p3  }
0x4d: {  	s1 =	sand.u32 @!p5 $0x1FFFF000, s26  }
0x4e: {  	s16 =	sor.u32 @!p5 $0x4, s18;
	s18 =	simm.s32 @!p5 $0x0;
	s1 =	sadd.s32 @!p5 s29, s1  }
0x4f: {  	[hbm4b:s1+s18] =	stream.linear.scatter @!p5 [tilespmem:s21], [sflag:s16], $0x8000, $0x200038;
	[tilespmem:$0x10200] =	vst v63  }
0x50: {  	p4 =	por p4, !p3;
	_ =	strace @!p5 $0x9000004C  }
0x51: {  	_ =	strace @!p4 $0x8000004D  }
0x52: {  	s19 =	sshll.u32 @p2 s24, $0x8;
	_ =	swait.ge @!p4 [sflag:s22], $0x8000  }
0x53: {  	s1 =	sshll.u32 @p2 s28, $0x5;
	s16 =	sadd.s32 @p3 s25, s20;
	[sflag:s22] =	ssyncset.done @!p4 $0x0  }
0x54: {  	s18 =	simm.s32 $0x0;
	s20 =	sor.u32 @p2 $0x2, s24;
	[sflag:s22] =	ssyncadd.s32 @!p4 $0xFFFF8000  }
0x55: {  	s1 =	sand.u32 @p2 $0x1FFFFFE0, s1;
	s18 =	smov.u32 @p3 s16;
	_ =	strace @!p4 $0x9000004D  }
0x56: {  	s16 =	simm.s32 @p2 $0x0;
	s1 =	sadd.s32 @p2 s3, s1;
	_ =	strace @p2 $0x80000049  }
0x57: {  	[tilespmem:s19], [sflag:s20] =	stream.linear.gather @p2 [hbm4b:s1+s16], $0x100, $0x200038;
	[tilespmem:$0x10200] =	vst v63  }
0x58: {  	s29 =	sand.u32 $0x1, s18;
	_ =	strace @p2 $0x90000049  }
0x59: {  	s1 =	sor.u32 $0x2, s29;
	_ =	strace $0x8000004A  }
0x5a: {  	s16 =	sadd.s32 @p3 s25, s17;
	s17 =	simm.s32 $0x0;
	_ =	swait.ge [sflag:s1], $0x100  }
0x5b: {  	s17 =	smov.u32 @p3 s16;
	[sflag:s1] =	ssyncset.done $0x0  }
0x5c: {  	[sflag:s1] =	ssyncadd.s32 $0xFFFFFF00;
	s1 =	sand.u32 $0x1, s17  }
0x5d: {  	s30 =	sshll.u32 s18, $0x8;
	_ =	strace $0x9000004A;
	s17 =	sshll.u32 s1, $0xF  }
0x5e: {  	s16 =	sand.u32 $0x100, s30;
	_ =	strace $0x8000004B;
	s18 =	sor.u32 $0x200, s17  }
0x5f: {  	[tilespmem:s18], [sflag:$0x1] =	stream.indirect.gather [hbm4b:s0+s11], $0x80, s16, s11, $0x2000b8;
	[tilespmem:$0x10200] =	vst v63  }
0x60: {  	s17 =	sor.u32 $0x4200, s17;
	s16 =	sor.u32 $0x80, s16  }
0x61: {  	[tilespmem:s17], [sflag:$0x1] =	stream.indirect.gather [hbm4b:s0+s11], $0x80, s16, s11, $0x2000b8;
	[tilespmem:$0x10200] =	vst v63  }
0x62: {  	_ =	swait.ge [sflag:s10], $0x4000  }
0x63: {  	[sflag:s10] =	ssyncset.done $0x0  }
0x64: {  	[sflag:s10] =	ssyncadd.s32 $0xFFFFC000  }
0x65: {  	_ =	swait.ge [sflag:s10], $0x4000  }
0x66: {  	[sflag:s10] =	ssyncset.done $0x0  }
0x67: {  	p6 =	seq.s32 s8, s13;
	[sflag:s10] =	ssyncadd.s32 $0xFFFFC000  }
0x68: {  	s14 =	sadd.s32 s5, s14;
	p0 =	por p6, p0;
	_ =	strace $0x9000004B  }
0x69: {  	s14 =	sshll.u32 @p0 s14, $0xC;
	_ =	strace @p0 $0x8000004C  }
0x6a: {  	s14 =	sand.u32 @p0 $0x1FFFF000, s14;
	s16 =	rddreg [dreg:$0x4]  }
0x6b: {  	s1 =	sor.u32 @p0 $0x4, s1;
	s17 =	simm.s32 @p0 $0x0;
	s14 =	sadd.s32 @p0 s16, s14  }
0x6c: {  	[hbm4b:s14+s17] =	stream.linear.scatter @p0 [tilespmem:s18], [sflag:s1], $0x8000, $0x200038;
	[tilespmem:$0x10200] =	vst v63  }
0x6d: {  	s1 =	sand.u32 @!p1 $0x1, s15;
	p1 =	por p1, p1;
	_ =	strace @p0 $0x9000004C  }
0x6e: {  	s1 =	sor.u32 @!p1 $0x4, s1;
	_ =	strace @!p1 $0x8000004D  }
0x6f: {  	p0 =	sne.s32 s13, $0x0;
	s13 =	simm.s32 $0x1;
	_ =	swait.ge @!p1 [sflag:s1], $0x8000  }
0x70: {  	s13 =	simm.s32 @!p0 $0x0;
	[sflag:s1] =	ssyncset.done @!p1 $0x0  }
0x71: {  	s12 =	sadd.s32 $0x1, s12;
	s13 =	sadd.s32 s13, s15;
	[sflag:s1] =	ssyncadd.s32 @!p1 $0xFFFF8000  }
0x72: {  	p0 =	sne.s32 s12, s9;
	s31 =	sand.u32 $0x1, s13;
	_ =	strace @!p1 $0x9000004D  }
.Ltmp3:
0x73: {  	s1 =	sor.u32 $0x4, s31;
	_ =	strace $0x8000004E;
	(pc) =	sbr.rel @p0 .LBB2_1-.Ltmp3, $4  }
.Ltmp4:
0x74: {  	_ =	swait.ge [sflag:s1], $0x8000;
	(pc) =	sbr.rel @!p0 .LBB2_7-.Ltmp4, $4  }
0x75: {  	[sflag:s1] =	ssyncset.done $0x0  }
0x76: {  	[sflag:s1] =	ssyncadd.s32 $0xFFFF8000  }
0x77: {  	_ =	strace $0x9000004E  }
0x78: {  	_ = 	snop  }
.LBB2_2:
.Ltmp5:
0x79: {  	(pc) =	sbr.rel .LBB2_6-.Ltmp5, $3  }
0x7a: {  	_ =	sdelay $0x1  }
0x7b: {  	s17 =	simm.s32 $0x0;
	s13 =	simm.s32 $0x0  }
0x7c: {  	s14 =	simm.s32 $0x0;
	s20 =	simm.s32 $0x0;
	s15 =	simm.s32 $0x0  }
.LBB2_4:
.Ltmp6:
0x7d: {  	(pc) =	sbr.rel .LBB2_6-.Ltmp6, $2  }
0x7e: {  	_ =	sdelay $0x2  }
0x7f: {  	s17 =	simm.s32 $0x0;
	s20 =	simm.s32 $0x0  }
.LBB2_7:
0x80: {  	_ =	sfence.sel $0x180000  }
0x81: {  	[bflag:$0x0] =	sbarrier.arrive $0xFFFF  }
0x82: {  	_ =	strace $0x90000047  }
0x83: {  	[bflag:$0x2] =	sbarrier.arrive $0xFFFF  }
0x84: {  	p0 =	sne.s32 s2, $0x0;
	s0 =	rddreg [dreg:$0x3]  }
0x85: {  	s0 =	sadd.s32 @!p0 $0x100000, s0  }
0x86: {  	[sflag:s0] =	ssyncadd.tile.s32 @!p0 $0x1;
	_ =	shalt  }
.Lfunc_end2:
_tile_overlayer_lowered:
.L_overlay_start_2:
0x87: {  	(tag) =	ssettag $0x2  }
0x88: {  	s0 =	rddreg [dreg:$0x0];
	s2 =	stileid.u32  }
0x89: {  	s1 =	rddreg [dreg:$0x1];
	p0 =	sne.s32 s2, $0x0  }
0x8a: {  	s3 =	rddreg [dreg:$0x2];
	[bflag:$0x3] =	sbarrier.arrive $0xFFFF;
	s2 =	simm.s32 @!p0 $0x1C02  }
0x8b: {  	[timem:s3], [sflag:s2] =	dma.local @!p0 [hbm:s0], s1  }
0x8c: {  	s0 =	simm.s32 @!p0 $0x2  }
0x8d: {  	_ =	swait.ge @!p0 [sflag:s0], s1  }
0x8e: {  	s1 =	ssub.s32 @!p0 $0x0, s1;
	[sflag:s0] =	ssyncset.done @!p0 $0x0  }
0x8f: {  	[sflag:s0] =	ssyncadd.s32 @!p0 s1  }
0x90: {  	[bflag:$0x3] =	sbarrier.arrive $0xFFFF  }
0x91: {  	_ =	shalt  }

// kernel: kernel.13.cloned.1.call-start
scs
__scs_entry_jumppad:
0x0: {  	(pc) =	sbr.rel $0x88, $3  }
0x1: {  	(tag) =	ssettag $0x0;
	lr =	simm.s32 $0x1  }
0x2: {  	[smem:$0x3F9D] =	sst lr;
	_ =	strace $0xD0000000  }
0x3: {  	_ = 	snop  }
0x4: {  	_ = 	snop  }
0x5: {  	_ = 	snop  }
0x6: {  	_ = 	snop  }
0x7: {  	_ = 	snop  }
__scs_overlays_trampoline_lowered:
0x8: {  	[smem:$0x3FAC] =	sst s0  }
0x9: {  	[smem:$0x3FAD] =	sst s1  }
0xa: {  	[smem:$0x3FAE] =	sst s2  }
0xb: {  	[smem:$0x3FAF] =	sst s3  }
0xc: {  	[smem:$0x3FB0] =	sst s4  }
0xd: {  	[smem:$0x3FB1] =	sst s5  }
0xe: {  	[smem:$0x3FB2] =	sst s6  }
0xf: {  	[smem:$0x3FB3] =	sst s7  }
0x10: {  	[smem:$0x3FB4] =	sst s8  }
0x11: {  	[smem:$0x3FB5] =	sst s9;
	s0 =	simm.s32 @!p0 $0x0  }
0x12: {  	s1 =	sld [smem:$0x3F9B];
	s0 =	simm.s32 @p0 $0x1  }
0x13: {  	[smem:$0x3FB6] =	sst s0;
	s0 =	simm.s32 @!p1 $0x0  }
0x14: {  	s2 =	sld [smem:$0x3F9A];
	s0 =	simm.s32 @p1 $0x1  }
0x15: {  	[smem:$0x3FB7] =	sst s0;
	s0 =	simm.s32 @!p2 $0x0  }
0x16: {  	s3 =	sld [smem:$0x3FDB];
	s0 =	simm.s32 @p2 $0x1  }
0x17: {  	s4 =	simm.s32 $0x1BF5;
	[smem:$0x3FB9] =	sst s0  }
0x18: {  	s0 =	sld [smem:$0x3F9C];
	_ =	swait.ge [sflag:s4], $0x0  }
0x19: {  	s7 =	sld [smem:$0x3F9D]  }
0x1a: {  	s8 =	sadd.s32 $0xFFFFE003, lr  }
0x1b: {  	s9 =	sadd.s32 $0xFFFFFEF7, lr;
	s5 =	simm.s32 $0xFFFFFFFF;
	p2 =	slt.u32 s8, $0xFFFFF086  }
0x1c: {  	p1 =	slt.u32 s9, $0xF7A;
	s5 =	simm.s32 @!p2 $0x0  }
0x1d: {  	s5 =	simm.s32 @p1 $0x1;
	p0 =	seq.s32 s7, s2  }
0x1e: {  	s7 =	smul.u32 @!p0 $0xF7A, s2;
	p2 =	seq.s32 @!p0 s5, $0x0  }
0x1f: {  	s9 =	smul.u32 $0xF7A, s1;
	s8 =	simm.s32 @!p0 $0x1BF5;
	p2 =	por !p2, p0  }
0x20: {  	[sflag:s8] =	ssyncset.s32 @!p0 $0xFFFFF086;
	s6 =	sadd.s32 @!p0 s3, s7;
	s7 =	simm.s32 @!p0 $0x108  }
0x21: {  	s3 =	sadd.s32 s3, s9;
	s6 =	sadd.s32 @!p0 $0x88, s6;
	s7 =	simm.s32 @p2 $0x1082  }
0x22: {  	[simem:s7], [sflag:s8] =	dma.local @!p0 [hbm:s6], $0xF7A  }
0x23: {  	s9 =	sor.u32 $0xD0000000, s2;
	s6 =	simm.s32 $0x108;
	_ =	swait.ge @!p0 [sflag:s8], $0x0  }
0x24: {  	s3 =	sadd.s32 $0x88, s3;
	s6 =	simm.s32 @!p1 $0x1082;
	[sflag:s4] =	ssyncset.s32 $0xFFFFF086  }
0x25: {  	[simem:s6], [sflag:s4] =	dma.local [hbm:s3], $0xF7A  }
0x26: {  	[smem:$0x3F9D] =	sst s1;
	(tag) =	ssettag s2;
	_ =	strace s9  }
0x27: {  	s1 =	sld [smem:$0x3FAD]  }
0x28: {  	s2 =	sld [smem:$0x3FAE]  }
0x29: {  	s4 =	sld [smem:$0x3FB0]  }
0x2a: {  	p0 =	seq.s32 s5, $0x0;
	s5 =	sld [smem:$0x3FB1]  }
0x2b: {  	s6 =	sld [smem:$0x3FB2]  }
0x2c: {  	s7 =	sld [smem:$0x3FB3]  }
0x2d: {  	s3 =	simm.s32 $0x108;
	s8 =	sld [smem:$0x3FB4]  }
0x2e: {  	s3 =	simm.s32 @!p0 $0x1082;
	s9 =	sld [smem:$0x3FB5]  }
0x2f: {  	lr =	sadd.s32 s0, s3;
	s0 =	sld [smem:$0x3FAC]  }
0x30: {  	s3 =	sld [smem:$0x3FAF]  }
0x31: {  	[smem:$0x3FB8] =	sst s10  }
0x32: {  	s10 =	sld [smem:$0x3FB6];
	_ =	sdelay $0x3  }
0x33: {  	p0 =	seq.s32 s10, $0x1;
	s10 =	sld [smem:$0x3FB8];
	_ =	sdelay $0x3  }
0x34: {  	[smem:$0x3FB8] =	sst s10  }
0x35: {  	s10 =	sld [smem:$0x3FB7];
	_ =	sdelay $0x3  }
0x36: {  	p1 =	seq.s32 s10, $0x1;
	s10 =	sld [smem:$0x3FB8];
	_ =	sdelay $0x3  }
0x37: {  	[smem:$0x3FB8] =	sst s10  }
0x38: {  	s10 =	sld [smem:$0x3FB9]  }
0x39: {  	_ = 	snop;
	(pc) =	sbr.ind lr, $3  }
0x3a: {  	_ = 	snop  }
0x3b: {  	_ = 	snop  }
0x3c: {  	p2 =	seq.s32 s10, $0x1;
	s10 =	sld [smem:$0x3FB8]  }
0x3d: {  	_ =	shalt  }
0x3e: {  	_ =	shalt  }
0x3f: {  	_ =	shalt  }
0x40: {  	_ =	shalt  }
0x41: {  	_ =	shalt  }
0x42: {  	_ =	shalt  }
0x43: {  	_ =	shalt  }
0x44: {  	_ =	shalt  }
0x45: {  	_ =	shalt  }
0x46: {  	_ =	shalt  }
0x47: {  	_ =	shalt  }
0x48: {  	_ =	shalt  }
0x49: {  	_ =	shalt  }
0x4a: {  	_ =	shalt  }
0x4b: {  	_ =	shalt  }
0x4c: {  	_ =	shalt  }
0x4d: {  	_ =	shalt  }
0x4e: {  	_ =	shalt  }
0x4f: {  	_ =	shalt  }
0x50: {  	_ =	shalt  }
0x51: {  	_ =	shalt  }
0x52: {  	_ =	shalt  }
0x53: {  	_ =	shalt  }
0x54: {  	_ =	shalt  }
0x55: {  	_ =	shalt  }
0x56: {  	_ =	shalt  }
0x57: {  	_ =	shalt  }
0x58: {  	_ =	shalt  }
0x59: {  	_ =	shalt  }
0x5a: {  	_ =	shalt  }
0x5b: {  	_ =	shalt  }
0x5c: {  	_ =	shalt  }
0x5d: {  	_ =	shalt  }
0x5e: {  	_ =	shalt  }
0x5f: {  	_ =	shalt  }
0x60: {  	_ =	shalt  }
0x61: {  	_ =	shalt  }
0x62: {  	_ =	shalt  }
0x63: {  	_ =	shalt  }
0x64: {  	_ =	shalt  }
0x65: {  	_ =	shalt  }
0x66: {  	_ =	shalt  }
0x67: {  	_ =	shalt  }
0x68: {  	_ =	shalt  }
0x69: {  	_ =	shalt  }
0x6a: {  	_ =	shalt  }
0x6b: {  	_ =	shalt  }
0x6c: {  	_ =	shalt  }
0x6d: {  	_ =	shalt  }
0x6e: {  	_ =	shalt  }
0x6f: {  	_ =	shalt  }
0x70: {  	_ =	shalt  }
0x71: {  	_ =	shalt  }
0x72: {  	_ =	shalt  }
0x73: {  	_ =	shalt  }
0x74: {  	_ =	shalt  }
0x75: {  	_ =	shalt  }
0x76: {  	_ =	shalt  }
0x77: {  	_ =	shalt  }
0x78: {  	_ =	shalt  }
0x79: {  	_ =	shalt  }
0x7a: {  	_ =	shalt  }
0x7b: {  	_ =	shalt  }
0x7c: {  	_ =	shalt  }
0x7d: {  	_ =	shalt  }
0x7e: {  	_ =	shalt  }
0x7f: {  	_ =	shalt  }
0x80: {  	_ =	shalt  }
0x81: {  	_ =	shalt  }
0x82: {  	_ =	shalt  }
0x83: {  	_ =	shalt  }
0x84: {  	_ =	shalt  }
0x85: {  	_ =	shalt  }
0x86: {  	_ =	shalt  }
0x87: {  	_ =	shalt  }
.Lfunc_end0:
.L_simem_size_0:
called_computation.1_lowered:
.L_overlay_start_0:
0x88: {  	s2 =	sld [smem:$0x3FD9]  }
0x89: {  	s3 =	sld [smem:$0x3FFE];
	_ =	sdelay $0x1  }
0x8a: {  	s1 =	srdreg.scid  }
0x8b: {  	s0 =	sand.u32 $0x1, s1  }
0x8c: {  	s17 =	sshll.u32 s0, $0xA;
	s2 =	sadd.s32 s3, s2  }
0x8d: {  	s2 =	sadd.s32 s2, s17  }
0x8e: {  	[smem:$0x3FC4] =	sst s2  }
0x8f: {  	_ = 	snop  }
0x90: {  	s18 =	sld [smem:$0x3FC9];
	(tm) =	ssettm $0x1  }
0x91: {  	s19 =	sld [smem:$0x3FFB];
	_ =	sdelay $0x3  }
0x92: {  	_ =	strace s19  }
0x93: {  	s2 =	sld [smem:$0x3FFC];
	_ =	sdelay $0x3  }
0x94: {  	_ =	strace s2  }
0x95: {  	s2 =	sld [smem:$0x3FFD];
	_ =	sdelay $0x3  }
0x96: {  	_ =	strace s2  }
0x97: {  	_ =	strace $0x8FFFFFFF  }
0x98: {  	s20 =	sld [smem:$0x3FDB];
	_ =	sdelay $0x1  }
0x99: {  	s4 =	simm.s32 $_scs_section_size  }
0x9a: {  	s5 =	simm.s32 $_size__tile_overlayer_lowered;
	s6 =	simm.s32 $_tile_overlayer_lowered  }
0x9b: {  	s7 =	simm.s32 $0x1BFF;
	s21 =	sshll.u32 s6, $0x1;
	s4 =	sadd.s32 s4, s20  }
0x9c: {  	s22 =	simm.s32 $0x0;
	s5 =	sshll.u32 s5, $0x1;
	s6 =	sadd.s32 s21, s4  }
0x9d: {  	[timem:s22], [sflag:s7] =	dma.local [hbm:s6], s5  }
0x9e: {  	_ =	swait.ge [sflag:s7], s5  }
0x9f: {  	s5 =	ssub.s32 $0x0, s5;
	[sflag:s7] =	ssyncset.done $0x0  }
0xa0: {  	[sflag:s7] =	ssyncadd.s32 s5;
	_ =	sdelay $0x1  }
0xa1: {  	s23 =	simm.s32 $0x1B8B  }
0xa2: {  	_ =	swait.ge [sflag:s23], $0x1  }
0xa3: {  	[sflag:s23] =	ssyncset.done $0x0  }
0xa4: {  	[sflag:s23] =	ssyncadd.s32 $0xFFFFFFFF  }
0xa5: {  	s5 =	sld [smem:$0x0]  }
0xa6: {  	s6 =	sand.u32 $0xFFFFFFFE, s1  }
0xa7: {  	p0 =	sne.s32 s1, s6  }
0xa8: {  	s6 =	sshll.u32 @p0 s6, $0xE  }
0xa9: {  	s6 =	sadd.s32 @p0 $0x11B8D, s6;
	s7 =	sshll.u32 @p0 s5, $0x11  }
0xaa: {  	s6 =	sor.u32 @p0 s7, s6  }
0xab: {  	[sflag:s6] =	ssyncadd.remote.s32 @p0 $0x1;
	_ =	sdelay $0x1  }
0xac: {  	s6 =	simm.s32 @p0 $0x1B8D  }
0xad: {  	_ =	swait.eq @p0 [sflag:s6], $0x1  }
0xae: {  	[sflag:s6] =	ssyncadd.s32 @p0 $0xFFFFFFFF  }
0xaf: {  	s7 =	sshll.u32 @!p0 s1, $0xE  }
0xb0: {  	s7 =	sor.u32 @!p0 $0x4000, s7;
	s6 =	simm.s32 @!p0 $0x1B8D  }
0xb1: {  	s5 =	sshll.u32 @!p0 s5, $0x11;
	s7 =	sadd.s32 @!p0 $0x11B8D, s7;
	_ =	swait.eq @!p0 [sflag:s6], $0x1  }
0xb2: {  	s5 =	sor.u32 @!p0 s5, s7;
	[sflag:s6] =	ssyncadd.s32 @!p0 $0xFFFFFFFF  }
0xb3: {  	s25 =	simm.s32 $0x1B8E;
	s24 =	sld [smem:$0x3FFE];
	[sflag:s5] =	ssyncadd.remote.s32 @!p0 $0x1  }
0xb4: {  	s26 =	simm.s32 $execute0_lowered;
	[smem:$0x3FD2] =	sst s25  }
0xb5: {  	s6 =	sshll.u32 s26, $0x1;
	_ =	strace $0x80000050;
	[dreg:$0x1] =	wrdreg $0xFFFFFFFF  }
0xb6: {  	s28 =	simm.s32 $_size_execute0_lowered;
	s4 =	sadd.s32 s4, s6;
	[dreg:$0x0] =	wrdreg $0x0  }
0xb7: {  	s6 =	sshll.u32 s28, $0x1;
	[dreg:$0x2] =	wrdreg s4  }
0xb8: {  	[dreg:$0x3] =	wrdreg s6  }
0xb9: {  	[dreg:$0x4] =	wrdreg $0xC0  }
0xba: {  	_ =	task [dreg:s22], $0x5FFFF  }
0xbb: {  	[dreg:$0x1] =	wrdreg $0xFFFFFFFF  }
0xbc: {  	[dreg:$0x0] =	wrdreg $0x60  }
0xbd: {  	[dreg:$0x2] =	wrdreg s18  }
0xbe: {  	[dreg:$0x3] =	wrdreg s24  }
0xbf: {  	[dreg:$0x4] =	wrdreg $0xA  }
0xc0: {  	_ =	task.clear_ibuf [dreg:s22], $0x5FFFF;
	_ =	strace $0x90000050  }
0xc1: {  	s29 =	simm.s32 $0xA;
	_ =	strace $0x80000059  }
0xc2: {  	_ =	swait.ge [sflag:s29], $0x1  }
0xc3: {  	[sflag:s29] =	ssyncadd.s32 $0xFFFFFFFF  }
0xc4: {  	_ =	strace $0x90000059  }
0xc5: {  	_ =	sfence  }
0xc6: {  	s30 =	sld [smem:$0x0];
	_ =	sdelay $0x2  }
0xc7: {  	s31 =	sshll.u32 s1, $0xD;
	s1 =	sshrl.u32 s1, $0x2  }
0xc8: {  	s4 =	sand.u32 $0x4000, s31;
	s1 =	sadd.s32 s1, s30  }
0xc9: {  	s0 =	sor.u32 s4, s0;
	s1 =	sshll.u32 s1, $0x11  }
0xca: {  	s0 =	sor.u32 s1, s0  }
0xcb: {  	s0 =	sadd.s32 $0x8F2B, s0  }
0xcc: {  	[sflag:s0] =	ssyncadd.remote.s32 $0x1  }
0xcd: {  	_ =	sfence.sel $0xFFFF  }
0xce: {  	[dreg:$0x0] =	wrdreg $0xFFFFFFFF;
	(pc) =	sbr.abs _section_cstart, $3  }
0xcf: {  	[dreg:$0x1] =	wrdreg $0xFFFFFFFF  }
0xd0: {  	_ =	task.clear_ibuf [dreg:s22], $0x2FFFF;
	_ =	strace $0x9FFFFFFF  }
0xd1: {  	(tm) =	ssettm $0x7FFFFFFF  }
tec
execute0_lowered:
.L_overlay_start_1:
0x0: {  	(tag) =	ssettag $0x1  }
0x1: {  	s1 =	rddreg [dreg:$0x0];
	s2 =	srdreg.scid  }
0x2: {  	s5 =	rddreg [dreg:$0x1];
	s6 =	sand.u32 $0x1, s2  }
0x3: {  	s3 =	simm.s32 $0x0;
	s2 =	stileid.u32;
	s4 =	sshll.u32 s6, $0x4  }
0x4: {  	s11 =	simm.s32 $0x80;
	s12 =	simm.s32 $0x0;
	s7 =	sor.u32 s2, s4  }
0x5: {  	[smem:$0x7FF] =	sst s3;
	s10 =	sadd.s32 $0x9CF600, s5;
	s8 =	smul.u32 $0x27, s7  }
0x6: {  	_ =	strace $0x80000051;
	[dreg:$0x3] =	wrdreg s10;
	s9 =	smul.u32 $0x28, s7  }
0x7: {  	s4 =	sadd.s32 $0x9C5800, s5;
	p0 =	slt.u32 s7, $0x2;
	s5 =	sadd.s32 $0x2, s8  }
0x8: {  	s28 =	ssub.s32 $0x2, s6;
	s6 =	simm.s32 $0x28;
	s5 =	smov.u32 @p0 s9  }
0x9: {  	s10 =	simm.s32 $0x1;
	s29 =	sshrl.u32 s28, $0x1;
	s9 =	sshll.u32 s5, $0x5  }
0xa: {  	s30 =	ssub.s32 s28, s29;
	s6 =	simm.s32 @!p0 $0x27;
	s31 =	sand.u32 $0x1FFFFFE0, s9  }
0xb: {  	s8 =	sadd.s32 $0xFFFFFFFF, s6;
	s9 =	smax.u32 s30, $0x1;
	s7 =	sadd.s32 s4, s31  }
.LBB2_1:
0xc: {  	_ =	strace $0x80000052  }
0xd: {  	p0 =	seq.s32 s6, $0x1;
	s14 =	simm.s32 $0x1;
	p4 =	sne.s32 s6, $0x1  }
0xe: {  	[tilespmem:s3], [sflag:$0x2] =	stream.linear.gather [hbm4b:s7+s3], $0x100, $0x200038;
	[tilespmem:$0x10200] =	vst v63  }
.Ltmp0:
0xf: {  	s14 =	simm.s32 @p0 $0x0;
	(pc) =	sbr.rel @!p4 .LBB2_2-.Ltmp0, $4  }
0x10: {  	p1 =	sgt.u32 s8, $0x0;
	p0 =	sne.s32 s14, $0x0  }
0x11: {  	s13 =	simm.s32 $0x1;
	p2 =	por !p1, !p0  }
0x12: {  	p3 =	por $0x0, $0x0;
	_ =	strace $0x90000052;
	p2 =	por !p2, !p2  }
0x13: {  	p1 =	por $0x1, $0x1;
	s24 =	sand.u32 @p2 $0x1, s10;
	s28 =	sadd.s32 @p2 s5, s14  }
0x14: {  	s15 =	sshll.u32 @p2 s28, $0x5;
	s16 =	simm.s32 @p2 $0x0;
	s17 =	sshll.u32 @p2 s24, $0x8  }
0x15: {  	s18 =	sor.u32 @p2 $0x2, s24;
	_ =	strace @p2 $0x80000053;
	s30 =	simm.s32 $0x0  }
0x16: {  	s19 =	sand.u32 @!p1 $0x1, s3;
	p5 =	sne.s32 s6, $0x2;
	s15 =	sand.u32 @p2 $0x1FFFFFE0, s15  }
0x17: {  	p4 =	por p1, p1;
	p1 =	por $0x0, $0x0;
	s15 =	sadd.s32 @p2 s4, s15  }
0x18: {  	[tilespmem:s17], [sflag:s18] =	stream.linear.gather @p2 [hbm4b:s15+s16], $0x100, $0x200038;
	[tilespmem:$0x10200] =	vst v63  }
0x19: {  	p3 =	seq.s32 s8, $0x0;
	s18 =	sand.u32 $0x1, s3;
	_ =	strace @p2 $0x90000053  }
0x1a: {  	s20 =	sadd.s32 $0x0, s5;
	s26 =	sor.u32 $0x2, s18;
	_ =	strace $0x80000054  }
0x1b: {  	s25 =	simm.s32 $0x1;
	s22 =	sor.u32 @!p4 $0x4, s19;
	_ =	swait.ge [sflag:s26], $0x100  }
0x1c: {  	s19 =	sadd.s32 $0x1, s14;
	p6 =	por p3, p0;
	[sflag:s26] =	ssyncset.done $0x0  }
0x1d: {  	p3 =	sgt.u32 s8, $0x1;
	s25 =	simm.s32 @!p6 $0x0;
	[sflag:s26] =	ssyncadd.s32 $0xFFFFFF00  }
0x1e: {  	s16 =	simm.s32 $0x2;
	s31 =	sshll.u32 s18, $0xF;
	_ =	strace $0x90000054  }
0x1f: {  	s17 =	sand.u32 $0x100, s30;
	s21 =	sor.u32 $0x200, s31;
	_ =	strace $0x80000055  }
0x20: {  	[tilespmem:s21], [sflag:$0x1] =	stream.indirect.gather [hbm4b:s1+s11], $0x80, s17, s11, $0x2000b8;
	[tilespmem:$0x10200] =	vst v63  }
0x21: {  	s15 =	sor.u32 $0x4200, s31;
	s26 =	sshll.u32 @p6 s20, $0xC;
	s17 =	sor.u32 $0x80, s17  }
0x22: {  	[tilespmem:s15], [sflag:$0x1] =	stream.indirect.gather [hbm4b:s1+s11], $0x80, s17, s11, $0x2000b8;
	[tilespmem:$0x10200] =	vst v63  }
0x23: {  	s17 =	simm.s32 $0x1;
	s15 =	simm.s32 $0x1;
	_ =	swait.ge [sflag:s10], $0x4000  }
0x24: {  	s17 =	simm.s32 @!p2 $0x0;
	p2 =	por $0x0, $0x0;
	[sflag:s10] =	ssyncset.done $0x0  }
0x25: {  	s20 =	simm.s32 $0x0;
	s15 =	simm.s32 @!p2 $0x0;
	[sflag:s10] =	ssyncadd.s32 $0xFFFFC000  }
0x26: {  	p2 =	seq.s32 s19, s6;
	s23 =	sadd.s32 $0x1, s17;
	_ =	swait.ge [sflag:s10], $0x4000  }
.Ltmp1:
0x27: {  	s19 =	simm.s32 @p2 $0x0;
	[sflag:s10] =	ssyncset.done $0x0;
	(pc) =	sbr.rel @!p5 .LBB2_4-.Ltmp1, $4  }
0x28: {  	s17 =	simm.s32 $0x0;
	p0 =	sne.s32 s14, s19;
	[sflag:s10] =	ssyncadd.s32 $0xFFFFC000  }
0x29: {  	s15 =	sadd.s32 $0x0, s15;
	p2 =	por !p3, !p0;
	_ =	strace $0x90000055  }
0x2a: {  	p3 =	por $0x1, $0x1;
	p2 =	por !p2, !p2;
	_ =	strace @p6 $0x80000056  }
0x2b: {  	s24 =	sand.u32 @p2 $0x1, s23;
	s28 =	sadd.s32 @p2 s5, s19;
	s29 =	rddreg [dreg:$0x3]  }
.LBB2_5:
0x2c: {  	s30 =	sshll.u32 @p2 s28, $0x5;
	s31 =	sand.u32 @p6 $0x1FFFF000, s26  }
0x2d: {  	s28 =	smov.u32 s14;
	s18 =	sor.u32 @p6 $0x4, s18;
	s14 =	sand.u32 @p2 $0x1FFFFFE0, s30  }
0x2e: {  	s30 =	simm.s32 @p6 $0x0;
	s0 =	sadd.s32 @p2 s4, s14;
	s14 =	sadd.s32 @p6 s29, s31  }
0x2f: {  	[hbm4b:s14+s30] =	stream.linear.scatter @p6 [tilespmem:s21], [sflag:s18], $0x8000, $0x200038;
	[tilespmem:$0x10200] =	vst v63  }
0x30: {  	_ =	strace @p6 $0x90000056  }
0x31: {  	_ =	strace @!p4 $0x80000057  }
0x32: {  	_ =	swait.ge @!p4 [sflag:s22], $0x8000  }
0x33: {  	s17 =	sadd.s32 s25, s17;
	s26 =	smov.u32 s13;
	[sflag:s22] =	ssyncset.done @!p4 $0x0  }
0x34: {  	s13 =	smov.u32 s16;
	s20 =	sadd.s32 s25, s20;
	[sflag:s22] =	ssyncadd.s32 @!p4 $0xFFFF8000  }
0x35: {  	s16 =	sadd.s32 $0x1, s16;
	s21 =	simm.s32 @p2 $0x0;
	_ =	strace @!p4 $0x90000057  }
0x36: {  	s22 =	sshll.u32 @p2 s24, $0x8;
	s24 =	sor.u32 @p2 $0x2, s24;
	_ =	strace @p2 $0x80000053  }
0x37: {  	[tilespmem:s22], [sflag:s24] =	stream.linear.gather @p2 [hbm4b:s0+s21], $0x100, $0x200038;
	[tilespmem:$0x10200] =	vst v63  }
0x38: {  	s25 =	sshll.u32 s20, $0x8;
	s31 =	sand.u32 $0x1, s20;
	_ =	strace @p2 $0x90000053  }
0x39: {  	p5 =	sne.s32 s6, s16;
	s24 =	sor.u32 $0x2, s31;
	_ =	strace $0x80000054  }
0x3a: {  	s29 =	sand.u32 @!p1 $0x1, s15;
	s14 =	smov.u32 s19;
	_ =	swait.ge [sflag:s24], $0x100  }
0x3b: {  	s18 =	sand.u32 $0x1, s17;
	s19 =	sadd.s32 $0x1, s19;
	[sflag:s24] =	ssyncset.done $0x0  }
0x3c: {  	s30 =	sshll.u32 s18, $0xF;
	p6 =	seq.s32 s8, s26;
	[sflag:s24] =	ssyncadd.s32 $0xFFFFFF00  }
0x3d: {  	p6 =	por p6, p0;
	p4 =	por p1, p1;
	_ =	strace $0x90000054  }
0x3e: {  	s21 =	sor.u32 $0x200, s30;
	s31 =	sand.u32 $0x100, s25;
	_ =	strace $0x80000055  }
0x3f: {  	[tilespmem:s21], [sflag:$0x1] =	stream.indirect.gather [hbm4b:s1+s11], $0x80, s31, s11, $0x2000b8;
	[tilespmem:$0x10200] =	vst v63  }
0x40: {  	p1 =	seq.s32 s13, $0x0;
	s0 =	sor.u32 $0x4200, s30;
	s22 =	sor.u32 $0x80, s31  }
0x41: {  	[tilespmem:s0], [sflag:$0x1] =	stream.indirect.gather [hbm4b:s1+s11], $0x80, s22, s11, $0x2000b8;
	[tilespmem:$0x10200] =	vst v63  }
0x42: {  	s25 =	simm.s32 $0x1;
	s24 =	sadd.s32 s5, s28;
	s0 =	simm.s32 $0x1  }
0x43: {  	s22 =	sor.u32 @!p4 $0x4, s29;
	_ =	swait.ge [sflag:s10], $0x4000;
	s0 =	simm.s32 @!p2 $0x0  }
0x44: {  	p2 =	sne.s32 s26, $0x0;
	s26 =	sshll.u32 @p6 s24, $0xC;
	[sflag:s10] =	ssyncset.done $0x0  }
0x45: {  	s25 =	simm.s32 @!p2 $0x0;
	p2 =	seq.s32 s19, s6;
	[sflag:s10] =	ssyncadd.s32 $0xFFFFC000  }
0x46: {  	s23 =	sadd.s32 s0, s23;
	s15 =	sadd.s32 s25, s15;
	_ =	swait.ge [sflag:s10], $0x4000  }
.Ltmp2:
0x47: {  	s19 =	simm.s32 @p2 $0x0;
	[sflag:s10] =	ssyncset.done $0x0;
	(pc) =	sbr.rel @p5 .LBB2_5-.Ltmp2, $4  }
0x48: {  	p2 =	slt.u32 s13, s8;
	p0 =	sne.s32 s14, s19;
	[sflag:s10] =	ssyncadd.s32 $0xFFFFC000  }
0x49: {  	s25 =	simm.s32 $0x1;
	p2 =	por !p2, !p0;
	_ =	strace $0x90000055  }
0x4a: {  	s25 =	simm.s32 @!p6 $0x0;
	p2 =	por !p2, !p2;
	_ =	strace @p6 $0x80000056  }
0x4b: {  	s24 =	sand.u32 @p2 $0x1, s23;
	s28 =	sadd.s32 @p2 s5, s19;
	s29 =	rddreg [dreg:$0x3]  }
.LBB2_6:
0x4c: {  	p5 =	por !p6, !p3  }
0x4d: {  	s0 =	sand.u32 @!p5 $0x1FFFF000, s26  }
0x4e: {  	s16 =	sor.u32 @!p5 $0x4, s18;
	s18 =	simm.s32 @!p5 $0x0;
	s0 =	sadd.s32 @!p5 s29, s0  }
0x4f: {  	[hbm4b:s0+s18] =	stream.linear.scatter @!p5 [tilespmem:s21], [sflag:s16], $0x8000, $0x200038;
	[tilespmem:$0x10200] =	vst v63  }
0x50: {  	p4 =	por p4, !p3;
	_ =	strace @!p5 $0x90000056  }
0x51: {  	_ =	strace @!p4 $0x80000057  }
0x52: {  	s19 =	sshll.u32 @p2 s24, $0x8;
	_ =	swait.ge @!p4 [sflag:s22], $0x8000  }
0x53: {  	s0 =	sshll.u32 @p2 s28, $0x5;
	s16 =	sadd.s32 @p3 s25, s20;
	[sflag:s22] =	ssyncset.done @!p4 $0x0  }
0x54: {  	s18 =	simm.s32 $0x0;
	s20 =	sor.u32 @p2 $0x2, s24;
	[sflag:s22] =	ssyncadd.s32 @!p4 $0xFFFF8000  }
0x55: {  	s0 =	sand.u32 @p2 $0x1FFFFFE0, s0;
	s18 =	smov.u32 @p3 s16;
	_ =	strace @!p4 $0x90000057  }
0x56: {  	s16 =	simm.s32 @p2 $0x0;
	s0 =	sadd.s32 @p2 s4, s0;
	_ =	strace @p2 $0x80000053  }
0x57: {  	[tilespmem:s19], [sflag:s20] =	stream.linear.gather @p2 [hbm4b:s0+s16], $0x100, $0x200038;
	[tilespmem:$0x10200] =	vst v63  }
0x58: {  	s29 =	sand.u32 $0x1, s18;
	_ =	strace @p2 $0x90000053  }
0x59: {  	s0 =	sor.u32 $0x2, s29;
	_ =	strace $0x80000054  }
0x5a: {  	s16 =	sadd.s32 @p3 s25, s17;
	s17 =	simm.s32 $0x0;
	_ =	swait.ge [sflag:s0], $0x100  }
0x5b: {  	s17 =	smov.u32 @p3 s16;
	[sflag:s0] =	ssyncset.done $0x0  }
0x5c: {  	[sflag:s0] =	ssyncadd.s32 $0xFFFFFF00;
	s0 =	sand.u32 $0x1, s17  }
0x5d: {  	s30 =	sshll.u32 s18, $0x8;
	_ =	strace $0x90000054;
	s17 =	sshll.u32 s0, $0xF  }
0x5e: {  	s16 =	sand.u32 $0x100, s30;
	_ =	strace $0x80000055;
	s18 =	sor.u32 $0x200, s17  }
0x5f: {  	[tilespmem:s18], [sflag:$0x1] =	stream.indirect.gather [hbm4b:s1+s11], $0x80, s16, s11, $0x2000b8;
	[tilespmem:$0x10200] =	vst v63  }
0x60: {  	s17 =	sor.u32 $0x4200, s17;
	s16 =	sor.u32 $0x80, s16  }
0x61: {  	[tilespmem:s17], [sflag:$0x1] =	stream.indirect.gather [hbm4b:s1+s11], $0x80, s16, s11, $0x2000b8;
	[tilespmem:$0x10200] =	vst v63  }
0x62: {  	_ =	swait.ge [sflag:s10], $0x4000  }
0x63: {  	[sflag:s10] =	ssyncset.done $0x0  }
0x64: {  	[sflag:s10] =	ssyncadd.s32 $0xFFFFC000  }
0x65: {  	_ =	swait.ge [sflag:s10], $0x4000  }
0x66: {  	[sflag:s10] =	ssyncset.done $0x0  }
0x67: {  	p6 =	seq.s32 s8, s13;
	[sflag:s10] =	ssyncadd.s32 $0xFFFFC000  }
0x68: {  	s14 =	sadd.s32 s5, s14;
	p0 =	por p6, p0;
	_ =	strace $0x90000055  }
0x69: {  	s14 =	sshll.u32 @p0 s14, $0xC;
	_ =	strace @p0 $0x80000056  }
0x6a: {  	s14 =	sand.u32 @p0 $0x1FFFF000, s14;
	s16 =	rddreg [dreg:$0x3]  }
0x6b: {  	s0 =	sor.u32 @p0 $0x4, s0;
	s17 =	simm.s32 @p0 $0x0;
	s14 =	sadd.s32 @p0 s16, s14  }
0x6c: {  	[hbm4b:s14+s17] =	stream.linear.scatter @p0 [tilespmem:s18], [sflag:s0], $0x8000, $0x200038;
	[tilespmem:$0x10200] =	vst v63  }
0x6d: {  	s0 =	sand.u32 @!p1 $0x1, s15;
	p1 =	por p1, p1;
	_ =	strace @p0 $0x90000056  }
0x6e: {  	s0 =	sor.u32 @!p1 $0x4, s0;
	_ =	strace @!p1 $0x80000057  }
0x6f: {  	p0 =	sne.s32 s13, $0x0;
	s13 =	simm.s32 $0x1;
	_ =	swait.ge @!p1 [sflag:s0], $0x8000  }
0x70: {  	s13 =	simm.s32 @!p0 $0x0;
	[sflag:s0] =	ssyncset.done @!p1 $0x0  }
0x71: {  	s12 =	sadd.s32 $0x1, s12;
	s13 =	sadd.s32 s13, s15;
	[sflag:s0] =	ssyncadd.s32 @!p1 $0xFFFF8000  }
0x72: {  	p0 =	sne.s32 s12, s9;
	s31 =	sand.u32 $0x1, s13;
	_ =	strace @!p1 $0x90000057  }
.Ltmp3:
0x73: {  	s0 =	sor.u32 $0x4, s31;
	_ =	strace $0x80000058;
	(pc) =	sbr.rel @p0 .LBB2_1-.Ltmp3, $4  }
.Ltmp4:
0x74: {  	_ =	swait.ge [sflag:s0], $0x8000;
	(pc) =	sbr.rel @!p0 .LBB2_7-.Ltmp4, $4  }
0x75: {  	[sflag:s0] =	ssyncset.done $0x0  }
0x76: {  	[sflag:s0] =	ssyncadd.s32 $0xFFFF8000  }
0x77: {  	_ =	strace $0x90000058  }
0x78: {  	_ = 	snop  }
.LBB2_2:
.Ltmp5:
0x79: {  	(pc) =	sbr.rel .LBB2_6-.Ltmp5, $3  }
0x7a: {  	_ =	sdelay $0x1  }
0x7b: {  	s17 =	simm.s32 $0x0;
	s13 =	simm.s32 $0x0  }
0x7c: {  	s14 =	simm.s32 $0x0;
	s20 =	simm.s32 $0x0;
	s15 =	simm.s32 $0x0  }
.LBB2_4:
.Ltmp6:
0x7d: {  	(pc) =	sbr.rel .LBB2_6-.Ltmp6, $2  }
0x7e: {  	_ =	sdelay $0x2  }
0x7f: {  	s17 =	simm.s32 $0x0;
	s20 =	simm.s32 $0x0  }
.LBB2_7:
0x80: {  	_ =	sfence.sel $0x180000  }
0x81: {  	[bflag:$0x0] =	sbarrier.arrive $0xFFFF  }
0x82: {  	_ =	strace $0x90000051  }
0x83: {  	[bflag:$0x2] =	sbarrier.arrive $0xFFFF  }
0x84: {  	p0 =	sne.s32 s2, $0x0;
	s0 =	rddreg [dreg:$0x2]  }
0x85: {  	s0 =	sadd.s32 @!p0 $0x100000, s0  }
0x86: {  	[sflag:s0] =	ssyncadd.tile.s32 @!p0 $0x1;
	_ =	shalt  }
.Lfunc_end2:
_tile_overlayer_lowered:
.L_overlay_start_2:
0x87: {  	(tag) =	ssettag $0x2  }
0x88: {  	s0 =	rddreg [dreg:$0x0];
	s2 =	stileid.u32  }
0x89: {  	s1 =	rddreg [dreg:$0x1];
	p0 =	sne.s32 s2, $0x0  }
0x8a: {  	s3 =	rddreg [dreg:$0x2];
	[bflag:$0x3] =	sbarrier.arrive $0xFFFF;
	s2 =	simm.s32 @!p0 $0x1C02  }
0x8b: {  	[timem:s3], [sflag:s2] =	dma.local @!p0 [hbm:s0], s1  }
0x8c: {  	s0 =	simm.s32 @!p0 $0x2  }
0x8d: {  	_ =	swait.ge @!p0 [sflag:s0], s1  }
0x8e: {  	s1 =	ssub.s32 @!p0 $0x0, s1;
	[sflag:s0] =	ssyncset.done @!p0 $0x0  }
0x8f: {  	[sflag:s0] =	ssyncadd.s32 @!p0 s1  }
0x90: {  	[bflag:$0x3] =	sbarrier.arrive $0xFFFF  }
0x91: {  	_ =	shalt  }

// kernel: kernel.16.cloned.1.call-start
scs
__scs_entry_jumppad:
0x0: {  	(pc) =	sbr.rel $0x88, $3  }
0x1: {  	(tag) =	ssettag $0x0;
	lr =	simm.s32 $0x1  }
0x2: {  	[smem:$0x3F9D] =	sst lr;
	_ =	strace $0xD0000000  }
0x3: {  	_ = 	snop  }
0x4: {  	_ = 	snop  }
0x5: {  	_ = 	snop  }
0x6: {  	_ = 	snop  }
0x7: {  	_ = 	snop  }
__scs_overlays_trampoline_lowered:
0x8: {  	[smem:$0x3FAC] =	sst s0  }
0x9: {  	[smem:$0x3FAD] =	sst s1  }
0xa: {  	[smem:$0x3FAE] =	sst s2  }
0xb: {  	[smem:$0x3FAF] =	sst s3  }
0xc: {  	[smem:$0x3FB0] =	sst s4  }
0xd: {  	[smem:$0x3FB1] =	sst s5  }
0xe: {  	[smem:$0x3FB2] =	sst s6  }
0xf: {  	[smem:$0x3FB3] =	sst s7  }
0x10: {  	[smem:$0x3FB4] =	sst s8  }
0x11: {  	[smem:$0x3FB5] =	sst s9;
	s0 =	simm.s32 @!p0 $0x0  }
0x12: {  	s1 =	sld [smem:$0x3F9B];
	s0 =	simm.s32 @p0 $0x1  }
0x13: {  	[smem:$0x3FB6] =	sst s0;
	s0 =	simm.s32 @!p1 $0x0  }
0x14: {  	s2 =	sld [smem:$0x3F9A];
	s0 =	simm.s32 @p1 $0x1  }
0x15: {  	[smem:$0x3FB7] =	sst s0;
	s0 =	simm.s32 @!p2 $0x0  }
0x16: {  	s3 =	sld [smem:$0x3FDB];
	s0 =	simm.s32 @p2 $0x1  }
0x17: {  	s4 =	simm.s32 $0x1BF5;
	[smem:$0x3FB9] =	sst s0  }
0x18: {  	s0 =	sld [smem:$0x3F9C];
	_ =	swait.ge [sflag:s4], $0x0  }
0x19: {  	s7 =	sld [smem:$0x3F9D]  }
0x1a: {  	s8 =	sadd.s32 $0xFFFFE003, lr  }
0x1b: {  	s9 =	sadd.s32 $0xFFFFFEF7, lr;
	s5 =	simm.s32 $0xFFFFFFFF;
	p2 =	slt.u32 s8, $0xFFFFF086  }
0x1c: {  	p1 =	slt.u32 s9, $0xF7A;
	s5 =	simm.s32 @!p2 $0x0  }
0x1d: {  	s5 =	simm.s32 @p1 $0x1;
	p0 =	seq.s32 s7, s2  }
0x1e: {  	s7 =	smul.u32 @!p0 $0xF7A, s2;
	p2 =	seq.s32 @!p0 s5, $0x0  }
0x1f: {  	s9 =	smul.u32 $0xF7A, s1;
	s8 =	simm.s32 @!p0 $0x1BF5;
	p2 =	por !p2, p0  }
0x20: {  	[sflag:s8] =	ssyncset.s32 @!p0 $0xFFFFF086;
	s6 =	sadd.s32 @!p0 s3, s7;
	s7 =	simm.s32 @!p0 $0x108  }
0x21: {  	s3 =	sadd.s32 s3, s9;
	s6 =	sadd.s32 @!p0 $0x88, s6;
	s7 =	simm.s32 @p2 $0x1082  }
0x22: {  	[simem:s7], [sflag:s8] =	dma.local @!p0 [hbm:s6], $0xF7A  }
0x23: {  	s9 =	sor.u32 $0xD0000000, s2;
	s6 =	simm.s32 $0x108;
	_ =	swait.ge @!p0 [sflag:s8], $0x0  }
0x24: {  	s3 =	sadd.s32 $0x88, s3;
	s6 =	simm.s32 @!p1 $0x1082;
	[sflag:s4] =	ssyncset.s32 $0xFFFFF086  }
0x25: {  	[simem:s6], [sflag:s4] =	dma.local [hbm:s3], $0xF7A  }
0x26: {  	[smem:$0x3F9D] =	sst s1;
	(tag) =	ssettag s2;
	_ =	strace s9  }
0x27: {  	s1 =	sld [smem:$0x3FAD]  }
0x28: {  	s2 =	sld [smem:$0x3FAE]  }
0x29: {  	s4 =	sld [smem:$0x3FB0]  }
0x2a: {  	p0 =	seq.s32 s5, $0x0;
	s5 =	sld [smem:$0x3FB1]  }
0x2b: {  	s6 =	sld [smem:$0x3FB2]  }
0x2c: {  	s7 =	sld [smem:$0x3FB3]  }
0x2d: {  	s3 =	simm.s32 $0x108;
	s8 =	sld [smem:$0x3FB4]  }
0x2e: {  	s3 =	simm.s32 @!p0 $0x1082;
	s9 =	sld [smem:$0x3FB5]  }
0x2f: {  	lr =	sadd.s32 s0, s3;
	s0 =	sld [smem:$0x3FAC]  }
0x30: {  	s3 =	sld [smem:$0x3FAF]  }
0x31: {  	[smem:$0x3FB8] =	sst s10  }
0x32: {  	s10 =	sld [smem:$0x3FB6];
	_ =	sdelay $0x3  }
0x33: {  	p0 =	seq.s32 s10, $0x1;
	s10 =	sld [smem:$0x3FB8];
	_ =	sdelay $0x3  }
0x34: {  	[smem:$0x3FB8] =	sst s10  }
0x35: {  	s10 =	sld [smem:$0x3FB7];
	_ =	sdelay $0x3  }
0x36: {  	p1 =	seq.s32 s10, $0x1;
	s10 =	sld [smem:$0x3FB8];
	_ =	sdelay $0x3  }
0x37: {  	[smem:$0x3FB8] =	sst s10  }
0x38: {  	s10 =	sld [smem:$0x3FB9]  }
0x39: {  	_ = 	snop;
	(pc) =	sbr.ind lr, $3  }
0x3a: {  	_ = 	snop  }
0x3b: {  	_ = 	snop  }
0x3c: {  	p2 =	seq.s32 s10, $0x1;
	s10 =	sld [smem:$0x3FB8]  }
0x3d: {  	_ =	shalt  }
0x3e: {  	_ =	shalt  }
0x3f: {  	_ =	shalt  }
0x40: {  	_ =	shalt  }
0x41: {  	_ =	shalt  }
0x42: {  	_ =	shalt  }
0x43: {  	_ =	shalt  }
0x44: {  	_ =	shalt  }
0x45: {  	_ =	shalt  }
0x46: {  	_ =	shalt  }
0x47: {  	_ =	shalt  }
0x48: {  	_ =	shalt  }
0x49: {  	_ =	shalt  }
0x4a: {  	_ =	shalt  }
0x4b: {  	_ =	shalt  }
0x4c: {  	_ =	shalt  }
0x4d: {  	_ =	shalt  }
0x4e: {  	_ =	shalt  }
0x4f: {  	_ =	shalt  }
0x50: {  	_ =	shalt  }
0x51: {  	_ =	shalt  }
0x52: {  	_ =	shalt  }
0x53: {  	_ =	shalt  }
0x54: {  	_ =	shalt  }
0x55: {  	_ =	shalt  }
0x56: {  	_ =	shalt  }
0x57: {  	_ =	shalt  }
0x58: {  	_ =	shalt  }
0x59: {  	_ =	shalt  }
0x5a: {  	_ =	shalt  }
0x5b: {  	_ =	shalt  }
0x5c: {  	_ =	shalt  }
0x5d: {  	_ =	shalt  }
0x5e: {  	_ =	shalt  }
0x5f: {  	_ =	shalt  }
0x60: {  	_ =	shalt  }
0x61: {  	_ =	shalt  }
0x62: {  	_ =	shalt  }
0x63: {  	_ =	shalt  }
0x64: {  	_ =	shalt  }
0x65: {  	_ =	shalt  }
0x66: {  	_ =	shalt  }
0x67: {  	_ =	shalt  }
0x68: {  	_ =	shalt  }
0x69: {  	_ =	shalt  }
0x6a: {  	_ =	shalt  }
0x6b: {  	_ =	shalt  }
0x6c: {  	_ =	shalt  }
0x6d: {  	_ =	shalt  }
0x6e: {  	_ =	shalt  }
0x6f: {  	_ =	shalt  }
0x70: {  	_ =	shalt  }
0x71: {  	_ =	shalt  }
0x72: {  	_ =	shalt  }
0x73: {  	_ =	shalt  }
0x74: {  	_ =	shalt  }
0x75: {  	_ =	shalt  }
0x76: {  	_ =	shalt  }
0x77: {  	_ =	shalt  }
0x78: {  	_ =	shalt  }
0x79: {  	_ =	shalt  }
0x7a: {  	_ =	shalt  }
0x7b: {  	_ =	shalt  }
0x7c: {  	_ =	shalt  }
0x7d: {  	_ =	shalt  }
0x7e: {  	_ =	shalt  }
0x7f: {  	_ =	shalt  }
0x80: {  	_ =	shalt  }
0x81: {  	_ =	shalt  }
0x82: {  	_ =	shalt  }
0x83: {  	_ =	shalt  }
0x84: {  	_ =	shalt  }
0x85: {  	_ =	shalt  }
0x86: {  	_ =	shalt  }
0x87: {  	_ =	shalt  }
.Lfunc_end0:
.L_simem_size_0:
called_computation.2_lowered:
.L_overlay_start_0:
0x88: {  	s2 =	sld [smem:$0x3FD9]  }
0x89: {  	s3 =	sld [smem:$0x3FFE];
	_ =	sdelay $0x1  }
0x8a: {  	s1 =	srdreg.scid  }
0x8b: {  	s0 =	sand.u32 $0x1, s1  }
0x8c: {  	s17 =	sshll.u32 s0, $0xA;
	s2 =	sadd.s32 s3, s2  }
0x8d: {  	s2 =	sadd.s32 s2, s17  }
0x8e: {  	[smem:$0x3FC4] =	sst s2  }
0x8f: {  	_ = 	snop  }
0x90: {  	s18 =	sld [smem:$0x3FC9];
	(tm) =	ssettm $0x1  }
0x91: {  	s19 =	sld [smem:$0x3FFB];
	_ =	sdelay $0x3  }
0x92: {  	_ =	strace s19  }
0x93: {  	s2 =	sld [smem:$0x3FFC];
	_ =	sdelay $0x3  }
0x94: {  	_ =	strace s2  }
0x95: {  	s2 =	sld [smem:$0x3FFD];
	_ =	sdelay $0x3  }
0x96: {  	_ =	strace s2  }
0x97: {  	_ =	strace $0x8FFFFFFF  }
0x98: {  	s20 =	sld [smem:$0x3FDB];
	_ =	sdelay $0x1  }
0x99: {  	s4 =	simm.s32 $_scs_section_size  }
0x9a: {  	s5 =	simm.s32 $_size__tile_overlayer_lowered;
	s6 =	simm.s32 $_tile_overlayer_lowered  }
0x9b: {  	s7 =	simm.s32 $0x1BFF;
	s21 =	sshll.u32 s6, $0x1;
	s4 =	sadd.s32 s4, s20  }
0x9c: {  	s22 =	simm.s32 $0x0;
	s5 =	sshll.u32 s5, $0x1;
	s6 =	sadd.s32 s21, s4  }
0x9d: {  	[timem:s22], [sflag:s7] =	dma.local [hbm:s6], s5  }
0x9e: {  	_ =	swait.ge [sflag:s7], s5  }
0x9f: {  	s5 =	ssub.s32 $0x0, s5;
	[sflag:s7] =	ssyncset.done $0x0  }
0xa0: {  	[sflag:s7] =	ssyncadd.s32 s5;
	_ =	sdelay $0x1  }
0xa1: {  	s23 =	simm.s32 $0x1B8B  }
0xa2: {  	_ =	swait.ge [sflag:s23], $0x1  }
0xa3: {  	[sflag:s23] =	ssyncset.done $0x0  }
0xa4: {  	[sflag:s23] =	ssyncadd.s32 $0xFFFFFFFF  }
0xa5: {  	s5 =	sld [smem:$0x0]  }
0xa6: {  	s6 =	sand.u32 $0xFFFFFFFE, s1  }
0xa7: {  	p0 =	sne.s32 s1, s6  }
0xa8: {  	s6 =	sshll.u32 @p0 s6, $0xE  }
0xa9: {  	s6 =	sadd.s32 @p0 $0x11B8D, s6;
	s7 =	sshll.u32 @p0 s5, $0x11  }
0xaa: {  	s6 =	sor.u32 @p0 s7, s6  }
0xab: {  	[sflag:s6] =	ssyncadd.remote.s32 @p0 $0x1;
	_ =	sdelay $0x1  }
0xac: {  	s6 =	simm.s32 @p0 $0x1B8D  }
0xad: {  	_ =	swait.eq @p0 [sflag:s6], $0x1  }
0xae: {  	[sflag:s6] =	ssyncadd.s32 @p0 $0xFFFFFFFF  }
0xaf: {  	s7 =	sshll.u32 @!p0 s1, $0xE  }
0xb0: {  	s7 =	sor.u32 @!p0 $0x4000, s7;
	s6 =	simm.s32 @!p0 $0x1B8D  }
0xb1: {  	s5 =	sshll.u32 @!p0 s5, $0x11;
	s7 =	sadd.s32 @!p0 $0x11B8D, s7;
	_ =	swait.eq @!p0 [sflag:s6], $0x1  }
0xb2: {  	s5 =	sor.u32 @!p0 s5, s7;
	[sflag:s6] =	ssyncadd.s32 @!p0 $0xFFFFFFFF  }
0xb3: {  	s25 =	simm.s32 $0x1B8E;
	s24 =	sld [smem:$0x3FFE];
	[sflag:s5] =	ssyncadd.remote.s32 @!p0 $0x1  }
0xb4: {  	s26 =	simm.s32 $execute0_lowered;
	[smem:$0x3FD2] =	sst s25  }
0xb5: {  	s6 =	sshll.u32 s26, $0x1;
	_ =	strace $0x8000005A;
	[dreg:$0x1] =	wrdreg $0xFFFFFFFF  }
0xb6: {  	s28 =	simm.s32 $_size_execute0_lowered;
	s4 =	sadd.s32 s4, s6;
	[dreg:$0x0] =	wrdreg $0x0  }
0xb7: {  	s6 =	sshll.u32 s28, $0x1;
	[dreg:$0x2] =	wrdreg s4  }
0xb8: {  	[dreg:$0x3] =	wrdreg s6  }
0xb9: {  	[dreg:$0x4] =	wrdreg $0xC0  }
0xba: {  	_ =	task [dreg:s22], $0x5FFFF  }
0xbb: {  	[dreg:$0x1] =	wrdreg $0xFFFFFFFF  }
0xbc: {  	[dreg:$0x0] =	wrdreg $0x60  }
0xbd: {  	[dreg:$0x2] =	wrdreg s18  }
0xbe: {  	[dreg:$0x3] =	wrdreg s24  }
0xbf: {  	[dreg:$0x4] =	wrdreg $0xB  }
0xc0: {  	_ =	task.clear_ibuf [dreg:s22], $0x5FFFF;
	_ =	strace $0x9000005A  }
0xc1: {  	s29 =	simm.s32 $0xB;
	_ =	strace $0x80000063  }
0xc2: {  	_ =	swait.ge [sflag:s29], $0x1  }
0xc3: {  	[sflag:s29] =	ssyncadd.s32 $0xFFFFFFFF  }
0xc4: {  	_ =	strace $0x90000063  }
0xc5: {  	_ =	sfence  }
0xc6: {  	s30 =	sld [smem:$0x0];
	_ =	sdelay $0x2  }
0xc7: {  	s31 =	sshll.u32 s1, $0xD;
	s1 =	sshrl.u32 s1, $0x2  }
0xc8: {  	s4 =	sand.u32 $0x4000, s31;
	s1 =	sadd.s32 s1, s30  }
0xc9: {  	s0 =	sor.u32 s4, s0;
	s1 =	sshll.u32 s1, $0x11  }
0xca: {  	s0 =	sor.u32 s1, s0  }
0xcb: {  	s0 =	sadd.s32 $0x8F2B, s0  }
0xcc: {  	[sflag:s0] =	ssyncadd.remote.s32 $0x1  }
0xcd: {  	_ =	sfence.sel $0xFFFF  }
0xce: {  	[dreg:$0x0] =	wrdreg $0xFFFFFFFF;
	(pc) =	sbr.abs _section_cstart, $3  }
0xcf: {  	[dreg:$0x1] =	wrdreg $0xFFFFFFFF  }
0xd0: {  	_ =	task.clear_ibuf [dreg:s22], $0x2FFFF;
	_ =	strace $0x9FFFFFFF  }
0xd1: {  	(tm) =	ssettm $0x7FFFFFFF  }
tec
execute0_lowered:
.L_overlay_start_1:
0x0: {  	(tag) =	ssettag $0x1  }
0x1: {  	s1 =	rddreg [dreg:$0x0];
	s2 =	srdreg.scid  }
0x2: {  	s5 =	rddreg [dreg:$0x1];
	s6 =	sand.u32 $0x1, s2  }
0x3: {  	s3 =	simm.s32 $0x0;
	s2 =	stileid.u32;
	s4 =	sshll.u32 s6, $0x4  }
0x4: {  	s11 =	simm.s32 $0x80;
	s12 =	simm.s32 $0x0;
	s7 =	sor.u32 s2, s4  }
0x5: {  	[smem:$0x7FF] =	sst s3;
	s10 =	sadd.s32 $0xEBB600, s5;
	s8 =	smul.u32 $0x13, s7  }
0x6: {  	_ =	strace $0x8000005B;
	[dreg:$0x3] =	wrdreg s10;
	s9 =	smul.u32 $0x14, s7  }
0x7: {  	s4 =	sadd.s32 $0xEB6600, s5;
	p0 =	slt.u32 s7, $0x11;
	s5 =	sadd.s32 $0x11, s8  }
0x8: {  	s28 =	ssub.s32 $0x2, s6;
	s6 =	simm.s32 $0x14;
	s5 =	smov.u32 @p0 s9  }
0x9: {  	s10 =	simm.s32 $0x1;
	s29 =	sshrl.u32 s28, $0x1;
	s9 =	sshll.u32 s5, $0x5  }
0xa: {  	s30 =	ssub.s32 s28, s29;
	s6 =	simm.s32 @!p0 $0x13;
	s31 =	sand.u32 $0x1FFFFFE0, s9  }
0xb: {  	s8 =	sadd.s32 $0xFFFFFFFF, s6;
	s9 =	smax.u32 s30, $0x1;
	s7 =	sadd.s32 s4, s31  }
.LBB2_1:
0xc: {  	_ =	strace $0x8000005C  }
0xd: {  	p0 =	seq.s32 s6, $0x1;
	s14 =	simm.s32 $0x1;
	p4 =	sne.s32 s6, $0x1  }
0xe: {  	[tilespmem:s3], [sflag:$0x2] =	stream.linear.gather [hbm4b:s7+s3], $0x100, $0x200038;
	[tilespmem:$0x10200] =	vst v63  }
.Ltmp0:
0xf: {  	s14 =	simm.s32 @p0 $0x0;
	(pc) =	sbr.rel @!p4 .LBB2_2-.Ltmp0, $4  }
0x10: {  	p1 =	sgt.u32 s8, $0x0;
	p0 =	sne.s32 s14, $0x0  }
0x11: {  	s13 =	simm.s32 $0x1;
	p2 =	por !p1, !p0  }
0x12: {  	p3 =	por $0x0, $0x0;
	_ =	strace $0x9000005C;
	p2 =	por !p2, !p2  }
0x13: {  	p1 =	por $0x1, $0x1;
	s24 =	sand.u32 @p2 $0x1, s10;
	s28 =	sadd.s32 @p2 s5, s14  }
0x14: {  	s15 =	sshll.u32 @p2 s28, $0x5;
	s16 =	simm.s32 @p2 $0x0;
	s17 =	sshll.u32 @p2 s24, $0x8  }
0x15: {  	s18 =	sor.u32 @p2 $0x2, s24;
	_ =	strace @p2 $0x8000005D;
	s30 =	simm.s32 $0x0  }
0x16: {  	s19 =	sand.u32 @!p1 $0x1, s3;
	p5 =	sne.s32 s6, $0x2;
	s15 =	sand.u32 @p2 $0x1FFFFFE0, s15  }
0x17: {  	p4 =	por p1, p1;
	p1 =	por $0x0, $0x0;
	s15 =	sadd.s32 @p2 s4, s15  }
0x18: {  	[tilespmem:s17], [sflag:s18] =	stream.linear.gather @p2 [hbm4b:s15+s16], $0x100, $0x200038;
	[tilespmem:$0x10200] =	vst v63  }
0x19: {  	p3 =	seq.s32 s8, $0x0;
	s18 =	sand.u32 $0x1, s3;
	_ =	strace @p2 $0x9000005D  }
0x1a: {  	s20 =	sadd.s32 $0x0, s5;
	s26 =	sor.u32 $0x2, s18;
	_ =	strace $0x8000005E  }
0x1b: {  	s25 =	simm.s32 $0x1;
	s22 =	sor.u32 @!p4 $0x4, s19;
	_ =	swait.ge [sflag:s26], $0x100  }
0x1c: {  	s19 =	sadd.s32 $0x1, s14;
	p6 =	por p3, p0;
	[sflag:s26] =	ssyncset.done $0x0  }
0x1d: {  	p3 =	sgt.u32 s8, $0x1;
	s25 =	simm.s32 @!p6 $0x0;
	[sflag:s26] =	ssyncadd.s32 $0xFFFFFF00  }
0x1e: {  	s16 =	simm.s32 $0x2;
	s31 =	sshll.u32 s18, $0xF;
	_ =	strace $0x9000005E  }
0x1f: {  	s17 =	sand.u32 $0x100, s30;
	s21 =	sor.u32 $0x200, s31;
	_ =	strace $0x8000005F  }
0x20: {  	[tilespmem:s21], [sflag:$0x1] =	stream.indirect.gather [hbm4b:s1+s11], $0x80, s17, s11, $0x2000b8;
	[tilespmem:$0x10200] =	vst v63  }
0x21: {  	s15 =	sor.u32 $0x4200, s31;
	s26 =	sshll.u32 @p6 s20, $0xC;
	s17 =	sor.u32 $0x80, s17  }
0x22: {  	[tilespmem:s15], [sflag:$0x1] =	stream.indirect.gather [hbm4b:s1+s11], $0x80, s17, s11, $0x2000b8;
	[tilespmem:$0x10200] =	vst v63  }
0x23: {  	s17 =	simm.s32 $0x1;
	s15 =	simm.s32 $0x1;
	_ =	swait.ge [sflag:s10], $0x4000  }
0x24: {  	s17 =	simm.s32 @!p2 $0x0;
	p2 =	por $0x0, $0x0;
	[sflag:s10] =	ssyncset.done $0x0  }
0x25: {  	s20 =	simm.s32 $0x0;
	s15 =	simm.s32 @!p2 $0x0;
	[sflag:s10] =	ssyncadd.s32 $0xFFFFC000  }
0x26: {  	p2 =	seq.s32 s19, s6;
	s23 =	sadd.s32 $0x1, s17;
	_ =	swait.ge [sflag:s10], $0x4000  }
.Ltmp1:
0x27: {  	s19 =	simm.s32 @p2 $0x0;
	[sflag:s10] =	ssyncset.done $0x0;
	(pc) =	sbr.rel @!p5 .LBB2_4-.Ltmp1, $4  }
0x28: {  	s17 =	simm.s32 $0x0;
	p0 =	sne.s32 s14, s19;
	[sflag:s10] =	ssyncadd.s32 $0xFFFFC000  }
0x29: {  	s15 =	sadd.s32 $0x0, s15;
	p2 =	por !p3, !p0;
	_ =	strace $0x9000005F  }
0x2a: {  	p3 =	por $0x1, $0x1;
	p2 =	por !p2, !p2;
	_ =	strace @p6 $0x80000060  }
0x2b: {  	s24 =	sand.u32 @p2 $0x1, s23;
	s28 =	sadd.s32 @p2 s5, s19;
	s29 =	rddreg [dreg:$0x3]  }
.LBB2_5:
0x2c: {  	s30 =	sshll.u32 @p2 s28, $0x5;
	s31 =	sand.u32 @p6 $0x1FFFF000, s26  }
0x2d: {  	s28 =	smov.u32 s14;
	s18 =	sor.u32 @p6 $0x4, s18;
	s14 =	sand.u32 @p2 $0x1FFFFFE0, s30  }
0x2e: {  	s30 =	simm.s32 @p6 $0x0;
	s0 =	sadd.s32 @p2 s4, s14;
	s14 =	sadd.s32 @p6 s29, s31  }
0x2f: {  	[hbm4b:s14+s30] =	stream.linear.scatter @p6 [tilespmem:s21], [sflag:s18], $0x8000, $0x200038;
	[tilespmem:$0x10200] =	vst v63  }
0x30: {  	_ =	strace @p6 $0x90000060  }
0x31: {  	_ =	strace @!p4 $0x80000061  }
0x32: {  	_ =	swait.ge @!p4 [sflag:s22], $0x8000  }
0x33: {  	s17 =	sadd.s32 s25, s17;
	s26 =	smov.u32 s13;
	[sflag:s22] =	ssyncset.done @!p4 $0x0  }
0x34: {  	s13 =	smov.u32 s16;
	s20 =	sadd.s32 s25, s20;
	[sflag:s22] =	ssyncadd.s32 @!p4 $0xFFFF8000  }
0x35: {  	s16 =	sadd.s32 $0x1, s16;
	s21 =	simm.s32 @p2 $0x0;
	_ =	strace @!p4 $0x90000061  }
0x36: {  	s22 =	sshll.u32 @p2 s24, $0x8;
	s24 =	sor.u32 @p2 $0x2, s24;
	_ =	strace @p2 $0x8000005D  }
0x37: {  	[tilespmem:s22], [sflag:s24] =	stream.linear.gather @p2 [hbm4b:s0+s21], $0x100, $0x200038;
	[tilespmem:$0x10200] =	vst v63  }
0x38: {  	s25 =	sshll.u32 s20, $0x8;
	s31 =	sand.u32 $0x1, s20;
	_ =	strace @p2 $0x9000005D  }
0x39: {  	p5 =	sne.s32 s6, s16;
	s24 =	sor.u32 $0x2, s31;
	_ =	strace $0x8000005E  }
0x3a: {  	s29 =	sand.u32 @!p1 $0x1, s15;
	s14 =	smov.u32 s19;
	_ =	swait.ge [sflag:s24], $0x100  }
0x3b: {  	s18 =	sand.u32 $0x1, s17;
	s19 =	sadd.s32 $0x1, s19;
	[sflag:s24] =	ssyncset.done $0x0  }
0x3c: {  	s30 =	sshll.u32 s18, $0xF;
	p6 =	seq.s32 s8, s26;
	[sflag:s24] =	ssyncadd.s32 $0xFFFFFF00  }
0x3d: {  	p6 =	por p6, p0;
	p4 =	por p1, p1;
	_ =	strace $0x9000005E  }
0x3e: {  	s21 =	sor.u32 $0x200, s30;
	s31 =	sand.u32 $0x100, s25;
	_ =	strace $0x8000005F  }
0x3f: {  	[tilespmem:s21], [sflag:$0x1] =	stream.indirect.gather [hbm4b:s1+s11], $0x80, s31, s11, $0x2000b8;
	[tilespmem:$0x10200] =	vst v63  }
0x40: {  	p1 =	seq.s32 s13, $0x0;
	s0 =	sor.u32 $0x4200, s30;
	s22 =	sor.u32 $0x80, s31  }
0x41: {  	[tilespmem:s0], [sflag:$0x1] =	stream.indirect.gather [hbm4b:s1+s11], $0x80, s22, s11, $0x2000b8;
	[tilespmem:$0x10200] =	vst v63  }
0x42: {  	s25 =	simm.s32 $0x1;
	s24 =	sadd.s32 s5, s28;
	s0 =	simm.s32 $0x1  }
0x43: {  	s22 =	sor.u32 @!p4 $0x4, s29;
	_ =	swait.ge [sflag:s10], $0x4000;
	s0 =	simm.s32 @!p2 $0x0  }
0x44: {  	p2 =	sne.s32 s26, $0x0;
	s26 =	sshll.u32 @p6 s24, $0xC;
	[sflag:s10] =	ssyncset.done $0x0  }
0x45: {  	s25 =	simm.s32 @!p2 $0x0;
	p2 =	seq.s32 s19, s6;
	[sflag:s10] =	ssyncadd.s32 $0xFFFFC000  }
0x46: {  	s23 =	sadd.s32 s0, s23;
	s15 =	sadd.s32 s25, s15;
	_ =	swait.ge [sflag:s10], $0x4000  }
.Ltmp2:
0x47: {  	s19 =	simm.s32 @p2 $0x0;
	[sflag:s10] =	ssyncset.done $0x0;
	(pc) =	sbr.rel @p5 .LBB2_5-.Ltmp2, $4  }
0x48: {  	p2 =	slt.u32 s13, s8;
	p0 =	sne.s32 s14, s19;
	[sflag:s10] =	ssyncadd.s32 $0xFFFFC000  }
0x49: {  	s25 =	simm.s32 $0x1;
	p2 =	por !p2, !p0;
	_ =	strace $0x9000005F  }
0x4a: {  	s25 =	simm.s32 @!p6 $0x0;
	p2 =	por !p2, !p2;
	_ =	strace @p6 $0x80000060  }
0x4b: {  	s24 =	sand.u32 @p2 $0x1, s23;
	s28 =	sadd.s32 @p2 s5, s19;
	s29 =	rddreg [dreg:$0x3]  }
.LBB2_6:
0x4c: {  	p5 =	por !p6, !p3  }
0x4d: {  	s0 =	sand.u32 @!p5 $0x1FFFF000, s26  }
0x4e: {  	s16 =	sor.u32 @!p5 $0x4, s18;
	s18 =	simm.s32 @!p5 $0x0;
	s0 =	sadd.s32 @!p5 s29, s0  }
0x4f: {  	[hbm4b:s0+s18] =	stream.linear.scatter @!p5 [tilespmem:s21], [sflag:s16], $0x8000, $0x200038;
	[tilespmem:$0x10200] =	vst v63  }
0x50: {  	p4 =	por p4, !p3;
	_ =	strace @!p5 $0x90000060  }
0x51: {  	_ =	strace @!p4 $0x80000061  }
0x52: {  	s19 =	sshll.u32 @p2 s24, $0x8;
	_ =	swait.ge @!p4 [sflag:s22], $0x8000  }
0x53: {  	s0 =	sshll.u32 @p2 s28, $0x5;
	s16 =	sadd.s32 @p3 s25, s20;
	[sflag:s22] =	ssyncset.done @!p4 $0x0  }
0x54: {  	s18 =	simm.s32 $0x0;
	s20 =	sor.u32 @p2 $0x2, s24;
	[sflag:s22] =	ssyncadd.s32 @!p4 $0xFFFF8000  }
0x55: {  	s0 =	sand.u32 @p2 $0x1FFFFFE0, s0;
	s18 =	smov.u32 @p3 s16;
	_ =	strace @!p4 $0x90000061  }
0x56: {  	s16 =	simm.s32 @p2 $0x0;
	s0 =	sadd.s32 @p2 s4, s0;
	_ =	strace @p2 $0x8000005D  }
0x57: {  	[tilespmem:s19], [sflag:s20] =	stream.linear.gather @p2 [hbm4b:s0+s16], $0x100, $0x200038;
	[tilespmem:$0x10200] =	vst v63  }
0x58: {  	s29 =	sand.u32 $0x1, s18;
	_ =	strace @p2 $0x9000005D  }
0x59: {  	s0 =	sor.u32 $0x2, s29;
	_ =	strace $0x8000005E  }
0x5a: {  	s16 =	sadd.s32 @p3 s25, s17;
	s17 =	simm.s32 $0x0;
	_ =	swait.ge [sflag:s0], $0x100  }
0x5b: {  	s17 =	smov.u32 @p3 s16;
	[sflag:s0] =	ssyncset.done $0x0  }
0x5c: {  	[sflag:s0] =	ssyncadd.s32 $0xFFFFFF00;
	s0 =	sand.u32 $0x1, s17  }
0x5d: {  	s30 =	sshll.u32 s18, $0x8;
	_ =	strace $0x9000005E;
	s17 =	sshll.u32 s0, $0xF  }
0x5e: {  	s16 =	sand.u32 $0x100, s30;
	_ =	strace $0x8000005F;
	s18 =	sor.u32 $0x200, s17  }
0x5f: {  	[tilespmem:s18], [sflag:$0x1] =	stream.indirect.gather [hbm4b:s1+s11], $0x80, s16, s11, $0x2000b8;
	[tilespmem:$0x10200] =	vst v63  }
0x60: {  	s17 =	sor.u32 $0x4200, s17;
	s16 =	sor.u32 $0x80, s16  }
0x61: {  	[tilespmem:s17], [sflag:$0x1] =	stream.indirect.gather [hbm4b:s1+s11], $0x80, s16, s11, $0x2000b8;
	[tilespmem:$0x10200] =	vst v63  }
0x62: {  	_ =	swait.ge [sflag:s10], $0x4000  }
0x63: {  	[sflag:s10] =	ssyncset.done $0x0  }
0x64: {  	[sflag:s10] =	ssyncadd.s32 $0xFFFFC000  }
0x65: {  	_ =	swait.ge [sflag:s10], $0x4000  }
0x66: {  	[sflag:s10] =	ssyncset.done $0x0  }
0x67: {  	p6 =	seq.s32 s8, s13;
	[sflag:s10] =	ssyncadd.s32 $0xFFFFC000  }
0x68: {  	s14 =	sadd.s32 s5, s14;
	p0 =	por p6, p0;
	_ =	strace $0x9000005F  }
0x69: {  	s14 =	sshll.u32 @p0 s14, $0xC;
	_ =	strace @p0 $0x80000060  }
0x6a: {  	s14 =	sand.u32 @p0 $0x1FFFF000, s14;
	s16 =	rddreg [dreg:$0x3]  }
0x6b: {  	s0 =	sor.u32 @p0 $0x4, s0;
	s17 =	simm.s32 @p0 $0x0;
	s14 =	sadd.s32 @p0 s16, s14  }
0x6c: {  	[hbm4b:s14+s17] =	stream.linear.scatter @p0 [tilespmem:s18], [sflag:s0], $0x8000, $0x200038;
	[tilespmem:$0x10200] =	vst v63  }
0x6d: {  	s0 =	sand.u32 @!p1 $0x1, s15;
	p1 =	por p1, p1;
	_ =	strace @p0 $0x90000060  }
0x6e: {  	s0 =	sor.u32 @!p1 $0x4, s0;
	_ =	strace @!p1 $0x80000061  }
0x6f: {  	p0 =	sne.s32 s13, $0x0;
	s13 =	simm.s32 $0x1;
	_ =	swait.ge @!p1 [sflag:s0], $0x8000  }
0x70: {  	s13 =	simm.s32 @!p0 $0x0;
	[sflag:s0] =	ssyncset.done @!p1 $0x0  }
0x71: {  	s12 =	sadd.s32 $0x1, s12;
	s13 =	sadd.s32 s13, s15;
	[sflag:s0] =	ssyncadd.s32 @!p1 $0xFFFF8000  }
0x72: {  	p0 =	sne.s32 s12, s9;
	s31 =	sand.u32 $0x1, s13;
	_ =	strace @!p1 $0x90000061  }
.Ltmp3:
0x73: {  	s0 =	sor.u32 $0x4, s31;
	_ =	strace $0x80000062;
	(pc) =	sbr.rel @p0 .LBB2_1-.Ltmp3, $4  }
.Ltmp4:
0x74: {  	_ =	swait.ge [sflag:s0], $0x8000;
	(pc) =	sbr.rel @!p0 .LBB2_7-.Ltmp4, $4  }
0x75: {  	[sflag:s0] =	ssyncset.done $0x0  }
0x76: {  	[sflag:s0] =	ssyncadd.s32 $0xFFFF8000  }
0x77: {  	_ =	strace $0x90000062  }
0x78: {  	_ = 	snop  }
.LBB2_2:
.Ltmp5:
0x79: {  	(pc) =	sbr.rel .LBB2_6-.Ltmp5, $3  }
0x7a: {  	_ =	sdelay $0x1  }
0x7b: {  	s17 =	simm.s32 $0x0;
	s13 =	simm.s32 $0x0  }
0x7c: {  	s14 =	simm.s32 $0x0;
	s20 =	simm.s32 $0x0;
	s15 =	simm.s32 $0x0  }
.LBB2_4:
.Ltmp6:
0x7d: {  	(pc) =	sbr.rel .LBB2_6-.Ltmp6, $2  }
0x7e: {  	_ =	sdelay $0x2  }
0x7f: {  	s17 =	simm.s32 $0x0;
	s20 =	simm.s32 $0x0  }
.LBB2_7:
0x80: {  	_ =	sfence.sel $0x180000  }
0x81: {  	[bflag:$0x0] =	sbarrier.arrive $0xFFFF  }
0x82: {  	_ =	strace $0x9000005B  }
0x83: {  	[bflag:$0x2] =	sbarrier.arrive $0xFFFF  }
0x84: {  	p0 =	sne.s32 s2, $0x0;
	s0 =	rddreg [dreg:$0x2]  }
0x85: {  	s0 =	sadd.s32 @!p0 $0x100000, s0  }
0x86: {  	[sflag:s0] =	ssyncadd.tile.s32 @!p0 $0x1;
	_ =	shalt  }
.Lfunc_end2:
_tile_overlayer_lowered:
.L_overlay_start_2:
0x87: {  	(tag) =	ssettag $0x2  }
0x88: {  	s0 =	rddreg [dreg:$0x0];
	s2 =	stileid.u32  }
0x89: {  	s1 =	rddreg [dreg:$0x1];
	p0 =	sne.s32 s2, $0x0  }
0x8a: {  	s3 =	rddreg [dreg:$0x2];
	[bflag:$0x3] =	sbarrier.arrive $0xFFFF;
	s2 =	simm.s32 @!p0 $0x1C02  }
0x8b: {  	[timem:s3], [sflag:s2] =	dma.local @!p0 [hbm:s0], s1  }
0x8c: {  	s0 =	simm.s32 @!p0 $0x2  }
0x8d: {  	_ =	swait.ge @!p0 [sflag:s0], s1  }
0x8e: {  	s1 =	ssub.s32 @!p0 $0x0, s1;
	[sflag:s0] =	ssyncset.done @!p0 $0x0  }
0x8f: {  	[sflag:s0] =	ssyncadd.s32 @!p0 s1  }
0x90: {  	[bflag:$0x3] =	sbarrier.arrive $0xFFFF  }
0x91: {  	_ =	shalt  }

// kernel: kernel.19.cloned.1.call-start
scs
__scs_entry_jumppad:
0x0: {  	(pc) =	sbr.rel $0x88, $3  }
0x1: {  	(tag) =	ssettag $0x0;
	lr =	simm.s32 $0x1  }
0x2: {  	[smem:$0x3F9D] =	sst lr;
	_ =	strace $0xD0000000  }
0x3: {  	_ = 	snop  }
0x4: {  	_ = 	snop  }
0x5: {  	_ = 	snop  }
0x6: {  	_ = 	snop  }
0x7: {  	_ = 	snop  }
__scs_overlays_trampoline_lowered:
0x8: {  	[smem:$0x3FAC] =	sst s0  }
0x9: {  	[smem:$0x3FAD] =	sst s1  }
0xa: {  	[smem:$0x3FAE] =	sst s2  }
0xb: {  	[smem:$0x3FAF] =	sst s3  }
0xc: {  	[smem:$0x3FB0] =	sst s4  }
0xd: {  	[smem:$0x3FB1] =	sst s5  }
0xe: {  	[smem:$0x3FB2] =	sst s6  }
0xf: {  	[smem:$0x3FB3] =	sst s7  }
0x10: {  	[smem:$0x3FB4] =	sst s8  }
0x11: {  	[smem:$0x3FB5] =	sst s9;
	s0 =	simm.s32 @!p0 $0x0  }
0x12: {  	s1 =	sld [smem:$0x3F9B];
	s0 =	simm.s32 @p0 $0x1  }
0x13: {  	[smem:$0x3FB6] =	sst s0;
	s0 =	simm.s32 @!p1 $0x0  }
0x14: {  	s2 =	sld [smem:$0x3F9A];
	s0 =	simm.s32 @p1 $0x1  }
0x15: {  	[smem:$0x3FB7] =	sst s0;
	s0 =	simm.s32 @!p2 $0x0  }
0x16: {  	s3 =	sld [smem:$0x3FDB];
	s0 =	simm.s32 @p2 $0x1  }
0x17: {  	s4 =	simm.s32 $0x1BF5;
	[smem:$0x3FB9] =	sst s0  }
0x18: {  	s0 =	sld [smem:$0x3F9C];
	_ =	swait.ge [sflag:s4], $0x0  }
0x19: {  	s7 =	sld [smem:$0x3F9D]  }
0x1a: {  	s8 =	sadd.s32 $0xFFFFE003, lr  }
0x1b: {  	s9 =	sadd.s32 $0xFFFFFEF7, lr;
	s5 =	simm.s32 $0xFFFFFFFF;
	p2 =	slt.u32 s8, $0xFFFFF086  }
0x1c: {  	p1 =	slt.u32 s9, $0xF7A;
	s5 =	simm.s32 @!p2 $0x0  }
0x1d: {  	s5 =	simm.s32 @p1 $0x1;
	p0 =	seq.s32 s7, s2  }
0x1e: {  	s7 =	smul.u32 @!p0 $0xF7A, s2;
	p2 =	seq.s32 @!p0 s5, $0x0  }
0x1f: {  	s9 =	smul.u32 $0xF7A, s1;
	s8 =	simm.s32 @!p0 $0x1BF5;
	p2 =	por !p2, p0  }
0x20: {  	[sflag:s8] =	ssyncset.s32 @!p0 $0xFFFFF086;
	s6 =	sadd.s32 @!p0 s3, s7;
	s7 =	simm.s32 @!p0 $0x108  }
0x21: {  	s3 =	sadd.s32 s3, s9;
	s6 =	sadd.s32 @!p0 $0x88, s6;
	s7 =	simm.s32 @p2 $0x1082  }
0x22: {  	[simem:s7], [sflag:s8] =	dma.local @!p0 [hbm:s6], $0xF7A  }
0x23: {  	s9 =	sor.u32 $0xD0000000, s2;
	s6 =	simm.s32 $0x108;
	_ =	swait.ge @!p0 [sflag:s8], $0x0  }
0x24: {  	s3 =	sadd.s32 $0x88, s3;
	s6 =	simm.s32 @!p1 $0x1082;
	[sflag:s4] =	ssyncset.s32 $0xFFFFF086  }
0x25: {  	[simem:s6], [sflag:s4] =	dma.local [hbm:s3], $0xF7A  }
0x26: {  	[smem:$0x3F9D] =	sst s1;
	(tag) =	ssettag s2;
	_ =	strace s9  }
0x27: {  	s1 =	sld [smem:$0x3FAD]  }
0x28: {  	s2 =	sld [smem:$0x3FAE]  }
0x29: {  	s4 =	sld [smem:$0x3FB0]  }
0x2a: {  	p0 =	seq.s32 s5, $0x0;
	s5 =	sld [smem:$0x3FB1]  }
0x2b: {  	s6 =	sld [smem:$0x3FB2]  }
0x2c: {  	s7 =	sld [smem:$0x3FB3]  }
0x2d: {  	s3 =	simm.s32 $0x108;
	s8 =	sld [smem:$0x3FB4]  }
0x2e: {  	s3 =	simm.s32 @!p0 $0x1082;
	s9 =	sld [smem:$0x3FB5]  }
0x2f: {  	lr =	sadd.s32 s0, s3;
	s0 =	sld [smem:$0x3FAC]  }
0x30: {  	s3 =	sld [smem:$0x3FAF]  }
0x31: {  	[smem:$0x3FB8] =	sst s10  }
0x32: {  	s10 =	sld [smem:$0x3FB6];
	_ =	sdelay $0x3  }
0x33: {  	p0 =	seq.s32 s10, $0x1;
	s10 =	sld [smem:$0x3FB8];
	_ =	sdelay $0x3  }
0x34: {  	[smem:$0x3FB8] =	sst s10  }
0x35: {  	s10 =	sld [smem:$0x3FB7];
	_ =	sdelay $0x3  }
0x36: {  	p1 =	seq.s32 s10, $0x1;
	s10 =	sld [smem:$0x3FB8];
	_ =	sdelay $0x3  }
0x37: {  	[smem:$0x3FB8] =	sst s10  }
0x38: {  	s10 =	sld [smem:$0x3FB9]  }
0x39: {  	_ = 	snop;
	(pc) =	sbr.ind lr, $3  }
0x3a: {  	_ = 	snop  }
0x3b: {  	_ = 	snop  }
0x3c: {  	p2 =	seq.s32 s10, $0x1;
	s10 =	sld [smem:$0x3FB8]  }
0x3d: {  	_ =	shalt  }
0x3e: {  	_ =	shalt  }
0x3f: {  	_ =	shalt  }
0x40: {  	_ =	shalt  }
0x41: {  	_ =	shalt  }
0x42: {  	_ =	shalt  }
0x43: {  	_ =	shalt  }
0x44: {  	_ =	shalt  }
0x45: {  	_ =	shalt  }
0x46: {  	_ =	shalt  }
0x47: {  	_ =	shalt  }
0x48: {  	_ =	shalt  }
0x49: {  	_ =	shalt  }
0x4a: {  	_ =	shalt  }
0x4b: {  	_ =	shalt  }
0x4c: {  	_ =	shalt  }
0x4d: {  	_ =	shalt  }
0x4e: {  	_ =	shalt  }
0x4f: {  	_ =	shalt  }
0x50: {  	_ =	shalt  }
0x51: {  	_ =	shalt  }
0x52: {  	_ =	shalt  }
0x53: {  	_ =	shalt  }
0x54: {  	_ =	shalt  }
0x55: {  	_ =	shalt  }
0x56: {  	_ =	shalt  }
0x57: {  	_ =	shalt  }
0x58: {  	_ =	shalt  }
0x59: {  	_ =	shalt  }
0x5a: {  	_ =	shalt  }
0x5b: {  	_ =	shalt  }
0x5c: {  	_ =	shalt  }
0x5d: {  	_ =	shalt  }
0x5e: {  	_ =	shalt  }
0x5f: {  	_ =	shalt  }
0x60: {  	_ =	shalt  }
0x61: {  	_ =	shalt  }
0x62: {  	_ =	shalt  }
0x63: {  	_ =	shalt  }
0x64: {  	_ =	shalt  }
0x65: {  	_ =	shalt  }
0x66: {  	_ =	shalt  }
0x67: {  	_ =	shalt  }
0x68: {  	_ =	shalt  }
0x69: {  	_ =	shalt  }
0x6a: {  	_ =	shalt  }
0x6b: {  	_ =	shalt  }
0x6c: {  	_ =	shalt  }
0x6d: {  	_ =	shalt  }
0x6e: {  	_ =	shalt  }
0x6f: {  	_ =	shalt  }
0x70: {  	_ =	shalt  }
0x71: {  	_ =	shalt  }
0x72: {  	_ =	shalt  }
0x73: {  	_ =	shalt  }
0x74: {  	_ =	shalt  }
0x75: {  	_ =	shalt  }
0x76: {  	_ =	shalt  }
0x77: {  	_ =	shalt  }
0x78: {  	_ =	shalt  }
0x79: {  	_ =	shalt  }
0x7a: {  	_ =	shalt  }
0x7b: {  	_ =	shalt  }
0x7c: {  	_ =	shalt  }
0x7d: {  	_ =	shalt  }
0x7e: {  	_ =	shalt  }
0x7f: {  	_ =	shalt  }
0x80: {  	_ =	shalt  }
0x81: {  	_ =	shalt  }
0x82: {  	_ =	shalt  }
0x83: {  	_ =	shalt  }
0x84: {  	_ =	shalt  }
0x85: {  	_ =	shalt  }
0x86: {  	_ =	shalt  }
0x87: {  	_ =	shalt  }
.Lfunc_end0:
.L_simem_size_0:
called_computation.3_lowered:
.L_overlay_start_0:
0x88: {  	s2 =	sld [smem:$0x3FD9]  }
0x89: {  	s3 =	sld [smem:$0x3FFE];
	_ =	sdelay $0x1  }
0x8a: {  	s1 =	srdreg.scid  }
0x8b: {  	s0 =	sand.u32 $0x1, s1  }
0x8c: {  	s17 =	sshll.u32 s0, $0xA;
	s2 =	sadd.s32 s3, s2  }
0x8d: {  	s2 =	sadd.s32 s2, s17  }
0x8e: {  	[smem:$0x3FC4] =	sst s2  }
0x8f: {  	_ = 	snop  }
0x90: {  	s18 =	sld [smem:$0x3FC9];
	(tm) =	ssettm $0x1  }
0x91: {  	s19 =	sld [smem:$0x3FFB];
	_ =	sdelay $0x3  }
0x92: {  	_ =	strace s19  }
0x93: {  	s2 =	sld [smem:$0x3FFC];
	_ =	sdelay $0x3  }
0x94: {  	_ =	strace s2  }
0x95: {  	s2 =	sld [smem:$0x3FFD];
	_ =	sdelay $0x3  }
0x96: {  	_ =	strace s2  }
0x97: {  	_ =	strace $0x8FFFFFFF  }
0x98: {  	s20 =	sld [smem:$0x3FDB];
	_ =	sdelay $0x1  }
0x99: {  	s4 =	simm.s32 $_scs_section_size  }
0x9a: {  	s5 =	simm.s32 $_size__tile_overlayer_lowered;
	s6 =	simm.s32 $_tile_overlayer_lowered  }
0x9b: {  	s7 =	simm.s32 $0x1BFF;
	s21 =	sshll.u32 s6, $0x1;
	s4 =	sadd.s32 s4, s20  }
0x9c: {  	s22 =	simm.s32 $0x0;
	s5 =	sshll.u32 s5, $0x1;
	s6 =	sadd.s32 s21, s4  }
0x9d: {  	[timem:s22], [sflag:s7] =	dma.local [hbm:s6], s5  }
0x9e: {  	_ =	swait.ge [sflag:s7], s5  }
0x9f: {  	s5 =	ssub.s32 $0x0, s5;
	[sflag:s7] =	ssyncset.done $0x0  }
0xa0: {  	[sflag:s7] =	ssyncadd.s32 s5;
	_ =	sdelay $0x1  }
0xa1: {  	s23 =	simm.s32 $0x1B8B  }
0xa2: {  	_ =	swait.ge [sflag:s23], $0x1  }
0xa3: {  	[sflag:s23] =	ssyncset.done $0x0  }
0xa4: {  	[sflag:s23] =	ssyncadd.s32 $0xFFFFFFFF  }
0xa5: {  	s5 =	sld [smem:$0x0]  }
0xa6: {  	s6 =	sand.u32 $0xFFFFFFFE, s1  }
0xa7: {  	p0 =	sne.s32 s1, s6  }
0xa8: {  	s6 =	sshll.u32 @p0 s6, $0xE  }
0xa9: {  	s6 =	sadd.s32 @p0 $0x11B8D, s6;
	s7 =	sshll.u32 @p0 s5, $0x11  }
0xaa: {  	s6 =	sor.u32 @p0 s7, s6  }
0xab: {  	[sflag:s6] =	ssyncadd.remote.s32 @p0 $0x1;
	_ =	sdelay $0x1  }
0xac: {  	s6 =	simm.s32 @p0 $0x1B8D  }
0xad: {  	_ =	swait.eq @p0 [sflag:s6], $0x1  }
0xae: {  	[sflag:s6] =	ssyncadd.s32 @p0 $0xFFFFFFFF  }
0xaf: {  	s7 =	sshll.u32 @!p0 s1, $0xE  }
0xb0: {  	s7 =	sor.u32 @!p0 $0x4000, s7;
	s6 =	simm.s32 @!p0 $0x1B8D  }
0xb1: {  	s5 =	sshll.u32 @!p0 s5, $0x11;
	s7 =	sadd.s32 @!p0 $0x11B8D, s7;
	_ =	swait.eq @!p0 [sflag:s6], $0x1  }
0xb2: {  	s5 =	sor.u32 @!p0 s5, s7;
	[sflag:s6] =	ssyncadd.s32 @!p0 $0xFFFFFFFF  }
0xb3: {  	s25 =	simm.s32 $0x1B8E;
	s24 =	sld [smem:$0x3FFE];
	[sflag:s5] =	ssyncadd.remote.s32 @!p0 $0x1  }
0xb4: {  	s26 =	simm.s32 $execute0_lowered;
	[smem:$0x3FD2] =	sst s25  }
0xb5: {  	s6 =	sshll.u32 s26, $0x1;
	_ =	strace $0x80000064;
	[dreg:$0x1] =	wrdreg $0xFFFFFFFF  }
0xb6: {  	s28 =	simm.s32 $_size_execute0_lowered;
	s4 =	sadd.s32 s4, s6;
	[dreg:$0x0] =	wrdreg $0x0  }
0xb7: {  	s6 =	sshll.u32 s28, $0x1;
	[dreg:$0x2] =	wrdreg s4  }
0xb8: {  	[dreg:$0x3] =	wrdreg s6  }
0xb9: {  	[dreg:$0x4] =	wrdreg $0xC0  }
0xba: {  	_ =	task [dreg:s22], $0x5FFFF  }
0xbb: {  	[dreg:$0x1] =	wrdreg $0xFFFFFFFF  }
0xbc: {  	[dreg:$0x0] =	wrdreg $0x60  }
0xbd: {  	[dreg:$0x2] =	wrdreg s18  }
0xbe: {  	[dreg:$0x3] =	wrdreg s24  }
0xbf: {  	[dreg:$0x4] =	wrdreg $0xC  }
0xc0: {  	_ =	task.clear_ibuf [dreg:s22], $0x5FFFF;
	_ =	strace $0x90000064  }
0xc1: {  	s29 =	simm.s32 $0xC;
	_ =	strace $0x8000006D  }
0xc2: {  	_ =	swait.ge [sflag:s29], $0x1  }
0xc3: {  	[sflag:s29] =	ssyncadd.s32 $0xFFFFFFFF  }
0xc4: {  	_ =	strace $0x9000006D  }
0xc5: {  	_ =	sfence  }
0xc6: {  	s30 =	sld [smem:$0x0];
	_ =	sdelay $0x2  }
0xc7: {  	s31 =	sshll.u32 s1, $0xD;
	s1 =	sshrl.u32 s1, $0x2  }
0xc8: {  	s4 =	sand.u32 $0x4000, s31;
	s1 =	sadd.s32 s1, s30  }
0xc9: {  	s0 =	sor.u32 s4, s0;
	s1 =	sshll.u32 s1, $0x11  }
0xca: {  	s0 =	sor.u32 s1, s0  }
0xcb: {  	s0 =	sadd.s32 $0x8F2B, s0  }
0xcc: {  	[sflag:s0] =	ssyncadd.remote.s32 $0x1  }
0xcd: {  	_ =	sfence.sel $0xFFFF  }
0xce: {  	[dreg:$0x0] =	wrdreg $0xFFFFFFFF;
	(pc) =	sbr.abs _section_cstart, $3  }
0xcf: {  	[dreg:$0x1] =	wrdreg $0xFFFFFFFF  }
0xd0: {  	_ =	task.clear_ibuf [dreg:s22], $0x2FFFF;
	_ =	strace $0x9FFFFFFF  }
0xd1: {  	(tm) =	ssettm $0x7FFFFFFF  }
tec
execute0_lowered:
.L_overlay_start_1:
0x0: {  	(tag) =	ssettag $0x1  }
0x1: {  	s1 =	rddreg [dreg:$0x0];
	s2 =	srdreg.scid  }
0x2: {  	s5 =	rddreg [dreg:$0x1];
	s6 =	sand.u32 $0x1, s2  }
0x3: {  	s3 =	simm.s32 $0x0;
	s2 =	stileid.u32;
	s4 =	sshll.u32 s6, $0x4  }
0x4: {  	s11 =	simm.s32 $0x80;
	s12 =	simm.s32 $0x0;
	s7 =	sor.u32 s2, s4  }
0x5: {  	[smem:$0x7FF] =	sst s3;
	s10 =	sadd.s32 $0x112C600, s5;
	s8 =	smul.u32 $0x13, s7  }
0x6: {  	_ =	strace $0x80000065;
	[dreg:$0x3] =	wrdreg s10;
	s9 =	smul.u32 $0x14, s7  }
0x7: {  	s4 =	sadd.s32 $0xEB1600, s5;
	p0 =	slt.u32 s7, $0x11;
	s5 =	sadd.s32 $0x11, s8  }
0x8: {  	s28 =	ssub.s32 $0x2, s6;
	s6 =	simm.s32 $0x14;
	s5 =	smov.u32 @p0 s9  }
0x9: {  	s10 =	simm.s32 $0x1;
	s29 =	sshrl.u32 s28, $0x1;
	s9 =	sshll.u32 s5, $0x5  }
0xa: {  	s30 =	ssub.s32 s28, s29;
	s6 =	simm.s32 @!p0 $0x13;
	s31 =	sand.u32 $0x1FFFFFE0, s9  }
0xb: {  	s8 =	sadd.s32 $0xFFFFFFFF, s6;
	s9 =	smax.u32 s30, $0x1;
	s7 =	sadd.s32 s4, s31  }
.LBB2_1:
0xc: {  	_ =	strace $0x80000066  }
0xd: {  	p0 =	seq.s32 s6, $0x1;
	s14 =	simm.s32 $0x1;
	p4 =	sne.s32 s6, $0x1  }
0xe: {  	[tilespmem:s3], [sflag:$0x2] =	stream.linear.gather [hbm4b:s7+s3], $0x100, $0x200038;
	[tilespmem:$0x10200] =	vst v63  }
.Ltmp0:
0xf: {  	s14 =	simm.s32 @p0 $0x0;
	(pc) =	sbr.rel @!p4 .LBB2_2-.Ltmp0, $4  }
0x10: {  	p1 =	sgt.u32 s8, $0x0;
	p0 =	sne.s32 s14, $0x0  }
0x11: {  	s13 =	simm.s32 $0x1;
	p2 =	por !p1, !p0  }
0x12: {  	p3 =	por $0x0, $0x0;
	_ =	strace $0x90000066;
	p2 =	por !p2, !p2  }
0x13: {  	p1 =	por $0x1, $0x1;
	s24 =	sand.u32 @p2 $0x1, s10;
	s28 =	sadd.s32 @p2 s5, s14  }
0x14: {  	s15 =	sshll.u32 @p2 s28, $0x5;
	s16 =	simm.s32 @p2 $0x0;
	s17 =	sshll.u32 @p2 s24, $0x8  }
0x15: {  	s18 =	sor.u32 @p2 $0x2, s24;
	_ =	strace @p2 $0x80000067;
	s30 =	simm.s32 $0x0  }
0x16: {  	s19 =	sand.u32 @!p1 $0x1, s3;
	p5 =	sne.s32 s6, $0x2;
	s15 =	sand.u32 @p2 $0x1FFFFFE0, s15  }
0x17: {  	p4 =	por p1, p1;
	p1 =	por $0x0, $0x0;
	s15 =	sadd.s32 @p2 s4, s15  }
0x18: {  	[tilespmem:s17], [sflag:s18] =	stream.linear.gather @p2 [hbm4b:s15+s16], $0x100, $0x200038;
	[tilespmem:$0x10200] =	vst v63  }
0x19: {  	p3 =	seq.s32 s8, $0x0;
	s18 =	sand.u32 $0x1, s3;
	_ =	strace @p2 $0x90000067  }
0x1a: {  	s20 =	sadd.s32 $0x0, s5;
	s26 =	sor.u32 $0x2, s18;
	_ =	strace $0x80000068  }
0x1b: {  	s25 =	simm.s32 $0x1;
	s22 =	sor.u32 @!p4 $0x4, s19;
	_ =	swait.ge [sflag:s26], $0x100  }
0x1c: {  	s19 =	sadd.s32 $0x1, s14;
	p6 =	por p3, p0;
	[sflag:s26] =	ssyncset.done $0x0  }
0x1d: {  	p3 =	sgt.u32 s8, $0x1;
	s25 =	simm.s32 @!p6 $0x0;
	[sflag:s26] =	ssyncadd.s32 $0xFFFFFF00  }
0x1e: {  	s16 =	simm.s32 $0x2;
	s31 =	sshll.u32 s18, $0xF;
	_ =	strace $0x90000068  }
0x1f: {  	s17 =	sand.u32 $0x100, s30;
	s21 =	sor.u32 $0x200, s31;
	_ =	strace $0x80000069  }
0x20: {  	[tilespmem:s21], [sflag:$0x1] =	stream.indirect.gather [hbm4b:s1+s11], $0x80, s17, s11, $0x2000b8;
	[tilespmem:$0x10200] =	vst v63  }
0x21: {  	s15 =	sor.u32 $0x4200, s31;
	s26 =	sshll.u32 @p6 s20, $0xC;
	s17 =	sor.u32 $0x80, s17  }
0x22: {  	[tilespmem:s15], [sflag:$0x1] =	stream.indirect.gather [hbm4b:s1+s11], $0x80, s17, s11, $0x2000b8;
	[tilespmem:$0x10200] =	vst v63  }
0x23: {  	s17 =	simm.s32 $0x1;
	s15 =	simm.s32 $0x1;
	_ =	swait.ge [sflag:s10], $0x4000  }
0x24: {  	s17 =	simm.s32 @!p2 $0x0;
	p2 =	por $0x0, $0x0;
	[sflag:s10] =	ssyncset.done $0x0  }
0x25: {  	s20 =	simm.s32 $0x0;
	s15 =	simm.s32 @!p2 $0x0;
	[sflag:s10] =	ssyncadd.s32 $0xFFFFC000  }
0x26: {  	p2 =	seq.s32 s19, s6;
	s23 =	sadd.s32 $0x1, s17;
	_ =	swait.ge [sflag:s10], $0x4000  }
.Ltmp1:
0x27: {  	s19 =	simm.s32 @p2 $0x0;
	[sflag:s10] =	ssyncset.done $0x0;
	(pc) =	sbr.rel @!p5 .LBB2_4-.Ltmp1, $4  }
0x28: {  	s17 =	simm.s32 $0x0;
	p0 =	sne.s32 s14, s19;
	[sflag:s10] =	ssyncadd.s32 $0xFFFFC000  }
0x29: {  	s15 =	sadd.s32 $0x0, s15;
	p2 =	por !p3, !p0;
	_ =	strace $0x90000069  }
0x2a: {  	p3 =	por $0x1, $0x1;
	p2 =	por !p2, !p2;
	_ =	strace @p6 $0x8000006A  }
0x2b: {  	s24 =	sand.u32 @p2 $0x1, s23;
	s28 =	sadd.s32 @p2 s5, s19;
	s29 =	rddreg [dreg:$0x3]  }
.LBB2_5:
0x2c: {  	s30 =	sshll.u32 @p2 s28, $0x5;
	s31 =	sand.u32 @p6 $0x1FFFF000, s26  }
0x2d: {  	s28 =	smov.u32 s14;
	s18 =	sor.u32 @p6 $0x4, s18;
	s14 =	sand.u32 @p2 $0x1FFFFFE0, s30  }
0x2e: {  	s30 =	simm.s32 @p6 $0x0;
	s0 =	sadd.s32 @p2 s4, s14;
	s14 =	sadd.s32 @p6 s29, s31  }
0x2f: {  	[hbm4b:s14+s30] =	stream.linear.scatter @p6 [tilespmem:s21], [sflag:s18], $0x8000, $0x200038;
	[tilespmem:$0x10200] =	vst v63  }
0x30: {  	_ =	strace @p6 $0x9000006A  }
0x31: {  	_ =	strace @!p4 $0x8000006B  }
0x32: {  	_ =	swait.ge @!p4 [sflag:s22], $0x8000  }
0x33: {  	s17 =	sadd.s32 s25, s17;
	s26 =	smov.u32 s13;
	[sflag:s22] =	ssyncset.done @!p4 $0x0  }
0x34: {  	s13 =	smov.u32 s16;
	s20 =	sadd.s32 s25, s20;
	[sflag:s22] =	ssyncadd.s32 @!p4 $0xFFFF8000  }
0x35: {  	s16 =	sadd.s32 $0x1, s16;
	s21 =	simm.s32 @p2 $0x0;
	_ =	strace @!p4 $0x9000006B  }
0x36: {  	s22 =	sshll.u32 @p2 s24, $0x8;
	s24 =	sor.u32 @p2 $0x2, s24;
	_ =	strace @p2 $0x80000067  }
0x37: {  	[tilespmem:s22], [sflag:s24] =	stream.linear.gather @p2 [hbm4b:s0+s21], $0x100, $0x200038;
	[tilespmem:$0x10200] =	vst v63  }
0x38: {  	s25 =	sshll.u32 s20, $0x8;
	s31 =	sand.u32 $0x1, s20;
	_ =	strace @p2 $0x90000067  }
0x39: {  	p5 =	sne.s32 s6, s16;
	s24 =	sor.u32 $0x2, s31;
	_ =	strace $0x80000068  }
0x3a: {  	s29 =	sand.u32 @!p1 $0x1, s15;
	s14 =	smov.u32 s19;
	_ =	swait.ge [sflag:s24], $0x100  }
0x3b: {  	s18 =	sand.u32 $0x1, s17;
	s19 =	sadd.s32 $0x1, s19;
	[sflag:s24] =	ssyncset.done $0x0  }
0x3c: {  	s30 =	sshll.u32 s18, $0xF;
	p6 =	seq.s32 s8, s26;
	[sflag:s24] =	ssyncadd.s32 $0xFFFFFF00  }
0x3d: {  	p6 =	por p6, p0;
	p4 =	por p1, p1;
	_ =	strace $0x90000068  }
0x3e: {  	s21 =	sor.u32 $0x200, s30;
	s31 =	sand.u32 $0x100, s25;
	_ =	strace $0x80000069  }
0x3f: {  	[tilespmem:s21], [sflag:$0x1] =	stream.indirect.gather [hbm4b:s1+s11], $0x80, s31, s11, $0x2000b8;
	[tilespmem:$0x10200] =	vst v63  }
0x40: {  	p1 =	seq.s32 s13, $0x0;
	s0 =	sor.u32 $0x4200, s30;
	s22 =	sor.u32 $0x80, s31  }
0x41: {  	[tilespmem:s0], [sflag:$0x1] =	stream.indirect.gather [hbm4b:s1+s11], $0x80, s22, s11, $0x2000b8;
	[tilespmem:$0x10200] =	vst v63  }
0x42: {  	s25 =	simm.s32 $0x1;
	s24 =	sadd.s32 s5, s28;
	s0 =	simm.s32 $0x1  }
0x43: {  	s22 =	sor.u32 @!p4 $0x4, s29;
	_ =	swait.ge [sflag:s10], $0x4000;
	s0 =	simm.s32 @!p2 $0x0  }
0x44: {  	p2 =	sne.s32 s26, $0x0;
	s26 =	sshll.u32 @p6 s24, $0xC;
	[sflag:s10] =	ssyncset.done $0x0  }
0x45: {  	s25 =	simm.s32 @!p2 $0x0;
	p2 =	seq.s32 s19, s6;
	[sflag:s10] =	ssyncadd.s32 $0xFFFFC000  }
0x46: {  	s23 =	sadd.s32 s0, s23;
	s15 =	sadd.s32 s25, s15;
	_ =	swait.ge [sflag:s10], $0x4000  }
.Ltmp2:
0x47: {  	s19 =	simm.s32 @p2 $0x0;
	[sflag:s10] =	ssyncset.done $0x0;
	(pc) =	sbr.rel @p5 .LBB2_5-.Ltmp2, $4  }
0x48: {  	p2 =	slt.u32 s13, s8;
	p0 =	sne.s32 s14, s19;
	[sflag:s10] =	ssyncadd.s32 $0xFFFFC000  }
0x49: {  	s25 =	simm.s32 $0x1;
	p2 =	por !p2, !p0;
	_ =	strace $0x90000069  }
0x4a: {  	s25 =	simm.s32 @!p6 $0x0;
	p2 =	por !p2, !p2;
	_ =	strace @p6 $0x8000006A  }
0x4b: {  	s24 =	sand.u32 @p2 $0x1, s23;
	s28 =	sadd.s32 @p2 s5, s19;
	s29 =	rddreg [dreg:$0x3]  }
.LBB2_6:
0x4c: {  	p5 =	por !p6, !p3  }
0x4d: {  	s0 =	sand.u32 @!p5 $0x1FFFF000, s26  }
0x4e: {  	s16 =	sor.u32 @!p5 $0x4, s18;
	s18 =	simm.s32 @!p5 $0x0;
	s0 =	sadd.s32 @!p5 s29, s0  }
0x4f: {  	[hbm4b:s0+s18] =	stream.linear.scatter @!p5 [tilespmem:s21], [sflag:s16], $0x8000, $0x200038;
	[tilespmem:$0x10200] =	vst v63  }
0x50: {  	p4 =	por p4, !p3;
	_ =	strace @!p5 $0x9000006A  }
0x51: {  	_ =	strace @!p4 $0x8000006B  }
0x52: {  	s19 =	sshll.u32 @p2 s24, $0x8;
	_ =	swait.ge @!p4 [sflag:s22], $0x8000  }
0x53: {  	s0 =	sshll.u32 @p2 s28, $0x5;
	s16 =	sadd.s32 @p3 s25, s20;
	[sflag:s22] =	ssyncset.done @!p4 $0x0  }
0x54: {  	s18 =	simm.s32 $0x0;
	s20 =	sor.u32 @p2 $0x2, s24;
	[sflag:s22] =	ssyncadd.s32 @!p4 $0xFFFF8000  }
0x55: {  	s0 =	sand.u32 @p2 $0x1FFFFFE0, s0;
	s18 =	smov.u32 @p3 s16;
	_ =	strace @!p4 $0x9000006B  }
0x56: {  	s16 =	simm.s32 @p2 $0x0;
	s0 =	sadd.s32 @p2 s4, s0;
	_ =	strace @p2 $0x80000067  }
0x57: {  	[tilespmem:s19], [sflag:s20] =	stream.linear.gather @p2 [hbm4b:s0+s16], $0x100, $0x200038;
	[tilespmem:$0x10200] =	vst v63  }
0x58: {  	s29 =	sand.u32 $0x1, s18;
	_ =	strace @p2 $0x90000067  }
0x59: {  	s0 =	sor.u32 $0x2, s29;
	_ =	strace $0x80000068  }
0x5a: {  	s16 =	sadd.s32 @p3 s25, s17;
	s17 =	simm.s32 $0x0;
	_ =	swait.ge [sflag:s0], $0x100  }
0x5b: {  	s17 =	smov.u32 @p3 s16;
	[sflag:s0] =	ssyncset.done $0x0  }
0x5c: {  	[sflag:s0] =	ssyncadd.s32 $0xFFFFFF00;
	s0 =	sand.u32 $0x1, s17  }
0x5d: {  	s30 =	sshll.u32 s18, $0x8;
	_ =	strace $0x90000068;
	s17 =	sshll.u32 s0, $0xF  }
0x5e: {  	s16 =	sand.u32 $0x100, s30;
	_ =	strace $0x80000069;
	s18 =	sor.u32 $0x200, s17  }
0x5f: {  	[tilespmem:s18], [sflag:$0x1] =	stream.indirect.gather [hbm4b:s1+s11], $0x80, s16, s11, $0x2000b8;
	[tilespmem:$0x10200] =	vst v63  }
0x60: {  	s17 =	sor.u32 $0x4200, s17;
	s16 =	sor.u32 $0x80, s16  }
0x61: {  	[tilespmem:s17], [sflag:$0x1] =	stream.indirect.gather [hbm4b:s1+s11], $0x80, s16, s11, $0x2000b8;
	[tilespmem:$0x10200] =	vst v63  }
0x62: {  	_ =	swait.ge [sflag:s10], $0x4000  }
0x63: {  	[sflag:s10] =	ssyncset.done $0x0  }
0x64: {  	[sflag:s10] =	ssyncadd.s32 $0xFFFFC000  }
0x65: {  	_ =	swait.ge [sflag:s10], $0x4000  }
0x66: {  	[sflag:s10] =	ssyncset.done $0x0  }
0x67: {  	p6 =	seq.s32 s8, s13;
	[sflag:s10] =	ssyncadd.s32 $0xFFFFC000  }
0x68: {  	s14 =	sadd.s32 s5, s14;
	p0 =	por p6, p0;
	_ =	strace $0x90000069  }
0x69: {  	s14 =	sshll.u32 @p0 s14, $0xC;
	_ =	strace @p0 $0x8000006A  }
0x6a: {  	s14 =	sand.u32 @p0 $0x1FFFF000, s14;
	s16 =	rddreg [dreg:$0x3]  }
0x6b: {  	s0 =	sor.u32 @p0 $0x4, s0;
	s17 =	simm.s32 @p0 $0x0;
	s14 =	sadd.s32 @p0 s16, s14  }
0x6c: {  	[hbm4b:s14+s17] =	stream.linear.scatter @p0 [tilespmem:s18], [sflag:s0], $0x8000, $0x200038;
	[tilespmem:$0x10200] =	vst v63  }
0x6d: {  	s0 =	sand.u32 @!p1 $0x1, s15;
	p1 =	por p1, p1;
	_ =	strace @p0 $0x9000006A  }
0x6e: {  	s0 =	sor.u32 @!p1 $0x4, s0;
	_ =	strace @!p1 $0x8000006B  }
0x6f: {  	p0 =	sne.s32 s13, $0x0;
	s13 =	simm.s32 $0x1;
	_ =	swait.ge @!p1 [sflag:s0], $0x8000  }
0x70: {  	s13 =	simm.s32 @!p0 $0x0;
	[sflag:s0] =	ssyncset.done @!p1 $0x0  }
0x71: {  	s12 =	sadd.s32 $0x1, s12;
	s13 =	sadd.s32 s13, s15;
	[sflag:s0] =	ssyncadd.s32 @!p1 $0xFFFF8000  }
0x72: {  	p0 =	sne.s32 s12, s9;
	s31 =	sand.u32 $0x1, s13;
	_ =	strace @!p1 $0x9000006B  }
.Ltmp3:
0x73: {  	s0 =	sor.u32 $0x4, s31;
	_ =	strace $0x8000006C;
	(pc) =	sbr.rel @p0 .LBB2_1-.Ltmp3, $4  }
.Ltmp4:
0x74: {  	_ =	swait.ge [sflag:s0], $0x8000;
	(pc) =	sbr.rel @!p0 .LBB2_7-.Ltmp4, $4  }
0x75: {  	[sflag:s0] =	ssyncset.done $0x0  }
0x76: {  	[sflag:s0] =	ssyncadd.s32 $0xFFFF8000  }
0x77: {  	_ =	strace $0x9000006C  }
0x78: {  	_ = 	snop  }
.LBB2_2:
.Ltmp5:
0x79: {  	(pc) =	sbr.rel .LBB2_6-.Ltmp5, $3  }
0x7a: {  	_ =	sdelay $0x1  }
0x7b: {  	s17 =	simm.s32 $0x0;
	s13 =	simm.s32 $0x0  }
0x7c: {  	s14 =	simm.s32 $0x0;
	s20 =	simm.s32 $0x0;
	s15 =	simm.s32 $0x0  }
.LBB2_4:
.Ltmp6:
0x7d: {  	(pc) =	sbr.rel .LBB2_6-.Ltmp6, $2  }
0x7e: {  	_ =	sdelay $0x2  }
0x7f: {  	s17 =	simm.s32 $0x0;
	s20 =	simm.s32 $0x0  }
.LBB2_7:
0x80: {  	_ =	sfence.sel $0x180000  }
0x81: {  	[bflag:$0x0] =	sbarrier.arrive $0xFFFF  }
0x82: {  	_ =	strace $0x90000065  }
0x83: {  	[bflag:$0x2] =	sbarrier.arrive $0xFFFF  }
0x84: {  	p0 =	sne.s32 s2, $0x0;
	s0 =	rddreg [dreg:$0x2]  }
0x85: {  	s0 =	sadd.s32 @!p0 $0x100000, s0  }
0x86: {  	[sflag:s0] =	ssyncadd.tile.s32 @!p0 $0x1;
	_ =	shalt  }
.Lfunc_end2:
_tile_overlayer_lowered:
.L_overlay_start_2:
0x87: {  	(tag) =	ssettag $0x2  }
0x88: {  	s0 =	rddreg [dreg:$0x0];
	s2 =	stileid.u32  }
0x89: {  	s1 =	rddreg [dreg:$0x1];
	p0 =	sne.s32 s2, $0x0  }
0x8a: {  	s3 =	rddreg [dreg:$0x2];
	[bflag:$0x3] =	sbarrier.arrive $0xFFFF;
	s2 =	simm.s32 @!p0 $0x1C02  }
0x8b: {  	[timem:s3], [sflag:s2] =	dma.local @!p0 [hbm:s0], s1  }
0x8c: {  	s0 =	simm.s32 @!p0 $0x2  }
0x8d: {  	_ =	swait.ge @!p0 [sflag:s0], s1  }
0x8e: {  	s1 =	ssub.s32 @!p0 $0x0, s1;
	[sflag:s0] =	ssyncset.done @!p0 $0x0  }
0x8f: {  	[sflag:s0] =	ssyncadd.s32 @!p0 s1  }
0x90: {  	[bflag:$0x3] =	sbarrier.arrive $0xFFFF  }
0x91: {  	_ =	shalt  }

</sc_bundles>
